<compile_context>
chip_gen: v7x
topology: tpu7x:2x2x1
jax: 0.10.2.dev20260603
libtpu: 0.0.44.dev20260713+nightly
codegen_flags: <defaults>
</compile_context>

<pallas_src>
import jax
import jax.numpy as jnp
from jax.experimental import pallas as pl
from jax.experimental.pallas import tpu as pltpu

_B = 512
_L = 100
_E = 128
_C = 10.0
_G = 64


def _decode_step(
    hn_hbm,
    tg_hbm,
    hn0,
    g,
    costs,
    ox0, oy0, ox2, oy2,
    ncell,
    hbar,
    Wq, bq, WkT, bkT, Wvw, bvw, iw,
    lp_o,
    rew_o,
    act_o,
    hn_v,
    kt_s,
    tg_tmp,
    q_s,
    inith_s,
    h_s,
    mask_s,
    s_s,
    sg_s,
    prev_s,
    sem_hn,
    sem_tg,
):
    i = pl.program_id(0)
    lane = jax.lax.broadcasted_iota(jnp.int32, (_B, _L), 1)

    @pl.when(i == 0)
    def _init():
        cp = pltpu.make_async_copy(hn_hbm, hn_v, sem_hn)
        cp.start()
        pltpu.make_async_copy(tg_hbm.at[0], tg_tmp.at[0], sem_tg.at[0]).start()
        for gi_ in range(_G):
            if gi_ + 1 < _G:
                pltpu.make_async_copy(tg_hbm.at[gi_ + 1],
                                      tg_tmp.at[(gi_ + 1) % 2],
                                      sem_tg.at[(gi_ + 1) % 2]).start()
            pltpu.make_async_copy(tg_hbm.at[gi_], tg_tmp.at[gi_ % 2],
                                  sem_tg.at[gi_ % 2]).wait()
            ktg = jnp.dot(WkT[...], tg_tmp[gi_ % 2]) + bkT[...]
            kt_s[gi_] = ktg.astype(jnp.bfloat16)
        cp.wait()
        q_s[...] = hbar[...] + (jnp.dot(iw[...], Wvw[...]) + bvw[...])
        mask0 = jnp.where(hn0[...] == 0.0, 1.0, 0.0).astype(jnp.float32)
        mask_s[...] = jnp.where(lane < 4, 1.0, mask0)
        prev_s[...] = jnp.zeros((_B, 1), jnp.int32)
        inith_s[...] = jnp.zeros((_B, _E), jnp.float32)
        lp_o[...] = jnp.zeros((_B, 1), jnp.float32)
        rew_o[...] = jnp.zeros((_B, 1), jnp.float32)

    q = jnp.dot(q_s[...], Wq[...]) + bq[...]
    qb = q.astype(jnp.bfloat16)
    for gi_ in range(_G):
        sg_s[8 * gi_:8 * (gi_ + 1), :] = jnp.dot(
            qb[8 * gi_:8 * (gi_ + 1), :], kt_s[gi_],
            preferred_element_type=jnp.float32)
    subB = jax.lax.broadcasted_iota(jnp.int32, (_B, 1024), 0)
    laneB = jax.lax.broadcasted_iota(jnp.int32, (_B, 1024), 1)
    keepB = (laneB // 128) == (subB - (subB // 8) * 8)
    m = jnp.where(keepB, sg_s[...], 0.0)
    d = m[:, 0:128]
    for j in range(1, 8):
        d = d + m[:, 128 * j:128 * (j + 1)]
    s_s[...] = d[:, :_L]

    u = _C * jnp.tanh(s_s[...] / jnp.sqrt(jnp.float32(128.0)))
    u = jnp.where(mask_s[...] == 1.0, jnp.float32(-1e8), u)
    mx = jnp.max(u, axis=1, keepdims=True)
    ex = jnp.exp(u - mx)
    v = jnp.concatenate([ex, jnp.zeros((_B, 128 - _L), jnp.float32)], axis=1)
    acc = v[:, 0:8]
    for t in range(1, 16):
        acc = acc + v[:, 8 * t:8 * (t + 1)]
    acc = acc[:, 0:4] + acc[:, 4:8]
    acc = acc[:, 0:2] + acc[:, 2:4]
    den = acc[:, 0:1] + acc[:, 1:2]
    p = ex / den
    lg = jnp.log(p + 1e-12)

    val = lg + g[0]
    mv = jnp.max(val, axis=1, keepdims=True)
    idx_samp = jnp.min(jnp.where(val == mv, lane, 10000), axis=1,
                       keepdims=True)
    c4 = jnp.where(lane < 4, costs[...], jnp.float32(3e38))
    mn = jnp.min(c4, axis=1, keepdims=True)
    idx0 = jnp.min(jnp.where(c4 == mn, lane, 10000), axis=1, keepdims=True)
    idx2 = jnp.where(i == 0, idx0, idx_samp).astype(jnp.int32)

    sel = lane == idx2
    done = ncell[...] <= i
    lp = jnp.sum(jnp.where(sel, lg, 0.0), axis=1, keepdims=True)
    lp = jnp.where(done, 0.0, lp)
    lp_o[...] = lp_o[...] + lp

    mask_s[...] = jnp.where((lane // 4) == (idx2 // 4), 1.0, mask_s[...])

    selp = lane == prev_s[...]
    e0 = jnp.sum(jnp.where(sel, ox0[...], 0.0), axis=1, keepdims=True)
    e1 = jnp.sum(jnp.where(sel, oy0[...], 0.0), axis=1, keepdims=True)
    s2 = jnp.sum(jnp.where(selp, ox2[...], 0.0), axis=1, keepdims=True)
    s3 = jnp.sum(jnp.where(selp, oy2[...], 0.0), axis=1, keepdims=True)
    dx = e0 - s2
    dy = e1 - s3
    ext = jnp.sqrt(dx * dx + dy * dy)
    ci = jnp.sum(jnp.where(sel, costs[...], 0.0), axis=1, keepdims=True)
    cs = jnp.sum(jnp.where(selp, costs[...], 0.0), axis=1, keepdims=True)
    reward = (ext + (cs + ci)) / 70.0
    reward = jnp.where(done, 0.0, reward)
    reward = jnp.where(i == 0, 0.0, reward)
    rew_o[...] = rew_o[...] + reward

    for c in range(4):
        bs = _B // 4
        hc = hn_v[bs * c:bs * (c + 1), :, :]
        li = jax.lax.broadcasted_iota(jnp.int32, (bs, _L, 1), 1)
        idc = idx2[bs * c:bs * (c + 1), :].reshape(bs, 1, 1)
        h_s[bs * c:bs * (c + 1), :] = jnp.sum(
            jnp.where(li == idc, hc, 0.0), axis=1)

    @pl.when(i == 0)
    def _set_init_h():
        inith_s[...] = h_s[...]

    cat = jnp.concatenate([inith_s[...], h_s[...]], axis=1)
    hrest = jnp.dot(cat, Wvw[...]) + bvw[...]
    q_s[...] = hbar[...] + hrest
    prev_s[...] = idx2
    act_o[...] = idx2.reshape(1, _B, 1)


def kernel(high_node, original_node, map, num_cell, costs, init_w,
           W_hc, b_hc, W_vw, b_vw, Wq, bq, Wk, bk):
    f32 = jnp.float32
    hn = high_node.astype(f32)
    hn0 = hn[:, :, 0]

    hn_t = jnp.transpose(hn, (0, 2, 1))
    hn_tp = jnp.pad(hn_t, ((0, 0), (0, 0), (0, 28)))
    hn_tg = jnp.transpose(hn_tp.reshape(_G, 8, _E, 128),
                          (0, 2, 1, 3)).reshape(_G, _E, 1024)

    hbar = jnp.mean(hn, axis=1) @ W_hc + b_hc

    skey = jax.random.key(123)
    keys = jax.vmap(lambda t: jax.random.fold_in(skey, t))(jnp.arange(_L))
    g = jax.vmap(lambda k: jax.random.gumbel(k, (_B, _L), f32))(keys)

    costs_f = costs.astype(f32)
    on = original_node.astype(f32)
    ox0 = on[:, :, 0]
    oy0 = on[:, :, 1]
    ox2 = on[:, :, 2]
    oy2 = on[:, :, 3]
    iw2 = init_w.reshape(1, 2 * _E).astype(f32)
    bq2 = bq.reshape(1, _E).astype(f32)
    bkT = bk.reshape(_E, 1).astype(f32)
    bvw2 = b_vw.reshape(1, _E).astype(f32)
    WkT = Wk.T

    const2 = pl.BlockSpec((_B, _L), lambda i: (0, 0))
    full = lambda shape: pl.BlockSpec(shape, lambda i: tuple(0 for _ in shape))

    lp, rew, act = pl.pallas_call(
        _decode_step,
        grid=(_L,),
        in_specs=[
            pl.BlockSpec(memory_space=pl.ANY),
            pl.BlockSpec(memory_space=pl.ANY),
            const2,
            pl.BlockSpec((1, _B, _L), lambda i: (i, 0, 0)),
            const2, const2, const2, const2, const2,
            full((_B, 1)),
            full((_B, _E)),
            full((_E, _E)), full((1, _E)),
            full((_E, _E)), full((_E, 1)),
            full((2 * _E, _E)), full((1, _E)),
            full((1, 2 * _E)),
        ],
        out_specs=[
            full((_B, 1)),
            full((_B, 1)),
            pl.BlockSpec((1, _B, 1), lambda i: (i, 0, 0)),
        ],
        out_shape=[
            jax.ShapeDtypeStruct((_B, 1), f32),
            jax.ShapeDtypeStruct((_B, 1), f32),
            jax.ShapeDtypeStruct((_L, _B, 1), jnp.int32),
        ],
        scratch_shapes=[
            pltpu.VMEM((_B, _L, _E), f32),
            pltpu.VMEM((_G, _E, 1024), jnp.bfloat16),
            pltpu.VMEM((2, _E, 1024), f32),
            pltpu.VMEM((_B, _E), f32),
            pltpu.VMEM((_B, _E), f32),
            pltpu.VMEM((_B, _E), f32),
            pltpu.VMEM((_B, _L), f32),
            pltpu.VMEM((_B, _L), f32),
            pltpu.VMEM((_B, 1024), f32),
            pltpu.VMEM((_B, 1), jnp.int32),
            pltpu.SemaphoreType.DMA,
            pltpu.SemaphoreType.DMA((2,)),
        ],
        compiler_params=pltpu.CompilerParams(
            dimension_semantics=("arbitrary",),
            vmem_limit_bytes=100 * 1024 * 1024,
        ),
    )(hn, hn_tg, hn0, g, costs_f, ox0, oy0, ox2, oy2, num_cell, hbar,
      Wq, bq2, WkT, bkT, W_vw, bvw2, iw2)

    return (lp.reshape(_B), rew.reshape(_B),
            jnp.transpose(act[:, :, 0]).astype(jnp.int32))

# --- scband reference (transcript-rebuilt; emitter-appended) ---
"""Pipeline reference for scband-decoder-26225070309401 (READ-ONLY COPY).

The authoritative reference and input builder live on the scoring server;
editing this copy changes nothing except your own understanding.
"""

import jax, jax.numpy as jnp
import numpy as np

B = 512
MAX_LEN = 100
N_EMB = 128
N_HID = 128
C = 10.0


def setup_inputs(seed: int = 0):
    key = jax.random.key(seed)
    ks = jax.random.split(key, 16)
    high_node = jax.random.normal(ks[0], (B, MAX_LEN, N_EMB), dtype=jnp.float32)
    original_node = jax.random.uniform(ks[1], (B, MAX_LEN, 4), dtype=jnp.float32)
    map_ = jnp.zeros((B, MAX_LEN), dtype=jnp.float32)
    num_cell = jax.random.randint(ks[2], (B, 1), 0, 100, dtype=jnp.int32)
    costs = jax.random.uniform(ks[3], (B, MAX_LEN), dtype=jnp.float32)
    init_w = jax.random.uniform(ks[4], (2 * N_EMB,), minval=-1.0, maxval=1.0, dtype=jnp.float32)
    W_hc = 0.05 * jax.random.normal(ks[5], (N_EMB, N_EMB), dtype=jnp.float32)
    b_hc = jnp.zeros((N_EMB,), dtype=jnp.float32)
    W_vw = 0.05 * jax.random.normal(ks[6], (2 * N_EMB, N_EMB), dtype=jnp.float32)
    b_vw = jnp.zeros((N_EMB,), dtype=jnp.float32)
    Wq = 0.05 * jax.random.normal(ks[7], (N_EMB, N_HID), dtype=jnp.float32)
    bq = jnp.zeros((N_HID,), dtype=jnp.float32)
    Wk = 0.05 * jax.random.normal(ks[8], (N_EMB, N_HID), dtype=jnp.float32)
    bk = jnp.zeros((N_HID,), dtype=jnp.float32)
    return {"high_node": high_node, "original_node": original_node, "map": map_,
            "num_cell": num_cell, "costs": costs, "init_w": init_w,
            "W_hc": W_hc, "b_hc": b_hc, "W_vw": W_vw, "b_vw": b_vw,
            "Wq": Wq, "bq": bq, "Wk": Wk, "bk": bk}


def _pointer(query, target, mask, Wq, bq, Wk, bk):
    q = query @ Wq + bq                      # [B, H]
    k = jnp.einsum('ble,eh->blh', target, Wk) + bk  # [B, L, H]
    u = C * jnp.tanh(jnp.einsum('bh,blh->bl', q, k) / jnp.sqrt(float(N_HID)))
    u = jnp.where(mask == 1, -1e8, u)
    return jax.nn.softmax(u, axis=-1)        # probabilities (torch Categorical(probs))


def reference(high_node, original_node, map, num_cell, costs, init_w,
              W_hc, b_hc, W_vw, b_vw, Wq, bq, Wk, bk):
    skey = jax.random.key(123)
    nb = high_node.shape[0]
    arB = jnp.arange(nb)
    high_mask = jnp.zeros((nb, MAX_LEN), dtype=jnp.int32)
    high_mask = jnp.where(high_node[:, :, 0] == 0, 1, high_mask)
    high_mask = high_mask.at[:, :4].set(1)
    h_mean = jnp.mean(high_node, axis=1)
    h_bar = h_mean @ W_hc + b_hc
    h_rest = init_w @ W_vw + b_vw
    query = h_bar + h_rest
    init_h0 = jnp.zeros((nb, high_node.shape[2]), dtype=high_node.dtype)
    st_idx0 = jnp.zeros((nb,), dtype=jnp.int32)

    def step(carry, i):
        query, high_mask, st_idx, init_h = carry
        probs = _pointer(query, high_node, high_mask, Wq, bq, Wk, bk)
        ki = jax.random.fold_in(skey, i)
        idx = jax.random.categorical(ki, jnp.log(probs + 1e-12), axis=-1)
        idx = jnp.where(i == 0, jnp.argmin(costs[:, :4], axis=1), idx)
        lp = jnp.log(jnp.take_along_axis(probs, idx[:, None], axis=1).squeeze(1) + 1e-12)
        done = (num_cell.squeeze(1) <= i)
        lp = jnp.where(done, 0.0, lp)
        I0 = (idx // 4) * 4
        for j in range(4):
            high_mask = high_mask.at[arB, I0 + j].set(1)
        start_pt = original_node[arB, st_idx]
        end_pt = original_node[arB, idx]
        spt = start_pt[:, 2:]
        ept = end_pt[:, :2]
        ext = jnp.linalg.norm(ept - spt, axis=1)
        internal = costs[arB, st_idx] + costs[arB, idx]
        reward = (ext + internal) / 70.0
        reward = jnp.where(done, 0.0, reward)
        reward = jnp.where(i == 0, 0.0, reward)
        h = high_node[arB, idx]
        init_h = jnp.where(i == 0, h, init_h)
        h_rest = jnp.concatenate([init_h, h], axis=-1) @ W_vw + b_vw
        query = h_bar + h_rest
        return (query, high_mask, idx, init_h), (lp, reward, idx)

    _, (lps, rewards, actions) = jax.lax.scan(
        step, (query, high_mask, st_idx0, init_h0), jnp.arange(MAX_LEN))
    cell_log_prob = jnp.sum(lps, axis=0)
    cell_reward = jnp.sum(rewards, axis=0)
    cell_action = jnp.transpose(actions)
    return (cell_log_prob, cell_reward, cell_action)

if __name__ == "__main__":
    import jax
    _d = setup_inputs()
    print(jax.jit(kernel)(*tuple(_d.values())))

</pallas_src>

<mosaic_0001>
module attributes {stable_mosaic.version = 14 : i64} {
  func.func @_decode_step(%arg0: i32, %arg1: memref<512x100x128xf32, #tpu.memory_space<any>>, %arg2: memref<64x128x1024xf32, #tpu.memory_space<any>>, %arg3: memref<512x100xf32, #tpu.memory_space<vmem>>, %arg4: memref<1x512x100xf32, #tpu.memory_space<vmem>>, %arg5: memref<512x100xf32, #tpu.memory_space<vmem>>, %arg6: memref<512x100xf32, #tpu.memory_space<vmem>>, %arg7: memref<512x100xf32, #tpu.memory_space<vmem>>, %arg8: memref<512x100xf32, #tpu.memory_space<vmem>>, %arg9: memref<512x100xf32, #tpu.memory_space<vmem>>, %arg10: memref<512x1xi32, #tpu.memory_space<vmem>>, %arg11: memref<512x128xf32, #tpu.memory_space<vmem>>, %arg12: memref<128x128xf32, #tpu.memory_space<vmem>>, %arg13: memref<1x128xf32, #tpu.memory_space<vmem>>, %arg14: memref<128x128xf32, #tpu.memory_space<vmem>>, %arg15: memref<128x1xf32, #tpu.memory_space<vmem>>, %arg16: memref<256x128xf32, #tpu.memory_space<vmem>>, %arg17: memref<1x128xf32, #tpu.memory_space<vmem>>, %arg18: memref<1x256xf32, #tpu.memory_space<vmem>>, %arg19: memref<512x1xf32, #tpu.memory_space<vmem>>, %arg20: memref<512x1xf32, #tpu.memory_space<vmem>>, %arg21: memref<1x512x1xi32, #tpu.memory_space<vmem>>, %arg22: memref<512x100x128xf32, #tpu.memory_space<vmem>>, %arg23: memref<64x128x1024xbf16, #tpu.memory_space<vmem>>, %arg24: memref<2x128x1024xf32, #tpu.memory_space<vmem>>, %arg25: memref<512x128xf32, #tpu.memory_space<vmem>>, %arg26: memref<512x128xf32, #tpu.memory_space<vmem>>, %arg27: memref<512x128xf32, #tpu.memory_space<vmem>>, %arg28: memref<512x100xf32, #tpu.memory_space<vmem>>, %arg29: memref<512x100xf32, #tpu.memory_space<vmem>>, %arg30: memref<512x1024xf32, #tpu.memory_space<vmem>>, %arg31: memref<512x1xi32, #tpu.memory_space<vmem>>, %arg32: memref<!tpu.dma_semaphore, #tpu.memory_space<semaphore_mem>>, %arg33: memref<2x!tpu.dma_semaphore, #tpu.memory_space<semaphore_mem>>) attributes {dimension_semantics = [#tpu.dimension_semantics<arbitrary>], iteration_bounds = array<i64: 100>, scalar_prefetch = 0 : i64, scratch_operands = 12 : i64, tpu.core_type = #tpu.core_type<tc>, window_params = [{}, {}, {pipeline_mode = #tpu.pipeline_mode<synchronous>, transform_indices = @transform_2, window_bounds = array<i64: 512, 100>}, {transform_indices = @transform_3, window_bounds = array<i64: 1, 512, 100>}, {pipeline_mode = #tpu.pipeline_mode<synchronous>, transform_indices = @transform_4, window_bounds = array<i64: 512, 100>}, {pipeline_mode = #tpu.pipeline_mode<synchronous>, transform_indices = @transform_5, window_bounds = array<i64: 512, 100>}, {pipeline_mode = #tpu.pipeline_mode<synchronous>, transform_indices = @transform_6, window_bounds = array<i64: 512, 100>}, {pipeline_mode = #tpu.pipeline_mode<synchronous>, transform_indices = @transform_7, window_bounds = array<i64: 512, 100>}, {pipeline_mode = #tpu.pipeline_mode<synchronous>, transform_indices = @transform_8, window_bounds = array<i64: 512, 100>}, {pipeline_mode = #tpu.pipeline_mode<synchronous>, transform_indices = @transform_9, window_bounds = array<i64: 512, 1>}, {pipeline_mode = #tpu.pipeline_mode<synchronous>, transform_indices = @transform_10, window_bounds = array<i64: 512, 128>}, {pipeline_mode = #tpu.pipeline_mode<synchronous>, transform_indices = @transform_11, window_bounds = array<i64: 128, 128>}, {pipeline_mode = #tpu.pipeline_mode<synchronous>, transform_indices = @transform_12, window_bounds = array<i64: 1, 128>}, {pipeline_mode = #tpu.pipeline_mode<synchronous>, transform_indices = @transform_13, window_bounds = array<i64: 128, 128>}, {pipeline_mode = #tpu.pipeline_mode<synchronous>, transform_indices = @transform_14, window_bounds = array<i64: 128, 1>}, {pipeline_mode = #tpu.pipeline_mode<synchronous>, transform_indices = @transform_15, window_bounds = array<i64: 256, 128>}, {pipeline_mode = #tpu.pipeline_mode<synchronous>, transform_indices = @transform_16, window_bounds = array<i64: 1, 128>}, {pipeline_mode = #tpu.pipeline_mode<synchronous>, transform_indices = @transform_17, window_bounds = array<i64: 1, 256>}, {pipeline_mode = #tpu.pipeline_mode<synchronous>, transform_indices = @transform_18, window_bounds = array<i64: 512, 1>}, {pipeline_mode = #tpu.pipeline_mode<synchronous>, transform_indices = @transform_19, window_bounds = array<i64: 512, 1>}, {transform_indices = @transform_20, window_bounds = array<i64: 1, 512, 1>}]} {
    %iota3A = tpu.iota {dimensions = array<i32: 1>} : vector<512x100xi32>
    %eq3A = arith.constant 0 : i32
    %eq3A_0 = arith.cmpi eq, %arg0, %eq3A : i32
    %convert_element_type3A = arith.extui %eq3A_0 : i1 to i32
    %cond3A = arith.constant 0 : i32
    %cond3A_1 = arith.cmpi ne, %convert_element_type3A, %cond3A : i32
    scf.if %cond3A_1 {
      tpu.enqueue_dma source(%arg1 : memref<512x100x128xf32, #tpu.memory_space<any>>) target(%arg22 : memref<512x100x128xf32, #tpu.memory_space<vmem>>) target_semaphore(%arg32 : memref<!tpu.dma_semaphore, #tpu.memory_space<semaphore_mem>>)
      %dma_start3A = arith.constant 0 : i32
      %dma_start3A_1197 = arith.constant 0 : i32
      %dma_start3A_1198 = arith.constant 0 : i32
      %dma_start3A_1199 = tpu.memref_slice %arg33[%dma_start3A_1198] : memref<2x!tpu.dma_semaphore, #tpu.memory_space<semaphore_mem>> -> memref<1x!tpu.dma_semaphore, #tpu.memory_space<semaphore_mem>>
      %dma_start3A_1200 = tpu.memref_squeeze %dma_start3A_1199 : memref<1x!tpu.dma_semaphore, #tpu.memory_space<semaphore_mem>> -> memref<!tpu.dma_semaphore, #tpu.memory_space<semaphore_mem>>
      %dma_start3A_1201 = arith.constant 0 : i32
      %dma_start3A_1202 = arith.constant 0 : i32
      %dma_start3A_1203 = tpu.memref_slice %arg24[%dma_start3A_1197, %dma_start3A_1201, %dma_start3A_1202] : memref<2x128x1024xf32, #tpu.memory_space<vmem>> -> memref<1x128x1024xf32, #tpu.memory_space<vmem>>
      %dma_start3A_1204 = tpu.memref_squeeze %dma_start3A_1203 : memref<1x128x1024xf32, #tpu.memory_space<vmem>> -> memref<128x1024xf32, #tpu.memory_space<vmem>>
      %dma_start3A_1205 = arith.constant 0 : i32
      %dma_start3A_1206 = arith.constant 0 : i32
      %dma_start3A_1207 = tpu.memref_slice %arg2[%dma_start3A, %dma_start3A_1205, %dma_start3A_1206] : memref<64x128x1024xf32, #tpu.memory_space<any>> -> memref<1x128x1024xf32, #tpu.memory_space<any>>
      %dma_start3A_1208 = tpu.memref_squeeze %dma_start3A_1207 : memref<1x128x1024xf32, #tpu.memory_space<any>> -> memref<128x1024xf32, #tpu.memory_space<any>>
      tpu.enqueue_dma source(%dma_start3A_1208 : memref<128x1024xf32, #tpu.memory_space<any>>) target(%dma_start3A_1204 : memref<128x1024xf32, #tpu.memory_space<vmem>>) target_semaphore(%dma_start3A_1200 : memref<!tpu.dma_semaphore, #tpu.memory_space<semaphore_mem>>)
      %dma_start3A_1209 = arith.constant 1 : i32
      %dma_start3A_1210 = arith.constant 1 : i32
      %dma_start3A_1211 = arith.constant 1 : i32
      %dma_start3A_1212 = tpu.memref_slice %arg33[%dma_start3A_1211] : memref<2x!tpu.dma_semaphore, #tpu.memory_space<semaphore_mem>> -> memref<1x!tpu.dma_semaphore, #tpu.memory_space<semaphore_mem>>
      %dma_start3A_1213 = tpu.memref_squeeze %dma_start3A_1212 : memref<1x!tpu.dma_semaphore, #tpu.memory_space<semaphore_mem>> -> memref<!tpu.dma_semaphore, #tpu.memory_space<semaphore_mem>>
      %dma_start3A_1214 = arith.constant 0 : i32
      %dma_start3A_1215 = arith.constant 0 : i32
      %dma_start3A_1216 = tpu.memref_slice %arg24[%dma_start3A_1210, %dma_start3A_1214, %dma_start3A_1215] : memref<2x128x1024xf32, #tpu.memory_space<vmem>> -> memref<1x128x1024xf32, #tpu.memory_space<vmem>>
      %dma_start3A_1217 = tpu.memref_squeeze %dma_start3A_1216 : memref<1x128x1024xf32, #tpu.memory_space<vmem>> -> memref<128x1024xf32, #tpu.memory_space<vmem>>
      %dma_start3A_1218 = arith.constant 0 : i32
      %dma_start3A_1219 = arith.constant 0 : i32
      %dma_start3A_1220 = tpu.memref_slice %arg2[%dma_start3A_1209, %dma_start3A_1218, %dma_start3A_1219] : memref<64x128x1024xf32, #tpu.memory_space<any>> -> memref<1x128x1024xf32, #tpu.memory_space<any>>
      %dma_start3A_1221 = tpu.memref_squeeze %dma_start3A_1220 : memref<1x128x1024xf32, #tpu.memory_space<any>> -> memref<128x1024xf32, #tpu.memory_space<any>>
      tpu.enqueue_dma source(%dma_start3A_1221 : memref<128x1024xf32, #tpu.memory_space<any>>) target(%dma_start3A_1217 : memref<128x1024xf32, #tpu.memory_space<vmem>>) target_semaphore(%dma_start3A_1213 : memref<!tpu.dma_semaphore, #tpu.memory_space<semaphore_mem>>)
      %dma_wait3A = arith.constant 0 : i32
      %dma_wait3A_1222 = arith.constant 0 : i32
      %dma_wait3A_1223 = arith.constant 0 : i32
      %dma_wait3A_1224 = tpu.memref_slice %arg33[%dma_wait3A_1223] : memref<2x!tpu.dma_semaphore, #tpu.memory_space<semaphore_mem>> -> memref<1x!tpu.dma_semaphore, #tpu.memory_space<semaphore_mem>>
      %dma_wait3A_1225 = tpu.memref_squeeze %dma_wait3A_1224 : memref<1x!tpu.dma_semaphore, #tpu.memory_space<semaphore_mem>> -> memref<!tpu.dma_semaphore, #tpu.memory_space<semaphore_mem>>
      %dma_wait3A_1226 = arith.constant 0 : i32
      %dma_wait3A_1227 = arith.constant 0 : i32
      %dma_wait3A_1228 = tpu.memref_slice %arg24[%dma_wait3A_1222, %dma_wait3A_1226, %dma_wait3A_1227] : memref<2x128x1024xf32, #tpu.memory_space<vmem>> -> memref<1x128x1024xf32, #tpu.memory_space<vmem>>
      %dma_wait3A_1229 = tpu.memref_squeeze %dma_wait3A_1228 : memref<1x128x1024xf32, #tpu.memory_space<vmem>> -> memref<128x1024xf32, #tpu.memory_space<vmem>>
      %dma_wait3A_1230 = arith.constant 0 : i32
      %dma_wait3A_1231 = arith.constant 0 : i32
      %dma_wait3A_1232 = tpu.memref_slice %arg2[%dma_wait3A, %dma_wait3A_1230, %dma_wait3A_1231] : memref<64x128x1024xf32, #tpu.memory_space<any>> -> memref<1x128x1024xf32, #tpu.memory_space<any>>
      %dma_wait3A_1233 = tpu.memref_squeeze %dma_wait3A_1232 : memref<1x128x1024xf32, #tpu.memory_space<any>> -> memref<128x1024xf32, #tpu.memory_space<any>>
      tpu.wait_dma2 semaphore(%dma_wait3A_1225 : memref<!tpu.dma_semaphore, #tpu.memory_space<semaphore_mem>>) src(%dma_wait3A_1233 : memref<128x1024xf32, #tpu.memory_space<any>>) dst(%dma_wait3A_1229 : memref<128x1024xf32, #tpu.memory_space<vmem>>)
      %get3A_1234 = arith.constant 0 : index
      %get3A_1235 = arith.constant 0 : index
      %get3A_1236 = vector.load %arg14[%get3A_1234, %get3A_1235] : memref<128x128xf32, #tpu.memory_space<vmem>>, vector<128x128xf32>
      %get3A_1237 = arith.constant 0 : index
      %get3A_1238 = arith.constant 0 : index
      %get3A_1239 = arith.constant 0 : index
      %get3A_1240 = vector.load %arg24[%get3A_1237, %get3A_1238, %get3A_1239] : memref<2x128x1024xf32, #tpu.memory_space<vmem>>, vector<1x128x1024xf32>
      %get3A_1241 = vector.shape_cast %get3A_1240 : vector<1x128x1024xf32> to vector<128x1024xf32>
      %dot_general3A_1242 = arith.constant dense<0.000000e+00> : vector<128x1024xf32>
      %dot_general3A_1243 = tpu.matmul %get3A_1236, %get3A_1241, %dot_general3A_1242 {dimension_numbers = #tpu.dot_dimension_numbers<[1], [0], [0], [1], [0, 0, 1, 1], [], []>, transpose_lhs_hint = false} : vector<128x128xf32>, vector<128x1024xf32>, vector<128x1024xf32> -> vector<128x1024xf32>
      %get3A_1244 = arith.constant 0 : index
      %get3A_1245 = arith.constant 0 : index
      %get3A_1246 = vector.load %arg15[%get3A_1244, %get3A_1245] : memref<128x1xf32, #tpu.memory_space<vmem>>, vector<128x1xf32>
      %add3A_1247 = vector.broadcast %get3A_1246 : vector<128x1xf32> to vector<128x1024xf32>
      %add3A_1248 = arith.addf %dot_general3A_1243, %add3A_1247 : vector<128x1024xf32>
      %convert_element_type3A_1249 = arith.truncf %add3A_1248 : vector<128x1024xf32> to vector<128x1024xbf16>
      %swap3A_1250 = arith.constant 0 : index
      %swap3A_1251 = arith.constant 0 : index
      %swap3A_1252 = arith.constant 0 : index
      %swap3A_1253 = vector.load %arg23[%swap3A_1250, %swap3A_1251, %swap3A_1252] : memref<64x128x1024xbf16, #tpu.memory_space<vmem>>, vector<1x128x1024xbf16>
      %swap3A_1254 = vector.shape_cast %swap3A_1253 : vector<1x128x1024xbf16> to vector<128x1024xbf16>
      %swap3A_1255 = vector.shape_cast %convert_element_type3A_1249 : vector<128x1024xbf16> to vector<1x128x1024xbf16>
      tpu.vector_store %arg23[%swap3A_1250, %swap3A_1251, %swap3A_1252], %swap3A_1255 {strides = array<i32>} : memref<64x128x1024xbf16, #tpu.memory_space<vmem>>, vector<1x128x1024xbf16>,
      %dma_start3A_1256 = arith.constant 2 : i32
      %dma_start3A_1257 = arith.constant 0 : i32
      %dma_start3A_1258 = arith.constant 0 : i32
      %dma_start3A_1259 = tpu.memref_slice %arg33[%dma_start3A_1258] : memref<2x!tpu.dma_semaphore, #tpu.memory_space<semaphore_mem>> -> memref<1x!tpu.dma_semaphore, #tpu.memory_space<semaphore_mem>>
      %dma_start3A_1260 = tpu.memref_squeeze %dma_start3A_1259 : memref<1x!tpu.dma_semaphore, #tpu.memory_space<semaphore_mem>> -> memref<!tpu.dma_semaphore, #tpu.memory_space<semaphore_mem>>
      %dma_start3A_1261 = arith.constant 0 : i32
      %dma_start3A_1262 = arith.constant 0 : i32
      %dma_start3A_1263 = tpu.memref_slice %arg24[%dma_start3A_1257, %dma_start3A_1261, %dma_start3A_1262] : memref<2x128x1024xf32, #tpu.memory_space<vmem>> -> memref<1x128x1024xf32, #tpu.memory_space<vmem>>
      %dma_start3A_1264 = tpu.memref_squeeze %dma_start3A_1263 : memref<1x128x1024xf32, #tpu.memory_space<vmem>> -> memref<128x1024xf32, #tpu.memory_space<vmem>>
      %dma_start3A_1265 = arith.constant 0 : i32
      %dma_start3A_1266 = arith.constant 0 : i32
      %dma_start3A_1267 = tpu.memref_slice %arg2[%dma_start3A_1256, %dma_start3A_1265, %dma_start3A_1266] : memref<64x128x1024xf32, #tpu.memory_space<any>> -> memref<1x128x1024xf32, #tpu.memory_space<any>>
      %dma_start3A_1268 = tpu.memref_squeeze %dma_start3A_1267 : memref<1x128x1024xf32, #tpu.memory_space<any>> -> memref<128x1024xf32, #tpu.memory_space<any>>
      tpu.enqueue_dma source(%dma_start3A_1268 : memref<128x1024xf32, #tpu.memory_space<any>>) target(%dma_start3A_1264 : memref<128x1024xf32, #tpu.memory_space<vmem>>) target_semaphore(%dma_start3A_1260 : memref<!tpu.dma_semaphore, #tpu.memory_space<semaphore_mem>>)
      %dma_wait3A_1269 = arith.constant 1 : i32
      %dma_wait3A_1270 = arith.constant 1 : i32
      %dma_wait3A_1271 = arith.constant 1 : i32
      %dma_wait3A_1272 = tpu.memref_slice %arg33[%dma_wait3A_1271] : memref<2x!tpu.dma_semaphore, #tpu.memory_space<semaphore_mem>> -> memref<1x!tpu.dma_semaphore, #tpu.memory_space<semaphore_mem>>
      %dma_wait3A_1273 = tpu.memref_squeeze %dma_wait3A_1272 : memref<1x!tpu.dma_semaphore, #tpu.memory_space<semaphore_mem>> -> memref<!tpu.dma_semaphore, #tpu.memory_space<semaphore_mem>>
      %dma_wait3A_1274 = arith.constant 0 : i32
      %dma_wait3A_1275 = arith.constant 0 : i32
      %dma_wait3A_1276 = tpu.memref_slice %arg24[%dma_wait3A_1270, %dma_wait3A_1274, %dma_wait3A_1275] : memref<2x128x1024xf32, #tpu.memory_space<vmem>> -> memref<1x128x1024xf32, #tpu.memory_space<vmem>>
      %dma_wait3A_1277 = tpu.memref_squeeze %dma_wait3A_1276 : memref<1x128x1024xf32, #tpu.memory_space<vmem>> -> memref<128x1024xf32, #tpu.memory_space<vmem>>
      %dma_wait3A_1278 = arith.constant 0 : i32
      %dma_wait3A_1279 = arith.constant 0 : i32
      %dma_wait3A_1280 = tpu.memref_slice %arg2[%dma_wait3A_1269, %dma_wait3A_1278, %dma_wait3A_1279] : memref<64x128x1024xf32, #tpu.memory_space<any>> -> memref<1x128x1024xf32, #tpu.memory_space<any>>
      %dma_wait3A_1281 = tpu.memref_squeeze %dma_wait3A_1280 : memref<1x128x1024xf32, #tpu.memory_space<any>> -> memref<128x1024xf32, #tpu.memory_space<any>>
      tpu.wait_dma2 semaphore(%dma_wait3A_1273 : memref<!tpu.dma_semaphore, #tpu.memory_space<semaphore_mem>>) src(%dma_wait3A_1281 : memref<128x1024xf32, #tpu.memory_space<any>>) dst(%dma_wait3A_1277 : memref<128x1024xf32, #tpu.memory_space<vmem>>)
      %get3A_1282 = arith.constant 0 : index
      %get3A_1283 = arith.constant 0 : index
      %get3A_1284 = vector.load %arg14[%get3A_1282, %get3A_1283] : memref<128x128xf32, #tpu.memory_space<vmem>>, vector<128x128xf32>
      %get3A_1285 = arith.constant 1 : index
      %get3A_1286 = arith.constant 0 : index
      %get3A_1287 = arith.constant 0 : index
      %get3A_1288 = vector.load %arg24[%get3A_1285, %get3A_1286, %get3A_1287] : memref<2x128x1024xf32, #tpu.memory_space<vmem>>, vector<1x128x1024xf32>
      %get3A_1289 = vector.shape_cast %get3A_1288 : vector<1x128x1024xf32> to vector<128x1024xf32>
      %dot_general3A_1290 = arith.constant dense<0.000000e+00> : vector<128x1024xf32>
      %dot_general3A_1291 = tpu.matmul %get3A_1284, %get3A_1289, %dot_general3A_1290 {dimension_numbers = #tpu.dot_dimension_numbers<[1], [0], [0], [1], [0, 0, 1, 1], [], []>, transpose_lhs_hint = false} : vector<128x128xf32>, vector<128x1024xf32>, vector<128x1024xf32> -> vector<128x1024xf32>
      %get3A_1292 = arith.constant 0 : index
      %get3A_1293 = arith.constant 0 : index
      %get3A_1294 = vector.load %arg15[%get3A_1292, %get3A_1293] : memref<128x1xf32, #tpu.memory_space<vmem>>, vector<128x1xf32>
      %add3A_1295 = vector.broadcast %get3A_1294 : vector<128x1xf32> to vector<128x1024xf32>
      %add3A_1296 = arith.addf %dot_general3A_1291, %add3A_1295 : vector<128x1024xf32>
      %convert_element_type3A_1297 = arith.truncf %add3A_1296 : vector<128x1024xf32> to vector<128x1024xbf16>
      %swap3A_1298 = arith.constant 1 : index
      %swap3A_1299 = arith.constant 0 : index
      %swap3A_1300 = arith.constant 0 : index
      %swap3A_1301 = vector.load %arg23[%swap3A_1298, %swap3A_1299, %swap3A_1300] : memref<64x128x1024xbf16, #tpu.memory_space<vmem>>, vector<1x128x1024xbf16>
      %swap3A_1302 = vector.shape_cast %swap3A_1301 : vector<1x128x1024xbf16> to vector<128x1024xbf16>
      %swap3A_1303 = vector.shape_cast %convert_element_type3A_1297 : vector<128x1024xbf16> to vector<1x128x1024xbf16>
      tpu.vector_store %arg23[%swap3A_1298, %swap3A_1299, %swap3A_1300], %swap3A_1303 {strides = array<i32>} : memref<64x128x1024xbf16, #tpu.memory_space<vmem>>, vector<1x128x1024xbf16>,
      %dma_start3A_1304 = arith.constant 3 : i32
      %dma_start3A_1305 = arith.constant 1 : i32
      %dma_start3A_1306 = arith.constant 1 : i32
      %dma_start3A_1307 = tpu.memref_slice %arg33[%dma_start3A_1306] : memref<2x!tpu.dma_semaphore, #tpu.memory_space<semaphore_mem>> -> memref<1x!tpu.dma_semaphore, #tpu.memory_space<semaphore_mem>>
      %dma_start3A_1308 = tpu.memref_squeeze %dma_start3A_1307 : memref<1x!tpu.dma_semaphore, #tpu.memory_space<semaphore_mem>> -> memref<!tpu.dma_semaphore, #tpu.memory_space<semaphore_mem>>
      %dma_start3A_1309 = arith.constant 0 : i32
      %dma_start3A_1310 = arith.constant 0 : i32
      %dma_start3A_1311 = tpu.memref_slice %arg24[%dma_start3A_1305, %dma_start3A_1309, %dma_start3A_1310] : memref<2x128x1024xf32, #tpu.memory_space<vmem>> -> memref<1x128x1024xf32, #tpu.memory_space<vmem>>
      %dma_start3A_1312 = tpu.memref_squeeze %dma_start3A_1311 : memref<1x128x1024xf32, #tpu.memory_space<vmem>> -> memref<128x1024xf32, #tpu.memory_space<vmem>>
      %dma_start3A_1313 = arith.constant 0 : i32
      %dma_start3A_1314 = arith.constant 0 : i32
      %dma_start3A_1315 = tpu.memref_slice %arg2[%dma_start3A_1304, %dma_start3A_1313, %dma_start3A_1314] : memref<64x128x1024xf32, #tpu.memory_space<any>> -> memref<1x128x1024xf32, #tpu.memory_space<any>>
      %dma_start3A_1316 = tpu.memref_squeeze %dma_start3A_1315 : memref<1x128x1024xf32, #tpu.memory_space<any>> -> memref<128x1024xf32, #tpu.memory_space<any>>
      tpu.enqueue_dma source(%dma_start3A_1316 : memref<128x1024xf32, #tpu.memory_space<any>>) target(%dma_start3A_1312 : memref<128x1024xf32, #tpu.memory_space<vmem>>) target_semaphore(%dma_start3A_1308 : memref<!tpu.dma_semaphore, #tpu.memory_space<semaphore_mem>>)
      %dma_wait3A_1317 = arith.constant 2 : i32
      %dma_wait3A_1318 = arith.constant 0 : i32
      %dma_wait3A_1319 = arith.constant 0 : i32
      %dma_wait3A_1320 = tpu.memref_slice %arg33[%dma_wait3A_1319] : memref<2x!tpu.dma_semaphore, #tpu.memory_space<semaphore_mem>> -> memref<1x!tpu.dma_semaphore, #tpu.memory_space<semaphore_mem>>
      %dma_wait3A_1321 = tpu.memref_squeeze %dma_wait3A_1320 : memref<1x!tpu.dma_semaphore, #tpu.memory_space<semaphore_mem>> -> memref<!tpu.dma_semaphore, #tpu.memory_space<semaphore_mem>>
      %dma_wait3A_1322 = arith.constant 0 : i32
      %dma_wait3A_1323 = arith.constant 0 : i32
      %dma_wait3A_1324 = tpu.memref_slice %arg24[%dma_wait3A_1318, %dma_wait3A_1322, %dma_wait3A_1323] : memref<2x128x1024xf32, #tpu.memory_space<vmem>> -> memref<1x128x1024xf32, #tpu.memory_space<vmem>>
      %dma_wait3A_1325 = tpu.memref_squeeze %dma_wait3A_1324 : memref<1x128x1024xf32, #tpu.memory_space<vmem>> -> memref<128x1024xf32, #tpu.memory_space<vmem>>
      %dma_wait3A_1326 = arith.constant 0 : i32
      %dma_wait3A_1327 = arith.constant 0 : i32
      %dma_wait3A_1328 = tpu.memref_slice %arg2[%dma_wait3A_1317, %dma_wait3A_1326, %dma_wait3A_1327] : memref<64x128x1024xf32, #tpu.memory_space<any>> -> memref<1x128x1024xf32, #tpu.memory_space<any>>
      %dma_wait3A_1329 = tpu.memref_squeeze %dma_wait3A_1328 : memref<1x128x1024xf32, #tpu.memory_space<any>> -> memref<128x1024xf32, #tpu.memory_space<any>>
      tpu.wait_dma2 semaphore(%dma_wait3A_1321 : memref<!tpu.dma_semaphore, #tpu.memory_space<semaphore_mem>>) src(%dma_wait3A_1329 : memref<128x1024xf32, #tpu.memory_space<any>>) dst(%dma_wait3A_1325 : memref<128x1024xf32, #tpu.memory_space<vmem>>)
      %get3A_1330 = arith.constant 0 : index
      %get3A_1331 = arith.constant 0 : index
      %get3A_1332 = vector.load %arg14[%get3A_1330, %get3A_1331] : memref<128x128xf32, #tpu.memory_space<vmem>>, vector<128x128xf32>
      %get3A_1333 = arith.constant 0 : index
      %get3A_1334 = arith.constant 0 : index
      %get3A_1335 = arith.constant 0 : index
      %get3A_1336 = vector.load %arg24[%get3A_1333, %get3A_1334, %get3A_1335] : memref<2x128x1024xf32, #tpu.memory_space<vmem>>, vector<1x128x1024xf32>
      %get3A_1337 = vector.shape_cast %get3A_1336 : vector<1x128x1024xf32> to vector<128x1024xf32>
      %dot_general3A_1338 = arith.constant dense<0.000000e+00> : vector<128x1024xf32>
      %dot_general3A_1339 = tpu.matmul %get3A_1332, %get3A_1337, %dot_general3A_1338 {dimension_numbers = #tpu.dot_dimension_numbers<[1], [0], [0], [1], [0, 0, 1, 1], [], []>, transpose_lhs_hint = false} : vector<128x128xf32>, vector<128x1024xf32>, vector<128x1024xf32> -> vector<128x1024xf32>
      %get3A_1340 = arith.constant 0 : index
      %get3A_1341 = arith.constant 0 : index
      %get3A_1342 = vector.load %arg15[%get3A_1340, %get3A_1341] : memref<128x1xf32, #tpu.memory_space<vmem>>, vector<128x1xf32>
      %add3A_1343 = vector.broadcast %get3A_1342 : vector<128x1xf32> to vector<128x1024xf32>
      %add3A_1344 = arith.addf %dot_general3A_1339, %add3A_1343 : vector<128x1024xf32>
      %convert_element_type3A_1345 = arith.truncf %add3A_1344 : vector<128x1024xf32> to vector<128x1024xbf16>
      %swap3A_1346 = arith.constant 2 : index
      %swap3A_1347 = arith.constant 0 : index
      %swap3A_1348 = arith.constant 0 : index
      %swap3A_1349 = vector.load %arg23[%swap3A_1346, %swap3A_1347, %swap3A_1348] : memref<64x128x1024xbf16, #tpu.memory_space<vmem>>, vector<1x128x1024xbf16>
      %swap3A_1350 = vector.shape_cast %swap3A_1349 : vector<1x128x1024xbf16> to vector<128x1024xbf16>
      %swap3A_1351 = vector.shape_cast %convert_element_type3A_1345 : vector<128x1024xbf16> to vector<1x128x1024xbf16>
      tpu.vector_store %arg23[%swap3A_1346, %swap3A_1347, %swap3A_1348], %swap3A_1351 {strides = array<i32>} : memref<64x128x1024xbf16, #tpu.memory_space<vmem>>, vector<1x128x1024xbf16>,
      %dma_start3A_1352 = arith.constant 4 : i32
      %dma_start3A_1353 = arith.constant 0 : i32
      %dma_start3A_1354 = arith.constant 0 : i32
      %dma_start3A_1355 = tpu.memref_slice %arg33[%dma_start3A_1354] : memref<2x!tpu.dma_semaphore, #tpu.memory_space<semaphore_mem>> -> memref<1x!tpu.dma_semaphore, #tpu.memory_space<semaphore_mem>>
      %dma_start3A_1356 = tpu.memref_squeeze %dma_start3A_1355 : memref<1x!tpu.dma_semaphore, #tpu.memory_space<semaphore_mem>> -> memref<!tpu.dma_semaphore, #tpu.memory_space<semaphore_mem>>
      %dma_start3A_1357 = arith.constant 0 : i32
      %dma_start3A_1358 = arith.constant 0 : i32
      %dma_start3A_1359 = tpu.memref_slice %arg24[%dma_start3A_1353, %dma_start3A_1357, %dma_start3A_1358] : memref<2x128x1024xf32, #tpu.memory_space<vmem>> -> memref<1x128x1024xf32, #tpu.memory_space<vmem>>
      %dma_start3A_1360 = tpu.memref_squeeze %dma_start3A_1359 : memref<1x128x1024xf32, #tpu.memory_space<vmem>> -> memref<128x1024xf32, #tpu.memory_space<vmem>>
      %dma_start3A_1361 = arith.constant 0 : i32
      %dma_start3A_1362 = arith.constant 0 : i32
      %dma_start3A_1363 = tpu.memref_slice %arg2[%dma_start3A_1352, %dma_start3A_1361, %dma_start3A_1362] : memref<64x128x1024xf32, #tpu.memory_space<any>> -> memref<1x128x1024xf32, #tpu.memory_space<any>>
      %dma_start3A_1364 = tpu.memref_squeeze %dma_start3A_1363 : memref<1x128x1024xf32, #tpu.memory_space<any>> -> memref<128x1024xf32, #tpu.memory_space<any>>
      tpu.enqueue_dma source(%dma_start3A_1364 : memref<128x1024xf32, #tpu.memory_space<any>>) target(%dma_start3A_1360 : memref<128x1024xf32, #tpu.memory_space<vmem>>) target_semaphore(%dma_start3A_1356 : memref<!tpu.dma_semaphore, #tpu.memory_space<semaphore_mem>>)
      %dma_wait3A_1365 = arith.constant 3 : i32
      %dma_wait3A_1366 = arith.constant 1 : i32
      %dma_wait3A_1367 = arith.constant 1 : i32
      %dma_wait3A_1368 = tpu.memref_slice %arg33[%dma_wait3A_1367] : memref<2x!tpu.dma_semaphore, #tpu.memory_space<semaphore_mem>> -> memref<1x!tpu.dma_semaphore, #tpu.memory_space<semaphore_mem>>
      %dma_wait3A_1369 = tpu.memref_squeeze %dma_wait3A_1368 : memref<1x!tpu.dma_semaphore, #tpu.memory_space<semaphore_mem>> -> memref<!tpu.dma_semaphore, #tpu.memory_space<semaphore_mem>>
      %dma_wait3A_1370 = arith.constant 0 : i32
      %dma_wait3A_1371 = arith.constant 0 : i32
      %dma_wait3A_1372 = tpu.memref_slice %arg24[%dma_wait3A_1366, %dma_wait3A_1370, %dma_wait3A_1371] : memref<2x128x1024xf32, #tpu.memory_space<vmem>> -> memref<1x128x1024xf32, #tpu.memory_space<vmem>>
      %dma_wait3A_1373 = tpu.memref_squeeze %dma_wait3A_1372 : memref<1x128x1024xf32, #tpu.memory_space<vmem>> -> memref<128x1024xf32, #tpu.memory_space<vmem>>
      %dma_wait3A_1374 = arith.constant 0 : i32
      %dma_wait3A_1375 = arith.constant 0 : i32
      %dma_wait3A_1376 = tpu.memref_slice %arg2[%dma_wait3A_1365, %dma_wait3A_1374, %dma_wait3A_1375] : memref<64x128x1024xf32, #tpu.memory_space<any>> -> memref<1x128x1024xf32, #tpu.memory_space<any>>
      %dma_wait3A_1377 = tpu.memref_squeeze %dma_wait3A_1376 : memref<1x128x1024xf32, #tpu.memory_space<any>> -> memref<128x1024xf32, #tpu.memory_space<any>>
      tpu.wait_dma2 semaphore(%dma_wait3A_1369 : memref<!tpu.dma_semaphore, #tpu.memory_space<semaphore_mem>>) src(%dma_wait3A_1377 : memref<128x1024xf32, #tpu.memory_space<any>>) dst(%dma_wait3A_1373 : memref<128x1024xf32, #tpu.memory_space<vmem>>)
      %get3A_1378 = arith.constant 0 : index
      %get3A_1379 = arith.constant 0 : index
      %get3A_1380 = vector.load %arg14[%get3A_1378, %get3A_1379] : memref<128x128xf32, #tpu.memory_space<vmem>>, vector<128x128xf32>
      %get3A_1381 = arith.constant 1 : index
      %get3A_1382 = arith.constant 0 : index
      %get3A_1383 = arith.constant 0 : index
      %get3A_1384 = vector.load %arg24[%get3A_1381, %get3A_1382, %get3A_1383] : memref<2x128x1024xf32, #tpu.memory_space<vmem>>, vector<1x128x1024xf32>
      %get3A_1385 = vector.shape_cast %get3A_1384 : vector<1x128x1024xf32> to vector<128x1024xf32>
      %dot_general3A_1386 = arith.constant dense<0.000000e+00> : vector<128x1024xf32>
      %dot_general3A_1387 = tpu.matmul %get3A_1380, %get3A_1385, %dot_general3A_1386 {dimension_numbers = #tpu.dot_dimension_numbers<[1], [0], [0], [1], [0, 0, 1, 1], [], []>, transpose_lhs_hint = false} : vector<128x128xf32>, vector<128x1024xf32>, vector<128x1024xf32> -> vector<128x1024xf32>
      %get3A_1388 = arith.constant 0 : index
      %get3A_1389 = arith.constant 0 : index
      %get3A_1390 = vector.load %arg15[%get3A_1388, %get3A_1389] : memref<128x1xf32, #tpu.memory_space<vmem>>, vector<128x1xf32>
      %add3A_1391 = vector.broadcast %get3A_1390 : vector<128x1xf32> to vector<128x1024xf32>
      %add3A_1392 = arith.addf %dot_general3A_1387, %add3A_1391 : vector<128x1024xf32>
      %convert_element_type3A_1393 = arith.truncf %add3A_1392 : vector<128x1024xf32> to vector<128x1024xbf16>
      %swap3A_1394 = arith.constant 3 : index
      %swap3A_1395 = arith.constant 0 : index
      %swap3A_1396 = arith.constant 0 : index
      %swap3A_1397 = vector.load %arg23[%swap3A_1394, %swap3A_1395, %swap3A_1396] : memref<64x128x1024xbf16, #tpu.memory_space<vmem>>, vector<1x128x1024xbf16>
      %swap3A_1398 = vector.shape_cast %swap3A_1397 : vector<1x128x1024xbf16> to vector<128x1024xbf16>
      %swap3A_1399 = vector.shape_cast %convert_element_type3A_1393 : vector<128x1024xbf16> to vector<1x128x1024xbf16>
      tpu.vector_store %arg23[%swap3A_1394, %swap3A_1395, %swap3A_1396], %swap3A_1399 {strides = array<i32>} : memref<64x128x1024xbf16, #tpu.memory_space<vmem>>, vector<1x128x1024xbf16>,
      %dma_start3A_1400 = arith.constant 5 : i32
      %dma_start3A_1401 = arith.constant 1 : i32
      %dma_start3A_1402 = arith.constant 1 : i32
      %dma_start3A_1403 = tpu.memref_slice %arg33[%dma_start3A_1402] : memref<2x!tpu.dma_semaphore, #tpu.memory_space<semaphore_mem>> -> memref<1x!tpu.dma_semaphore, #tpu.memory_space<semaphore_mem>>
      %dma_start3A_1404 = tpu.memref_squeeze %dma_start3A_1403 : memref<1x!tpu.dma_semaphore, #tpu.memory_space<semaphore_mem>> -> memref<!tpu.dma_semaphore, #tpu.memory_space<semaphore_mem>>
      %dma_start3A_1405 = arith.constant 0 : i32
      %dma_start3A_1406 = arith.constant 0 : i32
      %dma_start3A_1407 = tpu.memref_slice %arg24[%dma_start3A_1401, %dma_start3A_1405, %dma_start3A_1406] : memref<2x128x1024xf32, #tpu.memory_space<vmem>> -> memref<1x128x1024xf32, #tpu.memory_space<vmem>>
      %dma_start3A_1408 = tpu.memref_squeeze %dma_start3A_1407 : memref<1x128x1024xf32, #tpu.memory_space<vmem>> -> memref<128x1024xf32, #tpu.memory_space<vmem>>
      %dma_start3A_1409 = arith.constant 0 : i32
      %dma_start3A_1410 = arith.constant 0 : i32
      %dma_start3A_1411 = tpu.memref_slice %arg2[%dma_start3A_1400, %dma_start3A_1409, %dma_start3A_1410] : memref<64x128x1024xf32, #tpu.memory_space<any>> -> memref<1x128x1024xf32, #tpu.memory_space<any>>
      %dma_start3A_1412 = tpu.memref_squeeze %dma_start3A_1411 : memref<1x128x1024xf32, #tpu.memory_space<any>> -> memref<128x1024xf32, #tpu.memory_space<any>>
      tpu.enqueue_dma source(%dma_start3A_1412 : memref<128x1024xf32, #tpu.memory_space<any>>) target(%dma_start3A_1408 : memref<128x1024xf32, #tpu.memory_space<vmem>>) target_semaphore(%dma_start3A_1404 : memref<!tpu.dma_semaphore, #tpu.memory_space<semaphore_mem>>)
      %dma_wait3A_1413 = arith.constant 4 : i32
      %dma_wait3A_1414 = arith.constant 0 : i32
      %dma_wait3A_1415 = arith.constant 0 : i32
      %dma_wait3A_1416 = tpu.memref_slice %arg33[%dma_wait3A_1415] : memref<2x!tpu.dma_semaphore, #tpu.memory_space<semaphore_mem>> -> memref<1x!tpu.dma_semaphore, #tpu.memory_space<semaphore_mem>>
      %dma_wait3A_1417 = tpu.memref_squeeze %dma_wait3A_1416 : memref<1x!tpu.dma_semaphore, #tpu.memory_space<semaphore_mem>> -> memref<!tpu.dma_semaphore, #tpu.memory_space<semaphore_mem>>
      %dma_wait3A_1418 = arith.constant 0 : i32
      %dma_wait3A_1419 = arith.constant 0 : i32
      %dma_wait3A_1420 = tpu.memref_slice %arg24[%dma_wait3A_1414, %dma_wait3A_1418, %dma_wait3A_1419] : memref<2x128x1024xf32, #tpu.memory_space<vmem>> -> memref<1x128x1024xf32, #tpu.memory_space<vmem>>
      %dma_wait3A_1421 = tpu.memref_squeeze %dma_wait3A_1420 : memref<1x128x1024xf32, #tpu.memory_space<vmem>> -> memref<128x1024xf32, #tpu.memory_space<vmem>>
      %dma_wait3A_1422 = arith.constant 0 : i32
      %dma_wait3A_1423 = arith.constant 0 : i32
      %dma_wait3A_1424 = tpu.memref_slice %arg2[%dma_wait3A_1413, %dma_wait3A_1422, %dma_wait3A_1423] : memref<64x128x1024xf32, #tpu.memory_space<any>> -> memref<1x128x1024xf32, #tpu.memory_space<any>>
      %dma_wait3A_1425 = tpu.memref_squeeze %dma_wait3A_1424 : memref<1x128x1024xf32, #tpu.memory_space<any>> -> memref<128x1024xf32, #tpu.memory_space<any>>
      tpu.wait_dma2 semaphore(%dma_wait3A_1417 : memref<!tpu.dma_semaphore, #tpu.memory_space<semaphore_mem>>) src(%dma_wait3A_1425 : memref<128x1024xf32, #tpu.memory_space<any>>) dst(%dma_wait3A_1421 : memref<128x1024xf32, #tpu.memory_space<vmem>>)
      %get3A_1426 = arith.constant 0 : index
      %get3A_1427 = arith.constant 0 : index
      %get3A_1428 = vector.load %arg14[%get3A_1426, %get3A_1427] : memref<128x128xf32, #tpu.memory_space<vmem>>, vector<128x128xf32>
      %get3A_1429 = arith.constant 0 : index
      %get3A_1430 = arith.constant 0 : index
      %get3A_1431 = arith.constant 0 : index
      %get3A_1432 = vector.load %arg24[%get3A_1429, %get3A_1430, %get3A_1431] : memref<2x128x1024xf32, #tpu.memory_space<vmem>>, vector<1x128x1024xf32>
      %get3A_1433 = vector.shape_cast %get3A_1432 : vector<1x128x1024xf32> to vector<128x1024xf32>
      %dot_general3A_1434 = arith.constant dense<0.000000e+00> : vector<128x1024xf32>
      %dot_general3A_1435 = tpu.matmul %get3A_1428, %get3A_1433, %dot_general3A_1434 {dimension_numbers = #tpu.dot_dimension_numbers<[1], [0], [0], [1], [0, 0, 1, 1], [], []>, transpose_lhs_hint = false} : vector<128x128xf32>, vector<128x1024xf32>, vector<128x1024xf32> -> vector<128x1024xf32>
      %get3A_1436 = arith.constant 0 : index
      %get3A_1437 = arith.constant 0 : index
      %get3A_1438 = vector.load %arg15[%get3A_1436, %get3A_1437] : memref<128x1xf32, #tpu.memory_space<vmem>>, vector<128x1xf32>
      %add3A_1439 = vector.broadcast %get3A_1438 : vector<128x1xf32> to vector<128x1024xf32>
      %add3A_1440 = arith.addf %dot_general3A_1435, %add3A_1439 : vector<128x1024xf32>
      %convert_element_type3A_1441 = arith.truncf %add3A_1440 : vector<128x1024xf32> to vector<128x1024xbf16>
      %swap3A_1442 = arith.constant 4 : index
      %swap3A_1443 = arith.constant 0 : index
      %swap3A_1444 = arith.constant 0 : index
      %swap3A_1445 = vector.load %arg23[%swap3A_1442, %swap3A_1443, %swap3A_1444] : memref<64x128x1024xbf16, #tpu.memory_space<vmem>>, vector<1x128x1024xbf16>
      %swap3A_1446 = vector.shape_cast %swap3A_1445 : vector<1x128x1024xbf16> to vector<128x1024xbf16>
      %swap3A_1447 = vector.shape_cast %convert_element_type3A_1441 : vector<128x1024xbf16> to vector<1x128x1024xbf16>
      tpu.vector_store %arg23[%swap3A_1442, %swap3A_1443, %swap3A_1444], %swap3A_1447 {strides = array<i32>} : memref<64x128x1024xbf16, #tpu.memory_space<vmem>>, vector<1x128x1024xbf16>,
      %dma_start3A_1448 = arith.constant 6 : i32
      %dma_start3A_1449 = arith.constant 0 : i32
      %dma_start3A_1450 = arith.constant 0 : i32
      %dma_start3A_1451 = tpu.memref_slice %arg33[%dma_start3A_1450] : memref<2x!tpu.dma_semaphore, #tpu.memory_space<semaphore_mem>> -> memref<1x!tpu.dma_semaphore, #tpu.memory_space<semaphore_mem>>
      %dma_start3A_1452 = tpu.memref_squeeze %dma_start3A_1451 : memref<1x!tpu.dma_semaphore, #tpu.memory_space<semaphore_mem>> -> memref<!tpu.dma_semaphore, #tpu.memory_space<semaphore_mem>>
      %dma_start3A_1453 = arith.constant 0 : i32
      %dma_start3A_1454 = arith.constant 0 : i32
      %dma_start3A_1455 = tpu.memref_slice %arg24[%dma_start3A_1449, %dma_start3A_1453, %dma_start3A_1454] : memref<2x128x1024xf32, #tpu.memory_space<vmem>> -> memref<1x128x1024xf32, #tpu.memory_space<vmem>>
      %dma_start3A_1456 = tpu.memref_squeeze %dma_start3A_1455 : memref<1x128x1024xf32, #tpu.memory_space<vmem>> -> memref<128x1024xf32, #tpu.memory_space<vmem>>
      %dma_start3A_1457 = arith.constant 0 : i32
      %dma_start3A_1458 = arith.constant 0 : i32
      %dma_start3A_1459 = tpu.memref_slice %arg2[%dma_start3A_1448, %dma_start3A_1457, %dma_start3A_1458] : memref<64x128x1024xf32, #tpu.memory_space<any>> -> memref<1x128x1024xf32, #tpu.memory_space<any>>
      %dma_start3A_1460 = tpu.memref_squeeze %dma_start3A_1459 : memref<1x128x1024xf32, #tpu.memory_space<any>> -> memref<128x1024xf32, #tpu.memory_space<any>>
      tpu.enqueue_dma source(%dma_start3A_1460 : memref<128x1024xf32, #tpu.memory_space<any>>) target(%dma_start3A_1456 : memref<128x1024xf32, #tpu.memory_space<vmem>>) target_semaphore(%dma_start3A_1452 : memref<!tpu.dma_semaphore, #tpu.memory_space<semaphore_mem>>)
      %dma_wait3A_1461 = arith.constant 5 : i32
      %dma_wait3A_1462 = arith.constant 1 : i32
      %dma_wait3A_1463 = arith.constant 1 : i32
      %dma_wait3A_1464 = tpu.memref_slice %arg33[%dma_wait3A_1463] : memref<2x!tpu.dma_semaphore, #tpu.memory_space<semaphore_mem>> -> memref<1x!tpu.dma_semaphore, #tpu.memory_space<semaphore_mem>>
      %dma_wait3A_1465 = tpu.memref_squeeze %dma_wait3A_1464 : memref<1x!tpu.dma_semaphore, #tpu.memory_space<semaphore_mem>> -> memref<!tpu.dma_semaphore, #tpu.memory_space<semaphore_mem>>
      %dma_wait3A_1466 = arith.constant 0 : i32
      %dma_wait3A_1467 = arith.constant 0 : i32
      %dma_wait3A_1468 = tpu.memref_slice %arg24[%dma_wait3A_1462, %dma_wait3A_1466, %dma_wait3A_1467] : memref<2x128x1024xf32, #tpu.memory_space<vmem>> -> memref<1x128x1024xf32, #tpu.memory_space<vmem>>
      %dma_wait3A_1469 = tpu.memref_squeeze %dma_wait3A_1468 : memref<1x128x1024xf32, #tpu.memory_space<vmem>> -> memref<128x1024xf32, #tpu.memory_space<vmem>>
      %dma_wait3A_1470 = arith.constant 0 : i32
      %dma_wait3A_1471 = arith.constant 0 : i32
      %dma_wait3A_1472 = tpu.memref_slice %arg2[%dma_wait3A_1461, %dma_wait3A_1470, %dma_wait3A_1471] : memref<64x128x1024xf32, #tpu.memory_space<any>> -> memref<1x128x1024xf32, #tpu.memory_space<any>>
      %dma_wait3A_1473 = tpu.memref_squeeze %dma_wait3A_1472 : memref<1x128x1024xf32, #tpu.memory_space<any>> -> memref<128x1024xf32, #tpu.memory_space<any>>
      tpu.wait_dma2 semaphore(%dma_wait3A_1465 : memref<!tpu.dma_semaphore, #tpu.memory_space<semaphore_mem>>) src(%dma_wait3A_1473 : memref<128x1024xf32, #tpu.memory_space<any>>) dst(%dma_wait3A_1469 : memref<128x1024xf32, #tpu.memory_space<vmem>>)
      %get3A_1474 = arith.constant 0 : index
      %get3A_1475 = arith.constant 0 : index
      %get3A_1476 = vector.load %arg14[%get3A_1474, %get3A_1475] : memref<128x128xf32, #tpu.memory_space<vmem>>, vector<128x128xf32>
      %get3A_1477 = arith.constant 1 : index
      %get3A_1478 = arith.constant 0 : index
      %get3A_1479 = arith.constant 0 : index
      %get3A_1480 = vector.load %arg24[%get3A_1477, %get3A_1478, %get3A_1479] : memref<2x128x1024xf32, #tpu.memory_space<vmem>>, vector<1x128x1024xf32>
      %get3A_1481 = vector.shape_cast %get3A_1480 : vector<1x128x1024xf32> to vector<128x1024xf32>
      %dot_general3A_1482 = arith.constant dense<0.000000e+00> : vector<128x1024xf32>
      %dot_general3A_1483 = tpu.matmul %get3A_1476, %get3A_1481, %dot_general3A_1482 {dimension_numbers = #tpu.dot_dimension_numbers<[1], [0], [0], [1], [0, 0, 1, 1], [], []>, transpose_lhs_hint = false} : vector<128x128xf32>, vector<128x1024xf32>, vector<128x1024xf32> -> vector<128x1024xf32>
      %get3A_1484 = arith.constant 0 : index
      %get3A_1485 = arith.constant 0 : index
      %get3A_1486 = vector.load %arg15[%get3A_1484, %get3A_1485] : memref<128x1xf32, #tpu.memory_space<vmem>>, vector<128x1xf32>
      %add3A_1487 = vector.broadcast %get3A_1486 : vector<128x1xf32> to vector<128x1024xf32>
      %add3A_1488 = arith.addf %dot_general3A_1483, %add3A_1487 : vector<128x1024xf32>
      %convert_element_type3A_1489 = arith.truncf %add3A_1488 : vector<128x1024xf32> to vector<128x1024xbf16>
      %swap3A_1490 = arith.constant 5 : index
      %swap3A_1491 = arith.constant 0 : index
      %swap3A_1492 = arith.constant 0 : index
      %swap3A_1493 = vector.load %arg23[%swap3A_1490, %swap3A_1491, %swap3A_1492] : memref<64x128x1024xbf16, #tpu.memory_space<vmem>>, vector<1x128x1024xbf16>
      %swap3A_1494 = vector.shape_cast %swap3A_1493 : vector<1x128x1024xbf16> to vector<128x1024xbf16>
      %swap3A_1495 = vector.shape_cast %convert_element_type3A_1489 : vector<128x1024xbf16> to vector<1x128x1024xbf16>
      tpu.vector_store %arg23[%swap3A_1490, %swap3A_1491, %swap3A_1492], %swap3A_1495 {strides = array<i32>} : memref<64x128x1024xbf16, #tpu.memory_space<vmem>>, vector<1x128x1024xbf16>,
      %dma_start3A_1496 = arith.constant 7 : i32
      %dma_start3A_1497 = arith.constant 1 : i32
      %dma_start3A_1498 = arith.constant 1 : i32
      %dma_start3A_1499 = tpu.memref_slice %arg33[%dma_start3A_1498] : memref<2x!tpu.dma_semaphore, #tpu.memory_space<semaphore_mem>> -> memref<1x!tpu.dma_semaphore, #tpu.memory_space<semaphore_mem>>
      %dma_start3A_1500 = tpu.memref_squeeze %dma_start3A_1499 : memref<1x!tpu.dma_semaphore, #tpu.memory_space<semaphore_mem>> -> memref<!tpu.dma_semaphore, #tpu.memory_space<semaphore_mem>>
      %dma_start3A_1501 = arith.constant 0 : i32
      %dma_start3A_1502 = arith.constant 0 : i32
      %dma_start3A_1503 = tpu.memref_slice %arg24[%dma_start3A_1497, %dma_start3A_1501, %dma_start3A_1502] : memref<2x128x1024xf32, #tpu.memory_space<vmem>> -> memref<1x128x1024xf32, #tpu.memory_space<vmem>>
      %dma_start3A_1504 = tpu.memref_squeeze %dma_start3A_1503 : memref<1x128x1024xf32, #tpu.memory_space<vmem>> -> memref<128x1024xf32, #tpu.memory_space<vmem>>
      %dma_start3A_1505 = arith.constant 0 : i32
      %dma_start3A_1506 = arith.constant 0 : i32
      %dma_start3A_1507 = tpu.memref_slice %arg2[%dma_start3A_1496, %dma_start3A_1505, %dma_start3A_1506] : memref<64x128x1024xf32, #tpu.memory_space<any>> -> memref<1x128x1024xf32, #tpu.memory_space<any>>
      %dma_start3A_1508 = tpu.memref_squeeze %dma_start3A_1507 : memref<1x128x1024xf32, #tpu.memory_space<any>> -> memref<128x1024xf32, #tpu.memory_space<any>>
      tpu.enqueue_dma source(%dma_start3A_1508 : memref<128x1024xf32, #tpu.memory_space<any>>) target(%dma_start3A_1504 : memref<128x1024xf32, #tpu.memory_space<vmem>>) target_semaphore(%dma_start3A_1500 : memref<!tpu.dma_semaphore, #tpu.memory_space<semaphore_mem>>)
      %dma_wait3A_1509 = arith.constant 6 : i32
      %dma_wait3A_1510 = arith.constant 0 : i32
      %dma_wait3A_1511 = arith.constant 0 : i32
      %dma_wait3A_1512 = tpu.memref_slice %arg33[%dma_wait3A_1511] : memref<2x!tpu.dma_semaphore, #tpu.memory_space<semaphore_mem>> -> memref<1x!tpu.dma_semaphore, #tpu.memory_space<semaphore_mem>>
      %dma_wait3A_1513 = tpu.memref_squeeze %dma_wait3A_1512 : memref<1x!tpu.dma_semaphore, #tpu.memory_space<semaphore_mem>> -> memref<!tpu.dma_semaphore, #tpu.memory_space<semaphore_mem>>
      %dma_wait3A_1514 = arith.constant 0 : i32
      %dma_wait3A_1515 = arith.constant 0 : i32
      %dma_wait3A_1516 = tpu.memref_slice %arg24[%dma_wait3A_1510, %dma_wait3A_1514, %dma_wait3A_1515] : memref<2x128x1024xf32, #tpu.memory_space<vmem>> -> memref<1x128x1024xf32, #tpu.memory_space<vmem>>
      %dma_wait3A_1517 = tpu.memref_squeeze %dma_wait3A_1516 : memref<1x128x1024xf32, #tpu.memory_space<vmem>> -> memref<128x1024xf32, #tpu.memory_space<vmem>>
      %dma_wait3A_1518 = arith.constant 0 : i32
      %dma_wait3A_1519 = arith.constant 0 : i32
      %dma_wait3A_1520 = tpu.memref_slice %arg2[%dma_wait3A_1509, %dma_wait3A_1518, %dma_wait3A_1519] : memref<64x128x1024xf32, #tpu.memory_space<any>> -> memref<1x128x1024xf32, #tpu.memory_space<any>>
      %dma_wait3A_1521 = tpu.memref_squeeze %dma_wait3A_1520 : memref<1x128x1024xf32, #tpu.memory_space<any>> -> memref<128x1024xf32, #tpu.memory_space<any>>
      tpu.wait_dma2 semaphore(%dma_wait3A_1513 : memref<!tpu.dma_semaphore, #tpu.memory_space<semaphore_mem>>) src(%dma_wait3A_1521 : memref<128x1024xf32, #tpu.memory_space<any>>) dst(%dma_wait3A_1517 : memref<128x1024xf32, #tpu.memory_space<vmem>>)
      %get3A_1522 = arith.constant 0 : index
      %get3A_1523 = arith.constant 0 : index
      %get3A_1524 = vector.load %arg14[%get3A_1522, %get3A_1523] : memref<128x128xf32, #tpu.memory_space<vmem>>, vector<128x128xf32>
      %get3A_1525 = arith.constant 0 : index
      %get3A_1526 = arith.constant 0 : index
      %get3A_1527 = arith.constant 0 : index
      %get3A_1528 = vector.load %arg24[%get3A_1525, %get3A_1526, %get3A_1527] : memref<2x128x1024xf32, #tpu.memory_space<vmem>>, vector<1x128x1024xf32>
      %get3A_1529 = vector.shape_cast %get3A_1528 : vector<1x128x1024xf32> to vector<128x1024xf32>
      %dot_general3A_1530 = arith.constant dense<0.000000e+00> : vector<128x1024xf32>
      %dot_general3A_1531 = tpu.matmul %get3A_1524, %get3A_1529, %dot_general3A_1530 {dimension_numbers = #tpu.dot_dimension_numbers<[1], [0], [0], [1], [0, 0, 1, 1], [], []>, transpose_lhs_hint = false} : vector<128x128xf32>, vector<128x1024xf32>, vector<128x1024xf32> -> vector<128x1024xf32>
      %get3A_1532 = arith.constant 0 : index
      %get3A_1533 = arith.constant 0 : index
      %get3A_1534 = vector.load %arg15[%get3A_1532, %get3A_1533] : memref<128x1xf32, #tpu.memory_space<vmem>>, vector<128x1xf32>
      %add3A_1535 = vector.broadcast %get3A_1534 : vector<128x1xf32> to vector<128x1024xf32>
      %add3A_1536 = arith.addf %dot_general3A_1531, %add3A_1535 : vector<128x1024xf32>
      %convert_element_type3A_1537 = arith.truncf %add3A_1536 : vector<128x1024xf32> to vector<128x1024xbf16>
      %swap3A_1538 = arith.constant 6 : index
      %swap3A_1539 = arith.constant 0 : index
      %swap3A_1540 = arith.constant 0 : index
      %swap3A_1541 = vector.load %arg23[%swap3A_1538, %swap3A_1539, %swap3A_1540] : memref<64x128x1024xbf16, #tpu.memory_space<vmem>>, vector<1x128x1024xbf16>
      %swap3A_1542 = vector.shape_cast %swap3A_1541 : vector<1x128x1024xbf16> to vector<128x1024xbf16>
      %swap3A_1543 = vector.shape_cast %convert_element_type3A_1537 : vector<128x1024xbf16> to vector<1x128x1024xbf16>
      tpu.vector_store %arg23[%swap3A_1538, %swap3A_1539, %swap3A_1540], %swap3A_1543 {strides = array<i32>} : memref<64x128x1024xbf16, #tpu.memory_space<vmem>>, vector<1x128x1024xbf16>,
      %dma_start3A_1544 = arith.constant 8 : i32
      %dma_start3A_1545 = arith.constant 0 : i32
      %dma_start3A_1546 = arith.constant 0 : i32
      %dma_start3A_1547 = tpu.memref_slice %arg33[%dma_start3A_1546] : memref<2x!tpu.dma_semaphore, #tpu.memory_space<semaphore_mem>> -> memref<1x!tpu.dma_semaphore, #tpu.memory_space<semaphore_mem>>
      %dma_start3A_1548 = tpu.memref_squeeze %dma_start3A_1547 : memref<1x!tpu.dma_semaphore, #tpu.memory_space<semaphore_mem>> -> memref<!tpu.dma_semaphore, #tpu.memory_space<semaphore_mem>>
      %dma_start3A_1549 = arith.constant 0 : i32
      %dma_start3A_1550 = arith.constant 0 : i32
      %dma_start3A_1551 = tpu.memref_slice %arg24[%dma_start3A_1545, %dma_start3A_1549, %dma_start3A_1550] : memref<2x128x1024xf32, #tpu.memory_space<vmem>> -> memref<1x128x1024xf32, #tpu.memory_space<vmem>>
      %dma_start3A_1552 = tpu.memref_squeeze %dma_start3A_1551 : memref<1x128x1024xf32, #tpu.memory_space<vmem>> -> memref<128x1024xf32, #tpu.memory_space<vmem>>
      %dma_start3A_1553 = arith.constant 0 : i32
      %dma_start3A_1554 = arith.constant 0 : i32
      %dma_start3A_1555 = tpu.memref_slice %arg2[%dma_start3A_1544, %dma_start3A_1553, %dma_start3A_1554] : memref<64x128x1024xf32, #tpu.memory_space<any>> -> memref<1x128x1024xf32, #tpu.memory_space<any>>
      %dma_start3A_1556 = tpu.memref_squeeze %dma_start3A_1555 : memref<1x128x1024xf32, #tpu.memory_space<any>> -> memref<128x1024xf32, #tpu.memory_space<any>>
      tpu.enqueue_dma source(%dma_start3A_1556 : memref<128x1024xf32, #tpu.memory_space<any>>) target(%dma_start3A_1552 : memref<128x1024xf32, #tpu.memory_space<vmem>>) target_semaphore(%dma_start3A_1548 : memref<!tpu.dma_semaphore, #tpu.memory_space<semaphore_mem>>)
      %dma_wait3A_1557 = arith.constant 7 : i32
      %dma_wait3A_1558 = arith.constant 1 : i32
      %dma_wait3A_1559 = arith.constant 1 : i32
      %dma_wait3A_1560 = tpu.memref_slice %arg33[%dma_wait3A_1559] : memref<2x!tpu.dma_semaphore, #tpu.memory_space<semaphore_mem>> -> memref<1x!tpu.dma_semaphore, #tpu.memory_space<semaphore_mem>>
      %dma_wait3A_1561 = tpu.memref_squeeze %dma_wait3A_1560 : memref<1x!tpu.dma_semaphore, #tpu.memory_space<semaphore_mem>> -> memref<!tpu.dma_semaphore, #tpu.memory_space<semaphore_mem>>
      %dma_wait3A_1562 = arith.constant 0 : i32
      %dma_wait3A_1563 = arith.constant 0 : i32
      %dma_wait3A_1564 = tpu.memref_slice %arg24[%dma_wait3A_1558, %dma_wait3A_1562, %dma_wait3A_1563] : memref<2x128x1024xf32, #tpu.memory_space<vmem>> -> memref<1x128x1024xf32, #tpu.memory_space<vmem>>
      %dma_wait3A_1565 = tpu.memref_squeeze %dma_wait3A_1564 : memref<1x128x1024xf32, #tpu.memory_space<vmem>> -> memref<128x1024xf32, #tpu.memory_space<vmem>>
      %dma_wait3A_1566 = arith.constant 0 : i32
      %dma_wait3A_1567 = arith.constant 0 : i32
      %dma_wait3A_1568 = tpu.memref_slice %arg2[%dma_wait3A_1557, %dma_wait3A_1566, %dma_wait3A_1567] : memref<64x128x1024xf32, #tpu.memory_space<any>> -> memref<1x128x1024xf32, #tpu.memory_space<any>>
      %dma_wait3A_1569 = tpu.memref_squeeze %dma_wait3A_1568 : memref<1x128x1024xf32, #tpu.memory_space<any>> -> memref<128x1024xf32, #tpu.memory_space<any>>
      tpu.wait_dma2 semaphore(%dma_wait3A_1561 : memref<!tpu.dma_semaphore, #tpu.memory_space<semaphore_mem>>) src(%dma_wait3A_1569 : memref<128x1024xf32, #tpu.memory_space<any>>) dst(%dma_wait3A_1565 : memref<128x1024xf32, #tpu.memory_space<vmem>>)
      %get3A_1570 = arith.constant 0 : index
      %get3A_1571 = arith.constant 0 : index
      %get3A_1572 = vector.load %arg14[%get3A_1570, %get3A_1571] : memref<128x128xf32, #tpu.memory_space<vmem>>, vector<128x128xf32>
      %get3A_1573 = arith.constant 1 : index
      %get3A_1574 = arith.constant 0 : index
      %get3A_1575 = arith.constant 0 : index
      %get3A_1576 = vector.load %arg24[%get3A_1573, %get3A_1574, %get3A_1575] : memref<2x128x1024xf32, #tpu.memory_space<vmem>>, vector<1x128x1024xf32>
      %get3A_1577 = vector.shape_cast %get3A_1576 : vector<1x128x1024xf32> to vector<128x1024xf32>
      %dot_general3A_1578 = arith.constant dense<0.000000e+00> : vector<128x1024xf32>
      %dot_general3A_1579 = tpu.matmul %get3A_1572, %get3A_1577, %dot_general3A_1578 {dimension_numbers = #tpu.dot_dimension_numbers<[1], [0], [0], [1], [0, 0, 1, 1], [], []>, transpose_lhs_hint = false} : vector<128x128xf32>, vector<128x1024xf32>, vector<128x1024xf32> -> vector<128x1024xf32>
      %get3A_1580 = arith.constant 0 : index
      %get3A_1581 = arith.constant 0 : index
      %get3A_1582 = vector.load %arg15[%get3A_1580, %get3A_1581] : memref<128x1xf32, #tpu.memory_space<vmem>>, vector<128x1xf32>
      %add3A_1583 = vector.broadcast %get3A_1582 : vector<128x1xf32> to vector<128x1024xf32>
      %add3A_1584 = arith.addf %dot_general3A_1579, %add3A_1583 : vector<128x1024xf32>
      %convert_element_type3A_1585 = arith.truncf %add3A_1584 : vector<128x1024xf32> to vector<128x1024xbf16>
      %swap3A_1586 = arith.constant 7 : index
      %swap3A_1587 = arith.constant 0 : index
      %swap3A_1588 = arith.constant 0 : index
      %swap3A_1589 = vector.load %arg23[%swap3A_1586, %swap3A_1587, %swap3A_1588] : memref<64x128x1024xbf16, #tpu.memory_space<vmem>>, vector<1x128x1024xbf16>
      %swap3A_1590 = vector.shape_cast %swap3A_1589 : vector<1x128x1024xbf16> to vector<128x1024xbf16>
      %swap3A_1591 = vector.shape_cast %convert_element_type3A_1585 : vector<128x1024xbf16> to vector<1x128x1024xbf16>
      tpu.vector_store %arg23[%swap3A_1586, %swap3A_1587, %swap3A_1588], %swap3A_1591 {strides = array<i32>} : memref<64x128x1024xbf16, #tpu.memory_space<vmem>>, vector<1x128x1024xbf16>,
      %dma_start3A_1592 = arith.constant 9 : i32
      %dma_start3A_1593 = arith.constant 1 : i32
      %dma_start3A_1594 = arith.constant 1 : i32
      %dma_start3A_1595 = tpu.memref_slice %arg33[%dma_start3A_1594] : memref<2x!tpu.dma_semaphore, #tpu.memory_space<semaphore_mem>> -> memref<1x!tpu.dma_semaphore, #tpu.memory_space<semaphore_mem>>
      %dma_start3A_1596 = tpu.memref_squeeze %dma_start3A_1595 : memref<1x!tpu.dma_semaphore, #tpu.memory_space<semaphore_mem>> -> memref<!tpu.dma_semaphore, #tpu.memory_space<semaphore_mem>>
      %dma_start3A_1597 = arith.constant 0 : i32
      %dma_start3A_1598 = arith.constant 0 : i32
      %dma_start3A_1599 = tpu.memref_slice %arg24[%dma_start3A_1593, %dma_start3A_1597, %dma_start3A_1598] : memref<2x128x1024xf32, #tpu.memory_space<vmem>> -> memref<1x128x1024xf32, #tpu.memory_space<vmem>>
      %dma_start3A_1600 = tpu.memref_squeeze %dma_start3A_1599 : memref<1x128x1024xf32, #tpu.memory_space<vmem>> -> memref<128x1024xf32, #tpu.memory_space<vmem>>
      %dma_start3A_1601 = arith.constant 0 : i32
      %dma_start3A_1602 = arith.constant 0 : i32
      %dma_start3A_1603 = tpu.memref_slice %arg2[%dma_start3A_1592, %dma_start3A_1601, %dma_start3A_1602] : memref<64x128x1024xf32, #tpu.memory_space<any>> -> memref<1x128x1024xf32, #tpu.memory_space<any>>
      %dma_start3A_1604 = tpu.memref_squeeze %dma_start3A_1603 : memref<1x128x1024xf32, #tpu.memory_space<any>> -> memref<128x1024xf32, #tpu.memory_space<any>>
      tpu.enqueue_dma source(%dma_start3A_1604 : memref<128x1024xf32, #tpu.memory_space<any>>) target(%dma_start3A_1600 : memref<128x1024xf32, #tpu.memory_space<vmem>>) target_semaphore(%dma_start3A_1596 : memref<!tpu.dma_semaphore, #tpu.memory_space<semaphore_mem>>)
      %dma_wait3A_1605 = arith.constant 8 : i32
      %dma_wait3A_1606 = arith.constant 0 : i32
      %dma_wait3A_1607 = arith.constant 0 : i32
      %dma_wait3A_1608 = tpu.memref_slice %arg33[%dma_wait3A_1607] : memref<2x!tpu.dma_semaphore, #tpu.memory_space<semaphore_mem>> -> memref<1x!tpu.dma_semaphore, #tpu.memory_space<semaphore_mem>>
      %dma_wait3A_1609 = tpu.memref_squeeze %dma_wait3A_1608 : memref<1x!tpu.dma_semaphore, #tpu.memory_space<semaphore_mem>> -> memref<!tpu.dma_semaphore, #tpu.memory_space<semaphore_mem>>
      %dma_wait3A_1610 = arith.constant 0 : i32
      %dma_wait3A_1611 = arith.constant 0 : i32
      %dma_wait3A_1612 = tpu.memref_slice %arg24[%dma_wait3A_1606, %dma_wait3A_1610, %dma_wait3A_1611] : memref<2x128x1024xf32, #tpu.memory_space<vmem>> -> memref<1x128x1024xf32, #tpu.memory_space<vmem>>
      %dma_wait3A_1613 = tpu.memref_squeeze %dma_wait3A_1612 : memref<1x128x1024xf32, #tpu.memory_space<vmem>> -> memref<128x1024xf32, #tpu.memory_space<vmem>>
      %dma_wait3A_1614 = arith.constant 0 : i32
      %dma_wait3A_1615 = arith.constant 0 : i32
      %dma_wait3A_1616 = tpu.memref_slice %arg2[%dma_wait3A_1605, %dma_wait3A_1614, %dma_wait3A_1615] : memref<64x128x1024xf32, #tpu.memory_space<any>> -> memref<1x128x1024xf32, #tpu.memory_space<any>>
      %dma_wait3A_1617 = tpu.memref_squeeze %dma_wait3A_1616 : memref<1x128x1024xf32, #tpu.memory_space<any>> -> memref<128x1024xf32, #tpu.memory_space<any>>
      tpu.wait_dma2 semaphore(%dma_wait3A_1609 : memref<!tpu.dma_semaphore, #tpu.memory_space<semaphore_mem>>) src(%dma_wait3A_1617 : memref<128x1024xf32, #tpu.memory_space<any>>) dst(%dma_wait3A_1613 : memref<128x1024xf32, #tpu.memory_space<vmem>>)
      %get3A_1618 = arith.constant 0 : index
      %get3A_1619 = arith.constant 0 : index
      %get3A_1620 = vector.load %arg14[%get3A_1618, %get3A_1619] : memref<128x128xf32, #tpu.memory_space<vmem>>, vector<128x128xf32>
      %get3A_1621 = arith.constant 0 : index
      %get3A_1622 = arith.constant 0 : index
      %get3A_1623 = arith.constant 0 : index
      %get3A_1624 = vector.load %arg24[%get3A_1621, %get3A_1622, %get3A_1623] : memref<2x128x1024xf32, #tpu.memory_space<vmem>>, vector<1x128x1024xf32>
      %get3A_1625 = vector.shape_cast %get3A_1624 : vector<1x128x1024xf32> to vector<128x1024xf32>
      %dot_general3A_1626 = arith.constant dense<0.000000e+00> : vector<128x1024xf32>
      %dot_general3A_1627 = tpu.matmul %get3A_1620, %get3A_1625, %dot_general3A_1626 {dimension_numbers = #tpu.dot_dimension_numbers<[1], [0], [0], [1], [0, 0, 1, 1], [], []>, transpose_lhs_hint = false} : vector<128x128xf32>, vector<128x1024xf32>, vector<128x1024xf32> -> vector<128x1024xf32>
      %get3A_1628 = arith.constant 0 : index
      %get3A_1629 = arith.constant 0 : index
      %get3A_1630 = vector.load %arg15[%get3A_1628, %get3A_1629] : memref<128x1xf32, #tpu.memory_space<vmem>>, vector<128x1xf32>
      %add3A_1631 = vector.broadcast %get3A_1630 : vector<128x1xf32> to vector<128x1024xf32>
      %add3A_1632 = arith.addf %dot_general3A_1627, %add3A_1631 : vector<128x1024xf32>
      %convert_element_type3A_1633 = arith.truncf %add3A_1632 : vector<128x1024xf32> to vector<128x1024xbf16>
      %swap3A_1634 = arith.constant 8 : index
      %swap3A_1635 = arith.constant 0 : index
      %swap3A_1636 = arith.constant 0 : index
      %swap3A_1637 = vector.load %arg23[%swap3A_1634, %swap3A_1635, %swap3A_1636] : memref<64x128x1024xbf16, #tpu.memory_space<vmem>>, vector<1x128x1024xbf16>
      %swap3A_1638 = vector.shape_cast %swap3A_1637 : vector<1x128x1024xbf16> to vector<128x1024xbf16>
      %swap3A_1639 = vector.shape_cast %convert_element_type3A_1633 : vector<128x1024xbf16> to vector<1x128x1024xbf16>
      tpu.vector_store %arg23[%swap3A_1634, %swap3A_1635, %swap3A_1636], %swap3A_1639 {strides = array<i32>} : memref<64x128x1024xbf16, #tpu.memory_space<vmem>>, vector<1x128x1024xbf16>,
      %dma_start3A_1640 = arith.constant 10 : i32
      %dma_start3A_1641 = arith.constant 0 : i32
      %dma_start3A_1642 = arith.constant 0 : i32
      %dma_start3A_1643 = tpu.memref_slice %arg33[%dma_start3A_1642] : memref<2x!tpu.dma_semaphore, #tpu.memory_space<semaphore_mem>> -> memref<1x!tpu.dma_semaphore, #tpu.memory_space<semaphore_mem>>
      %dma_start3A_1644 = tpu.memref_squeeze %dma_start3A_1643 : memref<1x!tpu.dma_semaphore, #tpu.memory_space<semaphore_mem>> -> memref<!tpu.dma_semaphore, #tpu.memory_space<semaphore_mem>>
      %dma_start3A_1645 = arith.constant 0 : i32
      %dma_start3A_1646 = arith.constant 0 : i32
      %dma_start3A_1647 = tpu.memref_slice %arg24[%dma_start3A_1641, %dma_start3A_1645, %dma_start3A_1646] : memref<2x128x1024xf32, #tpu.memory_space<vmem>> -> memref<1x128x1024xf32, #tpu.memory_space<vmem>>
      %dma_start3A_1648 = tpu.memref_squeeze %dma_start3A_1647 : memref<1x128x1024xf32, #tpu.memory_space<vmem>> -> memref<128x1024xf32, #tpu.memory_space<vmem>>
      %dma_start3A_1649 = arith.constant 0 : i32
      %dma_start3A_1650 = arith.constant 0 : i32
      %dma_start3A_1651 = tpu.memref_slice %arg2[%dma_start3A_1640, %dma_start3A_1649, %dma_start3A_1650] : memref<64x128x1024xf32, #tpu.memory_space<any>> -> memref<1x128x1024xf32, #tpu.memory_space<any>>
      %dma_start3A_1652 = tpu.memref_squeeze %dma_start3A_1651 : memref<1x128x1024xf32, #tpu.memory_space<any>> -> memref<128x1024xf32, #tpu.memory_space<any>>
      tpu.enqueue_dma source(%dma_start3A_1652 : memref<128x1024xf32, #tpu.memory_space<any>>) target(%dma_start3A_1648 : memref<128x1024xf32, #tpu.memory_space<vmem>>) target_semaphore(%dma_start3A_1644 : memref<!tpu.dma_semaphore, #tpu.memory_space<semaphore_mem>>)
      %dma_wait3A_1653 = arith.constant 9 : i32
      %dma_wait3A_1654 = arith.constant 1 : i32
      %dma_wait3A_1655 = arith.constant 1 : i32
      %dma_wait3A_1656 = tpu.memref_slice %arg33[%dma_wait3A_1655] : memref<2x!tpu.dma_semaphore, #tpu.memory_space<semaphore_mem>> -> memref<1x!tpu.dma_semaphore, #tpu.memory_space<semaphore_mem>>
      %dma_wait3A_1657 = tpu.memref_squeeze %dma_wait3A_1656 : memref<1x!tpu.dma_semaphore, #tpu.memory_space<semaphore_mem>> -> memref<!tpu.dma_semaphore, #tpu.memory_space<semaphore_mem>>
      %dma_wait3A_1658 = arith.constant 0 : i32
      %dma_wait3A_1659 = arith.constant 0 : i32
      %dma_wait3A_1660 = tpu.memref_slice %arg24[%dma_wait3A_1654, %dma_wait3A_1658, %dma_wait3A_1659] : memref<2x128x1024xf32, #tpu.memory_space<vmem>> -> memref<1x128x1024xf32, #tpu.memory_space<vmem>>
      %dma_wait3A_1661 = tpu.memref_squeeze %dma_wait3A_1660 : memref<1x128x1024xf32, #tpu.memory_space<vmem>> -> memref<128x1024xf32, #tpu.memory_space<vmem>>
      %dma_wait3A_1662 = arith.constant 0 : i32
      %dma_wait3A_1663 = arith.constant 0 : i32
      %dma_wait3A_1664 = tpu.memref_slice %arg2[%dma_wait3A_1653, %dma_wait3A_1662, %dma_wait3A_1663] : memref<64x128x1024xf32, #tpu.memory_space<any>> -> memref<1x128x1024xf32, #tpu.memory_space<any>>
      %dma_wait3A_1665 = tpu.memref_squeeze %dma_wait3A_1664 : memref<1x128x1024xf32, #tpu.memory_space<any>> -> memref<128x1024xf32, #tpu.memory_space<any>>
      tpu.wait_dma2 semaphore(%dma_wait3A_1657 : memref<!tpu.dma_semaphore, #tpu.memory_space<semaphore_mem>>) src(%dma_wait3A_1665 : memref<128x1024xf32, #tpu.memory_space<any>>) dst(%dma_wait3A_1661 : memref<128x1024xf32, #tpu.memory_space<vmem>>)
      %get3A_1666 = arith.constant 0 : index
      %get3A_1667 = arith.constant 0 : index
      %get3A_1668 = vector.load %arg14[%get3A_1666, %get3A_1667] : memref<128x128xf32, #tpu.memory_space<vmem>>, vector<128x128xf32>
      %get3A_1669 = arith.constant 1 : index
      %get3A_1670 = arith.constant 0 : index
      %get3A_1671 = arith.constant 0 : index
      %get3A_1672 = vector.load %arg24[%get3A_1669, %get3A_1670, %get3A_1671] : memref<2x128x1024xf32, #tpu.memory_space<vmem>>, vector<1x128x1024xf32>
      %get3A_1673 = vector.shape_cast %get3A_1672 : vector<1x128x1024xf32> to vector<128x1024xf32>
      %dot_general3A_1674 = arith.constant dense<0.000000e+00> : vector<128x1024xf32>
      %dot_general3A_1675 = tpu.matmul %get3A_1668, %get3A_1673, %dot_general3A_1674 {dimension_numbers = #tpu.dot_dimension_numbers<[1], [0], [0], [1], [0, 0, 1, 1], [], []>, transpose_lhs_hint = false} : vector<128x128xf32>, vector<128x1024xf32>, vector<128x1024xf32> -> vector<128x1024xf32>
      %get3A_1676 = arith.constant 0 : index
      %get3A_1677 = arith.constant 0 : index
      %get3A_1678 = vector.load %arg15[%get3A_1676, %get3A_1677] : memref<128x1xf32, #tpu.memory_space<vmem>>, vector<128x1xf32>
      %add3A_1679 = vector.broadcast %get3A_1678 : vector<128x1xf32> to vector<128x1024xf32>
      %add3A_1680 = arith.addf %dot_general3A_1675, %add3A_1679 : vector<128x1024xf32>
      %convert_element_type3A_1681 = arith.truncf %add3A_1680 : vector<128x1024xf32> to vector<128x1024xbf16>
      %swap3A_1682 = arith.constant 9 : index
      %swap3A_1683 = arith.constant 0 : index
      %swap3A_1684 = arith.constant 0 : index
      %swap3A_1685 = vector.load %arg23[%swap3A_1682, %swap3A_1683, %swap3A_1684] : memref<64x128x1024xbf16, #tpu.memory_space<vmem>>, vector<1x128x1024xbf16>
      %swap3A_1686 = vector.shape_cast %swap3A_1685 : vector<1x128x1024xbf16> to vector<128x1024xbf16>
      %swap3A_1687 = vector.shape_cast %convert_element_type3A_1681 : vector<128x1024xbf16> to vector<1x128x1024xbf16>
      tpu.vector_store %arg23[%swap3A_1682, %swap3A_1683, %swap3A_1684], %swap3A_1687 {strides = array<i32>} : memref<64x128x1024xbf16, #tpu.memory_space<vmem>>, vector<1x128x1024xbf16>,
      %dma_start3A_1688 = arith.constant 11 : i32
      %dma_start3A_1689 = arith.constant 1 : i32
      %dma_start3A_1690 = arith.constant 1 : i32
      %dma_start3A_1691 = tpu.memref_slice %arg33[%dma_start3A_1690] : memref<2x!tpu.dma_semaphore, #tpu.memory_space<semaphore_mem>> -> memref<1x!tpu.dma_semaphore, #tpu.memory_space<semaphore_mem>>
      %dma_start3A_1692 = tpu.memref_squeeze %dma_start3A_1691 : memref<1x!tpu.dma_semaphore, #tpu.memory_space<semaphore_mem>> -> memref<!tpu.dma_semaphore, #tpu.memory_space<semaphore_mem>>
      %dma_start3A_1693 = arith.constant 0 : i32
      %dma_start3A_1694 = arith.constant 0 : i32
      %dma_start3A_1695 = tpu.memref_slice %arg24[%dma_start3A_1689, %dma_start3A_1693, %dma_start3A_1694] : memref<2x128x1024xf32, #tpu.memory_space<vmem>> -> memref<1x128x1024xf32, #tpu.memory_space<vmem>>
      %dma_start3A_1696 = tpu.memref_squeeze %dma_start3A_1695 : memref<1x128x1024xf32, #tpu.memory_space<vmem>> -> memref<128x1024xf32, #tpu.memory_space<vmem>>
      %dma_start3A_1697 = arith.constant 0 : i32
      %dma_start3A_1698 = arith.constant 0 : i32
      %dma_start3A_1699 = tpu.memref_slice %arg2[%dma_start3A_1688, %dma_start3A_1697, %dma_start3A_1698] : memref<64x128x1024xf32, #tpu.memory_space<any>> -> memref<1x128x1024xf32, #tpu.memory_space<any>>
      %dma_start3A_1700 = tpu.memref_squeeze %dma_start3A_1699 : memref<1x128x1024xf32, #tpu.memory_space<any>> -> memref<128x1024xf32, #tpu.memory_space<any>>
      tpu.enqueue_dma source(%dma_start3A_1700 : memref<128x1024xf32, #tpu.memory_space<any>>) target(%dma_start3A_1696 : memref<128x1024xf32, #tpu.memory_space<vmem>>) target_semaphore(%dma_start3A_1692 : memref<!tpu.dma_semaphore, #tpu.memory_space<semaphore_mem>>)
      %dma_wait3A_1701 = arith.constant 10 : i32
      %dma_wait3A_1702 = arith.constant 0 : i32
      %dma_wait3A_1703 = arith.constant 0 : i32
      %dma_wait3A_1704 = tpu.memref_slice %arg33[%dma_wait3A_1703] : memref<2x!tpu.dma_semaphore, #tpu.memory_space<semaphore_mem>> -> memref<1x!tpu.dma_semaphore, #tpu.memory_space<semaphore_mem>>
      %dma_wait3A_1705 = tpu.memref_squeeze %dma_wait3A_1704 : memref<1x!tpu.dma_semaphore, #tpu.memory_space<semaphore_mem>> -> memref<!tpu.dma_semaphore, #tpu.memory_space<semaphore_mem>>
      %dma_wait3A_1706 = arith.constant 0 : i32
      %dma_wait3A_1707 = arith.constant 0 : i32
      %dma_wait3A_1708 = tpu.memref_slice %arg24[%dma_wait3A_1702, %dma_wait3A_1706, %dma_wait3A_1707] : memref<2x128x1024xf32, #tpu.memory_space<vmem>> -> memref<1x128x1024xf32, #tpu.memory_space<vmem>>
      %dma_wait3A_1709 = tpu.memref_squeeze %dma_wait3A_1708 : memref<1x128x1024xf32, #tpu.memory_space<vmem>> -> memref<128x1024xf32, #tpu.memory_space<vmem>>
      %dma_wait3A_1710 = arith.constant 0 : i32
      %dma_wait3A_1711 = arith.constant 0 : i32
      %dma_wait3A_1712 = tpu.memref_slice %arg2[%dma_wait3A_1701, %dma_wait3A_1710, %dma_wait3A_1711] : memref<64x128x1024xf32, #tpu.memory_space<any>> -> memref<1x128x1024xf32, #tpu.memory_space<any>>
      %dma_wait3A_1713 = tpu.memref_squeeze %dma_wait3A_1712 : memref<1x128x1024xf32, #tpu.memory_space<any>> -> memref<128x1024xf32, #tpu.memory_space<any>>
      tpu.wait_dma2 semaphore(%dma_wait3A_1705 : memref<!tpu.dma_semaphore, #tpu.memory_space<semaphore_mem>>) src(%dma_wait3A_1713 : memref<128x1024xf32, #tpu.memory_space<any>>) dst(%dma_wait3A_1709 : memref<128x1024xf32, #tpu.memory_space<vmem>>)
      %get3A_1714 = arith.constant 0 : index
      %get3A_1715 = arith.constant 0 : index
      %get3A_1716 = vector.load %arg14[%get3A_1714, %get3A_1715] : memref<128x128xf32, #tpu.memory_space<vmem>>, vector<128x128xf32>
      %get3A_1717 = arith.constant 0 : index
      %get3A_1718 = arith.constant 0 : index
      %get3A_1719 = arith.constant 0 : index
      %get3A_1720 = vector.load %arg24[%get3A_1717, %get3A_1718, %get3A_1719] : memref<2x128x1024xf32, #tpu.memory_space<vmem>>, vector<1x128x1024xf32>
      %get3A_1721 = vector.shape_cast %get3A_1720 : vector<1x128x1024xf32> to vector<128x1024xf32>
      %dot_general3A_1722 = arith.constant dense<0.000000e+00> : vector<128x1024xf32>
      %dot_general3A_1723 = tpu.matmul %get3A_1716, %get3A_1721, %dot_general3A_1722 {dimension_numbers = #tpu.dot_dimension_numbers<[1], [0], [0], [1], [0, 0, 1, 1], [], []>, transpose_lhs_hint = false} : vector<128x128xf32>, vector<128x1024xf32>, vector<128x1024xf32> -> vector<128x1024xf32>
      %get3A_1724 = arith.constant 0 : index
      %get3A_1725 = arith.constant 0 : index
      %get3A_1726 = vector.load %arg15[%get3A_1724, %get3A_1725] : memref<128x1xf32, #tpu.memory_space<vmem>>, vector<128x1xf32>
      %add3A_1727 = vector.broadcast %get3A_1726 : vector<128x1xf32> to vector<128x1024xf32>
      %add3A_1728 = arith.addf %dot_general3A_1723, %add3A_1727 : vector<128x1024xf32>
      %convert_element_type3A_1729 = arith.truncf %add3A_1728 : vector<128x1024xf32> to vector<128x1024xbf16>
      %swap3A_1730 = arith.constant 10 : index
      %swap3A_1731 = arith.constant 0 : index
      %swap3A_1732 = arith.constant 0 : index
      %swap3A_1733 = vector.load %arg23[%swap3A_1730, %swap3A_1731, %swap3A_1732] : memref<64x128x1024xbf16, #tpu.memory_space<vmem>>, vector<1x128x1024xbf16>
      %swap3A_1734 = vector.shape_cast %swap3A_1733 : vector<1x128x1024xbf16> to vector<128x1024xbf16>
      %swap3A_1735 = vector.shape_cast %convert_element_type3A_1729 : vector<128x1024xbf16> to vector<1x128x1024xbf16>
      tpu.vector_store %arg23[%swap3A_1730, %swap3A_1731, %swap3A_1732], %swap3A_1735 {strides = array<i32>} : memref<64x128x1024xbf16, #tpu.memory_space<vmem>>, vector<1x128x1024xbf16>,
      %dma_start3A_1736 = arith.constant 12 : i32
      %dma_start3A_1737 = arith.constant 0 : i32
      %dma_start3A_1738 = arith.constant 0 : i32
      %dma_start3A_1739 = tpu.memref_slice %arg33[%dma_start3A_1738] : memref<2x!tpu.dma_semaphore, #tpu.memory_space<semaphore_mem>> -> memref<1x!tpu.dma_semaphore, #tpu.memory_space<semaphore_mem>>
      %dma_start3A_1740 = tpu.memref_squeeze %dma_start3A_1739 : memref<1x!tpu.dma_semaphore, #tpu.memory_space<semaphore_mem>> -> memref<!tpu.dma_semaphore, #tpu.memory_space<semaphore_mem>>
      %dma_start3A_1741 = arith.constant 0 : i32
      %dma_start3A_1742 = arith.constant 0 : i32
      %dma_start3A_1743 = tpu.memref_slice %arg24[%dma_start3A_1737, %dma_start3A_1741, %dma_start3A_1742] : memref<2x128x1024xf32, #tpu.memory_space<vmem>> -> memref<1x128x1024xf32, #tpu.memory_space<vmem>>
      %dma_start3A_1744 = tpu.memref_squeeze %dma_start3A_1743 : memref<1x128x1024xf32, #tpu.memory_space<vmem>> -> memref<128x1024xf32, #tpu.memory_space<vmem>>
      %dma_start3A_1745 = arith.constant 0 : i32
      %dma_start3A_1746 = arith.constant 0 : i32
      %dma_start3A_1747 = tpu.memref_slice %arg2[%dma_start3A_1736, %dma_start3A_1745, %dma_start3A_1746] : memref<64x128x1024xf32, #tpu.memory_space<any>> -> memref<1x128x1024xf32, #tpu.memory_space<any>>
      %dma_start3A_1748 = tpu.memref_squeeze %dma_start3A_1747 : memref<1x128x1024xf32, #tpu.memory_space<any>> -> memref<128x1024xf32, #tpu.memory_space<any>>
      tpu.enqueue_dma source(%dma_start3A_1748 : memref<128x1024xf32, #tpu.memory_space<any>>) target(%dma_start3A_1744 : memref<128x1024xf32, #tpu.memory_space<vmem>>) target_semaphore(%dma_start3A_1740 : memref<!tpu.dma_semaphore, #tpu.memory_space<semaphore_mem>>)
      %dma_wait3A_1749 = arith.constant 11 : i32
      %dma_wait3A_1750 = arith.constant 1 : i32
      %dma_wait3A_1751 = arith.constant 1 : i32
      %dma_wait3A_1752 = tpu.memref_slice %arg33[%dma_wait3A_1751] : memref<2x!tpu.dma_semaphore, #tpu.memory_space<semaphore_mem>> -> memref<1x!tpu.dma_semaphore, #tpu.memory_space<semaphore_mem>>
      %dma_wait3A_1753 = tpu.memref_squeeze %dma_wait3A_1752 : memref<1x!tpu.dma_semaphore, #tpu.memory_space<semaphore_mem>> -> memref<!tpu.dma_semaphore, #tpu.memory_space<semaphore_mem>>
      %dma_wait3A_1754 = arith.constant 0 : i32
      %dma_wait3A_1755 = arith.constant 0 : i32
      %dma_wait3A_1756 = tpu.memref_slice %arg24[%dma_wait3A_1750, %dma_wait3A_1754, %dma_wait3A_1755] : memref<2x128x1024xf32, #tpu.memory_space<vmem>> -> memref<1x128x1024xf32, #tpu.memory_space<vmem>>
      %dma_wait3A_1757 = tpu.memref_squeeze %dma_wait3A_1756 : memref<1x128x1024xf32, #tpu.memory_space<vmem>> -> memref<128x1024xf32, #tpu.memory_space<vmem>>
      %dma_wait3A_1758 = arith.constant 0 : i32
      %dma_wait3A_1759 = arith.constant 0 : i32
      %dma_wait3A_1760 = tpu.memref_slice %arg2[%dma_wait3A_1749, %dma_wait3A_1758, %dma_wait3A_1759] : memref<64x128x1024xf32, #tpu.memory_space<any>> -> memref<1x128x1024xf32, #tpu.memory_space<any>>
      %dma_wait3A_1761 = tpu.memref_squeeze %dma_wait3A_1760 : memref<1x128x1024xf32, #tpu.memory_space<any>> -> memref<128x1024xf32, #tpu.memory_space<any>>
      tpu.wait_dma2 semaphore(%dma_wait3A_1753 : memref<!tpu.dma_semaphore, #tpu.memory_space<semaphore_mem>>) src(%dma_wait3A_1761 : memref<128x1024xf32, #tpu.memory_space<any>>) dst(%dma_wait3A_1757 : memref<128x1024xf32, #tpu.memory_space<vmem>>)
      %get3A_1762 = arith.constant 0 : index
      %get3A_1763 = arith.constant 0 : index
      %get3A_1764 = vector.load %arg14[%get3A_1762, %get3A_1763] : memref<128x128xf32, #tpu.memory_space<vmem>>, vector<128x128xf32>
      %get3A_1765 = arith.constant 1 : index
      %get3A_1766 = arith.constant 0 : index
      %get3A_1767 = arith.constant 0 : index
      %get3A_1768 = vector.load %arg24[%get3A_1765, %get3A_1766, %get3A_1767] : memref<2x128x1024xf32, #tpu.memory_space<vmem>>, vector<1x128x1024xf32>
      %get3A_1769 = vector.shape_cast %get3A_1768 : vector<1x128x1024xf32> to vector<128x1024xf32>
      %dot_general3A_1770 = arith.constant dense<0.000000e+00> : vector<128x1024xf32>
      %dot_general3A_1771 = tpu.matmul %get3A_1764, %get3A_1769, %dot_general3A_1770 {dimension_numbers = #tpu.dot_dimension_numbers<[1], [0], [0], [1], [0, 0, 1, 1], [], []>, transpose_lhs_hint = false} : vector<128x128xf32>, vector<128x1024xf32>, vector<128x1024xf32> -> vector<128x1024xf32>
      %get3A_1772 = arith.constant 0 : index
      %get3A_1773 = arith.constant 0 : index
      %get3A_1774 = vector.load %arg15[%get3A_1772, %get3A_1773] : memref<128x1xf32, #tpu.memory_space<vmem>>, vector<128x1xf32>
      %add3A_1775 = vector.broadcast %get3A_1774 : vector<128x1xf32> to vector<128x1024xf32>
      %add3A_1776 = arith.addf %dot_general3A_1771, %add3A_1775 : vector<128x1024xf32>
      %convert_element_type3A_1777 = arith.truncf %add3A_1776 : vector<128x1024xf32> to vector<128x1024xbf16>
      %swap3A_1778 = arith.constant 11 : index
      %swap3A_1779 = arith.constant 0 : index
      %swap3A_1780 = arith.constant 0 : index
      %swap3A_1781 = vector.load %arg23[%swap3A_1778, %swap3A_1779, %swap3A_1780] : memref<64x128x1024xbf16, #tpu.memory_space<vmem>>, vector<1x128x1024xbf16>
      %swap3A_1782 = vector.shape_cast %swap3A_1781 : vector<1x128x1024xbf16> to vector<128x1024xbf16>
      %swap3A_1783 = vector.shape_cast %convert_element_type3A_1777 : vector<128x1024xbf16> to vector<1x128x1024xbf16>
      tpu.vector_store %arg23[%swap3A_1778, %swap3A_1779, %swap3A_1780], %swap3A_1783 {strides = array<i32>} : memref<64x128x1024xbf16, #tpu.memory_space<vmem>>, vector<1x128x1024xbf16>,
      %dma_start3A_1784 = arith.constant 13 : i32
      %dma_start3A_1785 = arith.constant 1 : i32
      %dma_start3A_1786 = arith.constant 1 : i32
      %dma_start3A_1787 = tpu.memref_slice %arg33[%dma_start3A_1786] : memref<2x!tpu.dma_semaphore, #tpu.memory_space<semaphore_mem>> -> memref<1x!tpu.dma_semaphore, #tpu.memory_space<semaphore_mem>>
      %dma_start3A_1788 = tpu.memref_squeeze %dma_start3A_1787 : memref<1x!tpu.dma_semaphore, #tpu.memory_space<semaphore_mem>> -> memref<!tpu.dma_semaphore, #tpu.memory_space<semaphore_mem>>
      %dma_start3A_1789 = arith.constant 0 : i32
      %dma_start3A_1790 = arith.constant 0 : i32
      %dma_start3A_1791 = tpu.memref_slice %arg24[%dma_start3A_1785, %dma_start3A_1789, %dma_start3A_1790] : memref<2x128x1024xf32, #tpu.memory_space<vmem>> -> memref<1x128x1024xf32, #tpu.memory_space<vmem>>
      %dma_start3A_1792 = tpu.memref_squeeze %dma_start3A_1791 : memref<1x128x1024xf32, #tpu.memory_space<vmem>> -> memref<128x1024xf32, #tpu.memory_space<vmem>>
      %dma_start3A_1793 = arith.constant 0 : i32
      %dma_start3A_1794 = arith.constant 0 : i32
      %dma_start3A_1795 = tpu.memref_slice %arg2[%dma_start3A_1784, %dma_start3A_1793, %dma_start3A_1794] : memref<64x128x1024xf32, #tpu.memory_space<any>> -> memref<1x128x1024xf32, #tpu.memory_space<any>>
      %dma_start3A_1796 = tpu.memref_squeeze %dma_start3A_1795 : memref<1x128x1024xf32, #tpu.memory_space<any>> -> memref<128x1024xf32, #tpu.memory_space<any>>
      tpu.enqueue_dma source(%dma_start3A_1796 : memref<128x1024xf32, #tpu.memory_space<any>>) target(%dma_start3A_1792 : memref<128x1024xf32, #tpu.memory_space<vmem>>) target_semaphore(%dma_start3A_1788 : memref<!tpu.dma_semaphore, #tpu.memory_space<semaphore_mem>>)
      %dma_wait3A_1797 = arith.constant 12 : i32
      %dma_wait3A_1798 = arith.constant 0 : i32
      %dma_wait3A_1799 = arith.constant 0 : i32
      %dma_wait3A_1800 = tpu.memref_slice %arg33[%dma_wait3A_1799] : memref<2x!tpu.dma_semaphore, #tpu.memory_space<semaphore_mem>> -> memref<1x!tpu.dma_semaphore, #tpu.memory_space<semaphore_mem>>
      %dma_wait3A_1801 = tpu.memref_squeeze %dma_wait3A_1800 : memref<1x!tpu.dma_semaphore, #tpu.memory_space<semaphore_mem>> -> memref<!tpu.dma_semaphore, #tpu.memory_space<semaphore_mem>>
      %dma_wait3A_1802 = arith.constant 0 : i32
      %dma_wait3A_1803 = arith.constant 0 : i32
      %dma_wait3A_1804 = tpu.memref_slice %arg24[%dma_wait3A_1798, %dma_wait3A_1802, %dma_wait3A_1803] : memref<2x128x1024xf32, #tpu.memory_space<vmem>> -> memref<1x128x1024xf32, #tpu.memory_space<vmem>>
      %dma_wait3A_1805 = tpu.memref_squeeze %dma_wait3A_1804 : memref<1x128x1024xf32, #tpu.memory_space<vmem>> -> memref<128x1024xf32, #tpu.memory_space<vmem>>
      %dma_wait3A_1806 = arith.constant 0 : i32
      %dma_wait3A_1807 = arith.constant 0 : i32
      %dma_wait3A_1808 = tpu.memref_slice %arg2[%dma_wait3A_1797, %dma_wait3A_1806, %dma_wait3A_1807] : memref<64x128x1024xf32, #tpu.memory_space<any>> -> memref<1x128x1024xf32, #tpu.memory_space<any>>
      %dma_wait3A_1809 = tpu.memref_squeeze %dma_wait3A_1808 : memref<1x128x1024xf32, #tpu.memory_space<any>> -> memref<128x1024xf32, #tpu.memory_space<any>>
      tpu.wait_dma2 semaphore(%dma_wait3A_1801 : memref<!tpu.dma_semaphore, #tpu.memory_space<semaphore_mem>>) src(%dma_wait3A_1809 : memref<128x1024xf32, #tpu.memory_space<any>>) dst(%dma_wait3A_1805 : memref<128x1024xf32, #tpu.memory_space<vmem>>)
      %get3A_1810 = arith.constant 0 : index
      %get3A_1811 = arith.constant 0 : index
      %get3A_1812 = vector.load %arg14[%get3A_1810, %get3A_1811] : memref<128x128xf32, #tpu.memory_space<vmem>>, vector<128x128xf32>
      %get3A_1813 = arith.constant 0 : index
      %get3A_1814 = arith.constant 0 : index
      %get3A_1815 = arith.constant 0 : index
      %get3A_1816 = vector.load %arg24[%get3A_1813, %get3A_1814, %get3A_1815] : memref<2x128x1024xf32, #tpu.memory_space<vmem>>, vector<1x128x1024xf32>
      %get3A_1817 = vector.shape_cast %get3A_1816 : vector<1x128x1024xf32> to vector<128x1024xf32>
      %dot_general3A_1818 = arith.constant dense<0.000000e+00> : vector<128x1024xf32>
      %dot_general3A_1819 = tpu.matmul %get3A_1812, %get3A_1817, %dot_general3A_1818 {dimension_numbers = #tpu.dot_dimension_numbers<[1], [0], [0], [1], [0, 0, 1, 1], [], []>, transpose_lhs_hint = false} : vector<128x128xf32>, vector<128x1024xf32>, vector<128x1024xf32> -> vector<128x1024xf32>
      %get3A_1820 = arith.constant 0 : index
      %get3A_1821 = arith.constant 0 : index
      %get3A_1822 = vector.load %arg15[%get3A_1820, %get3A_1821] : memref<128x1xf32, #tpu.memory_space<vmem>>, vector<128x1xf32>
      %add3A_1823 = vector.broadcast %get3A_1822 : vector<128x1xf32> to vector<128x1024xf32>
      %add3A_1824 = arith.addf %dot_general3A_1819, %add3A_1823 : vector<128x1024xf32>
      %convert_element_type3A_1825 = arith.truncf %add3A_1824 : vector<128x1024xf32> to vector<128x1024xbf16>
      %swap3A_1826 = arith.constant 12 : index
      %swap3A_1827 = arith.constant 0 : index
      %swap3A_1828 = arith.constant 0 : index
      %swap3A_1829 = vector.load %arg23[%swap3A_1826, %swap3A_1827, %swap3A_1828] : memref<64x128x1024xbf16, #tpu.memory_space<vmem>>, vector<1x128x1024xbf16>
      %swap3A_1830 = vector.shape_cast %swap3A_1829 : vector<1x128x1024xbf16> to vector<128x1024xbf16>
      %swap3A_1831 = vector.shape_cast %convert_element_type3A_1825 : vector<128x1024xbf16> to vector<1x128x1024xbf16>
      tpu.vector_store %arg23[%swap3A_1826, %swap3A_1827, %swap3A_1828], %swap3A_1831 {strides = array<i32>} : memref<64x128x1024xbf16, #tpu.memory_space<vmem>>, vector<1x128x1024xbf16>,
      %dma_start3A_1832 = arith.constant 14 : i32
      %dma_start3A_1833 = arith.constant 0 : i32
      %dma_start3A_1834 = arith.constant 0 : i32
      %dma_start3A_1835 = tpu.memref_slice %arg33[%dma_start3A_1834] : memref<2x!tpu.dma_semaphore, #tpu.memory_space<semaphore_mem>> -> memref<1x!tpu.dma_semaphore, #tpu.memory_space<semaphore_mem>>
      %dma_start3A_1836 = tpu.memref_squeeze %dma_start3A_1835 : memref<1x!tpu.dma_semaphore, #tpu.memory_space<semaphore_mem>> -> memref<!tpu.dma_semaphore, #tpu.memory_space<semaphore_mem>>
      %dma_start3A_1837 = arith.constant 0 : i32
      %dma_start3A_1838 = arith.constant 0 : i32
      %dma_start3A_1839 = tpu.memref_slice %arg24[%dma_start3A_1833, %dma_start3A_1837, %dma_start3A_1838] : memref<2x128x1024xf32, #tpu.memory_space<vmem>> -> memref<1x128x1024xf32, #tpu.memory_space<vmem>>
      %dma_start3A_1840 = tpu.memref_squeeze %dma_start3A_1839 : memref<1x128x1024xf32, #tpu.memory_space<vmem>> -> memref<128x1024xf32, #tpu.memory_space<vmem>>
      %dma_start3A_1841 = arith.constant 0 : i32
      %dma_start3A_1842 = arith.constant 0 : i32
      %dma_start3A_1843 = tpu.memref_slice %arg2[%dma_start3A_1832, %dma_start3A_1841, %dma_start3A_1842] : memref<64x128x1024xf32, #tpu.memory_space<any>> -> memref<1x128x1024xf32, #tpu.memory_space<any>>
      %dma_start3A_1844 = tpu.memref_squeeze %dma_start3A_1843 : memref<1x128x1024xf32, #tpu.memory_space<any>> -> memref<128x1024xf32, #tpu.memory_space<any>>
      tpu.enqueue_dma source(%dma_start3A_1844 : memref<128x1024xf32, #tpu.memory_space<any>>) target(%dma_start3A_1840 : memref<128x1024xf32, #tpu.memory_space<vmem>>) target_semaphore(%dma_start3A_1836 : memref<!tpu.dma_semaphore, #tpu.memory_space<semaphore_mem>>)
      %dma_wait3A_1845 = arith.constant 13 : i32
      %dma_wait3A_1846 = arith.constant 1 : i32
      %dma_wait3A_1847 = arith.constant 1 : i32
      %dma_wait3A_1848 = tpu.memref_slice %arg33[%dma_wait3A_1847] : memref<2x!tpu.dma_semaphore, #tpu.memory_space<semaphore_mem>> -> memref<1x!tpu.dma_semaphore, #tpu.memory_space<semaphore_mem>>
      %dma_wait3A_1849 = tpu.memref_squeeze %dma_wait3A_1848 : memref<1x!tpu.dma_semaphore, #tpu.memory_space<semaphore_mem>> -> memref<!tpu.dma_semaphore, #tpu.memory_space<semaphore_mem>>
      %dma_wait3A_1850 = arith.constant 0 : i32
      %dma_wait3A_1851 = arith.constant 0 : i32
      %dma_wait3A_1852 = tpu.memref_slice %arg24[%dma_wait3A_1846, %dma_wait3A_1850, %dma_wait3A_1851] : memref<2x128x1024xf32, #tpu.memory_space<vmem>> -> memref<1x128x1024xf32, #tpu.memory_space<vmem>>
      %dma_wait3A_1853 = tpu.memref_squeeze %dma_wait3A_1852 : memref<1x128x1024xf32, #tpu.memory_space<vmem>> -> memref<128x1024xf32, #tpu.memory_space<vmem>>
      %dma_wait3A_1854 = arith.constant 0 : i32
      %dma_wait3A_1855 = arith.constant 0 : i32
      %dma_wait3A_1856 = tpu.memref_slice %arg2[%dma_wait3A_1845, %dma_wait3A_1854, %dma_wait3A_1855] : memref<64x128x1024xf32, #tpu.memory_space<any>> -> memref<1x128x1024xf32, #tpu.memory_space<any>>
      %dma_wait3A_1857 = tpu.memref_squeeze %dma_wait3A_1856 : memref<1x128x1024xf32, #tpu.memory_space<any>> -> memref<128x1024xf32, #tpu.memory_space<any>>
      tpu.wait_dma2 semaphore(%dma_wait3A_1849 : memref<!tpu.dma_semaphore, #tpu.memory_space<semaphore_mem>>) src(%dma_wait3A_1857 : memref<128x1024xf32, #tpu.memory_space<any>>) dst(%dma_wait3A_1853 : memref<128x1024xf32, #tpu.memory_space<vmem>>)
      %get3A_1858 = arith.constant 0 : index
      %get3A_1859 = arith.constant 0 : index
      %get3A_1860 = vector.load %arg14[%get3A_1858, %get3A_1859] : memref<128x128xf32, #tpu.memory_space<vmem>>, vector<128x128xf32>
      %get3A_1861 = arith.constant 1 : index
      %get3A_1862 = arith.constant 0 : index
      %get3A_1863 = arith.constant 0 : index
      %get3A_1864 = vector.load %arg24[%get3A_1861, %get3A_1862, %get3A_1863] : memref<2x128x1024xf32, #tpu.memory_space<vmem>>, vector<1x128x1024xf32>
      %get3A_1865 = vector.shape_cast %get3A_1864 : vector<1x128x1024xf32> to vector<128x1024xf32>
      %dot_general3A_1866 = arith.constant dense<0.000000e+00> : vector<128x1024xf32>
      %dot_general3A_1867 = tpu.matmul %get3A_1860, %get3A_1865, %dot_general3A_1866 {dimension_numbers = #tpu.dot_dimension_numbers<[1], [0], [0], [1], [0, 0, 1, 1], [], []>, transpose_lhs_hint = false} : vector<128x128xf32>, vector<128x1024xf32>, vector<128x1024xf32> -> vector<128x1024xf32>
      %get3A_1868 = arith.constant 0 : index
      %get3A_1869 = arith.constant 0 : index
      %get3A_1870 = vector.load %arg15[%get3A_1868, %get3A_1869] : memref<128x1xf32, #tpu.memory_space<vmem>>, vector<128x1xf32>
      %add3A_1871 = vector.broadcast %get3A_1870 : vector<128x1xf32> to vector<128x1024xf32>
      %add3A_1872 = arith.addf %dot_general3A_1867, %add3A_1871 : vector<128x1024xf32>
      %convert_element_type3A_1873 = arith.truncf %add3A_1872 : vector<128x1024xf32> to vector<128x1024xbf16>
      %swap3A_1874 = arith.constant 13 : index
      %swap3A_1875 = arith.constant 0 : index
      %swap3A_1876 = arith.constant 0 : index
      %swap3A_1877 = vector.load %arg23[%swap3A_1874, %swap3A_1875, %swap3A_1876] : memref<64x128x1024xbf16, #tpu.memory_space<vmem>>, vector<1x128x1024xbf16>
      %swap3A_1878 = vector.shape_cast %swap3A_1877 : vector<1x128x1024xbf16> to vector<128x1024xbf16>
      %swap3A_1879 = vector.shape_cast %convert_element_type3A_1873 : vector<128x1024xbf16> to vector<1x128x1024xbf16>
      tpu.vector_store %arg23[%swap3A_1874, %swap3A_1875, %swap3A_1876], %swap3A_1879 {strides = array<i32>} : memref<64x128x1024xbf16, #tpu.memory_space<vmem>>, vector<1x128x1024xbf16>,
      %dma_start3A_1880 = arith.constant 15 : i32
      %dma_start3A_1881 = arith.constant 1 : i32
      %dma_start3A_1882 = arith.constant 1 : i32
      %dma_start3A_1883 = tpu.memref_slice %arg33[%dma_start3A_1882] : memref<2x!tpu.dma_semaphore, #tpu.memory_space<semaphore_mem>> -> memref<1x!tpu.dma_semaphore, #tpu.memory_space<semaphore_mem>>
      %dma_start3A_1884 = tpu.memref_squeeze %dma_start3A_1883 : memref<1x!tpu.dma_semaphore, #tpu.memory_space<semaphore_mem>> -> memref<!tpu.dma_semaphore, #tpu.memory_space<semaphore_mem>>
      %dma_start3A_1885 = arith.constant 0 : i32
      %dma_start3A_1886 = arith.constant 0 : i32
      %dma_start3A_1887 = tpu.memref_slice %arg24[%dma_start3A_1881, %dma_start3A_1885, %dma_start3A_1886] : memref<2x128x1024xf32, #tpu.memory_space<vmem>> -> memref<1x128x1024xf32, #tpu.memory_space<vmem>>
      %dma_start3A_1888 = tpu.memref_squeeze %dma_start3A_1887 : memref<1x128x1024xf32, #tpu.memory_space<vmem>> -> memref<128x1024xf32, #tpu.memory_space<vmem>>
      %dma_start3A_1889 = arith.constant 0 : i32
      %dma_start3A_1890 = arith.constant 0 : i32
      %dma_start3A_1891 = tpu.memref_slice %arg2[%dma_start3A_1880, %dma_start3A_1889, %dma_start3A_1890] : memref<64x128x1024xf32, #tpu.memory_space<any>> -> memref<1x128x1024xf32, #tpu.memory_space<any>>
      %dma_start3A_1892 = tpu.memref_squeeze %dma_start3A_1891 : memref<1x128x1024xf32, #tpu.memory_space<any>> -> memref<128x1024xf32, #tpu.memory_space<any>>
      tpu.enqueue_dma source(%dma_start3A_1892 : memref<128x1024xf32, #tpu.memory_space<any>>) target(%dma_start3A_1888 : memref<128x1024xf32, #tpu.memory_space<vmem>>) target_semaphore(%dma_start3A_1884 : memref<!tpu.dma_semaphore, #tpu.memory_space<semaphore_mem>>)
      %dma_wait3A_1893 = arith.constant 14 : i32
      %dma_wait3A_1894 = arith.constant 0 : i32
      %dma_wait3A_1895 = arith.constant 0 : i32
      %dma_wait3A_1896 = tpu.memref_slice %arg33[%dma_wait3A_1895] : memref<2x!tpu.dma_semaphore, #tpu.memory_space<semaphore_mem>> -> memref<1x!tpu.dma_semaphore, #tpu.memory_space<semaphore_mem>>
      %dma_wait3A_1897 = tpu.memref_squeeze %dma_wait3A_1896 : memref<1x!tpu.dma_semaphore, #tpu.memory_space<semaphore_mem>> -> memref<!tpu.dma_semaphore, #tpu.memory_space<semaphore_mem>>
      %dma_wait3A_1898 = arith.constant 0 : i32
      %dma_wait3A_1899 = arith.constant 0 : i32
      %dma_wait3A_1900 = tpu.memref_slice %arg24[%dma_wait3A_1894, %dma_wait3A_1898, %dma_wait3A_1899] : memref<2x128x1024xf32, #tpu.memory_space<vmem>> -> memref<1x128x1024xf32, #tpu.memory_space<vmem>>
      %dma_wait3A_1901 = tpu.memref_squeeze %dma_wait3A_1900 : memref<1x128x1024xf32, #tpu.memory_space<vmem>> -> memref<128x1024xf32, #tpu.memory_space<vmem>>
      %dma_wait3A_1902 = arith.constant 0 : i32
      %dma_wait3A_1903 = arith.constant 0 : i32
      %dma_wait3A_1904 = tpu.memref_slice %arg2[%dma_wait3A_1893, %dma_wait3A_1902, %dma_wait3A_1903] : memref<64x128x1024xf32, #tpu.memory_space<any>> -> memref<1x128x1024xf32, #tpu.memory_space<any>>
      %dma_wait3A_1905 = tpu.memref_squeeze %dma_wait3A_1904 : memref<1x128x1024xf32, #tpu.memory_space<any>> -> memref<128x1024xf32, #tpu.memory_space<any>>
      tpu.wait_dma2 semaphore(%dma_wait3A_1897 : memref<!tpu.dma_semaphore, #tpu.memory_space<semaphore_mem>>) src(%dma_wait3A_1905 : memref<128x1024xf32, #tpu.memory_space<any>>) dst(%dma_wait3A_1901 : memref<128x1024xf32, #tpu.memory_space<vmem>>)
      %get3A_1906 = arith.constant 0 : index
      %get3A_1907 = arith.constant 0 : index
      %get3A_1908 = vector.load %arg14[%get3A_1906, %get3A_1907] : memref<128x128xf32, #tpu.memory_space<vmem>>, vector<128x128xf32>
      %get3A_1909 = arith.constant 0 : index
      %get3A_1910 = arith.constant 0 : index
      %get3A_1911 = arith.constant 0 : index
      %get3A_1912 = vector.load %arg24[%get3A_1909, %get3A_1910, %get3A_1911] : memref<2x128x1024xf32, #tpu.memory_space<vmem>>, vector<1x128x1024xf32>
      %get3A_1913 = vector.shape_cast %get3A_1912 : vector<1x128x1024xf32> to vector<128x1024xf32>
      %dot_general3A_1914 = arith.constant dense<0.000000e+00> : vector<128x1024xf32>
      %dot_general3A_1915 = tpu.matmul %get3A_1908, %get3A_1913, %dot_general3A_1914 {dimension_numbers = #tpu.dot_dimension_numbers<[1], [0], [0], [1], [0, 0, 1, 1], [], []>, transpose_lhs_hint = false} : vector<128x128xf32>, vector<128x1024xf32>, vector<128x1024xf32> -> vector<128x1024xf32>
      %get3A_1916 = arith.constant 0 : index
      %get3A_1917 = arith.constant 0 : index
      %get3A_1918 = vector.load %arg15[%get3A_1916, %get3A_1917] : memref<128x1xf32, #tpu.memory_space<vmem>>, vector<128x1xf32>
      %add3A_1919 = vector.broadcast %get3A_1918 : vector<128x1xf32> to vector<128x1024xf32>
      %add3A_1920 = arith.addf %dot_general3A_1915, %add3A_1919 : vector<128x1024xf32>
      %convert_element_type3A_1921 = arith.truncf %add3A_1920 : vector<128x1024xf32> to vector<128x1024xbf16>
      %swap3A_1922 = arith.constant 14 : index
      %swap3A_1923 = arith.constant 0 : index
      %swap3A_1924 = arith.constant 0 : index
      %swap3A_1925 = vector.load %arg23[%swap3A_1922, %swap3A_1923, %swap3A_1924] : memref<64x128x1024xbf16, #tpu.memory_space<vmem>>, vector<1x128x1024xbf16>
      %swap3A_1926 = vector.shape_cast %swap3A_1925 : vector<1x128x1024xbf16> to vector<128x1024xbf16>
      %swap3A_1927 = vector.shape_cast %convert_element_type3A_1921 : vector<128x1024xbf16> to vector<1x128x1024xbf16>
      tpu.vector_store %arg23[%swap3A_1922, %swap3A_1923, %swap3A_1924], %swap3A_1927 {strides = array<i32>} : memref<64x128x1024xbf16, #tpu.memory_space<vmem>>, vector<1x128x1024xbf16>,
      %dma_start3A_1928 = arith.constant 16 : i32
      %dma_start3A_1929 = arith.constant 0 : i32
      %dma_start3A_1930 = arith.constant 0 : i32
      %dma_start3A_1931 = tpu.memref_slice %arg33[%dma_start3A_1930] : memref<2x!tpu.dma_semaphore, #tpu.memory_space<semaphore_mem>> -> memref<1x!tpu.dma_semaphore, #tpu.memory_space<semaphore_mem>>
      %dma_start3A_1932 = tpu.memref_squeeze %dma_start3A_1931 : memref<1x!tpu.dma_semaphore, #tpu.memory_space<semaphore_mem>> -> memref<!tpu.dma_semaphore, #tpu.memory_space<semaphore_mem>>
      %dma_start3A_1933 = arith.constant 0 : i32
      %dma_start3A_1934 = arith.constant 0 : i32
      %dma_start3A_1935 = tpu.memref_slice %arg24[%dma_start3A_1929, %dma_start3A_1933, %dma_start3A_1934] : memref<2x128x1024xf32, #tpu.memory_space<vmem>> -> memref<1x128x1024xf32, #tpu.memory_space<vmem>>
      %dma_start3A_1936 = tpu.memref_squeeze %dma_start3A_1935 : memref<1x128x1024xf32, #tpu.memory_space<vmem>> -> memref<128x1024xf32, #tpu.memory_space<vmem>>
      %dma_start3A_1937 = arith.constant 0 : i32
      %dma_start3A_1938 = arith.constant 0 : i32
      %dma_start3A_1939 = tpu.memref_slice %arg2[%dma_start3A_1928, %dma_start3A_1937, %dma_start3A_1938] : memref<64x128x1024xf32, #tpu.memory_space<any>> -> memref<1x128x1024xf32, #tpu.memory_space<any>>
      %dma_start3A_1940 = tpu.memref_squeeze %dma_start3A_1939 : memref<1x128x1024xf32, #tpu.memory_space<any>> -> memref<128x1024xf32, #tpu.memory_space<any>>
      tpu.enqueue_dma source(%dma_start3A_1940 : memref<128x1024xf32, #tpu.memory_space<any>>) target(%dma_start3A_1936 : memref<128x1024xf32, #tpu.memory_space<vmem>>) target_semaphore(%dma_start3A_1932 : memref<!tpu.dma_semaphore, #tpu.memory_space<semaphore_mem>>)
      %dma_wait3A_1941 = arith.constant 15 : i32
      %dma_wait3A_1942 = arith.constant 1 : i32
      %dma_wait3A_1943 = arith.constant 1 : i32
      %dma_wait3A_1944 = tpu.memref_slice %arg33[%dma_wait3A_1943] : memref<2x!tpu.dma_semaphore, #tpu.memory_space<semaphore_mem>> -> memref<1x!tpu.dma_semaphore, #tpu.memory_space<semaphore_mem>>
      %dma_wait3A_1945 = tpu.memref_squeeze %dma_wait3A_1944 : memref<1x!tpu.dma_semaphore, #tpu.memory_space<semaphore_mem>> -> memref<!tpu.dma_semaphore, #tpu.memory_space<semaphore_mem>>
      %dma_wait3A_1946 = arith.constant 0 : i32
      %dma_wait3A_1947 = arith.constant 0 : i32
      %dma_wait3A_1948 = tpu.memref_slice %arg24[%dma_wait3A_1942, %dma_wait3A_1946, %dma_wait3A_1947] : memref<2x128x1024xf32, #tpu.memory_space<vmem>> -> memref<1x128x1024xf32, #tpu.memory_space<vmem>>
      %dma_wait3A_1949 = tpu.memref_squeeze %dma_wait3A_1948 : memref<1x128x1024xf32, #tpu.memory_space<vmem>> -> memref<128x1024xf32, #tpu.memory_space<vmem>>
      %dma_wait3A_1950 = arith.constant 0 : i32
      %dma_wait3A_1951 = arith.constant 0 : i32
      %dma_wait3A_1952 = tpu.memref_slice %arg2[%dma_wait3A_1941, %dma_wait3A_1950, %dma_wait3A_1951] : memref<64x128x1024xf32, #tpu.memory_space<any>> -> memref<1x128x1024xf32, #tpu.memory_space<any>>
      %dma_wait3A_1953 = tpu.memref_squeeze %dma_wait3A_1952 : memref<1x128x1024xf32, #tpu.memory_space<any>> -> memref<128x1024xf32, #tpu.memory_space<any>>
      tpu.wait_dma2 semaphore(%dma_wait3A_1945 : memref<!tpu.dma_semaphore, #tpu.memory_space<semaphore_mem>>) src(%dma_wait3A_1953 : memref<128x1024xf32, #tpu.memory_space<any>>) dst(%dma_wait3A_1949 : memref<128x1024xf32, #tpu.memory_space<vmem>>)
      %get3A_1954 = arith.constant 0 : index
      %get3A_1955 = arith.constant 0 : index
      %get3A_1956 = vector.load %arg14[%get3A_1954, %get3A_1955] : memref<128x128xf32, #tpu.memory_space<vmem>>, vector<128x128xf32>
      %get3A_1957 = arith.constant 1 : index
      %get3A_1958 = arith.constant 0 : index
      %get3A_1959 = arith.constant 0 : index
      %get3A_1960 = vector.load %arg24[%get3A_1957, %get3A_1958, %get3A_1959] : memref<2x128x1024xf32, #tpu.memory_space<vmem>>, vector<1x128x1024xf32>
      %get3A_1961 = vector.shape_cast %get3A_1960 : vector<1x128x1024xf32> to vector<128x1024xf32>
      %dot_general3A_1962 = arith.constant dense<0.000000e+00> : vector<128x1024xf32>
      %dot_general3A_1963 = tpu.matmul %get3A_1956, %get3A_1961, %dot_general3A_1962 {dimension_numbers = #tpu.dot_dimension_numbers<[1], [0], [0], [1], [0, 0, 1, 1], [], []>, transpose_lhs_hint = false} : vector<128x128xf32>, vector<128x1024xf32>, vector<128x1024xf32> -> vector<128x1024xf32>
      %get3A_1964 = arith.constant 0 : index
      %get3A_1965 = arith.constant 0 : index
      %get3A_1966 = vector.load %arg15[%get3A_1964, %get3A_1965] : memref<128x1xf32, #tpu.memory_space<vmem>>, vector<128x1xf32>
      %add3A_1967 = vector.broadcast %get3A_1966 : vector<128x1xf32> to vector<128x1024xf32>
      %add3A_1968 = arith.addf %dot_general3A_1963, %add3A_1967 : vector<128x1024xf32>
      %convert_element_type3A_1969 = arith.truncf %add3A_1968 : vector<128x1024xf32> to vector<128x1024xbf16>
      %swap3A_1970 = arith.constant 15 : index
      %swap3A_1971 = arith.constant 0 : index
      %swap3A_1972 = arith.constant 0 : index
      %swap3A_1973 = vector.load %arg23[%swap3A_1970, %swap3A_1971, %swap3A_1972] : memref<64x128x1024xbf16, #tpu.memory_space<vmem>>, vector<1x128x1024xbf16>
      %swap3A_1974 = vector.shape_cast %swap3A_1973 : vector<1x128x1024xbf16> to vector<128x1024xbf16>
      %swap3A_1975 = vector.shape_cast %convert_element_type3A_1969 : vector<128x1024xbf16> to vector<1x128x1024xbf16>
      tpu.vector_store %arg23[%swap3A_1970, %swap3A_1971, %swap3A_1972], %swap3A_1975 {strides = array<i32>} : memref<64x128x1024xbf16, #tpu.memory_space<vmem>>, vector<1x128x1024xbf16>,
      %dma_start3A_1976 = arith.constant 17 : i32
      %dma_start3A_1977 = arith.constant 1 : i32
      %dma_start3A_1978 = arith.constant 1 : i32
      %dma_start3A_1979 = tpu.memref_slice %arg33[%dma_start3A_1978] : memref<2x!tpu.dma_semaphore, #tpu.memory_space<semaphore_mem>> -> memref<1x!tpu.dma_semaphore, #tpu.memory_space<semaphore_mem>>
      %dma_start3A_1980 = tpu.memref_squeeze %dma_start3A_1979 : memref<1x!tpu.dma_semaphore, #tpu.memory_space<semaphore_mem>> -> memref<!tpu.dma_semaphore, #tpu.memory_space<semaphore_mem>>
      %dma_start3A_1981 = arith.constant 0 : i32
      %dma_start3A_1982 = arith.constant 0 : i32
      %dma_start3A_1983 = tpu.memref_slice %arg24[%dma_start3A_1977, %dma_start3A_1981, %dma_start3A_1982] : memref<2x128x1024xf32, #tpu.memory_space<vmem>> -> memref<1x128x1024xf32, #tpu.memory_space<vmem>>
      %dma_start3A_1984 = tpu.memref_squeeze %dma_start3A_1983 : memref<1x128x1024xf32, #tpu.memory_space<vmem>> -> memref<128x1024xf32, #tpu.memory_space<vmem>>
      %dma_start3A_1985 = arith.constant 0 : i32
      %dma_start3A_1986 = arith.constant 0 : i32
      %dma_start3A_1987 = tpu.memref_slice %arg2[%dma_start3A_1976, %dma_start3A_1985, %dma_start3A_1986] : memref<64x128x1024xf32, #tpu.memory_space<any>> -> memref<1x128x1024xf32, #tpu.memory_space<any>>
      %dma_start3A_1988 = tpu.memref_squeeze %dma_start3A_1987 : memref<1x128x1024xf32, #tpu.memory_space<any>> -> memref<128x1024xf32, #tpu.memory_space<any>>
      tpu.enqueue_dma source(%dma_start3A_1988 : memref<128x1024xf32, #tpu.memory_space<any>>) target(%dma_start3A_1984 : memref<128x1024xf32, #tpu.memory_space<vmem>>) target_semaphore(%dma_start3A_1980 : memref<!tpu.dma_semaphore, #tpu.memory_space<semaphore_mem>>)
      %dma_wait3A_1989 = arith.constant 16 : i32
      %dma_wait3A_1990 = arith.constant 0 : i32
      %dma_wait3A_1991 = arith.constant 0 : i32
      %dma_wait3A_1992 = tpu.memref_slice %arg33[%dma_wait3A_1991] : memref<2x!tpu.dma_semaphore, #tpu.memory_space<semaphore_mem>> -> memref<1x!tpu.dma_semaphore, #tpu.memory_space<semaphore_mem>>
      %dma_wait3A_1993 = tpu.memref_squeeze %dma_wait3A_1992 : memref<1x!tpu.dma_semaphore, #tpu.memory_space<semaphore_mem>> -> memref<!tpu.dma_semaphore, #tpu.memory_space<semaphore_mem>>
      %dma_wait3A_1994 = arith.constant 0 : i32
      %dma_wait3A_1995 = arith.constant 0 : i32
      %dma_wait3A_1996 = tpu.memref_slice %arg24[%dma_wait3A_1990, %dma_wait3A_1994, %dma_wait3A_1995] : memref<2x128x1024xf32, #tpu.memory_space<vmem>> -> memref<1x128x1024xf32, #tpu.memory_space<vmem>>
      %dma_wait3A_1997 = tpu.memref_squeeze %dma_wait3A_1996 : memref<1x128x1024xf32, #tpu.memory_space<vmem>> -> memref<128x1024xf32, #tpu.memory_space<vmem>>
      %dma_wait3A_1998 = arith.constant 0 : i32
      %dma_wait3A_1999 = arith.constant 0 : i32
      %dma_wait3A_2000 = tpu.memref_slice %arg2[%dma_wait3A_1989, %dma_wait3A_1998, %dma_wait3A_1999] : memref<64x128x1024xf32, #tpu.memory_space<any>> -> memref<1x128x1024xf32, #tpu.memory_space<any>>
      %dma_wait3A_2001 = tpu.memref_squeeze %dma_wait3A_2000 : memref<1x128x1024xf32, #tpu.memory_space<any>> -> memref<128x1024xf32, #tpu.memory_space<any>>
      tpu.wait_dma2 semaphore(%dma_wait3A_1993 : memref<!tpu.dma_semaphore, #tpu.memory_space<semaphore_mem>>) src(%dma_wait3A_2001 : memref<128x1024xf32, #tpu.memory_space<any>>) dst(%dma_wait3A_1997 : memref<128x1024xf32, #tpu.memory_space<vmem>>)
      %get3A_2002 = arith.constant 0 : index
      %get3A_2003 = arith.constant 0 : index
      %get3A_2004 = vector.load %arg14[%get3A_2002, %get3A_2003] : memref<128x128xf32, #tpu.memory_space<vmem>>, vector<128x128xf32>
      %get3A_2005 = arith.constant 0 : index
      %get3A_2006 = arith.constant 0 : index
      %get3A_2007 = arith.constant 0 : index
      %get3A_2008 = vector.load %arg24[%get3A_2005, %get3A_2006, %get3A_2007] : memref<2x128x1024xf32, #tpu.memory_space<vmem>>, vector<1x128x1024xf32>
      %get3A_2009 = vector.shape_cast %get3A_2008 : vector<1x128x1024xf32> to vector<128x1024xf32>
      %dot_general3A_2010 = arith.constant dense<0.000000e+00> : vector<128x1024xf32>
      %dot_general3A_2011 = tpu.matmul %get3A_2004, %get3A_2009, %dot_general3A_2010 {dimension_numbers = #tpu.dot_dimension_numbers<[1], [0], [0], [1], [0, 0, 1, 1], [], []>, transpose_lhs_hint = false} : vector<128x128xf32>, vector<128x1024xf32>, vector<128x1024xf32> -> vector<128x1024xf32>
      %get3A_2012 = arith.constant 0 : index
      %get3A_2013 = arith.constant 0 : index
      %get3A_2014 = vector.load %arg15[%get3A_2012, %get3A_2013] : memref<128x1xf32, #tpu.memory_space<vmem>>, vector<128x1xf32>
      %add3A_2015 = vector.broadcast %get3A_2014 : vector<128x1xf32> to vector<128x1024xf32>
      %add3A_2016 = arith.addf %dot_general3A_2011, %add3A_2015 : vector<128x1024xf32>
      %convert_element_type3A_2017 = arith.truncf %add3A_2016 : vector<128x1024xf32> to vector<128x1024xbf16>
      %swap3A_2018 = arith.constant 16 : index
      %swap3A_2019 = arith.constant 0 : index
      %swap3A_2020 = arith.constant 0 : index
      %swap3A_2021 = vector.load %arg23[%swap3A_2018, %swap3A_2019, %swap3A_2020] : memref<64x128x1024xbf16, #tpu.memory_space<vmem>>, vector<1x128x1024xbf16>
      %swap3A_2022 = vector.shape_cast %swap3A_2021 : vector<1x128x1024xbf16> to vector<128x1024xbf16>
      %swap3A_2023 = vector.shape_cast %convert_element_type3A_2017 : vector<128x1024xbf16> to vector<1x128x1024xbf16>
      tpu.vector_store %arg23[%swap3A_2018, %swap3A_2019, %swap3A_2020], %swap3A_2023 {strides = array<i32>} : memref<64x128x1024xbf16, #tpu.memory_space<vmem>>, vector<1x128x1024xbf16>,
      %dma_start3A_2024 = arith.constant 18 : i32
      %dma_start3A_2025 = arith.constant 0 : i32
      %dma_start3A_2026 = arith.constant 0 : i32
      %dma_start3A_2027 = tpu.memref_slice %arg33[%dma_start3A_2026] : memref<2x!tpu.dma_semaphore, #tpu.memory_space<semaphore_mem>> -> memref<1x!tpu.dma_semaphore, #tpu.memory_space<semaphore_mem>>
      %dma_start3A_2028 = tpu.memref_squeeze %dma_start3A_2027 : memref<1x!tpu.dma_semaphore, #tpu.memory_space<semaphore_mem>> -> memref<!tpu.dma_semaphore, #tpu.memory_space<semaphore_mem>>
      %dma_start3A_2029 = arith.constant 0 : i32
      %dma_start3A_2030 = arith.constant 0 : i32
      %dma_start3A_2031 = tpu.memref_slice %arg24[%dma_start3A_2025, %dma_start3A_2029, %dma_start3A_2030] : memref<2x128x1024xf32, #tpu.memory_space<vmem>> -> memref<1x128x1024xf32, #tpu.memory_space<vmem>>
      %dma_start3A_2032 = tpu.memref_squeeze %dma_start3A_2031 : memref<1x128x1024xf32, #tpu.memory_space<vmem>> -> memref<128x1024xf32, #tpu.memory_space<vmem>>
      %dma_start3A_2033 = arith.constant 0 : i32
      %dma_start3A_2034 = arith.constant 0 : i32
      %dma_start3A_2035 = tpu.memref_slice %arg2[%dma_start3A_2024, %dma_start3A_2033, %dma_start3A_2034] : memref<64x128x1024xf32, #tpu.memory_space<any>> -> memref<1x128x1024xf32, #tpu.memory_space<any>>
      %dma_start3A_2036 = tpu.memref_squeeze %dma_start3A_2035 : memref<1x128x1024xf32, #tpu.memory_space<any>> -> memref<128x1024xf32, #tpu.memory_space<any>>
      tpu.enqueue_dma source(%dma_start3A_2036 : memref<128x1024xf32, #tpu.memory_space<any>>) target(%dma_start3A_2032 : memref<128x1024xf32, #tpu.memory_space<vmem>>) target_semaphore(%dma_start3A_2028 : memref<!tpu.dma_semaphore, #tpu.memory_space<semaphore_mem>>)
      %dma_wait3A_2037 = arith.constant 17 : i32
      %dma_wait3A_2038 = arith.constant 1 : i32
      %dma_wait3A_2039 = arith.constant 1 : i32
      %dma_wait3A_2040 = tpu.memref_slice %arg33[%dma_wait3A_2039] : memref<2x!tpu.dma_semaphore, #tpu.memory_space<semaphore_mem>> -> memref<1x!tpu.dma_semaphore, #tpu.memory_space<semaphore_mem>>
      %dma_wait3A_2041 = tpu.memref_squeeze %dma_wait3A_2040 : memref<1x!tpu.dma_semaphore, #tpu.memory_space<semaphore_mem>> -> memref<!tpu.dma_semaphore, #tpu.memory_space<semaphore_mem>>
      %dma_wait3A_2042 = arith.constant 0 : i32
      %dma_wait3A_2043 = arith.constant 0 : i32
      %dma_wait3A_2044 = tpu.memref_slice %arg24[%dma_wait3A_2038, %dma_wait3A_2042, %dma_wait3A_2043] : memref<2x128x1024xf32, #tpu.memory_space<vmem>> -> memref<1x128x1024xf32, #tpu.memory_space<vmem>>
      %dma_wait3A_2045 = tpu.memref_squeeze %dma_wait3A_2044 : memref<1x128x1024xf32, #tpu.memory_space<vmem>> -> memref<128x1024xf32, #tpu.memory_space<vmem>>
      %dma_wait3A_2046 = arith.constant 0 : i32
      %dma_wait3A_2047 = arith.constant 0 : i32
      %dma_wait3A_2048 = tpu.memref_slice %arg2[%dma_wait3A_2037, %dma_wait3A_2046, %dma_wait3A_2047] : memref<64x128x1024xf32, #tpu.memory_space<any>> -> memref<1x128x1024xf32, #tpu.memory_space<any>>
      %dma_wait3A_2049 = tpu.memref_squeeze %dma_wait3A_2048 : memref<1x128x1024xf32, #tpu.memory_space<any>> -> memref<128x1024xf32, #tpu.memory_space<any>>
      tpu.wait_dma2 semaphore(%dma_wait3A_2041 : memref<!tpu.dma_semaphore, #tpu.memory_space<semaphore_mem>>) src(%dma_wait3A_2049 : memref<128x1024xf32, #tpu.memory_space<any>>) dst(%dma_wait3A_2045 : memref<128x1024xf32, #tpu.memory_space<vmem>>)
      %get3A_2050 = arith.constant 0 : index
      %get3A_2051 = arith.constant 0 : index
      %get3A_2052 = vector.load %arg14[%get3A_2050, %get3A_2051] : memref<128x128xf32, #tpu.memory_space<vmem>>, vector<128x128xf32>
      %get3A_2053 = arith.constant 1 : index
      %get3A_2054 = arith.constant 0 : index
      %get3A_2055 = arith.constant 0 : index
      %get3A_2056 = vector.load %arg24[%get3A_2053, %get3A_2054, %get3A_2055] : memref<2x128x1024xf32, #tpu.memory_space<vmem>>, vector<1x128x1024xf32>
      %get3A_2057 = vector.shape_cast %get3A_2056 : vector<1x128x1024xf32> to vector<128x1024xf32>
      %dot_general3A_2058 = arith.constant dense<0.000000e+00> : vector<128x1024xf32>
      %dot_general3A_2059 = tpu.matmul %get3A_2052, %get3A_2057, %dot_general3A_2058 {dimension_numbers = #tpu.dot_dimension_numbers<[1], [0], [0], [1], [0, 0, 1, 1], [], []>, transpose_lhs_hint = false} : vector<128x128xf32>, vector<128x1024xf32>, vector<128x1024xf32> -> vector<128x1024xf32>
      %get3A_2060 = arith.constant 0 : index
      %get3A_2061 = arith.constant 0 : index
      %get3A_2062 = vector.load %arg15[%get3A_2060, %get3A_2061] : memref<128x1xf32, #tpu.memory_space<vmem>>, vector<128x1xf32>
      %add3A_2063 = vector.broadcast %get3A_2062 : vector<128x1xf32> to vector<128x1024xf32>
      %add3A_2064 = arith.addf %dot_general3A_2059, %add3A_2063 : vector<128x1024xf32>
      %convert_element_type3A_2065 = arith.truncf %add3A_2064 : vector<128x1024xf32> to vector<128x1024xbf16>
      %swap3A_2066 = arith.constant 17 : index
      %swap3A_2067 = arith.constant 0 : index
      %swap3A_2068 = arith.constant 0 : index
      %swap3A_2069 = vector.load %arg23[%swap3A_2066, %swap3A_2067, %swap3A_2068] : memref<64x128x1024xbf16, #tpu.memory_space<vmem>>, vector<1x128x1024xbf16>
      %swap3A_2070 = vector.shape_cast %swap3A_2069 : vector<1x128x1024xbf16> to vector<128x1024xbf16>
      %swap3A_2071 = vector.shape_cast %convert_element_type3A_2065 : vector<128x1024xbf16> to vector<1x128x1024xbf16>
      tpu.vector_store %arg23[%swap3A_2066, %swap3A_2067, %swap3A_2068], %swap3A_2071 {strides = array<i32>} : memref<64x128x1024xbf16, #tpu.memory_space<vmem>>, vector<1x128x1024xbf16>,
      %dma_start3A_2072 = arith.constant 19 : i32
      %dma_start3A_2073 = arith.constant 1 : i32
      %dma_start3A_2074 = arith.constant 1 : i32
      %dma_start3A_2075 = tpu.memref_slice %arg33[%dma_start3A_2074] : memref<2x!tpu.dma_semaphore, #tpu.memory_space<semaphore_mem>> -> memref<1x!tpu.dma_semaphore, #tpu.memory_space<semaphore_mem>>
      %dma_start3A_2076 = tpu.memref_squeeze %dma_start3A_2075 : memref<1x!tpu.dma_semaphore, #tpu.memory_space<semaphore_mem>> -> memref<!tpu.dma_semaphore, #tpu.memory_space<semaphore_mem>>
      %dma_start3A_2077 = arith.constant 0 : i32
      %dma_start3A_2078 = arith.constant 0 : i32
      %dma_start3A_2079 = tpu.memref_slice %arg24[%dma_start3A_2073, %dma_start3A_2077, %dma_start3A_2078] : memref<2x128x1024xf32, #tpu.memory_space<vmem>> -> memref<1x128x1024xf32, #tpu.memory_space<vmem>>
      %dma_start3A_2080 = tpu.memref_squeeze %dma_start3A_2079 : memref<1x128x1024xf32, #tpu.memory_space<vmem>> -> memref<128x1024xf32, #tpu.memory_space<vmem>>
      %dma_start3A_2081 = arith.constant 0 : i32
      %dma_start3A_2082 = arith.constant 0 : i32
      %dma_start3A_2083 = tpu.memref_slice %arg2[%dma_start3A_2072, %dma_start3A_2081, %dma_start3A_2082] : memref<64x128x1024xf32, #tpu.memory_space<any>> -> memref<1x128x1024xf32, #tpu.memory_space<any>>
      %dma_start3A_2084 = tpu.memref_squeeze %dma_start3A_2083 : memref<1x128x1024xf32, #tpu.memory_space<any>> -> memref<128x1024xf32, #tpu.memory_space<any>>
      tpu.enqueue_dma source(%dma_start3A_2084 : memref<128x1024xf32, #tpu.memory_space<any>>) target(%dma_start3A_2080 : memref<128x1024xf32, #tpu.memory_space<vmem>>) target_semaphore(%dma_start3A_2076 : memref<!tpu.dma_semaphore, #tpu.memory_space<semaphore_mem>>)
      %dma_wait3A_2085 = arith.constant 18 : i32
      %dma_wait3A_2086 = arith.constant 0 : i32
      %dma_wait3A_2087 = arith.constant 0 : i32
      %dma_wait3A_2088 = tpu.memref_slice %arg33[%dma_wait3A_2087] : memref<2x!tpu.dma_semaphore, #tpu.memory_space<semaphore_mem>> -> memref<1x!tpu.dma_semaphore, #tpu.memory_space<semaphore_mem>>
      %dma_wait3A_2089 = tpu.memref_squeeze %dma_wait3A_2088 : memref<1x!tpu.dma_semaphore, #tpu.memory_space<semaphore_mem>> -> memref<!tpu.dma_semaphore, #tpu.memory_space<semaphore_mem>>
      %dma_wait3A_2090 = arith.constant 0 : i32
      %dma_wait3A_2091 = arith.constant 0 : i32
      %dma_wait3A_2092 = tpu.memref_slice %arg24[%dma_wait3A_2086, %dma_wait3A_2090, %dma_wait3A_2091] : memref<2x128x1024xf32, #tpu.memory_space<vmem>> -> memref<1x128x1024xf32, #tpu.memory_space<vmem>>
      %dma_wait3A_2093 = tpu.memref_squeeze %dma_wait3A_2092 : memref<1x128x1024xf32, #tpu.memory_space<vmem>> -> memref<128x1024xf32, #tpu.memory_space<vmem>>
      %dma_wait3A_2094 = arith.constant 0 : i32
      %dma_wait3A_2095 = arith.constant 0 : i32
      %dma_wait3A_2096 = tpu.memref_slice %arg2[%dma_wait3A_2085, %dma_wait3A_2094, %dma_wait3A_2095] : memref<64x128x1024xf32, #tpu.memory_space<any>> -> memref<1x128x1024xf32, #tpu.memory_space<any>>
      %dma_wait3A_2097 = tpu.memref_squeeze %dma_wait3A_2096 : memref<1x128x1024xf32, #tpu.memory_space<any>> -> memref<128x1024xf32, #tpu.memory_space<any>>
      tpu.wait_dma2 semaphore(%dma_wait3A_2089 : memref<!tpu.dma_semaphore, #tpu.memory_space<semaphore_mem>>) src(%dma_wait3A_2097 : memref<128x1024xf32, #tpu.memory_space<any>>) dst(%dma_wait3A_2093 : memref<128x1024xf32, #tpu.memory_space<vmem>>)
      %get3A_2098 = arith.constant 0 : index
      %get3A_2099 = arith.constant 0 : index
      %get3A_2100 = vector.load %arg14[%get3A_2098, %get3A_2099] : memref<128x128xf32, #tpu.memory_space<vmem>>, vector<128x128xf32>
      %get3A_2101 = arith.constant 0 : index
      %get3A_2102 = arith.constant 0 : index
      %get3A_2103 = arith.constant 0 : index
      %get3A_2104 = vector.load %arg24[%get3A_2101, %get3A_2102, %get3A_2103] : memref<2x128x1024xf32, #tpu.memory_space<vmem>>, vector<1x128x1024xf32>
      %get3A_2105 = vector.shape_cast %get3A_2104 : vector<1x128x1024xf32> to vector<128x1024xf32>
      %dot_general3A_2106 = arith.constant dense<0.000000e+00> : vector<128x1024xf32>
      %dot_general3A_2107 = tpu.matmul %get3A_2100, %get3A_2105, %dot_general3A_2106 {dimension_numbers = #tpu.dot_dimension_numbers<[1], [0], [0], [1], [0, 0, 1, 1], [], []>, transpose_lhs_hint = false} : vector<128x128xf32>, vector<128x1024xf32>, vector<128x1024xf32> -> vector<128x1024xf32>
      %get3A_2108 = arith.constant 0 : index
      %get3A_2109 = arith.constant 0 : index
      %get3A_2110 = vector.load %arg15[%get3A_2108, %get3A_2109] : memref<128x1xf32, #tpu.memory_space<vmem>>, vector<128x1xf32>
      %add3A_2111 = vector.broadcast %get3A_2110 : vector<128x1xf32> to vector<128x1024xf32>
      %add3A_2112 = arith.addf %dot_general3A_2107, %add3A_2111 : vector<128x1024xf32>
      %convert_element_type3A_2113 = arith.truncf %add3A_2112 : vector<128x1024xf32> to vector<128x1024xbf16>
      %swap3A_2114 = arith.constant 18 : index
      %swap3A_2115 = arith.constant 0 : index
      %swap3A_2116 = arith.constant 0 : index
      %swap3A_2117 = vector.load %arg23[%swap3A_2114, %swap3A_2115, %swap3A_2116] : memref<64x128x1024xbf16, #tpu.memory_space<vmem>>, vector<1x128x1024xbf16>
      %swap3A_2118 = vector.shape_cast %swap3A_2117 : vector<1x128x1024xbf16> to vector<128x1024xbf16>
      %swap3A_2119 = vector.shape_cast %convert_element_type3A_2113 : vector<128x1024xbf16> to vector<1x128x1024xbf16>
      tpu.vector_store %arg23[%swap3A_2114, %swap3A_2115, %swap3A_2116], %swap3A_2119 {strides = array<i32>} : memref<64x128x1024xbf16, #tpu.memory_space<vmem>>, vector<1x128x1024xbf16>,
      %dma_start3A_2120 = arith.constant 20 : i32
      %dma_start3A_2121 = arith.constant 0 : i32
      %dma_start3A_2122 = arith.constant 0 : i32
      %dma_start3A_2123 = tpu.memref_slice %arg33[%dma_start3A_2122] : memref<2x!tpu.dma_semaphore, #tpu.memory_space<semaphore_mem>> -> memref<1x!tpu.dma_semaphore, #tpu.memory_space<semaphore_mem>>
      %dma_start3A_2124 = tpu.memref_squeeze %dma_start3A_2123 : memref<1x!tpu.dma_semaphore, #tpu.memory_space<semaphore_mem>> -> memref<!tpu.dma_semaphore, #tpu.memory_space<semaphore_mem>>
      %dma_start3A_2125 = arith.constant 0 : i32
      %dma_start3A_2126 = arith.constant 0 : i32
      %dma_start3A_2127 = tpu.memref_slice %arg24[%dma_start3A_2121, %dma_start3A_2125, %dma_start3A_2126] : memref<2x128x1024xf32, #tpu.memory_space<vmem>> -> memref<1x128x1024xf32, #tpu.memory_space<vmem>>
      %dma_start3A_2128 = tpu.memref_squeeze %dma_start3A_2127 : memref<1x128x1024xf32, #tpu.memory_space<vmem>> -> memref<128x1024xf32, #tpu.memory_space<vmem>>
      %dma_start3A_2129 = arith.constant 0 : i32
      %dma_start3A_2130 = arith.constant 0 : i32
      %dma_start3A_2131 = tpu.memref_slice %arg2[%dma_start3A_2120, %dma_start3A_2129, %dma_start3A_2130] : memref<64x128x1024xf32, #tpu.memory_space<any>> -> memref<1x128x1024xf32, #tpu.memory_space<any>>
      %dma_start3A_2132 = tpu.memref_squeeze %dma_start3A_2131 : memref<1x128x1024xf32, #tpu.memory_space<any>> -> memref<128x1024xf32, #tpu.memory_space<any>>
      tpu.enqueue_dma source(%dma_start3A_2132 : memref<128x1024xf32, #tpu.memory_space<any>>) target(%dma_start3A_2128 : memref<128x1024xf32, #tpu.memory_space<vmem>>) target_semaphore(%dma_start3A_2124 : memref<!tpu.dma_semaphore, #tpu.memory_space<semaphore_mem>>)
      %dma_wait3A_2133 = arith.constant 19 : i32
      %dma_wait3A_2134 = arith.constant 1 : i32
      %dma_wait3A_2135 = arith.constant 1 : i32
      %dma_wait3A_2136 = tpu.memref_slice %arg33[%dma_wait3A_2135] : memref<2x!tpu.dma_semaphore, #tpu.memory_space<semaphore_mem>> -> memref<1x!tpu.dma_semaphore, #tpu.memory_space<semaphore_mem>>
      %dma_wait3A_2137 = tpu.memref_squeeze %dma_wait3A_2136 : memref<1x!tpu.dma_semaphore, #tpu.memory_space<semaphore_mem>> -> memref<!tpu.dma_semaphore, #tpu.memory_space<semaphore_mem>>
      %dma_wait3A_2138 = arith.constant 0 : i32
      %dma_wait3A_2139 = arith.constant 0 : i32
      %dma_wait3A_2140 = tpu.memref_slice %arg24[%dma_wait3A_2134, %dma_wait3A_2138, %dma_wait3A_2139] : memref<2x128x1024xf32, #tpu.memory_space<vmem>> -> memref<1x128x1024xf32, #tpu.memory_space<vmem>>
      %dma_wait3A_2141 = tpu.memref_squeeze %dma_wait3A_2140 : memref<1x128x1024xf32, #tpu.memory_space<vmem>> -> memref<128x1024xf32, #tpu.memory_space<vmem>>
      %dma_wait3A_2142 = arith.constant 0 : i32
      %dma_wait3A_2143 = arith.constant 0 : i32
      %dma_wait3A_2144 = tpu.memref_slice %arg2[%dma_wait3A_2133, %dma_wait3A_2142, %dma_wait3A_2143] : memref<64x128x1024xf32, #tpu.memory_space<any>> -> memref<1x128x1024xf32, #tpu.memory_space<any>>
      %dma_wait3A_2145 = tpu.memref_squeeze %dma_wait3A_2144 : memref<1x128x1024xf32, #tpu.memory_space<any>> -> memref<128x1024xf32, #tpu.memory_space<any>>
      tpu.wait_dma2 semaphore(%dma_wait3A_2137 : memref<!tpu.dma_semaphore, #tpu.memory_space<semaphore_mem>>) src(%dma_wait3A_2145 : memref<128x1024xf32, #tpu.memory_space<any>>) dst(%dma_wait3A_2141 : memref<128x1024xf32, #tpu.memory_space<vmem>>)
      %get3A_2146 = arith.constant 0 : index
      %get3A_2147 = arith.constant 0 : index
      %get3A_2148 = vector.load %arg14[%get3A_2146, %get3A_2147] : memref<128x128xf32, #tpu.memory_space<vmem>>, vector<128x128xf32>
      %get3A_2149 = arith.constant 1 : index
      %get3A_2150 = arith.constant 0 : index
      %get3A_2151 = arith.constant 0 : index
      %get3A_2152 = vector.load %arg24[%get3A_2149, %get3A_2150, %get3A_2151] : memref<2x128x1024xf32, #tpu.memory_space<vmem>>, vector<1x128x1024xf32>
      %get3A_2153 = vector.shape_cast %get3A_2152 : vector<1x128x1024xf32> to vector<128x1024xf32>
      %dot_general3A_2154 = arith.constant dense<0.000000e+00> : vector<128x1024xf32>
      %dot_general3A_2155 = tpu.matmul %get3A_2148, %get3A_2153, %dot_general3A_2154 {dimension_numbers = #tpu.dot_dimension_numbers<[1], [0], [0], [1], [0, 0, 1, 1], [], []>, transpose_lhs_hint = false} : vector<128x128xf32>, vector<128x1024xf32>, vector<128x1024xf32> -> vector<128x1024xf32>
      %get3A_2156 = arith.constant 0 : index
      %get3A_2157 = arith.constant 0 : index
      %get3A_2158 = vector.load %arg15[%get3A_2156, %get3A_2157] : memref<128x1xf32, #tpu.memory_space<vmem>>, vector<128x1xf32>
      %add3A_2159 = vector.broadcast %get3A_2158 : vector<128x1xf32> to vector<128x1024xf32>
      %add3A_2160 = arith.addf %dot_general3A_2155, %add3A_2159 : vector<128x1024xf32>
      %convert_element_type3A_2161 = arith.truncf %add3A_2160 : vector<128x1024xf32> to vector<128x1024xbf16>
      %swap3A_2162 = arith.constant 19 : index
      %swap3A_2163 = arith.constant 0 : index
      %swap3A_2164 = arith.constant 0 : index
      %swap3A_2165 = vector.load %arg23[%swap3A_2162, %swap3A_2163, %swap3A_2164] : memref<64x128x1024xbf16, #tpu.memory_space<vmem>>, vector<1x128x1024xbf16>
      %swap3A_2166 = vector.shape_cast %swap3A_2165 : vector<1x128x1024xbf16> to vector<128x1024xbf16>
      %swap3A_2167 = vector.shape_cast %convert_element_type3A_2161 : vector<128x1024xbf16> to vector<1x128x1024xbf16>
      tpu.vector_store %arg23[%swap3A_2162, %swap3A_2163, %swap3A_2164], %swap3A_2167 {strides = array<i32>} : memref<64x128x1024xbf16, #tpu.memory_space<vmem>>, vector<1x128x1024xbf16>,
      %dma_start3A_2168 = arith.constant 21 : i32
      %dma_start3A_2169 = arith.constant 1 : i32
      %dma_start3A_2170 = arith.constant 1 : i32
      %dma_start3A_2171 = tpu.memref_slice %arg33[%dma_start3A_2170] : memref<2x!tpu.dma_semaphore, #tpu.memory_space<semaphore_mem>> -> memref<1x!tpu.dma_semaphore, #tpu.memory_space<semaphore_mem>>
      %dma_start3A_2172 = tpu.memref_squeeze %dma_start3A_2171 : memref<1x!tpu.dma_semaphore, #tpu.memory_space<semaphore_mem>> -> memref<!tpu.dma_semaphore, #tpu.memory_space<semaphore_mem>>
      %dma_start3A_2173 = arith.constant 0 : i32
      %dma_start3A_2174 = arith.constant 0 : i32
      %dma_start3A_2175 = tpu.memref_slice %arg24[%dma_start3A_2169, %dma_start3A_2173, %dma_start3A_2174] : memref<2x128x1024xf32, #tpu.memory_space<vmem>> -> memref<1x128x1024xf32, #tpu.memory_space<vmem>>
      %dma_start3A_2176 = tpu.memref_squeeze %dma_start3A_2175 : memref<1x128x1024xf32, #tpu.memory_space<vmem>> -> memref<128x1024xf32, #tpu.memory_space<vmem>>
      %dma_start3A_2177 = arith.constant 0 : i32
      %dma_start3A_2178 = arith.constant 0 : i32
      %dma_start3A_2179 = tpu.memref_slice %arg2[%dma_start3A_2168, %dma_start3A_2177, %dma_start3A_2178] : memref<64x128x1024xf32, #tpu.memory_space<any>> -> memref<1x128x1024xf32, #tpu.memory_space<any>>
      %dma_start3A_2180 = tpu.memref_squeeze %dma_start3A_2179 : memref<1x128x1024xf32, #tpu.memory_space<any>> -> memref<128x1024xf32, #tpu.memory_space<any>>
      tpu.enqueue_dma source(%dma_start3A_2180 : memref<128x1024xf32, #tpu.memory_space<any>>) target(%dma_start3A_2176 : memref<128x1024xf32, #tpu.memory_space<vmem>>) target_semaphore(%dma_start3A_2172 : memref<!tpu.dma_semaphore, #tpu.memory_space<semaphore_mem>>)
      %dma_wait3A_2181 = arith.constant 20 : i32
      %dma_wait3A_2182 = arith.constant 0 : i32
      %dma_wait3A_2183 = arith.constant 0 : i32
      %dma_wait3A_2184 = tpu.memref_slice %arg33[%dma_wait3A_2183] : memref<2x!tpu.dma_semaphore, #tpu.memory_space<semaphore_mem>> -> memref<1x!tpu.dma_semaphore, #tpu.memory_space<semaphore_mem>>
      %dma_wait3A_2185 = tpu.memref_squeeze %dma_wait3A_2184 : memref<1x!tpu.dma_semaphore, #tpu.memory_space<semaphore_mem>> -> memref<!tpu.dma_semaphore, #tpu.memory_space<semaphore_mem>>
      %dma_wait3A_2186 = arith.constant 0 : i32
      %dma_wait3A_2187 = arith.constant 0 : i32
      %dma_wait3A_2188 = tpu.memref_slice %arg24[%dma_wait3A_2182, %dma_wait3A_2186, %dma_wait3A_2187] : memref<2x128x1024xf32, #tpu.memory_space<vmem>> -> memref<1x128x1024xf32, #tpu.memory_space<vmem>>
      %dma_wait3A_2189 = tpu.memref_squeeze %dma_wait3A_2188 : memref<1x128x1024xf32, #tpu.memory_space<vmem>> -> memref<128x1024xf32, #tpu.memory_space<vmem>>
      %dma_wait3A_2190 = arith.constant 0 : i32
      %dma_wait3A_2191 = arith.constant 0 : i32
      %dma_wait3A_2192 = tpu.memref_slice %arg2[%dma_wait3A_2181, %dma_wait3A_2190, %dma_wait3A_2191] : memref<64x128x1024xf32, #tpu.memory_space<any>> -> memref<1x128x1024xf32, #tpu.memory_space<any>>
      %dma_wait3A_2193 = tpu.memref_squeeze %dma_wait3A_2192 : memref<1x128x1024xf32, #tpu.memory_space<any>> -> memref<128x1024xf32, #tpu.memory_space<any>>
      tpu.wait_dma2 semaphore(%dma_wait3A_2185 : memref<!tpu.dma_semaphore, #tpu.memory_space<semaphore_mem>>) src(%dma_wait3A_2193 : memref<128x1024xf32, #tpu.memory_space<any>>) dst(%dma_wait3A_2189 : memref<128x1024xf32, #tpu.memory_space<vmem>>)
      %get3A_2194 = arith.constant 0 : index
      %get3A_2195 = arith.constant 0 : index
      %get3A_2196 = vector.load %arg14[%get3A_2194, %get3A_2195] : memref<128x128xf32, #tpu.memory_space<vmem>>, vector<128x128xf32>
      %get3A_2197 = arith.constant 0 : index
      %get3A_2198 = arith.constant 0 : index
      %get3A_2199 = arith.constant 0 : index
      %get3A_2200 = vector.load %arg24[%get3A_2197, %get3A_2198, %get3A_2199] : memref<2x128x1024xf32, #tpu.memory_space<vmem>>, vector<1x128x1024xf32>
      %get3A_2201 = vector.shape_cast %get3A_2200 : vector<1x128x1024xf32> to vector<128x1024xf32>
      %dot_general3A_2202 = arith.constant dense<0.000000e+00> : vector<128x1024xf32>
      %dot_general3A_2203 = tpu.matmul %get3A_2196, %get3A_2201, %dot_general3A_2202 {dimension_numbers = #tpu.dot_dimension_numbers<[1], [0], [0], [1], [0, 0, 1, 1], [], []>, transpose_lhs_hint = false} : vector<128x128xf32>, vector<128x1024xf32>, vector<128x1024xf32> -> vector<128x1024xf32>
      %get3A_2204 = arith.constant 0 : index
      %get3A_2205 = arith.constant 0 : index
      %get3A_2206 = vector.load %arg15[%get3A_2204, %get3A_2205] : memref<128x1xf32, #tpu.memory_space<vmem>>, vector<128x1xf32>
      %add3A_2207 = vector.broadcast %get3A_2206 : vector<128x1xf32> to vector<128x1024xf32>
      %add3A_2208 = arith.addf %dot_general3A_2203, %add3A_2207 : vector<128x1024xf32>
      %convert_element_type3A_2209 = arith.truncf %add3A_2208 : vector<128x1024xf32> to vector<128x1024xbf16>
      %swap3A_2210 = arith.constant 20 : index
      %swap3A_2211 = arith.constant 0 : index
      %swap3A_2212 = arith.constant 0 : index
      %swap3A_2213 = vector.load %arg23[%swap3A_2210, %swap3A_2211, %swap3A_2212] : memref<64x128x1024xbf16, #tpu.memory_space<vmem>>, vector<1x128x1024xbf16>
      %swap3A_2214 = vector.shape_cast %swap3A_2213 : vector<1x128x1024xbf16> to vector<128x1024xbf16>
      %swap3A_2215 = vector.shape_cast %convert_element_type3A_2209 : vector<128x1024xbf16> to vector<1x128x1024xbf16>
      tpu.vector_store %arg23[%swap3A_2210, %swap3A_2211, %swap3A_2212], %swap3A_2215 {strides = array<i32>} : memref<64x128x1024xbf16, #tpu.memory_space<vmem>>, vector<1x128x1024xbf16>,
      %dma_start3A_2216 = arith.constant 22 : i32
      %dma_start3A_2217 = arith.constant 0 : i32
      %dma_start3A_2218 = arith.constant 0 : i32
      %dma_start3A_2219 = tpu.memref_slice %arg33[%dma_start3A_2218] : memref<2x!tpu.dma_semaphore, #tpu.memory_space<semaphore_mem>> -> memref<1x!tpu.dma_semaphore, #tpu.memory_space<semaphore_mem>>
      %dma_start3A_2220 = tpu.memref_squeeze %dma_start3A_2219 : memref<1x!tpu.dma_semaphore, #tpu.memory_space<semaphore_mem>> -> memref<!tpu.dma_semaphore, #tpu.memory_space<semaphore_mem>>
      %dma_start3A_2221 = arith.constant 0 : i32
      %dma_start3A_2222 = arith.constant 0 : i32
      %dma_start3A_2223 = tpu.memref_slice %arg24[%dma_start3A_2217, %dma_start3A_2221, %dma_start3A_2222] : memref<2x128x1024xf32, #tpu.memory_space<vmem>> -> memref<1x128x1024xf32, #tpu.memory_space<vmem>>
      %dma_start3A_2224 = tpu.memref_squeeze %dma_start3A_2223 : memref<1x128x1024xf32, #tpu.memory_space<vmem>> -> memref<128x1024xf32, #tpu.memory_space<vmem>>
      %dma_start3A_2225 = arith.constant 0 : i32
      %dma_start3A_2226 = arith.constant 0 : i32
      %dma_start3A_2227 = tpu.memref_slice %arg2[%dma_start3A_2216, %dma_start3A_2225, %dma_start3A_2226] : memref<64x128x1024xf32, #tpu.memory_space<any>> -> memref<1x128x1024xf32, #tpu.memory_space<any>>
      %dma_start3A_2228 = tpu.memref_squeeze %dma_start3A_2227 : memref<1x128x1024xf32, #tpu.memory_space<any>> -> memref<128x1024xf32, #tpu.memory_space<any>>
      tpu.enqueue_dma source(%dma_start3A_2228 : memref<128x1024xf32, #tpu.memory_space<any>>) target(%dma_start3A_2224 : memref<128x1024xf32, #tpu.memory_space<vmem>>) target_semaphore(%dma_start3A_2220 : memref<!tpu.dma_semaphore, #tpu.memory_space<semaphore_mem>>)
      %dma_wait3A_2229 = arith.constant 21 : i32
      %dma_wait3A_2230 = arith.constant 1 : i32
      %dma_wait3A_2231 = arith.constant 1 : i32
      %dma_wait3A_2232 = tpu.memref_slice %arg33[%dma_wait3A_2231] : memref<2x!tpu.dma_semaphore, #tpu.memory_space<semaphore_mem>> -> memref<1x!tpu.dma_semaphore, #tpu.memory_space<semaphore_mem>>
      %dma_wait3A_2233 = tpu.memref_squeeze %dma_wait3A_2232 : memref<1x!tpu.dma_semaphore, #tpu.memory_space<semaphore_mem>> -> memref<!tpu.dma_semaphore, #tpu.memory_space<semaphore_mem>>
      %dma_wait3A_2234 = arith.constant 0 : i32
      %dma_wait3A_2235 = arith.constant 0 : i32
      %dma_wait3A_2236 = tpu.memref_slice %arg24[%dma_wait3A_2230, %dma_wait3A_2234, %dma_wait3A_2235] : memref<2x128x1024xf32, #tpu.memory_space<vmem>> -> memref<1x128x1024xf32, #tpu.memory_space<vmem>>
      %dma_wait3A_2237 = tpu.memref_squeeze %dma_wait3A_2236 : memref<1x128x1024xf32, #tpu.memory_space<vmem>> -> memref<128x1024xf32, #tpu.memory_space<vmem>>
      %dma_wait3A_2238 = arith.constant 0 : i32
      %dma_wait3A_2239 = arith.constant 0 : i32
      %dma_wait3A_2240 = tpu.memref_slice %arg2[%dma_wait3A_2229, %dma_wait3A_2238, %dma_wait3A_2239] : memref<64x128x1024xf32, #tpu.memory_space<any>> -> memref<1x128x1024xf32, #tpu.memory_space<any>>
      %dma_wait3A_2241 = tpu.memref_squeeze %dma_wait3A_2240 : memref<1x128x1024xf32, #tpu.memory_space<any>> -> memref<128x1024xf32, #tpu.memory_space<any>>
      tpu.wait_dma2 semaphore(%dma_wait3A_2233 : memref<!tpu.dma_semaphore, #tpu.memory_space<semaphore_mem>>) src(%dma_wait3A_2241 : memref<128x1024xf32, #tpu.memory_space<any>>) dst(%dma_wait3A_2237 : memref<128x1024xf32, #tpu.memory_space<vmem>>)
      %get3A_2242 = arith.constant 0 : index
      %get3A_2243 = arith.constant 0 : index
      %get3A_2244 = vector.load %arg14[%get3A_2242, %get3A_2243] : memref<128x128xf32, #tpu.memory_space<vmem>>, vector<128x128xf32>
      %get3A_2245 = arith.constant 1 : index
      %get3A_2246 = arith.constant 0 : index
      %get3A_2247 = arith.constant 0 : index
      %get3A_2248 = vector.load %arg24[%get3A_2245, %get3A_2246, %get3A_2247] : memref<2x128x1024xf32, #tpu.memory_space<vmem>>, vector<1x128x1024xf32>
      %get3A_2249 = vector.shape_cast %get3A_2248 : vector<1x128x1024xf32> to vector<128x1024xf32>
      %dot_general3A_2250 = arith.constant dense<0.000000e+00> : vector<128x1024xf32>
      %dot_general3A_2251 = tpu.matmul %get3A_2244, %get3A_2249, %dot_general3A_2250 {dimension_numbers = #tpu.dot_dimension_numbers<[1], [0], [0], [1], [0, 0, 1, 1], [], []>, transpose_lhs_hint = false} : vector<128x128xf32>, vector<128x1024xf32>, vector<128x1024xf32> -> vector<128x1024xf32>
      %get3A_2252 = arith.constant 0 : index
      %get3A_2253 = arith.constant 0 : index
      %get3A_2254 = vector.load %arg15[%get3A_2252, %get3A_2253] : memref<128x1xf32, #tpu.memory_space<vmem>>, vector<128x1xf32>
      %add3A_2255 = vector.broadcast %get3A_2254 : vector<128x1xf32> to vector<128x1024xf32>
      %add3A_2256 = arith.addf %dot_general3A_2251, %add3A_2255 : vector<128x1024xf32>
      %convert_element_type3A_2257 = arith.truncf %add3A_2256 : vector<128x1024xf32> to vector<128x1024xbf16>
      %swap3A_2258 = arith.constant 21 : index
      %swap3A_2259 = arith.constant 0 : index
      %swap3A_2260 = arith.constant 0 : index
      %swap3A_2261 = vector.load %arg23[%swap3A_2258, %swap3A_2259, %swap3A_2260] : memref<64x128x1024xbf16, #tpu.memory_space<vmem>>, vector<1x128x1024xbf16>
      %swap3A_2262 = vector.shape_cast %swap3A_2261 : vector<1x128x1024xbf16> to vector<128x1024xbf16>
      %swap3A_2263 = vector.shape_cast %convert_element_type3A_2257 : vector<128x1024xbf16> to vector<1x128x1024xbf16>
      tpu.vector_store %arg23[%swap3A_2258, %swap3A_2259, %swap3A_2260], %swap3A_2263 {strides = array<i32>} : memref<64x128x1024xbf16, #tpu.memory_space<vmem>>, vector<1x128x1024xbf16>,
      %dma_start3A_2264 = arith.constant 23 : i32
      %dma_start3A_2265 = arith.constant 1 : i32
      %dma_start3A_2266 = arith.constant 1 : i32
      %dma_start3A_2267 = tpu.memref_slice %arg33[%dma_start3A_2266] : memref<2x!tpu.dma_semaphore, #tpu.memory_space<semaphore_mem>> -> memref<1x!tpu.dma_semaphore, #tpu.memory_space<semaphore_mem>>
      %dma_start3A_2268 = tpu.memref_squeeze %dma_start3A_2267 : memref<1x!tpu.dma_semaphore, #tpu.memory_space<semaphore_mem>> -> memref<!tpu.dma_semaphore, #tpu.memory_space<semaphore_mem>>
      %dma_start3A_2269 = arith.constant 0 : i32
      %dma_start3A_2270 = arith.constant 0 : i32
      %dma_start3A_2271 = tpu.memref_slice %arg24[%dma_start3A_2265, %dma_start3A_2269, %dma_start3A_2270] : memref<2x128x1024xf32, #tpu.memory_space<vmem>> -> memref<1x128x1024xf32, #tpu.memory_space<vmem>>
      %dma_start3A_2272 = tpu.memref_squeeze %dma_start3A_2271 : memref<1x128x1024xf32, #tpu.memory_space<vmem>> -> memref<128x1024xf32, #tpu.memory_space<vmem>>
      %dma_start3A_2273 = arith.constant 0 : i32
      %dma_start3A_2274 = arith.constant 0 : i32
      %dma_start3A_2275 = tpu.memref_slice %arg2[%dma_start3A_2264, %dma_start3A_2273, %dma_start3A_2274] : memref<64x128x1024xf32, #tpu.memory_space<any>> -> memref<1x128x1024xf32, #tpu.memory_space<any>>
      %dma_start3A_2276 = tpu.memref_squeeze %dma_start3A_2275 : memref<1x128x1024xf32, #tpu.memory_space<any>> -> memref<128x1024xf32, #tpu.memory_space<any>>
      tpu.enqueue_dma source(%dma_start3A_2276 : memref<128x1024xf32, #tpu.memory_space<any>>) target(%dma_start3A_2272 : memref<128x1024xf32, #tpu.memory_space<vmem>>) target_semaphore(%dma_start3A_2268 : memref<!tpu.dma_semaphore, #tpu.memory_space<semaphore_mem>>)
      %dma_wait3A_2277 = arith.constant 22 : i32
      %dma_wait3A_2278 = arith.constant 0 : i32
      %dma_wait3A_2279 = arith.constant 0 : i32
      %dma_wait3A_2280 = tpu.memref_slice %arg33[%dma_wait3A_2279] : memref<2x!tpu.dma_semaphore, #tpu.memory_space<semaphore_mem>> -> memref<1x!tpu.dma_semaphore, #tpu.memory_space<semaphore_mem>>
      %dma_wait3A_2281 = tpu.memref_squeeze %dma_wait3A_2280 : memref<1x!tpu.dma_semaphore, #tpu.memory_space<semaphore_mem>> -> memref<!tpu.dma_semaphore, #tpu.memory_space<semaphore_mem>>
      %dma_wait3A_2282 = arith.constant 0 : i32
      %dma_wait3A_2283 = arith.constant 0 : i32
      %dma_wait3A_2284 = tpu.memref_slice %arg24[%dma_wait3A_2278, %dma_wait3A_2282, %dma_wait3A_2283] : memref<2x128x1024xf32, #tpu.memory_space<vmem>> -> memref<1x128x1024xf32, #tpu.memory_space<vmem>>
      %dma_wait3A_2285 = tpu.memref_squeeze %dma_wait3A_2284 : memref<1x128x1024xf32, #tpu.memory_space<vmem>> -> memref<128x1024xf32, #tpu.memory_space<vmem>>
      %dma_wait3A_2286 = arith.constant 0 : i32
      %dma_wait3A_2287 = arith.constant 0 : i32
      %dma_wait3A_2288 = tpu.memref_slice %arg2[%dma_wait3A_2277, %dma_wait3A_2286, %dma_wait3A_2287] : memref<64x128x1024xf32, #tpu.memory_space<any>> -> memref<1x128x1024xf32, #tpu.memory_space<any>>
      %dma_wait3A_2289 = tpu.memref_squeeze %dma_wait3A_2288 : memref<1x128x1024xf32, #tpu.memory_space<any>> -> memref<128x1024xf32, #tpu.memory_space<any>>
      tpu.wait_dma2 semaphore(%dma_wait3A_2281 : memref<!tpu.dma_semaphore, #tpu.memory_space<semaphore_mem>>) src(%dma_wait3A_2289 : memref<128x1024xf32, #tpu.memory_space<any>>) dst(%dma_wait3A_2285 : memref<128x1024xf32, #tpu.memory_space<vmem>>)
      %get3A_2290 = arith.constant 0 : index
      %get3A_2291 = arith.constant 0 : index
      %get3A_2292 = vector.load %arg14[%get3A_2290, %get3A_2291] : memref<128x128xf32, #tpu.memory_space<vmem>>, vector<128x128xf32>
      %get3A_2293 = arith.constant 0 : index
      %get3A_2294 = arith.constant 0 : index
      %get3A_2295 = arith.constant 0 : index
      %get3A_2296 = vector.load %arg24[%get3A_2293, %get3A_2294, %get3A_2295] : memref<2x128x1024xf32, #tpu.memory_space<vmem>>, vector<1x128x1024xf32>
      %get3A_2297 = vector.shape_cast %get3A_2296 : vector<1x128x1024xf32> to vector<128x1024xf32>
      %dot_general3A_2298 = arith.constant dense<0.000000e+00> : vector<128x1024xf32>
      %dot_general3A_2299 = tpu.matmul %get3A_2292, %get3A_2297, %dot_general3A_2298 {dimension_numbers = #tpu.dot_dimension_numbers<[1], [0], [0], [1], [0, 0, 1, 1], [], []>, transpose_lhs_hint = false} : vector<128x128xf32>, vector<128x1024xf32>, vector<128x1024xf32> -> vector<128x1024xf32>
      %get3A_2300 = arith.constant 0 : index
      %get3A_2301 = arith.constant 0 : index
      %get3A_2302 = vector.load %arg15[%get3A_2300, %get3A_2301] : memref<128x1xf32, #tpu.memory_space<vmem>>, vector<128x1xf32>
      %add3A_2303 = vector.broadcast %get3A_2302 : vector<128x1xf32> to vector<128x1024xf32>
      %add3A_2304 = arith.addf %dot_general3A_2299, %add3A_2303 : vector<128x1024xf32>
      %convert_element_type3A_2305 = arith.truncf %add3A_2304 : vector<128x1024xf32> to vector<128x1024xbf16>
      %swap3A_2306 = arith.constant 22 : index
      %swap3A_2307 = arith.constant 0 : index
      %swap3A_2308 = arith.constant 0 : index
      %swap3A_2309 = vector.load %arg23[%swap3A_2306, %swap3A_2307, %swap3A_2308] : memref<64x128x1024xbf16, #tpu.memory_space<vmem>>, vector<1x128x1024xbf16>
      %swap3A_2310 = vector.shape_cast %swap3A_2309 : vector<1x128x1024xbf16> to vector<128x1024xbf16>
      %swap3A_2311 = vector.shape_cast %convert_element_type3A_2305 : vector<128x1024xbf16> to vector<1x128x1024xbf16>
      tpu.vector_store %arg23[%swap3A_2306, %swap3A_2307, %swap3A_2308], %swap3A_2311 {strides = array<i32>} : memref<64x128x1024xbf16, #tpu.memory_space<vmem>>, vector<1x128x1024xbf16>,
      %dma_start3A_2312 = arith.constant 24 : i32
      %dma_start3A_2313 = arith.constant 0 : i32
      %dma_start3A_2314 = arith.constant 0 : i32
      %dma_start3A_2315 = tpu.memref_slice %arg33[%dma_start3A_2314] : memref<2x!tpu.dma_semaphore, #tpu.memory_space<semaphore_mem>> -> memref<1x!tpu.dma_semaphore, #tpu.memory_space<semaphore_mem>>
      %dma_start3A_2316 = tpu.memref_squeeze %dma_start3A_2315 : memref<1x!tpu.dma_semaphore, #tpu.memory_space<semaphore_mem>> -> memref<!tpu.dma_semaphore, #tpu.memory_space<semaphore_mem>>
      %dma_start3A_2317 = arith.constant 0 : i32
      %dma_start3A_2318 = arith.constant 0 : i32
      %dma_start3A_2319 = tpu.memref_slice %arg24[%dma_start3A_2313, %dma_start3A_2317, %dma_start3A_2318] : memref<2x128x1024xf32, #tpu.memory_space<vmem>> -> memref<1x128x1024xf32, #tpu.memory_space<vmem>>
      %dma_start3A_2320 = tpu.memref_squeeze %dma_start3A_2319 : memref<1x128x1024xf32, #tpu.memory_space<vmem>> -> memref<128x1024xf32, #tpu.memory_space<vmem>>
      %dma_start3A_2321 = arith.constant 0 : i32
      %dma_start3A_2322 = arith.constant 0 : i32
      %dma_start3A_2323 = tpu.memref_slice %arg2[%dma_start3A_2312, %dma_start3A_2321, %dma_start3A_2322] : memref<64x128x1024xf32, #tpu.memory_space<any>> -> memref<1x128x1024xf32, #tpu.memory_space<any>>
      %dma_start3A_2324 = tpu.memref_squeeze %dma_start3A_2323 : memref<1x128x1024xf32, #tpu.memory_space<any>> -> memref<128x1024xf32, #tpu.memory_space<any>>
      tpu.enqueue_dma source(%dma_start3A_2324 : memref<128x1024xf32, #tpu.memory_space<any>>) target(%dma_start3A_2320 : memref<128x1024xf32, #tpu.memory_space<vmem>>) target_semaphore(%dma_start3A_2316 : memref<!tpu.dma_semaphore, #tpu.memory_space<semaphore_mem>>)
      %dma_wait3A_2325 = arith.constant 23 : i32
      %dma_wait3A_2326 = arith.constant 1 : i32
      %dma_wait3A_2327 = arith.constant 1 : i32
      %dma_wait3A_2328 = tpu.memref_slice %arg33[%dma_wait3A_2327] : memref<2x!tpu.dma_semaphore, #tpu.memory_space<semaphore_mem>> -> memref<1x!tpu.dma_semaphore, #tpu.memory_space<semaphore_mem>>
      %dma_wait3A_2329 = tpu.memref_squeeze %dma_wait3A_2328 : memref<1x!tpu.dma_semaphore, #tpu.memory_space<semaphore_mem>> -> memref<!tpu.dma_semaphore, #tpu.memory_space<semaphore_mem>>
      %dma_wait3A_2330 = arith.constant 0 : i32
      %dma_wait3A_2331 = arith.constant 0 : i32
      %dma_wait3A_2332 = tpu.memref_slice %arg24[%dma_wait3A_2326, %dma_wait3A_2330, %dma_wait3A_2331] : memref<2x128x1024xf32, #tpu.memory_space<vmem>> -> memref<1x128x1024xf32, #tpu.memory_space<vmem>>
      %dma_wait3A_2333 = tpu.memref_squeeze %dma_wait3A_2332 : memref<1x128x1024xf32, #tpu.memory_space<vmem>> -> memref<128x1024xf32, #tpu.memory_space<vmem>>
      %dma_wait3A_2334 = arith.constant 0 : i32
      %dma_wait3A_2335 = arith.constant 0 : i32
      %dma_wait3A_2336 = tpu.memref_slice %arg2[%dma_wait3A_2325, %dma_wait3A_2334, %dma_wait3A_2335] : memref<64x128x1024xf32, #tpu.memory_space<any>> -> memref<1x128x1024xf32, #tpu.memory_space<any>>
      %dma_wait3A_2337 = tpu.memref_squeeze %dma_wait3A_2336 : memref<1x128x1024xf32, #tpu.memory_space<any>> -> memref<128x1024xf32, #tpu.memory_space<any>>
      tpu.wait_dma2 semaphore(%dma_wait3A_2329 : memref<!tpu.dma_semaphore, #tpu.memory_space<semaphore_mem>>) src(%dma_wait3A_2337 : memref<128x1024xf32, #tpu.memory_space<any>>) dst(%dma_wait3A_2333 : memref<128x1024xf32, #tpu.memory_space<vmem>>)
      %get3A_2338 = arith.constant 0 : index
      %get3A_2339 = arith.constant 0 : index
      %get3A_2340 = vector.load %arg14[%get3A_2338, %get3A_2339] : memref<128x128xf32, #tpu.memory_space<vmem>>, vector<128x128xf32>
      %get3A_2341 = arith.constant 1 : index
      %get3A_2342 = arith.constant 0 : index
      %get3A_2343 = arith.constant 0 : index
      %get3A_2344 = vector.load %arg24[%get3A_2341, %get3A_2342, %get3A_2343] : memref<2x128x1024xf32, #tpu.memory_space<vmem>>, vector<1x128x1024xf32>
      %get3A_2345 = vector.shape_cast %get3A_2344 : vector<1x128x1024xf32> to vector<128x1024xf32>
      %dot_general3A_2346 = arith.constant dense<0.000000e+00> : vector<128x1024xf32>
      %dot_general3A_2347 = tpu.matmul %get3A_2340, %get3A_2345, %dot_general3A_2346 {dimension_numbers = #tpu.dot_dimension_numbers<[1], [0], [0], [1], [0, 0, 1, 1], [], []>, transpose_lhs_hint = false} : vector<128x128xf32>, vector<128x1024xf32>, vector<128x1024xf32> -> vector<128x1024xf32>
      %get3A_2348 = arith.constant 0 : index
      %get3A_2349 = arith.constant 0 : index
      %get3A_2350 = vector.load %arg15[%get3A_2348, %get3A_2349] : memref<128x1xf32, #tpu.memory_space<vmem>>, vector<128x1xf32>
      %add3A_2351 = vector.broadcast %get3A_2350 : vector<128x1xf32> to vector<128x1024xf32>
      %add3A_2352 = arith.addf %dot_general3A_2347, %add3A_2351 : vector<128x1024xf32>
      %convert_element_type3A_2353 = arith.truncf %add3A_2352 : vector<128x1024xf32> to vector<128x1024xbf16>
      %swap3A_2354 = arith.constant 23 : index
      %swap3A_2355 = arith.constant 0 : index
      %swap3A_2356 = arith.constant 0 : index
      %swap3A_2357 = vector.load %arg23[%swap3A_2354, %swap3A_2355, %swap3A_2356] : memref<64x128x1024xbf16, #tpu.memory_space<vmem>>, vector<1x128x1024xbf16>
      %swap3A_2358 = vector.shape_cast %swap3A_2357 : vector<1x128x1024xbf16> to vector<128x1024xbf16>
      %swap3A_2359 = vector.shape_cast %convert_element_type3A_2353 : vector<128x1024xbf16> to vector<1x128x1024xbf16>
      tpu.vector_store %arg23[%swap3A_2354, %swap3A_2355, %swap3A_2356], %swap3A_2359 {strides = array<i32>} : memref<64x128x1024xbf16, #tpu.memory_space<vmem>>, vector<1x128x1024xbf16>,
      %dma_start3A_2360 = arith.constant 25 : i32
      %dma_start3A_2361 = arith.constant 1 : i32
      %dma_start3A_2362 = arith.constant 1 : i32
      %dma_start3A_2363 = tpu.memref_slice %arg33[%dma_start3A_2362] : memref<2x!tpu.dma_semaphore, #tpu.memory_space<semaphore_mem>> -> memref<1x!tpu.dma_semaphore, #tpu.memory_space<semaphore_mem>>
      %dma_start3A_2364 = tpu.memref_squeeze %dma_start3A_2363 : memref<1x!tpu.dma_semaphore, #tpu.memory_space<semaphore_mem>> -> memref<!tpu.dma_semaphore, #tpu.memory_space<semaphore_mem>>
      %dma_start3A_2365 = arith.constant 0 : i32
      %dma_start3A_2366 = arith.constant 0 : i32
      %dma_start3A_2367 = tpu.memref_slice %arg24[%dma_start3A_2361, %dma_start3A_2365, %dma_start3A_2366] : memref<2x128x1024xf32, #tpu.memory_space<vmem>> -> memref<1x128x1024xf32, #tpu.memory_space<vmem>>
      %dma_start3A_2368 = tpu.memref_squeeze %dma_start3A_2367 : memref<1x128x1024xf32, #tpu.memory_space<vmem>> -> memref<128x1024xf32, #tpu.memory_space<vmem>>
      %dma_start3A_2369 = arith.constant 0 : i32
      %dma_start3A_2370 = arith.constant 0 : i32
      %dma_start3A_2371 = tpu.memref_slice %arg2[%dma_start3A_2360, %dma_start3A_2369, %dma_start3A_2370] : memref<64x128x1024xf32, #tpu.memory_space<any>> -> memref<1x128x1024xf32, #tpu.memory_space<any>>
      %dma_start3A_2372 = tpu.memref_squeeze %dma_start3A_2371 : memref<1x128x1024xf32, #tpu.memory_space<any>> -> memref<128x1024xf32, #tpu.memory_space<any>>
      tpu.enqueue_dma source(%dma_start3A_2372 : memref<128x1024xf32, #tpu.memory_space<any>>) target(%dma_start3A_2368 : memref<128x1024xf32, #tpu.memory_space<vmem>>) target_semaphore(%dma_start3A_2364 : memref<!tpu.dma_semaphore, #tpu.memory_space<semaphore_mem>>)
      %dma_wait3A_2373 = arith.constant 24 : i32
      %dma_wait3A_2374 = arith.constant 0 : i32
      %dma_wait3A_2375 = arith.constant 0 : i32
      %dma_wait3A_2376 = tpu.memref_slice %arg33[%dma_wait3A_2375] : memref<2x!tpu.dma_semaphore, #tpu.memory_space<semaphore_mem>> -> memref<1x!tpu.dma_semaphore, #tpu.memory_space<semaphore_mem>>
      %dma_wait3A_2377 = tpu.memref_squeeze %dma_wait3A_2376 : memref<1x!tpu.dma_semaphore, #tpu.memory_space<semaphore_mem>> -> memref<!tpu.dma_semaphore, #tpu.memory_space<semaphore_mem>>
      %dma_wait3A_2378 = arith.constant 0 : i32
      %dma_wait3A_2379 = arith.constant 0 : i32
      %dma_wait3A_2380 = tpu.memref_slice %arg24[%dma_wait3A_2374, %dma_wait3A_2378, %dma_wait3A_2379] : memref<2x128x1024xf32, #tpu.memory_space<vmem>> -> memref<1x128x1024xf32, #tpu.memory_space<vmem>>
      %dma_wait3A_2381 = tpu.memref_squeeze %dma_wait3A_2380 : memref<1x128x1024xf32, #tpu.memory_space<vmem>> -> memref<128x1024xf32, #tpu.memory_space<vmem>>
      %dma_wait3A_2382 = arith.constant 0 : i32
      %dma_wait3A_2383 = arith.constant 0 : i32
      %dma_wait3A_2384 = tpu.memref_slice %arg2[%dma_wait3A_2373, %dma_wait3A_2382, %dma_wait3A_2383] : memref<64x128x1024xf32, #tpu.memory_space<any>> -> memref<1x128x1024xf32, #tpu.memory_space<any>>
      %dma_wait3A_2385 = tpu.memref_squeeze %dma_wait3A_2384 : memref<1x128x1024xf32, #tpu.memory_space<any>> -> memref<128x1024xf32, #tpu.memory_space<any>>
      tpu.wait_dma2 semaphore(%dma_wait3A_2377 : memref<!tpu.dma_semaphore, #tpu.memory_space<semaphore_mem>>) src(%dma_wait3A_2385 : memref<128x1024xf32, #tpu.memory_space<any>>) dst(%dma_wait3A_2381 : memref<128x1024xf32, #tpu.memory_space<vmem>>)
      %get3A_2386 = arith.constant 0 : index
      %get3A_2387 = arith.constant 0 : index
      %get3A_2388 = vector.load %arg14[%get3A_2386, %get3A_2387] : memref<128x128xf32, #tpu.memory_space<vmem>>, vector<128x128xf32>
      %get3A_2389 = arith.constant 0 : index
      %get3A_2390 = arith.constant 0 : index
      %get3A_2391 = arith.constant 0 : index
      %get3A_2392 = vector.load %arg24[%get3A_2389, %get3A_2390, %get3A_2391] : memref<2x128x1024xf32, #tpu.memory_space<vmem>>, vector<1x128x1024xf32>
      %get3A_2393 = vector.shape_cast %get3A_2392 : vector<1x128x1024xf32> to vector<128x1024xf32>
      %dot_general3A_2394 = arith.constant dense<0.000000e+00> : vector<128x1024xf32>
      %dot_general3A_2395 = tpu.matmul %get3A_2388, %get3A_2393, %dot_general3A_2394 {dimension_numbers = #tpu.dot_dimension_numbers<[1], [0], [0], [1], [0, 0, 1, 1], [], []>, transpose_lhs_hint = false} : vector<128x128xf32>, vector<128x1024xf32>, vector<128x1024xf32> -> vector<128x1024xf32>
      %get3A_2396 = arith.constant 0 : index
      %get3A_2397 = arith.constant 0 : index
      %get3A_2398 = vector.load %arg15[%get3A_2396, %get3A_2397] : memref<128x1xf32, #tpu.memory_space<vmem>>, vector<128x1xf32>
      %add3A_2399 = vector.broadcast %get3A_2398 : vector<128x1xf32> to vector<128x1024xf32>
      %add3A_2400 = arith.addf %dot_general3A_2395, %add3A_2399 : vector<128x1024xf32>
      %convert_element_type3A_2401 = arith.truncf %add3A_2400 : vector<128x1024xf32> to vector<128x1024xbf16>
      %swap3A_2402 = arith.constant 24 : index
      %swap3A_2403 = arith.constant 0 : index
      %swap3A_2404 = arith.constant 0 : index
      %swap3A_2405 = vector.load %arg23[%swap3A_2402, %swap3A_2403, %swap3A_2404] : memref<64x128x1024xbf16, #tpu.memory_space<vmem>>, vector<1x128x1024xbf16>
      %swap3A_2406 = vector.shape_cast %swap3A_2405 : vector<1x128x1024xbf16> to vector<128x1024xbf16>
      %swap3A_2407 = vector.shape_cast %convert_element_type3A_2401 : vector<128x1024xbf16> to vector<1x128x1024xbf16>
      tpu.vector_store %arg23[%swap3A_2402, %swap3A_2403, %swap3A_2404], %swap3A_2407 {strides = array<i32>} : memref<64x128x1024xbf16, #tpu.memory_space<vmem>>, vector<1x128x1024xbf16>,
      %dma_start3A_2408 = arith.constant 26 : i32
      %dma_start3A_2409 = arith.constant 0 : i32
      %dma_start3A_2410 = arith.constant 0 : i32
      %dma_start3A_2411 = tpu.memref_slice %arg33[%dma_start3A_2410] : memref<2x!tpu.dma_semaphore, #tpu.memory_space<semaphore_mem>> -> memref<1x!tpu.dma_semaphore, #tpu.memory_space<semaphore_mem>>
      %dma_start3A_2412 = tpu.memref_squeeze %dma_start3A_2411 : memref<1x!tpu.dma_semaphore, #tpu.memory_space<semaphore_mem>> -> memref<!tpu.dma_semaphore, #tpu.memory_space<semaphore_mem>>
      %dma_start3A_2413 = arith.constant 0 : i32
      %dma_start3A_2414 = arith.constant 0 : i32
      %dma_start3A_2415 = tpu.memref_slice %arg24[%dma_start3A_2409, %dma_start3A_2413, %dma_start3A_2414] : memref<2x128x1024xf32, #tpu.memory_space<vmem>> -> memref<1x128x1024xf32, #tpu.memory_space<vmem>>
      %dma_start3A_2416 = tpu.memref_squeeze %dma_start3A_2415 : memref<1x128x1024xf32, #tpu.memory_space<vmem>> -> memref<128x1024xf32, #tpu.memory_space<vmem>>
      %dma_start3A_2417 = arith.constant 0 : i32
      %dma_start3A_2418 = arith.constant 0 : i32
      %dma_start3A_2419 = tpu.memref_slice %arg2[%dma_start3A_2408, %dma_start3A_2417, %dma_start3A_2418] : memref<64x128x1024xf32, #tpu.memory_space<any>> -> memref<1x128x1024xf32, #tpu.memory_space<any>>
      %dma_start3A_2420 = tpu.memref_squeeze %dma_start3A_2419 : memref<1x128x1024xf32, #tpu.memory_space<any>> -> memref<128x1024xf32, #tpu.memory_space<any>>
      tpu.enqueue_dma source(%dma_start3A_2420 : memref<128x1024xf32, #tpu.memory_space<any>>) target(%dma_start3A_2416 : memref<128x1024xf32, #tpu.memory_space<vmem>>) target_semaphore(%dma_start3A_2412 : memref<!tpu.dma_semaphore, #tpu.memory_space<semaphore_mem>>)
      %dma_wait3A_2421 = arith.constant 25 : i32
      %dma_wait3A_2422 = arith.constant 1 : i32
      %dma_wait3A_2423 = arith.constant 1 : i32
      %dma_wait3A_2424 = tpu.memref_slice %arg33[%dma_wait3A_2423] : memref<2x!tpu.dma_semaphore, #tpu.memory_space<semaphore_mem>> -> memref<1x!tpu.dma_semaphore, #tpu.memory_space<semaphore_mem>>
      %dma_wait3A_2425 = tpu.memref_squeeze %dma_wait3A_2424 : memref<1x!tpu.dma_semaphore, #tpu.memory_space<semaphore_mem>> -> memref<!tpu.dma_semaphore, #tpu.memory_space<semaphore_mem>>
      %dma_wait3A_2426 = arith.constant 0 : i32
      %dma_wait3A_2427 = arith.constant 0 : i32
      %dma_wait3A_2428 = tpu.memref_slice %arg24[%dma_wait3A_2422, %dma_wait3A_2426, %dma_wait3A_2427] : memref<2x128x1024xf32, #tpu.memory_space<vmem>> -> memref<1x128x1024xf32, #tpu.memory_space<vmem>>
      %dma_wait3A_2429 = tpu.memref_squeeze %dma_wait3A_2428 : memref<1x128x1024xf32, #tpu.memory_space<vmem>> -> memref<128x1024xf32, #tpu.memory_space<vmem>>
      %dma_wait3A_2430 = arith.constant 0 : i32
      %dma_wait3A_2431 = arith.constant 0 : i32
      %dma_wait3A_2432 = tpu.memref_slice %arg2[%dma_wait3A_2421, %dma_wait3A_2430, %dma_wait3A_2431] : memref<64x128x1024xf32, #tpu.memory_space<any>> -> memref<1x128x1024xf32, #tpu.memory_space<any>>
      %dma_wait3A_2433 = tpu.memref_squeeze %dma_wait3A_2432 : memref<1x128x1024xf32, #tpu.memory_space<any>> -> memref<128x1024xf32, #tpu.memory_space<any>>
      tpu.wait_dma2 semaphore(%dma_wait3A_2425 : memref<!tpu.dma_semaphore, #tpu.memory_space<semaphore_mem>>) src(%dma_wait3A_2433 : memref<128x1024xf32, #tpu.memory_space<any>>) dst(%dma_wait3A_2429 : memref<128x1024xf32, #tpu.memory_space<vmem>>)
      %get3A_2434 = arith.constant 0 : index
      %get3A_2435 = arith.constant 0 : index
      %get3A_2436 = vector.load %arg14[%get3A_2434, %get3A_2435] : memref<128x128xf32, #tpu.memory_space<vmem>>, vector<128x128xf32>
      %get3A_2437 = arith.constant 1 : index
      %get3A_2438 = arith.constant 0 : index
      %get3A_2439 = arith.constant 0 : index
      %get3A_2440 = vector.load %arg24[%get3A_2437, %get3A_2438, %get3A_2439] : memref<2x128x1024xf32, #tpu.memory_space<vmem>>, vector<1x128x1024xf32>
      %get3A_2441 = vector.shape_cast %get3A_2440 : vector<1x128x1024xf32> to vector<128x1024xf32>
      %dot_general3A_2442 = arith.constant dense<0.000000e+00> : vector<128x1024xf32>
      %dot_general3A_2443 = tpu.matmul %get3A_2436, %get3A_2441, %dot_general3A_2442 {dimension_numbers = #tpu.dot_dimension_numbers<[1], [0], [0], [1], [0, 0, 1, 1], [], []>, transpose_lhs_hint = false} : vector<128x128xf32>, vector<128x1024xf32>, vector<128x1024xf32> -> vector<128x1024xf32>
      %get3A_2444 = arith.constant 0 : index
      %get3A_2445 = arith.constant 0 : index
      %get3A_2446 = vector.load %arg15[%get3A_2444, %get3A_2445] : memref<128x1xf32, #tpu.memory_space<vmem>>, vector<128x1xf32>
      %add3A_2447 = vector.broadcast %get3A_2446 : vector<128x1xf32> to vector<128x1024xf32>
      %add3A_2448 = arith.addf %dot_general3A_2443, %add3A_2447 : vector<128x1024xf32>
      %convert_element_type3A_2449 = arith.truncf %add3A_2448 : vector<128x1024xf32> to vector<128x1024xbf16>
      %swap3A_2450 = arith.constant 25 : index
      %swap3A_2451 = arith.constant 0 : index
      %swap3A_2452 = arith.constant 0 : index
      %swap3A_2453 = vector.load %arg23[%swap3A_2450, %swap3A_2451, %swap3A_2452] : memref<64x128x1024xbf16, #tpu.memory_space<vmem>>, vector<1x128x1024xbf16>
      %swap3A_2454 = vector.shape_cast %swap3A_2453 : vector<1x128x1024xbf16> to vector<128x1024xbf16>
      %swap3A_2455 = vector.shape_cast %convert_element_type3A_2449 : vector<128x1024xbf16> to vector<1x128x1024xbf16>
      tpu.vector_store %arg23[%swap3A_2450, %swap3A_2451, %swap3A_2452], %swap3A_2455 {strides = array<i32>} : memref<64x128x1024xbf16, #tpu.memory_space<vmem>>, vector<1x128x1024xbf16>,
      %dma_start3A_2456 = arith.constant 27 : i32
      %dma_start3A_2457 = arith.constant 1 : i32
      %dma_start3A_2458 = arith.constant 1 : i32
      %dma_start3A_2459 = tpu.memref_slice %arg33[%dma_start3A_2458] : memref<2x!tpu.dma_semaphore, #tpu.memory_space<semaphore_mem>> -> memref<1x!tpu.dma_semaphore, #tpu.memory_space<semaphore_mem>>
      %dma_start3A_2460 = tpu.memref_squeeze %dma_start3A_2459 : memref<1x!tpu.dma_semaphore, #tpu.memory_space<semaphore_mem>> -> memref<!tpu.dma_semaphore, #tpu.memory_space<semaphore_mem>>
      %dma_start3A_2461 = arith.constant 0 : i32
      %dma_start3A_2462 = arith.constant 0 : i32
      %dma_start3A_2463 = tpu.memref_slice %arg24[%dma_start3A_2457, %dma_start3A_2461, %dma_start3A_2462] : memref<2x128x1024xf32, #tpu.memory_space<vmem>> -> memref<1x128x1024xf32, #tpu.memory_space<vmem>>
      %dma_start3A_2464 = tpu.memref_squeeze %dma_start3A_2463 : memref<1x128x1024xf32, #tpu.memory_space<vmem>> -> memref<128x1024xf32, #tpu.memory_space<vmem>>
      %dma_start3A_2465 = arith.constant 0 : i32
      %dma_start3A_2466 = arith.constant 0 : i32
      %dma_start3A_2467 = tpu.memref_slice %arg2[%dma_start3A_2456, %dma_start3A_2465, %dma_start3A_2466] : memref<64x128x1024xf32, #tpu.memory_space<any>> -> memref<1x128x1024xf32, #tpu.memory_space<any>>
      %dma_start3A_2468 = tpu.memref_squeeze %dma_start3A_2467 : memref<1x128x1024xf32, #tpu.memory_space<any>> -> memref<128x1024xf32, #tpu.memory_space<any>>
      tpu.enqueue_dma source(%dma_start3A_2468 : memref<128x1024xf32, #tpu.memory_space<any>>) target(%dma_start3A_2464 : memref<128x1024xf32, #tpu.memory_space<vmem>>) target_semaphore(%dma_start3A_2460 : memref<!tpu.dma_semaphore, #tpu.memory_space<semaphore_mem>>)
      %dma_wait3A_2469 = arith.constant 26 : i32
      %dma_wait3A_2470 = arith.constant 0 : i32
      %dma_wait3A_2471 = arith.constant 0 : i32
      %dma_wait3A_2472 = tpu.memref_slice %arg33[%dma_wait3A_2471] : memref<2x!tpu.dma_semaphore, #tpu.memory_space<semaphore_mem>> -> memref<1x!tpu.dma_semaphore, #tpu.memory_space<semaphore_mem>>
      %dma_wait3A_2473 = tpu.memref_squeeze %dma_wait3A_2472 : memref<1x!tpu.dma_semaphore, #tpu.memory_space<semaphore_mem>> -> memref<!tpu.dma_semaphore, #tpu.memory_space<semaphore_mem>>
      %dma_wait3A_2474 = arith.constant 0 : i32
      %dma_wait3A_2475 = arith.constant 0 : i32
      %dma_wait3A_2476 = tpu.memref_slice %arg24[%dma_wait3A_2470, %dma_wait3A_2474, %dma_wait3A_2475] : memref<2x128x1024xf32, #tpu.memory_space<vmem>> -> memref<1x128x1024xf32, #tpu.memory_space<vmem>>
      %dma_wait3A_2477 = tpu.memref_squeeze %dma_wait3A_2476 : memref<1x128x1024xf32, #tpu.memory_space<vmem>> -> memref<128x1024xf32, #tpu.memory_space<vmem>>
      %dma_wait3A_2478 = arith.constant 0 : i32
      %dma_wait3A_2479 = arith.constant 0 : i32
      %dma_wait3A_2480 = tpu.memref_slice %arg2[%dma_wait3A_2469, %dma_wait3A_2478, %dma_wait3A_2479] : memref<64x128x1024xf32, #tpu.memory_space<any>> -> memref<1x128x1024xf32, #tpu.memory_space<any>>
      %dma_wait3A_2481 = tpu.memref_squeeze %dma_wait3A_2480 : memref<1x128x1024xf32, #tpu.memory_space<any>> -> memref<128x1024xf32, #tpu.memory_space<any>>
      tpu.wait_dma2 semaphore(%dma_wait3A_2473 : memref<!tpu.dma_semaphore, #tpu.memory_space<semaphore_mem>>) src(%dma_wait3A_2481 : memref<128x1024xf32, #tpu.memory_space<any>>) dst(%dma_wait3A_2477 : memref<128x1024xf32, #tpu.memory_space<vmem>>)
      %get3A_2482 = arith.constant 0 : index
      %get3A_2483 = arith.constant 0 : index
      %get3A_2484 = vector.load %arg14[%get3A_2482, %get3A_2483] : memref<128x128xf32, #tpu.memory_space<vmem>>, vector<128x128xf32>
      %get3A_2485 = arith.constant 0 : index
      %get3A_2486 = arith.constant 0 : index
      %get3A_2487 = arith.constant 0 : index
      %get3A_2488 = vector.load %arg24[%get3A_2485, %get3A_2486, %get3A_2487] : memref<2x128x1024xf32, #tpu.memory_space<vmem>>, vector<1x128x1024xf32>
      %get3A_2489 = vector.shape_cast %get3A_2488 : vector<1x128x1024xf32> to vector<128x1024xf32>
      %dot_general3A_2490 = arith.constant dense<0.000000e+00> : vector<128x1024xf32>
      %dot_general3A_2491 = tpu.matmul %get3A_2484, %get3A_2489, %dot_general3A_2490 {dimension_numbers = #tpu.dot_dimension_numbers<[1], [0], [0], [1], [0, 0, 1, 1], [], []>, transpose_lhs_hint = false} : vector<128x128xf32>, vector<128x1024xf32>, vector<128x1024xf32> -> vector<128x1024xf32>
      %get3A_2492 = arith.constant 0 : index
      %get3A_2493 = arith.constant 0 : index
      %get3A_2494 = vector.load %arg15[%get3A_2492, %get3A_2493] : memref<128x1xf32, #tpu.memory_space<vmem>>, vector<128x1xf32>
      %add3A_2495 = vector.broadcast %get3A_2494 : vector<128x1xf32> to vector<128x1024xf32>
      %add3A_2496 = arith.addf %dot_general3A_2491, %add3A_2495 : vector<128x1024xf32>
      %convert_element_type3A_2497 = arith.truncf %add3A_2496 : vector<128x1024xf32> to vector<128x1024xbf16>
      %swap3A_2498 = arith.constant 26 : index
      %swap3A_2499 = arith.constant 0 : index
      %swap3A_2500 = arith.constant 0 : index
      %swap3A_2501 = vector.load %arg23[%swap3A_2498, %swap3A_2499, %swap3A_2500] : memref<64x128x1024xbf16, #tpu.memory_space<vmem>>, vector<1x128x1024xbf16>
      %swap3A_2502 = vector.shape_cast %swap3A_2501 : vector<1x128x1024xbf16> to vector<128x1024xbf16>
      %swap3A_2503 = vector.shape_cast %convert_element_type3A_2497 : vector<128x1024xbf16> to vector<1x128x1024xbf16>
      tpu.vector_store %arg23[%swap3A_2498, %swap3A_2499, %swap3A_2500], %swap3A_2503 {strides = array<i32>} : memref<64x128x1024xbf16, #tpu.memory_space<vmem>>, vector<1x128x1024xbf16>,
      %dma_start3A_2504 = arith.constant 28 : i32
      %dma_start3A_2505 = arith.constant 0 : i32
      %dma_start3A_2506 = arith.constant 0 : i32
      %dma_start3A_2507 = tpu.memref_slice %arg33[%dma_start3A_2506] : memref<2x!tpu.dma_semaphore, #tpu.memory_space<semaphore_mem>> -> memref<1x!tpu.dma_semaphore, #tpu.memory_space<semaphore_mem>>
      %dma_start3A_2508 = tpu.memref_squeeze %dma_start3A_2507 : memref<1x!tpu.dma_semaphore, #tpu.memory_space<semaphore_mem>> -> memref<!tpu.dma_semaphore, #tpu.memory_space<semaphore_mem>>
      %dma_start3A_2509 = arith.constant 0 : i32
      %dma_start3A_2510 = arith.constant 0 : i32
      %dma_start3A_2511 = tpu.memref_slice %arg24[%dma_start3A_2505, %dma_start3A_2509, %dma_start3A_2510] : memref<2x128x1024xf32, #tpu.memory_space<vmem>> -> memref<1x128x1024xf32, #tpu.memory_space<vmem>>
      %dma_start3A_2512 = tpu.memref_squeeze %dma_start3A_2511 : memref<1x128x1024xf32, #tpu.memory_space<vmem>> -> memref<128x1024xf32, #tpu.memory_space<vmem>>
      %dma_start3A_2513 = arith.constant 0 : i32
      %dma_start3A_2514 = arith.constant 0 : i32
      %dma_start3A_2515 = tpu.memref_slice %arg2[%dma_start3A_2504, %dma_start3A_2513, %dma_start3A_2514] : memref<64x128x1024xf32, #tpu.memory_space<any>> -> memref<1x128x1024xf32, #tpu.memory_space<any>>
      %dma_start3A_2516 = tpu.memref_squeeze %dma_start3A_2515 : memref<1x128x1024xf32, #tpu.memory_space<any>> -> memref<128x1024xf32, #tpu.memory_space<any>>
      tpu.enqueue_dma source(%dma_start3A_2516 : memref<128x1024xf32, #tpu.memory_space<any>>) target(%dma_start3A_2512 : memref<128x1024xf32, #tpu.memory_space<vmem>>) target_semaphore(%dma_start3A_2508 : memref<!tpu.dma_semaphore, #tpu.memory_space<semaphore_mem>>)
      %dma_wait3A_2517 = arith.constant 27 : i32
      %dma_wait3A_2518 = arith.constant 1 : i32
      %dma_wait3A_2519 = arith.constant 1 : i32
      %dma_wait3A_2520 = tpu.memref_slice %arg33[%dma_wait3A_2519] : memref<2x!tpu.dma_semaphore, #tpu.memory_space<semaphore_mem>> -> memref<1x!tpu.dma_semaphore, #tpu.memory_space<semaphore_mem>>
      %dma_wait3A_2521 = tpu.memref_squeeze %dma_wait3A_2520 : memref<1x!tpu.dma_semaphore, #tpu.memory_space<semaphore_mem>> -> memref<!tpu.dma_semaphore, #tpu.memory_space<semaphore_mem>>
      %dma_wait3A_2522 = arith.constant 0 : i32
      %dma_wait3A_2523 = arith.constant 0 : i32
      %dma_wait3A_2524 = tpu.memref_slice %arg24[%dma_wait3A_2518, %dma_wait3A_2522, %dma_wait3A_2523] : memref<2x128x1024xf32, #tpu.memory_space<vmem>> -> memref<1x128x1024xf32, #tpu.memory_space<vmem>>
      %dma_wait3A_2525 = tpu.memref_squeeze %dma_wait3A_2524 : memref<1x128x1024xf32, #tpu.memory_space<vmem>> -> memref<128x1024xf32, #tpu.memory_space<vmem>>
      %dma_wait3A_2526 = arith.constant 0 : i32
      %dma_wait3A_2527 = arith.constant 0 : i32
      %dma_wait3A_2528 = tpu.memref_slice %arg2[%dma_wait3A_2517, %dma_wait3A_2526, %dma_wait3A_2527] : memref<64x128x1024xf32, #tpu.memory_space<any>> -> memref<1x128x1024xf32, #tpu.memory_space<any>>
      %dma_wait3A_2529 = tpu.memref_squeeze %dma_wait3A_2528 : memref<1x128x1024xf32, #tpu.memory_space<any>> -> memref<128x1024xf32, #tpu.memory_space<any>>
      tpu.wait_dma2 semaphore(%dma_wait3A_2521 : memref<!tpu.dma_semaphore, #tpu.memory_space<semaphore_mem>>) src(%dma_wait3A_2529 : memref<128x1024xf32, #tpu.memory_space<any>>) dst(%dma_wait3A_2525 : memref<128x1024xf32, #tpu.memory_space<vmem>>)
      %get3A_2530 = arith.constant 0 : index
      %get3A_2531 = arith.constant 0 : index
      %get3A_2532 = vector.load %arg14[%get3A_2530, %get3A_2531] : memref<128x128xf32, #tpu.memory_space<vmem>>, vector<128x128xf32>
      %get3A_2533 = arith.constant 1 : index
      %get3A_2534 = arith.constant 0 : index
      %get3A_2535 = arith.constant 0 : index
      %get3A_2536 = vector.load %arg24[%get3A_2533, %get3A_2534, %get3A_2535] : memref<2x128x1024xf32, #tpu.memory_space<vmem>>, vector<1x128x1024xf32>
      %get3A_2537 = vector.shape_cast %get3A_2536 : vector<1x128x1024xf32> to vector<128x1024xf32>
      %dot_general3A_2538 = arith.constant dense<0.000000e+00> : vector<128x1024xf32>
      %dot_general3A_2539 = tpu.matmul %get3A_2532, %get3A_2537, %dot_general3A_2538 {dimension_numbers = #tpu.dot_dimension_numbers<[1], [0], [0], [1], [0, 0, 1, 1], [], []>, transpose_lhs_hint = false} : vector<128x128xf32>, vector<128x1024xf32>, vector<128x1024xf32> -> vector<128x1024xf32>
      %get3A_2540 = arith.constant 0 : index
      %get3A_2541 = arith.constant 0 : index
      %get3A_2542 = vector.load %arg15[%get3A_2540, %get3A_2541] : memref<128x1xf32, #tpu.memory_space<vmem>>, vector<128x1xf32>
      %add3A_2543 = vector.broadcast %get3A_2542 : vector<128x1xf32> to vector<128x1024xf32>
      %add3A_2544 = arith.addf %dot_general3A_2539, %add3A_2543 : vector<128x1024xf32>
      %convert_element_type3A_2545 = arith.truncf %add3A_2544 : vector<128x1024xf32> to vector<128x1024xbf16>
      %swap3A_2546 = arith.constant 27 : index
      %swap3A_2547 = arith.constant 0 : index
      %swap3A_2548 = arith.constant 0 : index
      %swap3A_2549 = vector.load %arg23[%swap3A_2546, %swap3A_2547, %swap3A_2548] : memref<64x128x1024xbf16, #tpu.memory_space<vmem>>, vector<1x128x1024xbf16>
      %swap3A_2550 = vector.shape_cast %swap3A_2549 : vector<1x128x1024xbf16> to vector<128x1024xbf16>
      %swap3A_2551 = vector.shape_cast %convert_element_type3A_2545 : vector<128x1024xbf16> to vector<1x128x1024xbf16>
      tpu.vector_store %arg23[%swap3A_2546, %swap3A_2547, %swap3A_2548], %swap3A_2551 {strides = array<i32>} : memref<64x128x1024xbf16, #tpu.memory_space<vmem>>, vector<1x128x1024xbf16>,
      %dma_start3A_2552 = arith.constant 29 : i32
      %dma_start3A_2553 = arith.constant 1 : i32
      %dma_start3A_2554 = arith.constant 1 : i32
      %dma_start3A_2555 = tpu.memref_slice %arg33[%dma_start3A_2554] : memref<2x!tpu.dma_semaphore, #tpu.memory_space<semaphore_mem>> -> memref<1x!tpu.dma_semaphore, #tpu.memory_space<semaphore_mem>>
      %dma_start3A_2556 = tpu.memref_squeeze %dma_start3A_2555 : memref<1x!tpu.dma_semaphore, #tpu.memory_space<semaphore_mem>> -> memref<!tpu.dma_semaphore, #tpu.memory_space<semaphore_mem>>
      %dma_start3A_2557 = arith.constant 0 : i32
      %dma_start3A_2558 = arith.constant 0 : i32
      %dma_start3A_2559 = tpu.memref_slice %arg24[%dma_start3A_2553, %dma_start3A_2557, %dma_start3A_2558] : memref<2x128x1024xf32, #tpu.memory_space<vmem>> -> memref<1x128x1024xf32, #tpu.memory_space<vmem>>
      %dma_start3A_2560 = tpu.memref_squeeze %dma_start3A_2559 : memref<1x128x1024xf32, #tpu.memory_space<vmem>> -> memref<128x1024xf32, #tpu.memory_space<vmem>>
      %dma_start3A_2561 = arith.constant 0 : i32
      %dma_start3A_2562 = arith.constant 0 : i32
      %dma_start3A_2563 = tpu.memref_slice %arg2[%dma_start3A_2552, %dma_start3A_2561, %dma_start3A_2562] : memref<64x128x1024xf32, #tpu.memory_space<any>> -> memref<1x128x1024xf32, #tpu.memory_space<any>>
      %dma_start3A_2564 = tpu.memref_squeeze %dma_start3A_2563 : memref<1x128x1024xf32, #tpu.memory_space<any>> -> memref<128x1024xf32, #tpu.memory_space<any>>
      tpu.enqueue_dma source(%dma_start3A_2564 : memref<128x1024xf32, #tpu.memory_space<any>>) target(%dma_start3A_2560 : memref<128x1024xf32, #tpu.memory_space<vmem>>) target_semaphore(%dma_start3A_2556 : memref<!tpu.dma_semaphore, #tpu.memory_space<semaphore_mem>>)
      %dma_wait3A_2565 = arith.constant 28 : i32
      %dma_wait3A_2566 = arith.constant 0 : i32
      %dma_wait3A_2567 = arith.constant 0 : i32
      %dma_wait3A_2568 = tpu.memref_slice %arg33[%dma_wait3A_2567] : memref<2x!tpu.dma_semaphore, #tpu.memory_space<semaphore_mem>> -> memref<1x!tpu.dma_semaphore, #tpu.memory_space<semaphore_mem>>
      %dma_wait3A_2569 = tpu.memref_squeeze %dma_wait3A_2568 : memref<1x!tpu.dma_semaphore, #tpu.memory_space<semaphore_mem>> -> memref<!tpu.dma_semaphore, #tpu.memory_space<semaphore_mem>>
      %dma_wait3A_2570 = arith.constant 0 : i32
      %dma_wait3A_2571 = arith.constant 0 : i32
      %dma_wait3A_2572 = tpu.memref_slice %arg24[%dma_wait3A_2566, %dma_wait3A_2570, %dma_wait3A_2571] : memref<2x128x1024xf32, #tpu.memory_space<vmem>> -> memref<1x128x1024xf32, #tpu.memory_space<vmem>>
      %dma_wait3A_2573 = tpu.memref_squeeze %dma_wait3A_2572 : memref<1x128x1024xf32, #tpu.memory_space<vmem>> -> memref<128x1024xf32, #tpu.memory_space<vmem>>
      %dma_wait3A_2574 = arith.constant 0 : i32
      %dma_wait3A_2575 = arith.constant 0 : i32
      %dma_wait3A_2576 = tpu.memref_slice %arg2[%dma_wait3A_2565, %dma_wait3A_2574, %dma_wait3A_2575] : memref<64x128x1024xf32, #tpu.memory_space<any>> -> memref<1x128x1024xf32, #tpu.memory_space<any>>
      %dma_wait3A_2577 = tpu.memref_squeeze %dma_wait3A_2576 : memref<1x128x1024xf32, #tpu.memory_space<any>> -> memref<128x1024xf32, #tpu.memory_space<any>>
      tpu.wait_dma2 semaphore(%dma_wait3A_2569 : memref<!tpu.dma_semaphore, #tpu.memory_space<semaphore_mem>>) src(%dma_wait3A_2577 : memref<128x1024xf32, #tpu.memory_space<any>>) dst(%dma_wait3A_2573 : memref<128x1024xf32, #tpu.memory_space<vmem>>)
      %get3A_2578 = arith.constant 0 : index
      %get3A_2579 = arith.constant 0 : index
      %get3A_2580 = vector.load %arg14[%get3A_2578, %get3A_2579] : memref<128x128xf32, #tpu.memory_space<vmem>>, vector<128x128xf32>
      %get3A_2581 = arith.constant 0 : index
      %get3A_2582 = arith.constant 0 : index
      %get3A_2583 = arith.constant 0 : index
      %get3A_2584 = vector.load %arg24[%get3A_2581, %get3A_2582, %get3A_2583] : memref<2x128x1024xf32, #tpu.memory_space<vmem>>, vector<1x128x1024xf32>
      %get3A_2585 = vector.shape_cast %get3A_2584 : vector<1x128x1024xf32> to vector<128x1024xf32>
      %dot_general3A_2586 = arith.constant dense<0.000000e+00> : vector<128x1024xf32>
      %dot_general3A_2587 = tpu.matmul %get3A_2580, %get3A_2585, %dot_general3A_2586 {dimension_numbers = #tpu.dot_dimension_numbers<[1], [0], [0], [1], [0, 0, 1, 1], [], []>, transpose_lhs_hint = false} : vector<128x128xf32>, vector<128x1024xf32>, vector<128x1024xf32> -> vector<128x1024xf32>
      %get3A_2588 = arith.constant 0 : index
      %get3A_2589 = arith.constant 0 : index
      %get3A_2590 = vector.load %arg15[%get3A_2588, %get3A_2589] : memref<128x1xf32, #tpu.memory_space<vmem>>, vector<128x1xf32>
      %add3A_2591 = vector.broadcast %get3A_2590 : vector<128x1xf32> to vector<128x1024xf32>
      %add3A_2592 = arith.addf %dot_general3A_2587, %add3A_2591 : vector<128x1024xf32>
      %convert_element_type3A_2593 = arith.truncf %add3A_2592 : vector<128x1024xf32> to vector<128x1024xbf16>
      %swap3A_2594 = arith.constant 28 : index
      %swap3A_2595 = arith.constant 0 : index
      %swap3A_2596 = arith.constant 0 : index
      %swap3A_2597 = vector.load %arg23[%swap3A_2594, %swap3A_2595, %swap3A_2596] : memref<64x128x1024xbf16, #tpu.memory_space<vmem>>, vector<1x128x1024xbf16>
      %swap3A_2598 = vector.shape_cast %swap3A_2597 : vector<1x128x1024xbf16> to vector<128x1024xbf16>
      %swap3A_2599 = vector.shape_cast %convert_element_type3A_2593 : vector<128x1024xbf16> to vector<1x128x1024xbf16>
      tpu.vector_store %arg23[%swap3A_2594, %swap3A_2595, %swap3A_2596], %swap3A_2599 {strides = array<i32>} : memref<64x128x1024xbf16, #tpu.memory_space<vmem>>, vector<1x128x1024xbf16>,
      %dma_start3A_2600 = arith.constant 30 : i32
      %dma_start3A_2601 = arith.constant 0 : i32
      %dma_start3A_2602 = arith.constant 0 : i32
      %dma_start3A_2603 = tpu.memref_slice %arg33[%dma_start3A_2602] : memref<2x!tpu.dma_semaphore, #tpu.memory_space<semaphore_mem>> -> memref<1x!tpu.dma_semaphore, #tpu.memory_space<semaphore_mem>>
      %dma_start3A_2604 = tpu.memref_squeeze %dma_start3A_2603 : memref<1x!tpu.dma_semaphore, #tpu.memory_space<semaphore_mem>> -> memref<!tpu.dma_semaphore, #tpu.memory_space<semaphore_mem>>
      %dma_start3A_2605 = arith.constant 0 : i32
      %dma_start3A_2606 = arith.constant 0 : i32
      %dma_start3A_2607 = tpu.memref_slice %arg24[%dma_start3A_2601, %dma_start3A_2605, %dma_start3A_2606] : memref<2x128x1024xf32, #tpu.memory_space<vmem>> -> memref<1x128x1024xf32, #tpu.memory_space<vmem>>
      %dma_start3A_2608 = tpu.memref_squeeze %dma_start3A_2607 : memref<1x128x1024xf32, #tpu.memory_space<vmem>> -> memref<128x1024xf32, #tpu.memory_space<vmem>>
      %dma_start3A_2609 = arith.constant 0 : i32
      %dma_start3A_2610 = arith.constant 0 : i32
      %dma_start3A_2611 = tpu.memref_slice %arg2[%dma_start3A_2600, %dma_start3A_2609, %dma_start3A_2610] : memref<64x128x1024xf32, #tpu.memory_space<any>> -> memref<1x128x1024xf32, #tpu.memory_space<any>>
      %dma_start3A_2612 = tpu.memref_squeeze %dma_start3A_2611 : memref<1x128x1024xf32, #tpu.memory_space<any>> -> memref<128x1024xf32, #tpu.memory_space<any>>
      tpu.enqueue_dma source(%dma_start3A_2612 : memref<128x1024xf32, #tpu.memory_space<any>>) target(%dma_start3A_2608 : memref<128x1024xf32, #tpu.memory_space<vmem>>) target_semaphore(%dma_start3A_2604 : memref<!tpu.dma_semaphore, #tpu.memory_space<semaphore_mem>>)
      %dma_wait3A_2613 = arith.constant 29 : i32
      %dma_wait3A_2614 = arith.constant 1 : i32
      %dma_wait3A_2615 = arith.constant 1 : i32
      %dma_wait3A_2616 = tpu.memref_slice %arg33[%dma_wait3A_2615] : memref<2x!tpu.dma_semaphore, #tpu.memory_space<semaphore_mem>> -> memref<1x!tpu.dma_semaphore, #tpu.memory_space<semaphore_mem>>
      %dma_wait3A_2617 = tpu.memref_squeeze %dma_wait3A_2616 : memref<1x!tpu.dma_semaphore, #tpu.memory_space<semaphore_mem>> -> memref<!tpu.dma_semaphore, #tpu.memory_space<semaphore_mem>>
      %dma_wait3A_2618 = arith.constant 0 : i32
      %dma_wait3A_2619 = arith.constant 0 : i32
      %dma_wait3A_2620 = tpu.memref_slice %arg24[%dma_wait3A_2614, %dma_wait3A_2618, %dma_wait3A_2619] : memref<2x128x1024xf32, #tpu.memory_space<vmem>> -> memref<1x128x1024xf32, #tpu.memory_space<vmem>>
      %dma_wait3A_2621 = tpu.memref_squeeze %dma_wait3A_2620 : memref<1x128x1024xf32, #tpu.memory_space<vmem>> -> memref<128x1024xf32, #tpu.memory_space<vmem>>
      %dma_wait3A_2622 = arith.constant 0 : i32
      %dma_wait3A_2623 = arith.constant 0 : i32
      %dma_wait3A_2624 = tpu.memref_slice %arg2[%dma_wait3A_2613, %dma_wait3A_2622, %dma_wait3A_2623] : memref<64x128x1024xf32, #tpu.memory_space<any>> -> memref<1x128x1024xf32, #tpu.memory_space<any>>
      %dma_wait3A_2625 = tpu.memref_squeeze %dma_wait3A_2624 : memref<1x128x1024xf32, #tpu.memory_space<any>> -> memref<128x1024xf32, #tpu.memory_space<any>>
      tpu.wait_dma2 semaphore(%dma_wait3A_2617 : memref<!tpu.dma_semaphore, #tpu.memory_space<semaphore_mem>>) src(%dma_wait3A_2625 : memref<128x1024xf32, #tpu.memory_space<any>>) dst(%dma_wait3A_2621 : memref<128x1024xf32, #tpu.memory_space<vmem>>)
      %get3A_2626 = arith.constant 0 : index
      %get3A_2627 = arith.constant 0 : index
      %get3A_2628 = vector.load %arg14[%get3A_2626, %get3A_2627] : memref<128x128xf32, #tpu.memory_space<vmem>>, vector<128x128xf32>
      %get3A_2629 = arith.constant 1 : index
      %get3A_2630 = arith.constant 0 : index
      %get3A_2631 = arith.constant 0 : index
      %get3A_2632 = vector.load %arg24[%get3A_2629, %get3A_2630, %get3A_2631] : memref<2x128x1024xf32, #tpu.memory_space<vmem>>, vector<1x128x1024xf32>
      %get3A_2633 = vector.shape_cast %get3A_2632 : vector<1x128x1024xf32> to vector<128x1024xf32>
      %dot_general3A_2634 = arith.constant dense<0.000000e+00> : vector<128x1024xf32>
      %dot_general3A_2635 = tpu.matmul %get3A_2628, %get3A_2633, %dot_general3A_2634 {dimension_numbers = #tpu.dot_dimension_numbers<[1], [0], [0], [1], [0, 0, 1, 1], [], []>, transpose_lhs_hint = false} : vector<128x128xf32>, vector<128x1024xf32>, vector<128x1024xf32> -> vector<128x1024xf32>
      %get3A_2636 = arith.constant 0 : index
      %get3A_2637 = arith.constant 0 : index
      %get3A_2638 = vector.load %arg15[%get3A_2636, %get3A_2637] : memref<128x1xf32, #tpu.memory_space<vmem>>, vector<128x1xf32>
      %add3A_2639 = vector.broadcast %get3A_2638 : vector<128x1xf32> to vector<128x1024xf32>
      %add3A_2640 = arith.addf %dot_general3A_2635, %add3A_2639 : vector<128x1024xf32>
      %convert_element_type3A_2641 = arith.truncf %add3A_2640 : vector<128x1024xf32> to vector<128x1024xbf16>
      %swap3A_2642 = arith.constant 29 : index
      %swap3A_2643 = arith.constant 0 : index
      %swap3A_2644 = arith.constant 0 : index
      %swap3A_2645 = vector.load %arg23[%swap3A_2642, %swap3A_2643, %swap3A_2644] : memref<64x128x1024xbf16, #tpu.memory_space<vmem>>, vector<1x128x1024xbf16>
      %swap3A_2646 = vector.shape_cast %swap3A_2645 : vector<1x128x1024xbf16> to vector<128x1024xbf16>
      %swap3A_2647 = vector.shape_cast %convert_element_type3A_2641 : vector<128x1024xbf16> to vector<1x128x1024xbf16>
      tpu.vector_store %arg23[%swap3A_2642, %swap3A_2643, %swap3A_2644], %swap3A_2647 {strides = array<i32>} : memref<64x128x1024xbf16, #tpu.memory_space<vmem>>, vector<1x128x1024xbf16>,
      %dma_start3A_2648 = arith.constant 31 : i32
      %dma_start3A_2649 = arith.constant 1 : i32
      %dma_start3A_2650 = arith.constant 1 : i32
      %dma_start3A_2651 = tpu.memref_slice %arg33[%dma_start3A_2650] : memref<2x!tpu.dma_semaphore, #tpu.memory_space<semaphore_mem>> -> memref<1x!tpu.dma_semaphore, #tpu.memory_space<semaphore_mem>>
      %dma_start3A_2652 = tpu.memref_squeeze %dma_start3A_2651 : memref<1x!tpu.dma_semaphore, #tpu.memory_space<semaphore_mem>> -> memref<!tpu.dma_semaphore, #tpu.memory_space<semaphore_mem>>
      %dma_start3A_2653 = arith.constant 0 : i32
      %dma_start3A_2654 = arith.constant 0 : i32
      %dma_start3A_2655 = tpu.memref_slice %arg24[%dma_start3A_2649, %dma_start3A_2653, %dma_start3A_2654] : memref<2x128x1024xf32, #tpu.memory_space<vmem>> -> memref<1x128x1024xf32, #tpu.memory_space<vmem>>
      %dma_start3A_2656 = tpu.memref_squeeze %dma_start3A_2655 : memref<1x128x1024xf32, #tpu.memory_space<vmem>> -> memref<128x1024xf32, #tpu.memory_space<vmem>>
      %dma_start3A_2657 = arith.constant 0 : i32
      %dma_start3A_2658 = arith.constant 0 : i32
      %dma_start3A_2659 = tpu.memref_slice %arg2[%dma_start3A_2648, %dma_start3A_2657, %dma_start3A_2658] : memref<64x128x1024xf32, #tpu.memory_space<any>> -> memref<1x128x1024xf32, #tpu.memory_space<any>>
      %dma_start3A_2660 = tpu.memref_squeeze %dma_start3A_2659 : memref<1x128x1024xf32, #tpu.memory_space<any>> -> memref<128x1024xf32, #tpu.memory_space<any>>
      tpu.enqueue_dma source(%dma_start3A_2660 : memref<128x1024xf32, #tpu.memory_space<any>>) target(%dma_start3A_2656 : memref<128x1024xf32, #tpu.memory_space<vmem>>) target_semaphore(%dma_start3A_2652 : memref<!tpu.dma_semaphore, #tpu.memory_space<semaphore_mem>>)
      %dma_wait3A_2661 = arith.constant 30 : i32
      %dma_wait3A_2662 = arith.constant 0 : i32
      %dma_wait3A_2663 = arith.constant 0 : i32
      %dma_wait3A_2664 = tpu.memref_slice %arg33[%dma_wait3A_2663] : memref<2x!tpu.dma_semaphore, #tpu.memory_space<semaphore_mem>> -> memref<1x!tpu.dma_semaphore, #tpu.memory_space<semaphore_mem>>
      %dma_wait3A_2665 = tpu.memref_squeeze %dma_wait3A_2664 : memref<1x!tpu.dma_semaphore, #tpu.memory_space<semaphore_mem>> -> memref<!tpu.dma_semaphore, #tpu.memory_space<semaphore_mem>>
      %dma_wait3A_2666 = arith.constant 0 : i32
      %dma_wait3A_2667 = arith.constant 0 : i32
      %dma_wait3A_2668 = tpu.memref_slice %arg24[%dma_wait3A_2662, %dma_wait3A_2666, %dma_wait3A_2667] : memref<2x128x1024xf32, #tpu.memory_space<vmem>> -> memref<1x128x1024xf32, #tpu.memory_space<vmem>>
      %dma_wait3A_2669 = tpu.memref_squeeze %dma_wait3A_2668 : memref<1x128x1024xf32, #tpu.memory_space<vmem>> -> memref<128x1024xf32, #tpu.memory_space<vmem>>
      %dma_wait3A_2670 = arith.constant 0 : i32
      %dma_wait3A_2671 = arith.constant 0 : i32
      %dma_wait3A_2672 = tpu.memref_slice %arg2[%dma_wait3A_2661, %dma_wait3A_2670, %dma_wait3A_2671] : memref<64x128x1024xf32, #tpu.memory_space<any>> -> memref<1x128x1024xf32, #tpu.memory_space<any>>
      %dma_wait3A_2673 = tpu.memref_squeeze %dma_wait3A_2672 : memref<1x128x1024xf32, #tpu.memory_space<any>> -> memref<128x1024xf32, #tpu.memory_space<any>>
      tpu.wait_dma2 semaphore(%dma_wait3A_2665 : memref<!tpu.dma_semaphore, #tpu.memory_space<semaphore_mem>>) src(%dma_wait3A_2673 : memref<128x1024xf32, #tpu.memory_space<any>>) dst(%dma_wait3A_2669 : memref<128x1024xf32, #tpu.memory_space<vmem>>)
      %get3A_2674 = arith.constant 0 : index
      %get3A_2675 = arith.constant 0 : index
      %get3A_2676 = vector.load %arg14[%get3A_2674, %get3A_2675] : memref<128x128xf32, #tpu.memory_space<vmem>>, vector<128x128xf32>
      %get3A_2677 = arith.constant 0 : index
      %get3A_2678 = arith.constant 0 : index
      %get3A_2679 = arith.constant 0 : index
      %get3A_2680 = vector.load %arg24[%get3A_2677, %get3A_2678, %get3A_2679] : memref<2x128x1024xf32, #tpu.memory_space<vmem>>, vector<1x128x1024xf32>
      %get3A_2681 = vector.shape_cast %get3A_2680 : vector<1x128x1024xf32> to vector<128x1024xf32>
      %dot_general3A_2682 = arith.constant dense<0.000000e+00> : vector<128x1024xf32>
      %dot_general3A_2683 = tpu.matmul %get3A_2676, %get3A_2681, %dot_general3A_2682 {dimension_numbers = #tpu.dot_dimension_numbers<[1], [0], [0], [1], [0, 0, 1, 1], [], []>, transpose_lhs_hint = false} : vector<128x128xf32>, vector<128x1024xf32>, vector<128x1024xf32> -> vector<128x1024xf32>
      %get3A_2684 = arith.constant 0 : index
      %get3A_2685 = arith.constant 0 : index
      %get3A_2686 = vector.load %arg15[%get3A_2684, %get3A_2685] : memref<128x1xf32, #tpu.memory_space<vmem>>, vector<128x1xf32>
      %add3A_2687 = vector.broadcast %get3A_2686 : vector<128x1xf32> to vector<128x1024xf32>
      %add3A_2688 = arith.addf %dot_general3A_2683, %add3A_2687 : vector<128x1024xf32>
      %convert_element_type3A_2689 = arith.truncf %add3A_2688 : vector<128x1024xf32> to vector<128x1024xbf16>
      %swap3A_2690 = arith.constant 30 : index
      %swap3A_2691 = arith.constant 0 : index
      %swap3A_2692 = arith.constant 0 : index
      %swap3A_2693 = vector.load %arg23[%swap3A_2690, %swap3A_2691, %swap3A_2692] : memref<64x128x1024xbf16, #tpu.memory_space<vmem>>, vector<1x128x1024xbf16>
      %swap3A_2694 = vector.shape_cast %swap3A_2693 : vector<1x128x1024xbf16> to vector<128x1024xbf16>
      %swap3A_2695 = vector.shape_cast %convert_element_type3A_2689 : vector<128x1024xbf16> to vector<1x128x1024xbf16>
      tpu.vector_store %arg23[%swap3A_2690, %swap3A_2691, %swap3A_2692], %swap3A_2695 {strides = array<i32>} : memref<64x128x1024xbf16, #tpu.memory_space<vmem>>, vector<1x128x1024xbf16>,
      %dma_start3A_2696 = arith.constant 32 : i32
      %dma_start3A_2697 = arith.constant 0 : i32
      %dma_start3A_2698 = arith.constant 0 : i32
      %dma_start3A_2699 = tpu.memref_slice %arg33[%dma_start3A_2698] : memref<2x!tpu.dma_semaphore, #tpu.memory_space<semaphore_mem>> -> memref<1x!tpu.dma_semaphore, #tpu.memory_space<semaphore_mem>>
      %dma_start3A_2700 = tpu.memref_squeeze %dma_start3A_2699 : memref<1x!tpu.dma_semaphore, #tpu.memory_space<semaphore_mem>> -> memref<!tpu.dma_semaphore, #tpu.memory_space<semaphore_mem>>
      %dma_start3A_2701 = arith.constant 0 : i32
      %dma_start3A_2702 = arith.constant 0 : i32
      %dma_start3A_2703 = tpu.memref_slice %arg24[%dma_start3A_2697, %dma_start3A_2701, %dma_start3A_2702] : memref<2x128x1024xf32, #tpu.memory_space<vmem>> -> memref<1x128x1024xf32, #tpu.memory_space<vmem>>
      %dma_start3A_2704 = tpu.memref_squeeze %dma_start3A_2703 : memref<1x128x1024xf32, #tpu.memory_space<vmem>> -> memref<128x1024xf32, #tpu.memory_space<vmem>>
      %dma_start3A_2705 = arith.constant 0 : i32
      %dma_start3A_2706 = arith.constant 0 : i32
      %dma_start3A_2707 = tpu.memref_slice %arg2[%dma_start3A_2696, %dma_start3A_2705, %dma_start3A_2706] : memref<64x128x1024xf32, #tpu.memory_space<any>> -> memref<1x128x1024xf32, #tpu.memory_space<any>>
      %dma_start3A_2708 = tpu.memref_squeeze %dma_start3A_2707 : memref<1x128x1024xf32, #tpu.memory_space<any>> -> memref<128x1024xf32, #tpu.memory_space<any>>
      tpu.enqueue_dma source(%dma_start3A_2708 : memref<128x1024xf32, #tpu.memory_space<any>>) target(%dma_start3A_2704 : memref<128x1024xf32, #tpu.memory_space<vmem>>) target_semaphore(%dma_start3A_2700 : memref<!tpu.dma_semaphore, #tpu.memory_space<semaphore_mem>>)
      %dma_wait3A_2709 = arith.constant 31 : i32
      %dma_wait3A_2710 = arith.constant 1 : i32
      %dma_wait3A_2711 = arith.constant 1 : i32
      %dma_wait3A_2712 = tpu.memref_slice %arg33[%dma_wait3A_2711] : memref<2x!tpu.dma_semaphore, #tpu.memory_space<semaphore_mem>> -> memref<1x!tpu.dma_semaphore, #tpu.memory_space<semaphore_mem>>
      %dma_wait3A_2713 = tpu.memref_squeeze %dma_wait3A_2712 : memref<1x!tpu.dma_semaphore, #tpu.memory_space<semaphore_mem>> -> memref<!tpu.dma_semaphore, #tpu.memory_space<semaphore_mem>>
      %dma_wait3A_2714 = arith.constant 0 : i32
      %dma_wait3A_2715 = arith.constant 0 : i32
      %dma_wait3A_2716 = tpu.memref_slice %arg24[%dma_wait3A_2710, %dma_wait3A_2714, %dma_wait3A_2715] : memref<2x128x1024xf32, #tpu.memory_space<vmem>> -> memref<1x128x1024xf32, #tpu.memory_space<vmem>>
      %dma_wait3A_2717 = tpu.memref_squeeze %dma_wait3A_2716 : memref<1x128x1024xf32, #tpu.memory_space<vmem>> -> memref<128x1024xf32, #tpu.memory_space<vmem>>
      %dma_wait3A_2718 = arith.constant 0 : i32
      %dma_wait3A_2719 = arith.constant 0 : i32
      %dma_wait3A_2720 = tpu.memref_slice %arg2[%dma_wait3A_2709, %dma_wait3A_2718, %dma_wait3A_2719] : memref<64x128x1024xf32, #tpu.memory_space<any>> -> memref<1x128x1024xf32, #tpu.memory_space<any>>
      %dma_wait3A_2721 = tpu.memref_squeeze %dma_wait3A_2720 : memref<1x128x1024xf32, #tpu.memory_space<any>> -> memref<128x1024xf32, #tpu.memory_space<any>>
      tpu.wait_dma2 semaphore(%dma_wait3A_2713 : memref<!tpu.dma_semaphore, #tpu.memory_space<semaphore_mem>>) src(%dma_wait3A_2721 : memref<128x1024xf32, #tpu.memory_space<any>>) dst(%dma_wait3A_2717 : memref<128x1024xf32, #tpu.memory_space<vmem>>)
      %get3A_2722 = arith.constant 0 : index
      %get3A_2723 = arith.constant 0 : index
      %get3A_2724 = vector.load %arg14[%get3A_2722, %get3A_2723] : memref<128x128xf32, #tpu.memory_space<vmem>>, vector<128x128xf32>
      %get3A_2725 = arith.constant 1 : index
      %get3A_2726 = arith.constant 0 : index
      %get3A_2727 = arith.constant 0 : index
      %get3A_2728 = vector.load %arg24[%get3A_2725, %get3A_2726, %get3A_2727] : memref<2x128x1024xf32, #tpu.memory_space<vmem>>, vector<1x128x1024xf32>
      %get3A_2729 = vector.shape_cast %get3A_2728 : vector<1x128x1024xf32> to vector<128x1024xf32>
      %dot_general3A_2730 = arith.constant dense<0.000000e+00> : vector<128x1024xf32>
      %dot_general3A_2731 = tpu.matmul %get3A_2724, %get3A_2729, %dot_general3A_2730 {dimension_numbers = #tpu.dot_dimension_numbers<[1], [0], [0], [1], [0, 0, 1, 1], [], []>, transpose_lhs_hint = false} : vector<128x128xf32>, vector<128x1024xf32>, vector<128x1024xf32> -> vector<128x1024xf32>
      %get3A_2732 = arith.constant 0 : index
      %get3A_2733 = arith.constant 0 : index
      %get3A_2734 = vector.load %arg15[%get3A_2732, %get3A_2733] : memref<128x1xf32, #tpu.memory_space<vmem>>, vector<128x1xf32>
      %add3A_2735 = vector.broadcast %get3A_2734 : vector<128x1xf32> to vector<128x1024xf32>
      %add3A_2736 = arith.addf %dot_general3A_2731, %add3A_2735 : vector<128x1024xf32>
      %convert_element_type3A_2737 = arith.truncf %add3A_2736 : vector<128x1024xf32> to vector<128x1024xbf16>
      %swap3A_2738 = arith.constant 31 : index
      %swap3A_2739 = arith.constant 0 : index
      %swap3A_2740 = arith.constant 0 : index
      %swap3A_2741 = vector.load %arg23[%swap3A_2738, %swap3A_2739, %swap3A_2740] : memref<64x128x1024xbf16, #tpu.memory_space<vmem>>, vector<1x128x1024xbf16>
      %swap3A_2742 = vector.shape_cast %swap3A_2741 : vector<1x128x1024xbf16> to vector<128x1024xbf16>
      %swap3A_2743 = vector.shape_cast %convert_element_type3A_2737 : vector<128x1024xbf16> to vector<1x128x1024xbf16>
      tpu.vector_store %arg23[%swap3A_2738, %swap3A_2739, %swap3A_2740], %swap3A_2743 {strides = array<i32>} : memref<64x128x1024xbf16, #tpu.memory_space<vmem>>, vector<1x128x1024xbf16>,
      %dma_start3A_2744 = arith.constant 33 : i32
      %dma_start3A_2745 = arith.constant 1 : i32
      %dma_start3A_2746 = arith.constant 1 : i32
      %dma_start3A_2747 = tpu.memref_slice %arg33[%dma_start3A_2746] : memref<2x!tpu.dma_semaphore, #tpu.memory_space<semaphore_mem>> -> memref<1x!tpu.dma_semaphore, #tpu.memory_space<semaphore_mem>>
      %dma_start3A_2748 = tpu.memref_squeeze %dma_start3A_2747 : memref<1x!tpu.dma_semaphore, #tpu.memory_space<semaphore_mem>> -> memref<!tpu.dma_semaphore, #tpu.memory_space<semaphore_mem>>
      %dma_start3A_2749 = arith.constant 0 : i32
      %dma_start3A_2750 = arith.constant 0 : i32
      %dma_start3A_2751 = tpu.memref_slice %arg24[%dma_start3A_2745, %dma_start3A_2749, %dma_start3A_2750] : memref<2x128x1024xf32, #tpu.memory_space<vmem>> -> memref<1x128x1024xf32, #tpu.memory_space<vmem>>
      %dma_start3A_2752 = tpu.memref_squeeze %dma_start3A_2751 : memref<1x128x1024xf32, #tpu.memory_space<vmem>> -> memref<128x1024xf32, #tpu.memory_space<vmem>>
      %dma_start3A_2753 = arith.constant 0 : i32
      %dma_start3A_2754 = arith.constant 0 : i32
      %dma_start3A_2755 = tpu.memref_slice %arg2[%dma_start3A_2744, %dma_start3A_2753, %dma_start3A_2754] : memref<64x128x1024xf32, #tpu.memory_space<any>> -> memref<1x128x1024xf32, #tpu.memory_space<any>>
      %dma_start3A_2756 = tpu.memref_squeeze %dma_start3A_2755 : memref<1x128x1024xf32, #tpu.memory_space<any>> -> memref<128x1024xf32, #tpu.memory_space<any>>
      tpu.enqueue_dma source(%dma_start3A_2756 : memref<128x1024xf32, #tpu.memory_space<any>>) target(%dma_start3A_2752 : memref<128x1024xf32, #tpu.memory_space<vmem>>) target_semaphore(%dma_start3A_2748 : memref<!tpu.dma_semaphore, #tpu.memory_space<semaphore_mem>>)
      %dma_wait3A_2757 = arith.constant 32 : i32
      %dma_wait3A_2758 = arith.constant 0 : i32
      %dma_wait3A_2759 = arith.constant 0 : i32
      %dma_wait3A_2760 = tpu.memref_slice %arg33[%dma_wait3A_2759] : memref<2x!tpu.dma_semaphore, #tpu.memory_space<semaphore_mem>> -> memref<1x!tpu.dma_semaphore, #tpu.memory_space<semaphore_mem>>
      %dma_wait3A_2761 = tpu.memref_squeeze %dma_wait3A_2760 : memref<1x!tpu.dma_semaphore, #tpu.memory_space<semaphore_mem>> -> memref<!tpu.dma_semaphore, #tpu.memory_space<semaphore_mem>>
      %dma_wait3A_2762 = arith.constant 0 : i32
      %dma_wait3A_2763 = arith.constant 0 : i32
      %dma_wait3A_2764 = tpu.memref_slice %arg24[%dma_wait3A_2758, %dma_wait3A_2762, %dma_wait3A_2763] : memref<2x128x1024xf32, #tpu.memory_space<vmem>> -> memref<1x128x1024xf32, #tpu.memory_space<vmem>>
      %dma_wait3A_2765 = tpu.memref_squeeze %dma_wait3A_2764 : memref<1x128x1024xf32, #tpu.memory_space<vmem>> -> memref<128x1024xf32, #tpu.memory_space<vmem>>
      %dma_wait3A_2766 = arith.constant 0 : i32
      %dma_wait3A_2767 = arith.constant 0 : i32
      %dma_wait3A_2768 = tpu.memref_slice %arg2[%dma_wait3A_2757, %dma_wait3A_2766, %dma_wait3A_2767] : memref<64x128x1024xf32, #tpu.memory_space<any>> -> memref<1x128x1024xf32, #tpu.memory_space<any>>
      %dma_wait3A_2769 = tpu.memref_squeeze %dma_wait3A_2768 : memref<1x128x1024xf32, #tpu.memory_space<any>> -> memref<128x1024xf32, #tpu.memory_space<any>>
      tpu.wait_dma2 semaphore(%dma_wait3A_2761 : memref<!tpu.dma_semaphore, #tpu.memory_space<semaphore_mem>>) src(%dma_wait3A_2769 : memref<128x1024xf32, #tpu.memory_space<any>>) dst(%dma_wait3A_2765 : memref<128x1024xf32, #tpu.memory_space<vmem>>)
      %get3A_2770 = arith.constant 0 : index
      %get3A_2771 = arith.constant 0 : index
      %get3A_2772 = vector.load %arg14[%get3A_2770, %get3A_2771] : memref<128x128xf32, #tpu.memory_space<vmem>>, vector<128x128xf32>
      %get3A_2773 = arith.constant 0 : index
      %get3A_2774 = arith.constant 0 : index
      %get3A_2775 = arith.constant 0 : index
      %get3A_2776 = vector.load %arg24[%get3A_2773, %get3A_2774, %get3A_2775] : memref<2x128x1024xf32, #tpu.memory_space<vmem>>, vector<1x128x1024xf32>
      %get3A_2777 = vector.shape_cast %get3A_2776 : vector<1x128x1024xf32> to vector<128x1024xf32>
      %dot_general3A_2778 = arith.constant dense<0.000000e+00> : vector<128x1024xf32>
      %dot_general3A_2779 = tpu.matmul %get3A_2772, %get3A_2777, %dot_general3A_2778 {dimension_numbers = #tpu.dot_dimension_numbers<[1], [0], [0], [1], [0, 0, 1, 1], [], []>, transpose_lhs_hint = false} : vector<128x128xf32>, vector<128x1024xf32>, vector<128x1024xf32> -> vector<128x1024xf32>
      %get3A_2780 = arith.constant 0 : index
      %get3A_2781 = arith.constant 0 : index
      %get3A_2782 = vector.load %arg15[%get3A_2780, %get3A_2781] : memref<128x1xf32, #tpu.memory_space<vmem>>, vector<128x1xf32>
      %add3A_2783 = vector.broadcast %get3A_2782 : vector<128x1xf32> to vector<128x1024xf32>
      %add3A_2784 = arith.addf %dot_general3A_2779, %add3A_2783 : vector<128x1024xf32>
      %convert_element_type3A_2785 = arith.truncf %add3A_2784 : vector<128x1024xf32> to vector<128x1024xbf16>
      %swap3A_2786 = arith.constant 32 : index
      %swap3A_2787 = arith.constant 0 : index
      %swap3A_2788 = arith.constant 0 : index
      %swap3A_2789 = vector.load %arg23[%swap3A_2786, %swap3A_2787, %swap3A_2788] : memref<64x128x1024xbf16, #tpu.memory_space<vmem>>, vector<1x128x1024xbf16>
      %swap3A_2790 = vector.shape_cast %swap3A_2789 : vector<1x128x1024xbf16> to vector<128x1024xbf16>
      %swap3A_2791 = vector.shape_cast %convert_element_type3A_2785 : vector<128x1024xbf16> to vector<1x128x1024xbf16>
      tpu.vector_store %arg23[%swap3A_2786, %swap3A_2787, %swap3A_2788], %swap3A_2791 {strides = array<i32>} : memref<64x128x1024xbf16, #tpu.memory_space<vmem>>, vector<1x128x1024xbf16>,
      %dma_start3A_2792 = arith.constant 34 : i32
      %dma_start3A_2793 = arith.constant 0 : i32
      %dma_start3A_2794 = arith.constant 0 : i32
      %dma_start3A_2795 = tpu.memref_slice %arg33[%dma_start3A_2794] : memref<2x!tpu.dma_semaphore, #tpu.memory_space<semaphore_mem>> -> memref<1x!tpu.dma_semaphore, #tpu.memory_space<semaphore_mem>>
      %dma_start3A_2796 = tpu.memref_squeeze %dma_start3A_2795 : memref<1x!tpu.dma_semaphore, #tpu.memory_space<semaphore_mem>> -> memref<!tpu.dma_semaphore, #tpu.memory_space<semaphore_mem>>
      %dma_start3A_2797 = arith.constant 0 : i32
      %dma_start3A_2798 = arith.constant 0 : i32
      %dma_start3A_2799 = tpu.memref_slice %arg24[%dma_start3A_2793, %dma_start3A_2797, %dma_start3A_2798] : memref<2x128x1024xf32, #tpu.memory_space<vmem>> -> memref<1x128x1024xf32, #tpu.memory_space<vmem>>
      %dma_start3A_2800 = tpu.memref_squeeze %dma_start3A_2799 : memref<1x128x1024xf32, #tpu.memory_space<vmem>> -> memref<128x1024xf32, #tpu.memory_space<vmem>>
      %dma_start3A_2801 = arith.constant 0 : i32
      %dma_start3A_2802 = arith.constant 0 : i32
      %dma_start3A_2803 = tpu.memref_slice %arg2[%dma_start3A_2792, %dma_start3A_2801, %dma_start3A_2802] : memref<64x128x1024xf32, #tpu.memory_space<any>> -> memref<1x128x1024xf32, #tpu.memory_space<any>>
      %dma_start3A_2804 = tpu.memref_squeeze %dma_start3A_2803 : memref<1x128x1024xf32, #tpu.memory_space<any>> -> memref<128x1024xf32, #tpu.memory_space<any>>
      tpu.enqueue_dma source(%dma_start3A_2804 : memref<128x1024xf32, #tpu.memory_space<any>>) target(%dma_start3A_2800 : memref<128x1024xf32, #tpu.memory_space<vmem>>) target_semaphore(%dma_start3A_2796 : memref<!tpu.dma_semaphore, #tpu.memory_space<semaphore_mem>>)
      %dma_wait3A_2805 = arith.constant 33 : i32
      %dma_wait3A_2806 = arith.constant 1 : i32
      %dma_wait3A_2807 = arith.constant 1 : i32
      %dma_wait3A_2808 = tpu.memref_slice %arg33[%dma_wait3A_2807] : memref<2x!tpu.dma_semaphore, #tpu.memory_space<semaphore_mem>> -> memref<1x!tpu.dma_semaphore, #tpu.memory_space<semaphore_mem>>
      %dma_wait3A_2809 = tpu.memref_squeeze %dma_wait3A_2808 : memref<1x!tpu.dma_semaphore, #tpu.memory_space<semaphore_mem>> -> memref<!tpu.dma_semaphore, #tpu.memory_space<semaphore_mem>>
      %dma_wait3A_2810 = arith.constant 0 : i32
      %dma_wait3A_2811 = arith.constant 0 : i32
      %dma_wait3A_2812 = tpu.memref_slice %arg24[%dma_wait3A_2806, %dma_wait3A_2810, %dma_wait3A_2811] : memref<2x128x1024xf32, #tpu.memory_space<vmem>> -> memref<1x128x1024xf32, #tpu.memory_space<vmem>>
      %dma_wait3A_2813 = tpu.memref_squeeze %dma_wait3A_2812 : memref<1x128x1024xf32, #tpu.memory_space<vmem>> -> memref<128x1024xf32, #tpu.memory_space<vmem>>
      %dma_wait3A_2814 = arith.constant 0 : i32
      %dma_wait3A_2815 = arith.constant 0 : i32
      %dma_wait3A_2816 = tpu.memref_slice %arg2[%dma_wait3A_2805, %dma_wait3A_2814, %dma_wait3A_2815] : memref<64x128x1024xf32, #tpu.memory_space<any>> -> memref<1x128x1024xf32, #tpu.memory_space<any>>
      %dma_wait3A_2817 = tpu.memref_squeeze %dma_wait3A_2816 : memref<1x128x1024xf32, #tpu.memory_space<any>> -> memref<128x1024xf32, #tpu.memory_space<any>>
      tpu.wait_dma2 semaphore(%dma_wait3A_2809 : memref<!tpu.dma_semaphore, #tpu.memory_space<semaphore_mem>>) src(%dma_wait3A_2817 : memref<128x1024xf32, #tpu.memory_space<any>>) dst(%dma_wait3A_2813 : memref<128x1024xf32, #tpu.memory_space<vmem>>)
      %get3A_2818 = arith.constant 0 : index
      %get3A_2819 = arith.constant 0 : index
      %get3A_2820 = vector.load %arg14[%get3A_2818, %get3A_2819] : memref<128x128xf32, #tpu.memory_space<vmem>>, vector<128x128xf32>
      %get3A_2821 = arith.constant 1 : index
      %get3A_2822 = arith.constant 0 : index
      %get3A_2823 = arith.constant 0 : index
      %get3A_2824 = vector.load %arg24[%get3A_2821, %get3A_2822, %get3A_2823] : memref<2x128x1024xf32, #tpu.memory_space<vmem>>, vector<1x128x1024xf32>
      %get3A_2825 = vector.shape_cast %get3A_2824 : vector<1x128x1024xf32> to vector<128x1024xf32>
      %dot_general3A_2826 = arith.constant dense<0.000000e+00> : vector<128x1024xf32>
      %dot_general3A_2827 = tpu.matmul %get3A_2820, %get3A_2825, %dot_general3A_2826 {dimension_numbers = #tpu.dot_dimension_numbers<[1], [0], [0], [1], [0, 0, 1, 1], [], []>, transpose_lhs_hint = false} : vector<128x128xf32>, vector<128x1024xf32>, vector<128x1024xf32> -> vector<128x1024xf32>
      %get3A_2828 = arith.constant 0 : index
      %get3A_2829 = arith.constant 0 : index
      %get3A_2830 = vector.load %arg15[%get3A_2828, %get3A_2829] : memref<128x1xf32, #tpu.memory_space<vmem>>, vector<128x1xf32>
      %add3A_2831 = vector.broadcast %get3A_2830 : vector<128x1xf32> to vector<128x1024xf32>
      %add3A_2832 = arith.addf %dot_general3A_2827, %add3A_2831 : vector<128x1024xf32>
      %convert_element_type3A_2833 = arith.truncf %add3A_2832 : vector<128x1024xf32> to vector<128x1024xbf16>
      %swap3A_2834 = arith.constant 33 : index
      %swap3A_2835 = arith.constant 0 : index
      %swap3A_2836 = arith.constant 0 : index
      %swap3A_2837 = vector.load %arg23[%swap3A_2834, %swap3A_2835, %swap3A_2836] : memref<64x128x1024xbf16, #tpu.memory_space<vmem>>, vector<1x128x1024xbf16>
      %swap3A_2838 = vector.shape_cast %swap3A_2837 : vector<1x128x1024xbf16> to vector<128x1024xbf16>
      %swap3A_2839 = vector.shape_cast %convert_element_type3A_2833 : vector<128x1024xbf16> to vector<1x128x1024xbf16>
      tpu.vector_store %arg23[%swap3A_2834, %swap3A_2835, %swap3A_2836], %swap3A_2839 {strides = array<i32>} : memref<64x128x1024xbf16, #tpu.memory_space<vmem>>, vector<1x128x1024xbf16>,
      %dma_start3A_2840 = arith.constant 35 : i32
      %dma_start3A_2841 = arith.constant 1 : i32
      %dma_start3A_2842 = arith.constant 1 : i32
      %dma_start3A_2843 = tpu.memref_slice %arg33[%dma_start3A_2842] : memref<2x!tpu.dma_semaphore, #tpu.memory_space<semaphore_mem>> -> memref<1x!tpu.dma_semaphore, #tpu.memory_space<semaphore_mem>>
      %dma_start3A_2844 = tpu.memref_squeeze %dma_start3A_2843 : memref<1x!tpu.dma_semaphore, #tpu.memory_space<semaphore_mem>> -> memref<!tpu.dma_semaphore, #tpu.memory_space<semaphore_mem>>
      %dma_start3A_2845 = arith.constant 0 : i32
      %dma_start3A_2846 = arith.constant 0 : i32
      %dma_start3A_2847 = tpu.memref_slice %arg24[%dma_start3A_2841, %dma_start3A_2845, %dma_start3A_2846] : memref<2x128x1024xf32, #tpu.memory_space<vmem>> -> memref<1x128x1024xf32, #tpu.memory_space<vmem>>
      %dma_start3A_2848 = tpu.memref_squeeze %dma_start3A_2847 : memref<1x128x1024xf32, #tpu.memory_space<vmem>> -> memref<128x1024xf32, #tpu.memory_space<vmem>>
      %dma_start3A_2849 = arith.constant 0 : i32
      %dma_start3A_2850 = arith.constant 0 : i32
      %dma_start3A_2851 = tpu.memref_slice %arg2[%dma_start3A_2840, %dma_start3A_2849, %dma_start3A_2850] : memref<64x128x1024xf32, #tpu.memory_space<any>> -> memref<1x128x1024xf32, #tpu.memory_space<any>>
      %dma_start3A_2852 = tpu.memref_squeeze %dma_start3A_2851 : memref<1x128x1024xf32, #tpu.memory_space<any>> -> memref<128x1024xf32, #tpu.memory_space<any>>
      tpu.enqueue_dma source(%dma_start3A_2852 : memref<128x1024xf32, #tpu.memory_space<any>>) target(%dma_start3A_2848 : memref<128x1024xf32, #tpu.memory_space<vmem>>) target_semaphore(%dma_start3A_2844 : memref<!tpu.dma_semaphore, #tpu.memory_space<semaphore_mem>>)
      %dma_wait3A_2853 = arith.constant 34 : i32
      %dma_wait3A_2854 = arith.constant 0 : i32
      %dma_wait3A_2855 = arith.constant 0 : i32
      %dma_wait3A_2856 = tpu.memref_slice %arg33[%dma_wait3A_2855] : memref<2x!tpu.dma_semaphore, #tpu.memory_space<semaphore_mem>> -> memref<1x!tpu.dma_semaphore, #tpu.memory_space<semaphore_mem>>
      %dma_wait3A_2857 = tpu.memref_squeeze %dma_wait3A_2856 : memref<1x!tpu.dma_semaphore, #tpu.memory_space<semaphore_mem>> -> memref<!tpu.dma_semaphore, #tpu.memory_space<semaphore_mem>>
      %dma_wait3A_2858 = arith.constant 0 : i32
      %dma_wait3A_2859 = arith.constant 0 : i32
      %dma_wait3A_2860 = tpu.memref_slice %arg24[%dma_wait3A_2854, %dma_wait3A_2858, %dma_wait3A_2859] : memref<2x128x1024xf32, #tpu.memory_space<vmem>> -> memref<1x128x1024xf32, #tpu.memory_space<vmem>>
      %dma_wait3A_2861 = tpu.memref_squeeze %dma_wait3A_2860 : memref<1x128x1024xf32, #tpu.memory_space<vmem>> -> memref<128x1024xf32, #tpu.memory_space<vmem>>
      %dma_wait3A_2862 = arith.constant 0 : i32
      %dma_wait3A_2863 = arith.constant 0 : i32
      %dma_wait3A_2864 = tpu.memref_slice %arg2[%dma_wait3A_2853, %dma_wait3A_2862, %dma_wait3A_2863] : memref<64x128x1024xf32, #tpu.memory_space<any>> -> memref<1x128x1024xf32, #tpu.memory_space<any>>
      %dma_wait3A_2865 = tpu.memref_squeeze %dma_wait3A_2864 : memref<1x128x1024xf32, #tpu.memory_space<any>> -> memref<128x1024xf32, #tpu.memory_space<any>>
      tpu.wait_dma2 semaphore(%dma_wait3A_2857 : memref<!tpu.dma_semaphore, #tpu.memory_space<semaphore_mem>>) src(%dma_wait3A_2865 : memref<128x1024xf32, #tpu.memory_space<any>>) dst(%dma_wait3A_2861 : memref<128x1024xf32, #tpu.memory_space<vmem>>)
      %get3A_2866 = arith.constant 0 : index
      %get3A_2867 = arith.constant 0 : index
      %get3A_2868 = vector.load %arg14[%get3A_2866, %get3A_2867] : memref<128x128xf32, #tpu.memory_space<vmem>>, vector<128x128xf32>
      %get3A_2869 = arith.constant 0 : index
      %get3A_2870 = arith.constant 0 : index
      %get3A_2871 = arith.constant 0 : index
      %get3A_2872 = vector.load %arg24[%get3A_2869, %get3A_2870, %get3A_2871] : memref<2x128x1024xf32, #tpu.memory_space<vmem>>, vector<1x128x1024xf32>
      %get3A_2873 = vector.shape_cast %get3A_2872 : vector<1x128x1024xf32> to vector<128x1024xf32>
      %dot_general3A_2874 = arith.constant dense<0.000000e+00> : vector<128x1024xf32>
      %dot_general3A_2875 = tpu.matmul %get3A_2868, %get3A_2873, %dot_general3A_2874 {dimension_numbers = #tpu.dot_dimension_numbers<[1], [0], [0], [1], [0, 0, 1, 1], [], []>, transpose_lhs_hint = false} : vector<128x128xf32>, vector<128x1024xf32>, vector<128x1024xf32> -> vector<128x1024xf32>
      %get3A_2876 = arith.constant 0 : index
      %get3A_2877 = arith.constant 0 : index
      %get3A_2878 = vector.load %arg15[%get3A_2876, %get3A_2877] : memref<128x1xf32, #tpu.memory_space<vmem>>, vector<128x1xf32>
      %add3A_2879 = vector.broadcast %get3A_2878 : vector<128x1xf32> to vector<128x1024xf32>
      %add3A_2880 = arith.addf %dot_general3A_2875, %add3A_2879 : vector<128x1024xf32>
      %convert_element_type3A_2881 = arith.truncf %add3A_2880 : vector<128x1024xf32> to vector<128x1024xbf16>
      %swap3A_2882 = arith.constant 34 : index
      %swap3A_2883 = arith.constant 0 : index
      %swap3A_2884 = arith.constant 0 : index
      %swap3A_2885 = vector.load %arg23[%swap3A_2882, %swap3A_2883, %swap3A_2884] : memref<64x128x1024xbf16, #tpu.memory_space<vmem>>, vector<1x128x1024xbf16>
      %swap3A_2886 = vector.shape_cast %swap3A_2885 : vector<1x128x1024xbf16> to vector<128x1024xbf16>
      %swap3A_2887 = vector.shape_cast %convert_element_type3A_2881 : vector<128x1024xbf16> to vector<1x128x1024xbf16>
      tpu.vector_store %arg23[%swap3A_2882, %swap3A_2883, %swap3A_2884], %swap3A_2887 {strides = array<i32>} : memref<64x128x1024xbf16, #tpu.memory_space<vmem>>, vector<1x128x1024xbf16>,
      %dma_start3A_2888 = arith.constant 36 : i32
      %dma_start3A_2889 = arith.constant 0 : i32
      %dma_start3A_2890 = arith.constant 0 : i32
      %dma_start3A_2891 = tpu.memref_slice %arg33[%dma_start3A_2890] : memref<2x!tpu.dma_semaphore, #tpu.memory_space<semaphore_mem>> -> memref<1x!tpu.dma_semaphore, #tpu.memory_space<semaphore_mem>>
      %dma_start3A_2892 = tpu.memref_squeeze %dma_start3A_2891 : memref<1x!tpu.dma_semaphore, #tpu.memory_space<semaphore_mem>> -> memref<!tpu.dma_semaphore, #tpu.memory_space<semaphore_mem>>
      %dma_start3A_2893 = arith.constant 0 : i32
      %dma_start3A_2894 = arith.constant 0 : i32
      %dma_start3A_2895 = tpu.memref_slice %arg24[%dma_start3A_2889, %dma_start3A_2893, %dma_start3A_2894] : memref<2x128x1024xf32, #tpu.memory_space<vmem>> -> memref<1x128x1024xf32, #tpu.memory_space<vmem>>
      %dma_start3A_2896 = tpu.memref_squeeze %dma_start3A_2895 : memref<1x128x1024xf32, #tpu.memory_space<vmem>> -> memref<128x1024xf32, #tpu.memory_space<vmem>>
      %dma_start3A_2897 = arith.constant 0 : i32
      %dma_start3A_2898 = arith.constant 0 : i32
      %dma_start3A_2899 = tpu.memref_slice %arg2[%dma_start3A_2888, %dma_start3A_2897, %dma_start3A_2898] : memref<64x128x1024xf32, #tpu.memory_space<any>> -> memref<1x128x1024xf32, #tpu.memory_space<any>>
      %dma_start3A_2900 = tpu.memref_squeeze %dma_start3A_2899 : memref<1x128x1024xf32, #tpu.memory_space<any>> -> memref<128x1024xf32, #tpu.memory_space<any>>
      tpu.enqueue_dma source(%dma_start3A_2900 : memref<128x1024xf32, #tpu.memory_space<any>>) target(%dma_start3A_2896 : memref<128x1024xf32, #tpu.memory_space<vmem>>) target_semaphore(%dma_start3A_2892 : memref<!tpu.dma_semaphore, #tpu.memory_space<semaphore_mem>>)
      %dma_wait3A_2901 = arith.constant 35 : i32
      %dma_wait3A_2902 = arith.constant 1 : i32
      %dma_wait3A_2903 = arith.constant 1 : i32
      %dma_wait3A_2904 = tpu.memref_slice %arg33[%dma_wait3A_2903] : memref<2x!tpu.dma_semaphore, #tpu.memory_space<semaphore_mem>> -> memref<1x!tpu.dma_semaphore, #tpu.memory_space<semaphore_mem>>
      %dma_wait3A_2905 = tpu.memref_squeeze %dma_wait3A_2904 : memref<1x!tpu.dma_semaphore, #tpu.memory_space<semaphore_mem>> -> memref<!tpu.dma_semaphore, #tpu.memory_space<semaphore_mem>>
      %dma_wait3A_2906 = arith.constant 0 : i32
      %dma_wait3A_2907 = arith.constant 0 : i32
      %dma_wait3A_2908 = tpu.memref_slice %arg24[%dma_wait3A_2902, %dma_wait3A_2906, %dma_wait3A_2907] : memref<2x128x1024xf32, #tpu.memory_space<vmem>> -> memref<1x128x1024xf32, #tpu.memory_space<vmem>>
      %dma_wait3A_2909 = tpu.memref_squeeze %dma_wait3A_2908 : memref<1x128x1024xf32, #tpu.memory_space<vmem>> -> memref<128x1024xf32, #tpu.memory_space<vmem>>
      %dma_wait3A_2910 = arith.constant 0 : i32
      %dma_wait3A_2911 = arith.constant 0 : i32
      %dma_wait3A_2912 = tpu.memref_slice %arg2[%dma_wait3A_2901, %dma_wait3A_2910, %dma_wait3A_2911] : memref<64x128x1024xf32, #tpu.memory_space<any>> -> memref<1x128x1024xf32, #tpu.memory_space<any>>
      %dma_wait3A_2913 = tpu.memref_squeeze %dma_wait3A_2912 : memref<1x128x1024xf32, #tpu.memory_space<any>> -> memref<128x1024xf32, #tpu.memory_space<any>>
      tpu.wait_dma2 semaphore(%dma_wait3A_2905 : memref<!tpu.dma_semaphore, #tpu.memory_space<semaphore_mem>>) src(%dma_wait3A_2913 : memref<128x1024xf32, #tpu.memory_space<any>>) dst(%dma_wait3A_2909 : memref<128x1024xf32, #tpu.memory_space<vmem>>)
      %get3A_2914 = arith.constant 0 : index
      %get3A_2915 = arith.constant 0 : index
      %get3A_2916 = vector.load %arg14[%get3A_2914, %get3A_2915] : memref<128x128xf32, #tpu.memory_space<vmem>>, vector<128x128xf32>
      %get3A_2917 = arith.constant 1 : index
      %get3A_2918 = arith.constant 0 : index
      %get3A_2919 = arith.constant 0 : index
      %get3A_2920 = vector.load %arg24[%get3A_2917, %get3A_2918, %get3A_2919] : memref<2x128x1024xf32, #tpu.memory_space<vmem>>, vector<1x128x1024xf32>
      %get3A_2921 = vector.shape_cast %get3A_2920 : vector<1x128x1024xf32> to vector<128x1024xf32>
      %dot_general3A_2922 = arith.constant dense<0.000000e+00> : vector<128x1024xf32>
      %dot_general3A_2923 = tpu.matmul %get3A_2916, %get3A_2921, %dot_general3A_2922 {dimension_numbers = #tpu.dot_dimension_numbers<[1], [0], [0], [1], [0, 0, 1, 1], [], []>, transpose_lhs_hint = false} : vector<128x128xf32>, vector<128x1024xf32>, vector<128x1024xf32> -> vector<128x1024xf32>
      %get3A_2924 = arith.constant 0 : index
      %get3A_2925 = arith.constant 0 : index
      %get3A_2926 = vector.load %arg15[%get3A_2924, %get3A_2925] : memref<128x1xf32, #tpu.memory_space<vmem>>, vector<128x1xf32>
      %add3A_2927 = vector.broadcast %get3A_2926 : vector<128x1xf32> to vector<128x1024xf32>
      %add3A_2928 = arith.addf %dot_general3A_2923, %add3A_2927 : vector<128x1024xf32>
      %convert_element_type3A_2929 = arith.truncf %add3A_2928 : vector<128x1024xf32> to vector<128x1024xbf16>
      %swap3A_2930 = arith.constant 35 : index
      %swap3A_2931 = arith.constant 0 : index
      %swap3A_2932 = arith.constant 0 : index
      %swap3A_2933 = vector.load %arg23[%swap3A_2930, %swap3A_2931, %swap3A_2932] : memref<64x128x1024xbf16, #tpu.memory_space<vmem>>, vector<1x128x1024xbf16>
      %swap3A_2934 = vector.shape_cast %swap3A_2933 : vector<1x128x1024xbf16> to vector<128x1024xbf16>
      %swap3A_2935 = vector.shape_cast %convert_element_type3A_2929 : vector<128x1024xbf16> to vector<1x128x1024xbf16>
      tpu.vector_store %arg23[%swap3A_2930, %swap3A_2931, %swap3A_2932], %swap3A_2935 {strides = array<i32>} : memref<64x128x1024xbf16, #tpu.memory_space<vmem>>, vector<1x128x1024xbf16>,
      %dma_start3A_2936 = arith.constant 37 : i32
      %dma_start3A_2937 = arith.constant 1 : i32
      %dma_start3A_2938 = arith.constant 1 : i32
      %dma_start3A_2939 = tpu.memref_slice %arg33[%dma_start3A_2938] : memref<2x!tpu.dma_semaphore, #tpu.memory_space<semaphore_mem>> -> memref<1x!tpu.dma_semaphore, #tpu.memory_space<semaphore_mem>>
      %dma_start3A_2940 = tpu.memref_squeeze %dma_start3A_2939 : memref<1x!tpu.dma_semaphore, #tpu.memory_space<semaphore_mem>> -> memref<!tpu.dma_semaphore, #tpu.memory_space<semaphore_mem>>
      %dma_start3A_2941 = arith.constant 0 : i32
      %dma_start3A_2942 = arith.constant 0 : i32
      %dma_start3A_2943 = tpu.memref_slice %arg24[%dma_start3A_2937, %dma_start3A_2941, %dma_start3A_2942] : memref<2x128x1024xf32, #tpu.memory_space<vmem>> -> memref<1x128x1024xf32, #tpu.memory_space<vmem>>
      %dma_start3A_2944 = tpu.memref_squeeze %dma_start3A_2943 : memref<1x128x1024xf32, #tpu.memory_space<vmem>> -> memref<128x1024xf32, #tpu.memory_space<vmem>>
      %dma_start3A_2945 = arith.constant 0 : i32
      %dma_start3A_2946 = arith.constant 0 : i32
      %dma_start3A_2947 = tpu.memref_slice %arg2[%dma_start3A_2936, %dma_start3A_2945, %dma_start3A_2946] : memref<64x128x1024xf32, #tpu.memory_space<any>> -> memref<1x128x1024xf32, #tpu.memory_space<any>>
      %dma_start3A_2948 = tpu.memref_squeeze %dma_start3A_2947 : memref<1x128x1024xf32, #tpu.memory_space<any>> -> memref<128x1024xf32, #tpu.memory_space<any>>
      tpu.enqueue_dma source(%dma_start3A_2948 : memref<128x1024xf32, #tpu.memory_space<any>>) target(%dma_start3A_2944 : memref<128x1024xf32, #tpu.memory_space<vmem>>) target_semaphore(%dma_start3A_2940 : memref<!tpu.dma_semaphore, #tpu.memory_space<semaphore_mem>>)
      %dma_wait3A_2949 = arith.constant 36 : i32
      %dma_wait3A_2950 = arith.constant 0 : i32
      %dma_wait3A_2951 = arith.constant 0 : i32
      %dma_wait3A_2952 = tpu.memref_slice %arg33[%dma_wait3A_2951] : memref<2x!tpu.dma_semaphore, #tpu.memory_space<semaphore_mem>> -> memref<1x!tpu.dma_semaphore, #tpu.memory_space<semaphore_mem>>
      %dma_wait3A_2953 = tpu.memref_squeeze %dma_wait3A_2952 : memref<1x!tpu.dma_semaphore, #tpu.memory_space<semaphore_mem>> -> memref<!tpu.dma_semaphore, #tpu.memory_space<semaphore_mem>>
      %dma_wait3A_2954 = arith.constant 0 : i32
      %dma_wait3A_2955 = arith.constant 0 : i32
      %dma_wait3A_2956 = tpu.memref_slice %arg24[%dma_wait3A_2950, %dma_wait3A_2954, %dma_wait3A_2955] : memref<2x128x1024xf32, #tpu.memory_space<vmem>> -> memref<1x128x1024xf32, #tpu.memory_space<vmem>>
      %dma_wait3A_2957 = tpu.memref_squeeze %dma_wait3A_2956 : memref<1x128x1024xf32, #tpu.memory_space<vmem>> -> memref<128x1024xf32, #tpu.memory_space<vmem>>
      %dma_wait3A_2958 = arith.constant 0 : i32
      %dma_wait3A_2959 = arith.constant 0 : i32
      %dma_wait3A_2960 = tpu.memref_slice %arg2[%dma_wait3A_2949, %dma_wait3A_2958, %dma_wait3A_2959] : memref<64x128x1024xf32, #tpu.memory_space<any>> -> memref<1x128x1024xf32, #tpu.memory_space<any>>
      %dma_wait3A_2961 = tpu.memref_squeeze %dma_wait3A_2960 : memref<1x128x1024xf32, #tpu.memory_space<any>> -> memref<128x1024xf32, #tpu.memory_space<any>>
      tpu.wait_dma2 semaphore(%dma_wait3A_2953 : memref<!tpu.dma_semaphore, #tpu.memory_space<semaphore_mem>>) src(%dma_wait3A_2961 : memref<128x1024xf32, #tpu.memory_space<any>>) dst(%dma_wait3A_2957 : memref<128x1024xf32, #tpu.memory_space<vmem>>)
      %get3A_2962 = arith.constant 0 : index
      %get3A_2963 = arith.constant 0 : index
      %get3A_2964 = vector.load %arg14[%get3A_2962, %get3A_2963] : memref<128x128xf32, #tpu.memory_space<vmem>>, vector<128x128xf32>
      %get3A_2965 = arith.constant 0 : index
      %get3A_2966 = arith.constant 0 : index
      %get3A_2967 = arith.constant 0 : index
      %get3A_2968 = vector.load %arg24[%get3A_2965, %get3A_2966, %get3A_2967] : memref<2x128x1024xf32, #tpu.memory_space<vmem>>, vector<1x128x1024xf32>
      %get3A_2969 = vector.shape_cast %get3A_2968 : vector<1x128x1024xf32> to vector<128x1024xf32>
      %dot_general3A_2970 = arith.constant dense<0.000000e+00> : vector<128x1024xf32>
      %dot_general3A_2971 = tpu.matmul %get3A_2964, %get3A_2969, %dot_general3A_2970 {dimension_numbers = #tpu.dot_dimension_numbers<[1], [0], [0], [1], [0, 0, 1, 1], [], []>, transpose_lhs_hint = false} : vector<128x128xf32>, vector<128x1024xf32>, vector<128x1024xf32> -> vector<128x1024xf32>
      %get3A_2972 = arith.constant 0 : index
      %get3A_2973 = arith.constant 0 : index
      %get3A_2974 = vector.load %arg15[%get3A_2972, %get3A_2973] : memref<128x1xf32, #tpu.memory_space<vmem>>, vector<128x1xf32>
      %add3A_2975 = vector.broadcast %get3A_2974 : vector<128x1xf32> to vector<128x1024xf32>
      %add3A_2976 = arith.addf %dot_general3A_2971, %add3A_2975 : vector<128x1024xf32>
      %convert_element_type3A_2977 = arith.truncf %add3A_2976 : vector<128x1024xf32> to vector<128x1024xbf16>
      %swap3A_2978 = arith.constant 36 : index
      %swap3A_2979 = arith.constant 0 : index
      %swap3A_2980 = arith.constant 0 : index
      %swap3A_2981 = vector.load %arg23[%swap3A_2978, %swap3A_2979, %swap3A_2980] : memref<64x128x1024xbf16, #tpu.memory_space<vmem>>, vector<1x128x1024xbf16>
      %swap3A_2982 = vector.shape_cast %swap3A_2981 : vector<1x128x1024xbf16> to vector<128x1024xbf16>
      %swap3A_2983 = vector.shape_cast %convert_element_type3A_2977 : vector<128x1024xbf16> to vector<1x128x1024xbf16>
      tpu.vector_store %arg23[%swap3A_2978, %swap3A_2979, %swap3A_2980], %swap3A_2983 {strides = array<i32>} : memref<64x128x1024xbf16, #tpu.memory_space<vmem>>, vector<1x128x1024xbf16>,
      %dma_start3A_2984 = arith.constant 38 : i32
      %dma_start3A_2985 = arith.constant 0 : i32
      %dma_start3A_2986 = arith.constant 0 : i32
      %dma_start3A_2987 = tpu.memref_slice %arg33[%dma_start3A_2986] : memref<2x!tpu.dma_semaphore, #tpu.memory_space<semaphore_mem>> -> memref<1x!tpu.dma_semaphore, #tpu.memory_space<semaphore_mem>>
      %dma_start3A_2988 = tpu.memref_squeeze %dma_start3A_2987 : memref<1x!tpu.dma_semaphore, #tpu.memory_space<semaphore_mem>> -> memref<!tpu.dma_semaphore, #tpu.memory_space<semaphore_mem>>
      %dma_start3A_2989 = arith.constant 0 : i32
      %dma_start3A_2990 = arith.constant 0 : i32
      %dma_start3A_2991 = tpu.memref_slice %arg24[%dma_start3A_2985, %dma_start3A_2989, %dma_start3A_2990] : memref<2x128x1024xf32, #tpu.memory_space<vmem>> -> memref<1x128x1024xf32, #tpu.memory_space<vmem>>
      %dma_start3A_2992 = tpu.memref_squeeze %dma_start3A_2991 : memref<1x128x1024xf32, #tpu.memory_space<vmem>> -> memref<128x1024xf32, #tpu.memory_space<vmem>>
      %dma_start3A_2993 = arith.constant 0 : i32
      %dma_start3A_2994 = arith.constant 0 : i32
      %dma_start3A_2995 = tpu.memref_slice %arg2[%dma_start3A_2984, %dma_start3A_2993, %dma_start3A_2994] : memref<64x128x1024xf32, #tpu.memory_space<any>> -> memref<1x128x1024xf32, #tpu.memory_space<any>>
      %dma_start3A_2996 = tpu.memref_squeeze %dma_start3A_2995 : memref<1x128x1024xf32, #tpu.memory_space<any>> -> memref<128x1024xf32, #tpu.memory_space<any>>
      tpu.enqueue_dma source(%dma_start3A_2996 : memref<128x1024xf32, #tpu.memory_space<any>>) target(%dma_start3A_2992 : memref<128x1024xf32, #tpu.memory_space<vmem>>) target_semaphore(%dma_start3A_2988 : memref<!tpu.dma_semaphore, #tpu.memory_space<semaphore_mem>>)
      %dma_wait3A_2997 = arith.constant 37 : i32
      %dma_wait3A_2998 = arith.constant 1 : i32
      %dma_wait3A_2999 = arith.constant 1 : i32
      %dma_wait3A_3000 = tpu.memref_slice %arg33[%dma_wait3A_2999] : memref<2x!tpu.dma_semaphore, #tpu.memory_space<semaphore_mem>> -> memref<1x!tpu.dma_semaphore, #tpu.memory_space<semaphore_mem>>
      %dma_wait3A_3001 = tpu.memref_squeeze %dma_wait3A_3000 : memref<1x!tpu.dma_semaphore, #tpu.memory_space<semaphore_mem>> -> memref<!tpu.dma_semaphore, #tpu.memory_space<semaphore_mem>>
      %dma_wait3A_3002 = arith.constant 0 : i32
      %dma_wait3A_3003 = arith.constant 0 : i32
      %dma_wait3A_3004 = tpu.memref_slice %arg24[%dma_wait3A_2998, %dma_wait3A_3002, %dma_wait3A_3003] : memref<2x128x1024xf32, #tpu.memory_space<vmem>> -> memref<1x128x1024xf32, #tpu.memory_space<vmem>>
      %dma_wait3A_3005 = tpu.memref_squeeze %dma_wait3A_3004 : memref<1x128x1024xf32, #tpu.memory_space<vmem>> -> memref<128x1024xf32, #tpu.memory_space<vmem>>
      %dma_wait3A_3006 = arith.constant 0 : i32
      %dma_wait3A_3007 = arith.constant 0 : i32
      %dma_wait3A_3008 = tpu.memref_slice %arg2[%dma_wait3A_2997, %dma_wait3A_3006, %dma_wait3A_3007] : memref<64x128x1024xf32, #tpu.memory_space<any>> -> memref<1x128x1024xf32, #tpu.memory_space<any>>
      %dma_wait3A_3009 = tpu.memref_squeeze %dma_wait3A_3008 : memref<1x128x1024xf32, #tpu.memory_space<any>> -> memref<128x1024xf32, #tpu.memory_space<any>>
      tpu.wait_dma2 semaphore(%dma_wait3A_3001 : memref<!tpu.dma_semaphore, #tpu.memory_space<semaphore_mem>>) src(%dma_wait3A_3009 : memref<128x1024xf32, #tpu.memory_space<any>>) dst(%dma_wait3A_3005 : memref<128x1024xf32, #tpu.memory_space<vmem>>)
      %get3A_3010 = arith.constant 0 : index
      %get3A_3011 = arith.constant 0 : index
      %get3A_3012 = vector.load %arg14[%get3A_3010, %get3A_3011] : memref<128x128xf32, #tpu.memory_space<vmem>>, vector<128x128xf32>
      %get3A_3013 = arith.constant 1 : index
      %get3A_3014 = arith.constant 0 : index
      %get3A_3015 = arith.constant 0 : index
      %get3A_3016 = vector.load %arg24[%get3A_3013, %get3A_3014, %get3A_3015] : memref<2x128x1024xf32, #tpu.memory_space<vmem>>, vector<1x128x1024xf32>
      %get3A_3017 = vector.shape_cast %get3A_3016 : vector<1x128x1024xf32> to vector<128x1024xf32>
      %dot_general3A_3018 = arith.constant dense<0.000000e+00> : vector<128x1024xf32>
      %dot_general3A_3019 = tpu.matmul %get3A_3012, %get3A_3017, %dot_general3A_3018 {dimension_numbers = #tpu.dot_dimension_numbers<[1], [0], [0], [1], [0, 0, 1, 1], [], []>, transpose_lhs_hint = false} : vector<128x128xf32>, vector<128x1024xf32>, vector<128x1024xf32> -> vector<128x1024xf32>
      %get3A_3020 = arith.constant 0 : index
      %get3A_3021 = arith.constant 0 : index
      %get3A_3022 = vector.load %arg15[%get3A_3020, %get3A_3021] : memref<128x1xf32, #tpu.memory_space<vmem>>, vector<128x1xf32>
      %add3A_3023 = vector.broadcast %get3A_3022 : vector<128x1xf32> to vector<128x1024xf32>
      %add3A_3024 = arith.addf %dot_general3A_3019, %add3A_3023 : vector<128x1024xf32>
      %convert_element_type3A_3025 = arith.truncf %add3A_3024 : vector<128x1024xf32> to vector<128x1024xbf16>
      %swap3A_3026 = arith.constant 37 : index
      %swap3A_3027 = arith.constant 0 : index
      %swap3A_3028 = arith.constant 0 : index
      %swap3A_3029 = vector.load %arg23[%swap3A_3026, %swap3A_3027, %swap3A_3028] : memref<64x128x1024xbf16, #tpu.memory_space<vmem>>, vector<1x128x1024xbf16>
      %swap3A_3030 = vector.shape_cast %swap3A_3029 : vector<1x128x1024xbf16> to vector<128x1024xbf16>
      %swap3A_3031 = vector.shape_cast %convert_element_type3A_3025 : vector<128x1024xbf16> to vector<1x128x1024xbf16>
      tpu.vector_store %arg23[%swap3A_3026, %swap3A_3027, %swap3A_3028], %swap3A_3031 {strides = array<i32>} : memref<64x128x1024xbf16, #tpu.memory_space<vmem>>, vector<1x128x1024xbf16>,
      %dma_start3A_3032 = arith.constant 39 : i32
      %dma_start3A_3033 = arith.constant 1 : i32
      %dma_start3A_3034 = arith.constant 1 : i32
      %dma_start3A_3035 = tpu.memref_slice %arg33[%dma_start3A_3034] : memref<2x!tpu.dma_semaphore, #tpu.memory_space<semaphore_mem>> -> memref<1x!tpu.dma_semaphore, #tpu.memory_space<semaphore_mem>>
      %dma_start3A_3036 = tpu.memref_squeeze %dma_start3A_3035 : memref<1x!tpu.dma_semaphore, #tpu.memory_space<semaphore_mem>> -> memref<!tpu.dma_semaphore, #tpu.memory_space<semaphore_mem>>
      %dma_start3A_3037 = arith.constant 0 : i32
      %dma_start3A_3038 = arith.constant 0 : i32
      %dma_start3A_3039 = tpu.memref_slice %arg24[%dma_start3A_3033, %dma_start3A_3037, %dma_start3A_3038] : memref<2x128x1024xf32, #tpu.memory_space<vmem>> -> memref<1x128x1024xf32, #tpu.memory_space<vmem>>
      %dma_start3A_3040 = tpu.memref_squeeze %dma_start3A_3039 : memref<1x128x1024xf32, #tpu.memory_space<vmem>> -> memref<128x1024xf32, #tpu.memory_space<vmem>>
      %dma_start3A_3041 = arith.constant 0 : i32
      %dma_start3A_3042 = arith.constant 0 : i32
      %dma_start3A_3043 = tpu.memref_slice %arg2[%dma_start3A_3032, %dma_start3A_3041, %dma_start3A_3042] : memref<64x128x1024xf32, #tpu.memory_space<any>> -> memref<1x128x1024xf32, #tpu.memory_space<any>>
      %dma_start3A_3044 = tpu.memref_squeeze %dma_start3A_3043 : memref<1x128x1024xf32, #tpu.memory_space<any>> -> memref<128x1024xf32, #tpu.memory_space<any>>
      tpu.enqueue_dma source(%dma_start3A_3044 : memref<128x1024xf32, #tpu.memory_space<any>>) target(%dma_start3A_3040 : memref<128x1024xf32, #tpu.memory_space<vmem>>) target_semaphore(%dma_start3A_3036 : memref<!tpu.dma_semaphore, #tpu.memory_space<semaphore_mem>>)
      %dma_wait3A_3045 = arith.constant 38 : i32
      %dma_wait3A_3046 = arith.constant 0 : i32
      %dma_wait3A_3047 = arith.constant 0 : i32
      %dma_wait3A_3048 = tpu.memref_slice %arg33[%dma_wait3A_3047] : memref<2x!tpu.dma_semaphore, #tpu.memory_space<semaphore_mem>> -> memref<1x!tpu.dma_semaphore, #tpu.memory_space<semaphore_mem>>
      %dma_wait3A_3049 = tpu.memref_squeeze %dma_wait3A_3048 : memref<1x!tpu.dma_semaphore, #tpu.memory_space<semaphore_mem>> -> memref<!tpu.dma_semaphore, #tpu.memory_space<semaphore_mem>>
      %dma_wait3A_3050 = arith.constant 0 : i32
      %dma_wait3A_3051 = arith.constant 0 : i32
      %dma_wait3A_3052 = tpu.memref_slice %arg24[%dma_wait3A_3046, %dma_wait3A_3050, %dma_wait3A_3051] : memref<2x128x1024xf32, #tpu.memory_space<vmem>> -> memref<1x128x1024xf32, #tpu.memory_space<vmem>>
      %dma_wait3A_3053 = tpu.memref_squeeze %dma_wait3A_3052 : memref<1x128x1024xf32, #tpu.memory_space<vmem>> -> memref<128x1024xf32, #tpu.memory_space<vmem>>
      %dma_wait3A_3054 = arith.constant 0 : i32
      %dma_wait3A_3055 = arith.constant 0 : i32
      %dma_wait3A_3056 = tpu.memref_slice %arg2[%dma_wait3A_3045, %dma_wait3A_3054, %dma_wait3A_3055] : memref<64x128x1024xf32, #tpu.memory_space<any>> -> memref<1x128x1024xf32, #tpu.memory_space<any>>
      %dma_wait3A_3057 = tpu.memref_squeeze %dma_wait3A_3056 : memref<1x128x1024xf32, #tpu.memory_space<any>> -> memref<128x1024xf32, #tpu.memory_space<any>>
      tpu.wait_dma2 semaphore(%dma_wait3A_3049 : memref<!tpu.dma_semaphore, #tpu.memory_space<semaphore_mem>>) src(%dma_wait3A_3057 : memref<128x1024xf32, #tpu.memory_space<any>>) dst(%dma_wait3A_3053 : memref<128x1024xf32, #tpu.memory_space<vmem>>)
      %get3A_3058 = arith.constant 0 : index
      %get3A_3059 = arith.constant 0 : index
      %get3A_3060 = vector.load %arg14[%get3A_3058, %get3A_3059] : memref<128x128xf32, #tpu.memory_space<vmem>>, vector<128x128xf32>
      %get3A_3061 = arith.constant 0 : index
      %get3A_3062 = arith.constant 0 : index
      %get3A_3063 = arith.constant 0 : index
      %get3A_3064 = vector.load %arg24[%get3A_3061, %get3A_3062, %get3A_3063] : memref<2x128x1024xf32, #tpu.memory_space<vmem>>, vector<1x128x1024xf32>
      %get3A_3065 = vector.shape_cast %get3A_3064 : vector<1x128x1024xf32> to vector<128x1024xf32>
      %dot_general3A_3066 = arith.constant dense<0.000000e+00> : vector<128x1024xf32>
      %dot_general3A_3067 = tpu.matmul %get3A_3060, %get3A_3065, %dot_general3A_3066 {dimension_numbers = #tpu.dot_dimension_numbers<[1], [0], [0], [1], [0, 0, 1, 1], [], []>, transpose_lhs_hint = false} : vector<128x128xf32>, vector<128x1024xf32>, vector<128x1024xf32> -> vector<128x1024xf32>
      %get3A_3068 = arith.constant 0 : index
      %get3A_3069 = arith.constant 0 : index
      %get3A_3070 = vector.load %arg15[%get3A_3068, %get3A_3069] : memref<128x1xf32, #tpu.memory_space<vmem>>, vector<128x1xf32>
      %add3A_3071 = vector.broadcast %get3A_3070 : vector<128x1xf32> to vector<128x1024xf32>
      %add3A_3072 = arith.addf %dot_general3A_3067, %add3A_3071 : vector<128x1024xf32>
      %convert_element_type3A_3073 = arith.truncf %add3A_3072 : vector<128x1024xf32> to vector<128x1024xbf16>
      %swap3A_3074 = arith.constant 38 : index
      %swap3A_3075 = arith.constant 0 : index
      %swap3A_3076 = arith.constant 0 : index
      %swap3A_3077 = vector.load %arg23[%swap3A_3074, %swap3A_3075, %swap3A_3076] : memref<64x128x1024xbf16, #tpu.memory_space<vmem>>, vector<1x128x1024xbf16>
      %swap3A_3078 = vector.shape_cast %swap3A_3077 : vector<1x128x1024xbf16> to vector<128x1024xbf16>
      %swap3A_3079 = vector.shape_cast %convert_element_type3A_3073 : vector<128x1024xbf16> to vector<1x128x1024xbf16>
      tpu.vector_store %arg23[%swap3A_3074, %swap3A_3075, %swap3A_3076], %swap3A_3079 {strides = array<i32>} : memref<64x128x1024xbf16, #tpu.memory_space<vmem>>, vector<1x128x1024xbf16>,
      %dma_start3A_3080 = arith.constant 40 : i32
      %dma_start3A_3081 = arith.constant 0 : i32
      %dma_start3A_3082 = arith.constant 0 : i32
      %dma_start3A_3083 = tpu.memref_slice %arg33[%dma_start3A_3082] : memref<2x!tpu.dma_semaphore, #tpu.memory_space<semaphore_mem>> -> memref<1x!tpu.dma_semaphore, #tpu.memory_space<semaphore_mem>>
      %dma_start3A_3084 = tpu.memref_squeeze %dma_start3A_3083 : memref<1x!tpu.dma_semaphore, #tpu.memory_space<semaphore_mem>> -> memref<!tpu.dma_semaphore, #tpu.memory_space<semaphore_mem>>
      %dma_start3A_3085 = arith.constant 0 : i32
      %dma_start3A_3086 = arith.constant 0 : i32
      %dma_start3A_3087 = tpu.memref_slice %arg24[%dma_start3A_3081, %dma_start3A_3085, %dma_start3A_3086] : memref<2x128x1024xf32, #tpu.memory_space<vmem>> -> memref<1x128x1024xf32, #tpu.memory_space<vmem>>
      %dma_start3A_3088 = tpu.memref_squeeze %dma_start3A_3087 : memref<1x128x1024xf32, #tpu.memory_space<vmem>> -> memref<128x1024xf32, #tpu.memory_space<vmem>>
      %dma_start3A_3089 = arith.constant 0 : i32
      %dma_start3A_3090 = arith.constant 0 : i32
      %dma_start3A_3091 = tpu.memref_slice %arg2[%dma_start3A_3080, %dma_start3A_3089, %dma_start3A_3090] : memref<64x128x1024xf32, #tpu.memory_space<any>> -> memref<1x128x1024xf32, #tpu.memory_space<any>>
      %dma_start3A_3092 = tpu.memref_squeeze %dma_start3A_3091 : memref<1x128x1024xf32, #tpu.memory_space<any>> -> memref<128x1024xf32, #tpu.memory_space<any>>
      tpu.enqueue_dma source(%dma_start3A_3092 : memref<128x1024xf32, #tpu.memory_space<any>>) target(%dma_start3A_3088 : memref<128x1024xf32, #tpu.memory_space<vmem>>) target_semaphore(%dma_start3A_3084 : memref<!tpu.dma_semaphore, #tpu.memory_space<semaphore_mem>>)
      %dma_wait3A_3093 = arith.constant 39 : i32
      %dma_wait3A_3094 = arith.constant 1 : i32
      %dma_wait3A_3095 = arith.constant 1 : i32
      %dma_wait3A_3096 = tpu.memref_slice %arg33[%dma_wait3A_3095] : memref<2x!tpu.dma_semaphore, #tpu.memory_space<semaphore_mem>> -> memref<1x!tpu.dma_semaphore, #tpu.memory_space<semaphore_mem>>
      %dma_wait3A_3097 = tpu.memref_squeeze %dma_wait3A_3096 : memref<1x!tpu.dma_semaphore, #tpu.memory_space<semaphore_mem>> -> memref<!tpu.dma_semaphore, #tpu.memory_space<semaphore_mem>>
      %dma_wait3A_3098 = arith.constant 0 : i32
      %dma_wait3A_3099 = arith.constant 0 : i32
      %dma_wait3A_3100 = tpu.memref_slice %arg24[%dma_wait3A_3094, %dma_wait3A_3098, %dma_wait3A_3099] : memref<2x128x1024xf32, #tpu.memory_space<vmem>> -> memref<1x128x1024xf32, #tpu.memory_space<vmem>>
      %dma_wait3A_3101 = tpu.memref_squeeze %dma_wait3A_3100 : memref<1x128x1024xf32, #tpu.memory_space<vmem>> -> memref<128x1024xf32, #tpu.memory_space<vmem>>
      %dma_wait3A_3102 = arith.constant 0 : i32
      %dma_wait3A_3103 = arith.constant 0 : i32
      %dma_wait3A_3104 = tpu.memref_slice %arg2[%dma_wait3A_3093, %dma_wait3A_3102, %dma_wait3A_3103] : memref<64x128x1024xf32, #tpu.memory_space<any>> -> memref<1x128x1024xf32, #tpu.memory_space<any>>
      %dma_wait3A_3105 = tpu.memref_squeeze %dma_wait3A_3104 : memref<1x128x1024xf32, #tpu.memory_space<any>> -> memref<128x1024xf32, #tpu.memory_space<any>>
      tpu.wait_dma2 semaphore(%dma_wait3A_3097 : memref<!tpu.dma_semaphore, #tpu.memory_space<semaphore_mem>>) src(%dma_wait3A_3105 : memref<128x1024xf32, #tpu.memory_space<any>>) dst(%dma_wait3A_3101 : memref<128x1024xf32, #tpu.memory_space<vmem>>)
      %get3A_3106 = arith.constant 0 : index
      %get3A_3107 = arith.constant 0 : index
      %get3A_3108 = vector.load %arg14[%get3A_3106, %get3A_3107] : memref<128x128xf32, #tpu.memory_space<vmem>>, vector<128x128xf32>
      %get3A_3109 = arith.constant 1 : index
      %get3A_3110 = arith.constant 0 : index
      %get3A_3111 = arith.constant 0 : index
      %get3A_3112 = vector.load %arg24[%get3A_3109, %get3A_3110, %get3A_3111] : memref<2x128x1024xf32, #tpu.memory_space<vmem>>, vector<1x128x1024xf32>
      %get3A_3113 = vector.shape_cast %get3A_3112 : vector<1x128x1024xf32> to vector<128x1024xf32>
      %dot_general3A_3114 = arith.constant dense<0.000000e+00> : vector<128x1024xf32>
      %dot_general3A_3115 = tpu.matmul %get3A_3108, %get3A_3113, %dot_general3A_3114 {dimension_numbers = #tpu.dot_dimension_numbers<[1], [0], [0], [1], [0, 0, 1, 1], [], []>, transpose_lhs_hint = false} : vector<128x128xf32>, vector<128x1024xf32>, vector<128x1024xf32> -> vector<128x1024xf32>
      %get3A_3116 = arith.constant 0 : index
      %get3A_3117 = arith.constant 0 : index
      %get3A_3118 = vector.load %arg15[%get3A_3116, %get3A_3117] : memref<128x1xf32, #tpu.memory_space<vmem>>, vector<128x1xf32>
      %add3A_3119 = vector.broadcast %get3A_3118 : vector<128x1xf32> to vector<128x1024xf32>
      %add3A_3120 = arith.addf %dot_general3A_3115, %add3A_3119 : vector<128x1024xf32>
      %convert_element_type3A_3121 = arith.truncf %add3A_3120 : vector<128x1024xf32> to vector<128x1024xbf16>
      %swap3A_3122 = arith.constant 39 : index
      %swap3A_3123 = arith.constant 0 : index
      %swap3A_3124 = arith.constant 0 : index
      %swap3A_3125 = vector.load %arg23[%swap3A_3122, %swap3A_3123, %swap3A_3124] : memref<64x128x1024xbf16, #tpu.memory_space<vmem>>, vector<1x128x1024xbf16>
      %swap3A_3126 = vector.shape_cast %swap3A_3125 : vector<1x128x1024xbf16> to vector<128x1024xbf16>
      %swap3A_3127 = vector.shape_cast %convert_element_type3A_3121 : vector<128x1024xbf16> to vector<1x128x1024xbf16>
      tpu.vector_store %arg23[%swap3A_3122, %swap3A_3123, %swap3A_3124], %swap3A_3127 {strides = array<i32>} : memref<64x128x1024xbf16, #tpu.memory_space<vmem>>, vector<1x128x1024xbf16>,
      %dma_start3A_3128 = arith.constant 41 : i32
      %dma_start3A_3129 = arith.constant 1 : i32
      %dma_start3A_3130 = arith.constant 1 : i32
      %dma_start3A_3131 = tpu.memref_slice %arg33[%dma_start3A_3130] : memref<2x!tpu.dma_semaphore, #tpu.memory_space<semaphore_mem>> -> memref<1x!tpu.dma_semaphore, #tpu.memory_space<semaphore_mem>>
      %dma_start3A_3132 = tpu.memref_squeeze %dma_start3A_3131 : memref<1x!tpu.dma_semaphore, #tpu.memory_space<semaphore_mem>> -> memref<!tpu.dma_semaphore, #tpu.memory_space<semaphore_mem>>
      %dma_start3A_3133 = arith.constant 0 : i32
      %dma_start3A_3134 = arith.constant 0 : i32
      %dma_start3A_3135 = tpu.memref_slice %arg24[%dma_start3A_3129, %dma_start3A_3133, %dma_start3A_3134] : memref<2x128x1024xf32, #tpu.memory_space<vmem>> -> memref<1x128x1024xf32, #tpu.memory_space<vmem>>
      %dma_start3A_3136 = tpu.memref_squeeze %dma_start3A_3135 : memref<1x128x1024xf32, #tpu.memory_space<vmem>> -> memref<128x1024xf32, #tpu.memory_space<vmem>>
      %dma_start3A_3137 = arith.constant 0 : i32
      %dma_start3A_3138 = arith.constant 0 : i32
      %dma_start3A_3139 = tpu.memref_slice %arg2[%dma_start3A_3128, %dma_start3A_3137, %dma_start3A_3138] : memref<64x128x1024xf32, #tpu.memory_space<any>> -> memref<1x128x1024xf32, #tpu.memory_space<any>>
      %dma_start3A_3140 = tpu.memref_squeeze %dma_start3A_3139 : memref<1x128x1024xf32, #tpu.memory_space<any>> -> memref<128x1024xf32, #tpu.memory_space<any>>
      tpu.enqueue_dma source(%dma_start3A_3140 : memref<128x1024xf32, #tpu.memory_space<any>>) target(%dma_start3A_3136 : memref<128x1024xf32, #tpu.memory_space<vmem>>) target_semaphore(%dma_start3A_3132 : memref<!tpu.dma_semaphore, #tpu.memory_space<semaphore_mem>>)
      %dma_wait3A_3141 = arith.constant 40 : i32
      %dma_wait3A_3142 = arith.constant 0 : i32
      %dma_wait3A_3143 = arith.constant 0 : i32
      %dma_wait3A_3144 = tpu.memref_slice %arg33[%dma_wait3A_3143] : memref<2x!tpu.dma_semaphore, #tpu.memory_space<semaphore_mem>> -> memref<1x!tpu.dma_semaphore, #tpu.memory_space<semaphore_mem>>
      %dma_wait3A_3145 = tpu.memref_squeeze %dma_wait3A_3144 : memref<1x!tpu.dma_semaphore, #tpu.memory_space<semaphore_mem>> -> memref<!tpu.dma_semaphore, #tpu.memory_space<semaphore_mem>>
      %dma_wait3A_3146 = arith.constant 0 : i32
      %dma_wait3A_3147 = arith.constant 0 : i32
      %dma_wait3A_3148 = tpu.memref_slice %arg24[%dma_wait3A_3142, %dma_wait3A_3146, %dma_wait3A_3147] : memref<2x128x1024xf32, #tpu.memory_space<vmem>> -> memref<1x128x1024xf32, #tpu.memory_space<vmem>>
      %dma_wait3A_3149 = tpu.memref_squeeze %dma_wait3A_3148 : memref<1x128x1024xf32, #tpu.memory_space<vmem>> -> memref<128x1024xf32, #tpu.memory_space<vmem>>
      %dma_wait3A_3150 = arith.constant 0 : i32
      %dma_wait3A_3151 = arith.constant 0 : i32
      %dma_wait3A_3152 = tpu.memref_slice %arg2[%dma_wait3A_3141, %dma_wait3A_3150, %dma_wait3A_3151] : memref<64x128x1024xf32, #tpu.memory_space<any>> -> memref<1x128x1024xf32, #tpu.memory_space<any>>
      %dma_wait3A_3153 = tpu.memref_squeeze %dma_wait3A_3152 : memref<1x128x1024xf32, #tpu.memory_space<any>> -> memref<128x1024xf32, #tpu.memory_space<any>>
      tpu.wait_dma2 semaphore(%dma_wait3A_3145 : memref<!tpu.dma_semaphore, #tpu.memory_space<semaphore_mem>>) src(%dma_wait3A_3153 : memref<128x1024xf32, #tpu.memory_space<any>>) dst(%dma_wait3A_3149 : memref<128x1024xf32, #tpu.memory_space<vmem>>)
      %get3A_3154 = arith.constant 0 : index
      %get3A_3155 = arith.constant 0 : index
      %get3A_3156 = vector.load %arg14[%get3A_3154, %get3A_3155] : memref<128x128xf32, #tpu.memory_space<vmem>>, vector<128x128xf32>
      %get3A_3157 = arith.constant 0 : index
      %get3A_3158 = arith.constant 0 : index
      %get3A_3159 = arith.constant 0 : index
      %get3A_3160 = vector.load %arg24[%get3A_3157, %get3A_3158, %get3A_3159] : memref<2x128x1024xf32, #tpu.memory_space<vmem>>, vector<1x128x1024xf32>
      %get3A_3161 = vector.shape_cast %get3A_3160 : vector<1x128x1024xf32> to vector<128x1024xf32>
      %dot_general3A_3162 = arith.constant dense<0.000000e+00> : vector<128x1024xf32>
      %dot_general3A_3163 = tpu.matmul %get3A_3156, %get3A_3161, %dot_general3A_3162 {dimension_numbers = #tpu.dot_dimension_numbers<[1], [0], [0], [1], [0, 0, 1, 1], [], []>, transpose_lhs_hint = false} : vector<128x128xf32>, vector<128x1024xf32>, vector<128x1024xf32> -> vector<128x1024xf32>
      %get3A_3164 = arith.constant 0 : index
      %get3A_3165 = arith.constant 0 : index
      %get3A_3166 = vector.load %arg15[%get3A_3164, %get3A_3165] : memref<128x1xf32, #tpu.memory_space<vmem>>, vector<128x1xf32>
      %add3A_3167 = vector.broadcast %get3A_3166 : vector<128x1xf32> to vector<128x1024xf32>
      %add3A_3168 = arith.addf %dot_general3A_3163, %add3A_3167 : vector<128x1024xf32>
      %convert_element_type3A_3169 = arith.truncf %add3A_3168 : vector<128x1024xf32> to vector<128x1024xbf16>
      %swap3A_3170 = arith.constant 40 : index
      %swap3A_3171 = arith.constant 0 : index
      %swap3A_3172 = arith.constant 0 : index
      %swap3A_3173 = vector.load %arg23[%swap3A_3170, %swap3A_3171, %swap3A_3172] : memref<64x128x1024xbf16, #tpu.memory_space<vmem>>, vector<1x128x1024xbf16>
      %swap3A_3174 = vector.shape_cast %swap3A_3173 : vector<1x128x1024xbf16> to vector<128x1024xbf16>
      %swap3A_3175 = vector.shape_cast %convert_element_type3A_3169 : vector<128x1024xbf16> to vector<1x128x1024xbf16>
      tpu.vector_store %arg23[%swap3A_3170, %swap3A_3171, %swap3A_3172], %swap3A_3175 {strides = array<i32>} : memref<64x128x1024xbf16, #tpu.memory_space<vmem>>, vector<1x128x1024xbf16>,
      %dma_start3A_3176 = arith.constant 42 : i32
      %dma_start3A_3177 = arith.constant 0 : i32
      %dma_start3A_3178 = arith.constant 0 : i32
      %dma_start3A_3179 = tpu.memref_slice %arg33[%dma_start3A_3178] : memref<2x!tpu.dma_semaphore, #tpu.memory_space<semaphore_mem>> -> memref<1x!tpu.dma_semaphore, #tpu.memory_space<semaphore_mem>>
      %dma_start3A_3180 = tpu.memref_squeeze %dma_start3A_3179 : memref<1x!tpu.dma_semaphore, #tpu.memory_space<semaphore_mem>> -> memref<!tpu.dma_semaphore, #tpu.memory_space<semaphore_mem>>
      %dma_start3A_3181 = arith.constant 0 : i32
      %dma_start3A_3182 = arith.constant 0 : i32
      %dma_start3A_3183 = tpu.memref_slice %arg24[%dma_start3A_3177, %dma_start3A_3181, %dma_start3A_3182] : memref<2x128x1024xf32, #tpu.memory_space<vmem>> -> memref<1x128x1024xf32, #tpu.memory_space<vmem>>
      %dma_start3A_3184 = tpu.memref_squeeze %dma_start3A_3183 : memref<1x128x1024xf32, #tpu.memory_space<vmem>> -> memref<128x1024xf32, #tpu.memory_space<vmem>>
      %dma_start3A_3185 = arith.constant 0 : i32
      %dma_start3A_3186 = arith.constant 0 : i32
      %dma_start3A_3187 = tpu.memref_slice %arg2[%dma_start3A_3176, %dma_start3A_3185, %dma_start3A_3186] : memref<64x128x1024xf32, #tpu.memory_space<any>> -> memref<1x128x1024xf32, #tpu.memory_space<any>>
      %dma_start3A_3188 = tpu.memref_squeeze %dma_start3A_3187 : memref<1x128x1024xf32, #tpu.memory_space<any>> -> memref<128x1024xf32, #tpu.memory_space<any>>
      tpu.enqueue_dma source(%dma_start3A_3188 : memref<128x1024xf32, #tpu.memory_space<any>>) target(%dma_start3A_3184 : memref<128x1024xf32, #tpu.memory_space<vmem>>) target_semaphore(%dma_start3A_3180 : memref<!tpu.dma_semaphore, #tpu.memory_space<semaphore_mem>>)
      %dma_wait3A_3189 = arith.constant 41 : i32
      %dma_wait3A_3190 = arith.constant 1 : i32
      %dma_wait3A_3191 = arith.constant 1 : i32
      %dma_wait3A_3192 = tpu.memref_slice %arg33[%dma_wait3A_3191] : memref<2x!tpu.dma_semaphore, #tpu.memory_space<semaphore_mem>> -> memref<1x!tpu.dma_semaphore, #tpu.memory_space<semaphore_mem>>
      %dma_wait3A_3193 = tpu.memref_squeeze %dma_wait3A_3192 : memref<1x!tpu.dma_semaphore, #tpu.memory_space<semaphore_mem>> -> memref<!tpu.dma_semaphore, #tpu.memory_space<semaphore_mem>>
      %dma_wait3A_3194 = arith.constant 0 : i32
      %dma_wait3A_3195 = arith.constant 0 : i32
      %dma_wait3A_3196 = tpu.memref_slice %arg24[%dma_wait3A_3190, %dma_wait3A_3194, %dma_wait3A_3195] : memref<2x128x1024xf32, #tpu.memory_space<vmem>> -> memref<1x128x1024xf32, #tpu.memory_space<vmem>>
      %dma_wait3A_3197 = tpu.memref_squeeze %dma_wait3A_3196 : memref<1x128x1024xf32, #tpu.memory_space<vmem>> -> memref<128x1024xf32, #tpu.memory_space<vmem>>
      %dma_wait3A_3198 = arith.constant 0 : i32
      %dma_wait3A_3199 = arith.constant 0 : i32
      %dma_wait3A_3200 = tpu.memref_slice %arg2[%dma_wait3A_3189, %dma_wait3A_3198, %dma_wait3A_3199] : memref<64x128x1024xf32, #tpu.memory_space<any>> -> memref<1x128x1024xf32, #tpu.memory_space<any>>
      %dma_wait3A_3201 = tpu.memref_squeeze %dma_wait3A_3200 : memref<1x128x1024xf32, #tpu.memory_space<any>> -> memref<128x1024xf32, #tpu.memory_space<any>>
      tpu.wait_dma2 semaphore(%dma_wait3A_3193 : memref<!tpu.dma_semaphore, #tpu.memory_space<semaphore_mem>>) src(%dma_wait3A_3201 : memref<128x1024xf32, #tpu.memory_space<any>>) dst(%dma_wait3A_3197 : memref<128x1024xf32, #tpu.memory_space<vmem>>)
      %get3A_3202 = arith.constant 0 : index
      %get3A_3203 = arith.constant 0 : index
      %get3A_3204 = vector.load %arg14[%get3A_3202, %get3A_3203] : memref<128x128xf32, #tpu.memory_space<vmem>>, vector<128x128xf32>
      %get3A_3205 = arith.constant 1 : index
      %get3A_3206 = arith.constant 0 : index
      %get3A_3207 = arith.constant 0 : index
      %get3A_3208 = vector.load %arg24[%get3A_3205, %get3A_3206, %get3A_3207] : memref<2x128x1024xf32, #tpu.memory_space<vmem>>, vector<1x128x1024xf32>
      %get3A_3209 = vector.shape_cast %get3A_3208 : vector<1x128x1024xf32> to vector<128x1024xf32>
      %dot_general3A_3210 = arith.constant dense<0.000000e+00> : vector<128x1024xf32>
      %dot_general3A_3211 = tpu.matmul %get3A_3204, %get3A_3209, %dot_general3A_3210 {dimension_numbers = #tpu.dot_dimension_numbers<[1], [0], [0], [1], [0, 0, 1, 1], [], []>, transpose_lhs_hint = false} : vector<128x128xf32>, vector<128x1024xf32>, vector<128x1024xf32> -> vector<128x1024xf32>
      %get3A_3212 = arith.constant 0 : index
      %get3A_3213 = arith.constant 0 : index
      %get3A_3214 = vector.load %arg15[%get3A_3212, %get3A_3213] : memref<128x1xf32, #tpu.memory_space<vmem>>, vector<128x1xf32>
      %add3A_3215 = vector.broadcast %get3A_3214 : vector<128x1xf32> to vector<128x1024xf32>
      %add3A_3216 = arith.addf %dot_general3A_3211, %add3A_3215 : vector<128x1024xf32>
      %convert_element_type3A_3217 = arith.truncf %add3A_3216 : vector<128x1024xf32> to vector<128x1024xbf16>
      %swap3A_3218 = arith.constant 41 : index
      %swap3A_3219 = arith.constant 0 : index
      %swap3A_3220 = arith.constant 0 : index
      %swap3A_3221 = vector.load %arg23[%swap3A_3218, %swap3A_3219, %swap3A_3220] : memref<64x128x1024xbf16, #tpu.memory_space<vmem>>, vector<1x128x1024xbf16>
      %swap3A_3222 = vector.shape_cast %swap3A_3221 : vector<1x128x1024xbf16> to vector<128x1024xbf16>
      %swap3A_3223 = vector.shape_cast %convert_element_type3A_3217 : vector<128x1024xbf16> to vector<1x128x1024xbf16>
      tpu.vector_store %arg23[%swap3A_3218, %swap3A_3219, %swap3A_3220], %swap3A_3223 {strides = array<i32>} : memref<64x128x1024xbf16, #tpu.memory_space<vmem>>, vector<1x128x1024xbf16>,
      %dma_start3A_3224 = arith.constant 43 : i32
      %dma_start3A_3225 = arith.constant 1 : i32
      %dma_start3A_3226 = arith.constant 1 : i32
      %dma_start3A_3227 = tpu.memref_slice %arg33[%dma_start3A_3226] : memref<2x!tpu.dma_semaphore, #tpu.memory_space<semaphore_mem>> -> memref<1x!tpu.dma_semaphore, #tpu.memory_space<semaphore_mem>>
      %dma_start3A_3228 = tpu.memref_squeeze %dma_start3A_3227 : memref<1x!tpu.dma_semaphore, #tpu.memory_space<semaphore_mem>> -> memref<!tpu.dma_semaphore, #tpu.memory_space<semaphore_mem>>
      %dma_start3A_3229 = arith.constant 0 : i32
      %dma_start3A_3230 = arith.constant 0 : i32
      %dma_start3A_3231 = tpu.memref_slice %arg24[%dma_start3A_3225, %dma_start3A_3229, %dma_start3A_3230] : memref<2x128x1024xf32, #tpu.memory_space<vmem>> -> memref<1x128x1024xf32, #tpu.memory_space<vmem>>
      %dma_start3A_3232 = tpu.memref_squeeze %dma_start3A_3231 : memref<1x128x1024xf32, #tpu.memory_space<vmem>> -> memref<128x1024xf32, #tpu.memory_space<vmem>>
      %dma_start3A_3233 = arith.constant 0 : i32
      %dma_start3A_3234 = arith.constant 0 : i32
      %dma_start3A_3235 = tpu.memref_slice %arg2[%dma_start3A_3224, %dma_start3A_3233, %dma_start3A_3234] : memref<64x128x1024xf32, #tpu.memory_space<any>> -> memref<1x128x1024xf32, #tpu.memory_space<any>>
      %dma_start3A_3236 = tpu.memref_squeeze %dma_start3A_3235 : memref<1x128x1024xf32, #tpu.memory_space<any>> -> memref<128x1024xf32, #tpu.memory_space<any>>
      tpu.enqueue_dma source(%dma_start3A_3236 : memref<128x1024xf32, #tpu.memory_space<any>>) target(%dma_start3A_3232 : memref<128x1024xf32, #tpu.memory_space<vmem>>) target_semaphore(%dma_start3A_3228 : memref<!tpu.dma_semaphore, #tpu.memory_space<semaphore_mem>>)
      %dma_wait3A_3237 = arith.constant 42 : i32
      %dma_wait3A_3238 = arith.constant 0 : i32
      %dma_wait3A_3239 = arith.constant 0 : i32
      %dma_wait3A_3240 = tpu.memref_slice %arg33[%dma_wait3A_3239] : memref<2x!tpu.dma_semaphore, #tpu.memory_space<semaphore_mem>> -> memref<1x!tpu.dma_semaphore, #tpu.memory_space<semaphore_mem>>
      %dma_wait3A_3241 = tpu.memref_squeeze %dma_wait3A_3240 : memref<1x!tpu.dma_semaphore, #tpu.memory_space<semaphore_mem>> -> memref<!tpu.dma_semaphore, #tpu.memory_space<semaphore_mem>>
      %dma_wait3A_3242 = arith.constant 0 : i32
      %dma_wait3A_3243 = arith.constant 0 : i32
      %dma_wait3A_3244 = tpu.memref_slice %arg24[%dma_wait3A_3238, %dma_wait3A_3242, %dma_wait3A_3243] : memref<2x128x1024xf32, #tpu.memory_space<vmem>> -> memref<1x128x1024xf32, #tpu.memory_space<vmem>>
      %dma_wait3A_3245 = tpu.memref_squeeze %dma_wait3A_3244 : memref<1x128x1024xf32, #tpu.memory_space<vmem>> -> memref<128x1024xf32, #tpu.memory_space<vmem>>
      %dma_wait3A_3246 = arith.constant 0 : i32
      %dma_wait3A_3247 = arith.constant 0 : i32
      %dma_wait3A_3248 = tpu.memref_slice %arg2[%dma_wait3A_3237, %dma_wait3A_3246, %dma_wait3A_3247] : memref<64x128x1024xf32, #tpu.memory_space<any>> -> memref<1x128x1024xf32, #tpu.memory_space<any>>
      %dma_wait3A_3249 = tpu.memref_squeeze %dma_wait3A_3248 : memref<1x128x1024xf32, #tpu.memory_space<any>> -> memref<128x1024xf32, #tpu.memory_space<any>>
      tpu.wait_dma2 semaphore(%dma_wait3A_3241 : memref<!tpu.dma_semaphore, #tpu.memory_space<semaphore_mem>>) src(%dma_wait3A_3249 : memref<128x1024xf32, #tpu.memory_space<any>>) dst(%dma_wait3A_3245 : memref<128x1024xf32, #tpu.memory_space<vmem>>)
      %get3A_3250 = arith.constant 0 : index
      %get3A_3251 = arith.constant 0 : index
      %get3A_3252 = vector.load %arg14[%get3A_3250, %get3A_3251] : memref<128x128xf32, #tpu.memory_space<vmem>>, vector<128x128xf32>
      %get3A_3253 = arith.constant 0 : index
      %get3A_3254 = arith.constant 0 : index
      %get3A_3255 = arith.constant 0 : index
      %get3A_3256 = vector.load %arg24[%get3A_3253, %get3A_3254, %get3A_3255] : memref<2x128x1024xf32, #tpu.memory_space<vmem>>, vector<1x128x1024xf32>
      %get3A_3257 = vector.shape_cast %get3A_3256 : vector<1x128x1024xf32> to vector<128x1024xf32>
      %dot_general3A_3258 = arith.constant dense<0.000000e+00> : vector<128x1024xf32>
      %dot_general3A_3259 = tpu.matmul %get3A_3252, %get3A_3257, %dot_general3A_3258 {dimension_numbers = #tpu.dot_dimension_numbers<[1], [0], [0], [1], [0, 0, 1, 1], [], []>, transpose_lhs_hint = false} : vector<128x128xf32>, vector<128x1024xf32>, vector<128x1024xf32> -> vector<128x1024xf32>
      %get3A_3260 = arith.constant 0 : index
      %get3A_3261 = arith.constant 0 : index
      %get3A_3262 = vector.load %arg15[%get3A_3260, %get3A_3261] : memref<128x1xf32, #tpu.memory_space<vmem>>, vector<128x1xf32>
      %add3A_3263 = vector.broadcast %get3A_3262 : vector<128x1xf32> to vector<128x1024xf32>
      %add3A_3264 = arith.addf %dot_general3A_3259, %add3A_3263 : vector<128x1024xf32>
      %convert_element_type3A_3265 = arith.truncf %add3A_3264 : vector<128x1024xf32> to vector<128x1024xbf16>
      %swap3A_3266 = arith.constant 42 : index
      %swap3A_3267 = arith.constant 0 : index
      %swap3A_3268 = arith.constant 0 : index
      %swap3A_3269 = vector.load %arg23[%swap3A_3266, %swap3A_3267, %swap3A_3268] : memref<64x128x1024xbf16, #tpu.memory_space<vmem>>, vector<1x128x1024xbf16>
      %swap3A_3270 = vector.shape_cast %swap3A_3269 : vector<1x128x1024xbf16> to vector<128x1024xbf16>
      %swap3A_3271 = vector.shape_cast %convert_element_type3A_3265 : vector<128x1024xbf16> to vector<1x128x1024xbf16>
      tpu.vector_store %arg23[%swap3A_3266, %swap3A_3267, %swap3A_3268], %swap3A_3271 {strides = array<i32>} : memref<64x128x1024xbf16, #tpu.memory_space<vmem>>, vector<1x128x1024xbf16>,
      %dma_start3A_3272 = arith.constant 44 : i32
      %dma_start3A_3273 = arith.constant 0 : i32
      %dma_start3A_3274 = arith.constant 0 : i32
      %dma_start3A_3275 = tpu.memref_slice %arg33[%dma_start3A_3274] : memref<2x!tpu.dma_semaphore, #tpu.memory_space<semaphore_mem>> -> memref<1x!tpu.dma_semaphore, #tpu.memory_space<semaphore_mem>>
      %dma_start3A_3276 = tpu.memref_squeeze %dma_start3A_3275 : memref<1x!tpu.dma_semaphore, #tpu.memory_space<semaphore_mem>> -> memref<!tpu.dma_semaphore, #tpu.memory_space<semaphore_mem>>
      %dma_start3A_3277 = arith.constant 0 : i32
      %dma_start3A_3278 = arith.constant 0 : i32
      %dma_start3A_3279 = tpu.memref_slice %arg24[%dma_start3A_3273, %dma_start3A_3277, %dma_start3A_3278] : memref<2x128x1024xf32, #tpu.memory_space<vmem>> -> memref<1x128x1024xf32, #tpu.memory_space<vmem>>
      %dma_start3A_3280 = tpu.memref_squeeze %dma_start3A_3279 : memref<1x128x1024xf32, #tpu.memory_space<vmem>> -> memref<128x1024xf32, #tpu.memory_space<vmem>>
      %dma_start3A_3281 = arith.constant 0 : i32
      %dma_start3A_3282 = arith.constant 0 : i32
      %dma_start3A_3283 = tpu.memref_slice %arg2[%dma_start3A_3272, %dma_start3A_3281, %dma_start3A_3282] : memref<64x128x1024xf32, #tpu.memory_space<any>> -> memref<1x128x1024xf32, #tpu.memory_space<any>>
      %dma_start3A_3284 = tpu.memref_squeeze %dma_start3A_3283 : memref<1x128x1024xf32, #tpu.memory_space<any>> -> memref<128x1024xf32, #tpu.memory_space<any>>
      tpu.enqueue_dma source(%dma_start3A_3284 : memref<128x1024xf32, #tpu.memory_space<any>>) target(%dma_start3A_3280 : memref<128x1024xf32, #tpu.memory_space<vmem>>) target_semaphore(%dma_start3A_3276 : memref<!tpu.dma_semaphore, #tpu.memory_space<semaphore_mem>>)
      %dma_wait3A_3285 = arith.constant 43 : i32
      %dma_wait3A_3286 = arith.constant 1 : i32
      %dma_wait3A_3287 = arith.constant 1 : i32
      %dma_wait3A_3288 = tpu.memref_slice %arg33[%dma_wait3A_3287] : memref<2x!tpu.dma_semaphore, #tpu.memory_space<semaphore_mem>> -> memref<1x!tpu.dma_semaphore, #tpu.memory_space<semaphore_mem>>
      %dma_wait3A_3289 = tpu.memref_squeeze %dma_wait3A_3288 : memref<1x!tpu.dma_semaphore, #tpu.memory_space<semaphore_mem>> -> memref<!tpu.dma_semaphore, #tpu.memory_space<semaphore_mem>>
      %dma_wait3A_3290 = arith.constant 0 : i32
      %dma_wait3A_3291 = arith.constant 0 : i32
      %dma_wait3A_3292 = tpu.memref_slice %arg24[%dma_wait3A_3286, %dma_wait3A_3290, %dma_wait3A_3291] : memref<2x128x1024xf32, #tpu.memory_space<vmem>> -> memref<1x128x1024xf32, #tpu.memory_space<vmem>>
      %dma_wait3A_3293 = tpu.memref_squeeze %dma_wait3A_3292 : memref<1x128x1024xf32, #tpu.memory_space<vmem>> -> memref<128x1024xf32, #tpu.memory_space<vmem>>
      %dma_wait3A_3294 = arith.constant 0 : i32
      %dma_wait3A_3295 = arith.constant 0 : i32
      %dma_wait3A_3296 = tpu.memref_slice %arg2[%dma_wait3A_3285, %dma_wait3A_3294, %dma_wait3A_3295] : memref<64x128x1024xf32, #tpu.memory_space<any>> -> memref<1x128x1024xf32, #tpu.memory_space<any>>
      %dma_wait3A_3297 = tpu.memref_squeeze %dma_wait3A_3296 : memref<1x128x1024xf32, #tpu.memory_space<any>> -> memref<128x1024xf32, #tpu.memory_space<any>>
      tpu.wait_dma2 semaphore(%dma_wait3A_3289 : memref<!tpu.dma_semaphore, #tpu.memory_space<semaphore_mem>>) src(%dma_wait3A_3297 : memref<128x1024xf32, #tpu.memory_space<any>>) dst(%dma_wait3A_3293 : memref<128x1024xf32, #tpu.memory_space<vmem>>)
      %get3A_3298 = arith.constant 0 : index
      %get3A_3299 = arith.constant 0 : index
      %get3A_3300 = vector.load %arg14[%get3A_3298, %get3A_3299] : memref<128x128xf32, #tpu.memory_space<vmem>>, vector<128x128xf32>
      %get3A_3301 = arith.constant 1 : index
      %get3A_3302 = arith.constant 0 : index
      %get3A_3303 = arith.constant 0 : index
      %get3A_3304 = vector.load %arg24[%get3A_3301, %get3A_3302, %get3A_3303] : memref<2x128x1024xf32, #tpu.memory_space<vmem>>, vector<1x128x1024xf32>
      %get3A_3305 = vector.shape_cast %get3A_3304 : vector<1x128x1024xf32> to vector<128x1024xf32>
      %dot_general3A_3306 = arith.constant dense<0.000000e+00> : vector<128x1024xf32>
      %dot_general3A_3307 = tpu.matmul %get3A_3300, %get3A_3305, %dot_general3A_3306 {dimension_numbers = #tpu.dot_dimension_numbers<[1], [0], [0], [1], [0, 0, 1, 1], [], []>, transpose_lhs_hint = false} : vector<128x128xf32>, vector<128x1024xf32>, vector<128x1024xf32> -> vector<128x1024xf32>
      %get3A_3308 = arith.constant 0 : index
      %get3A_3309 = arith.constant 0 : index
      %get3A_3310 = vector.load %arg15[%get3A_3308, %get3A_3309] : memref<128x1xf32, #tpu.memory_space<vmem>>, vector<128x1xf32>
      %add3A_3311 = vector.broadcast %get3A_3310 : vector<128x1xf32> to vector<128x1024xf32>
      %add3A_3312 = arith.addf %dot_general3A_3307, %add3A_3311 : vector<128x1024xf32>
      %convert_element_type3A_3313 = arith.truncf %add3A_3312 : vector<128x1024xf32> to vector<128x1024xbf16>
      %swap3A_3314 = arith.constant 43 : index
      %swap3A_3315 = arith.constant 0 : index
      %swap3A_3316 = arith.constant 0 : index
      %swap3A_3317 = vector.load %arg23[%swap3A_3314, %swap3A_3315, %swap3A_3316] : memref<64x128x1024xbf16, #tpu.memory_space<vmem>>, vector<1x128x1024xbf16>
      %swap3A_3318 = vector.shape_cast %swap3A_3317 : vector<1x128x1024xbf16> to vector<128x1024xbf16>
      %swap3A_3319 = vector.shape_cast %convert_element_type3A_3313 : vector<128x1024xbf16> to vector<1x128x1024xbf16>
      tpu.vector_store %arg23[%swap3A_3314, %swap3A_3315, %swap3A_3316], %swap3A_3319 {strides = array<i32>} : memref<64x128x1024xbf16, #tpu.memory_space<vmem>>, vector<1x128x1024xbf16>,
      %dma_start3A_3320 = arith.constant 45 : i32
      %dma_start3A_3321 = arith.constant 1 : i32
      %dma_start3A_3322 = arith.constant 1 : i32
      %dma_start3A_3323 = tpu.memref_slice %arg33[%dma_start3A_3322] : memref<2x!tpu.dma_semaphore, #tpu.memory_space<semaphore_mem>> -> memref<1x!tpu.dma_semaphore, #tpu.memory_space<semaphore_mem>>
      %dma_start3A_3324 = tpu.memref_squeeze %dma_start3A_3323 : memref<1x!tpu.dma_semaphore, #tpu.memory_space<semaphore_mem>> -> memref<!tpu.dma_semaphore, #tpu.memory_space<semaphore_mem>>
      %dma_start3A_3325 = arith.constant 0 : i32
      %dma_start3A_3326 = arith.constant 0 : i32
      %dma_start3A_3327 = tpu.memref_slice %arg24[%dma_start3A_3321, %dma_start3A_3325, %dma_start3A_3326] : memref<2x128x1024xf32, #tpu.memory_space<vmem>> -> memref<1x128x1024xf32, #tpu.memory_space<vmem>>
      %dma_start3A_3328 = tpu.memref_squeeze %dma_start3A_3327 : memref<1x128x1024xf32, #tpu.memory_space<vmem>> -> memref<128x1024xf32, #tpu.memory_space<vmem>>
      %dma_start3A_3329 = arith.constant 0 : i32
      %dma_start3A_3330 = arith.constant 0 : i32
      %dma_start3A_3331 = tpu.memref_slice %arg2[%dma_start3A_3320, %dma_start3A_3329, %dma_start3A_3330] : memref<64x128x1024xf32, #tpu.memory_space<any>> -> memref<1x128x1024xf32, #tpu.memory_space<any>>
      %dma_start3A_3332 = tpu.memref_squeeze %dma_start3A_3331 : memref<1x128x1024xf32, #tpu.memory_space<any>> -> memref<128x1024xf32, #tpu.memory_space<any>>
      tpu.enqueue_dma source(%dma_start3A_3332 : memref<128x1024xf32, #tpu.memory_space<any>>) target(%dma_start3A_3328 : memref<128x1024xf32, #tpu.memory_space<vmem>>) target_semaphore(%dma_start3A_3324 : memref<!tpu.dma_semaphore, #tpu.memory_space<semaphore_mem>>)
      %dma_wait3A_3333 = arith.constant 44 : i32
      %dma_wait3A_3334 = arith.constant 0 : i32
      %dma_wait3A_3335 = arith.constant 0 : i32
      %dma_wait3A_3336 = tpu.memref_slice %arg33[%dma_wait3A_3335] : memref<2x!tpu.dma_semaphore, #tpu.memory_space<semaphore_mem>> -> memref<1x!tpu.dma_semaphore, #tpu.memory_space<semaphore_mem>>
      %dma_wait3A_3337 = tpu.memref_squeeze %dma_wait3A_3336 : memref<1x!tpu.dma_semaphore, #tpu.memory_space<semaphore_mem>> -> memref<!tpu.dma_semaphore, #tpu.memory_space<semaphore_mem>>
      %dma_wait3A_3338 = arith.constant 0 : i32
      %dma_wait3A_3339 = arith.constant 0 : i32
      %dma_wait3A_3340 = tpu.memref_slice %arg24[%dma_wait3A_3334, %dma_wait3A_3338, %dma_wait3A_3339] : memref<2x128x1024xf32, #tpu.memory_space<vmem>> -> memref<1x128x1024xf32, #tpu.memory_space<vmem>>
      %dma_wait3A_3341 = tpu.memref_squeeze %dma_wait3A_3340 : memref<1x128x1024xf32, #tpu.memory_space<vmem>> -> memref<128x1024xf32, #tpu.memory_space<vmem>>
      %dma_wait3A_3342 = arith.constant 0 : i32
      %dma_wait3A_3343 = arith.constant 0 : i32
      %dma_wait3A_3344 = tpu.memref_slice %arg2[%dma_wait3A_3333, %dma_wait3A_3342, %dma_wait3A_3343] : memref<64x128x1024xf32, #tpu.memory_space<any>> -> memref<1x128x1024xf32, #tpu.memory_space<any>>
      %dma_wait3A_3345 = tpu.memref_squeeze %dma_wait3A_3344 : memref<1x128x1024xf32, #tpu.memory_space<any>> -> memref<128x1024xf32, #tpu.memory_space<any>>
      tpu.wait_dma2 semaphore(%dma_wait3A_3337 : memref<!tpu.dma_semaphore, #tpu.memory_space<semaphore_mem>>) src(%dma_wait3A_3345 : memref<128x1024xf32, #tpu.memory_space<any>>) dst(%dma_wait3A_3341 : memref<128x1024xf32, #tpu.memory_space<vmem>>)
      %get3A_3346 = arith.constant 0 : index
      %get3A_3347 = arith.constant 0 : index
      %get3A_3348 = vector.load %arg14[%get3A_3346, %get3A_3347] : memref<128x128xf32, #tpu.memory_space<vmem>>, vector<128x128xf32>
      %get3A_3349 = arith.constant 0 : index
      %get3A_3350 = arith.constant 0 : index
      %get3A_3351 = arith.constant 0 : index
      %get3A_3352 = vector.load %arg24[%get3A_3349, %get3A_3350, %get3A_3351] : memref<2x128x1024xf32, #tpu.memory_space<vmem>>, vector<1x128x1024xf32>
      %get3A_3353 = vector.shape_cast %get3A_3352 : vector<1x128x1024xf32> to vector<128x1024xf32>
      %dot_general3A_3354 = arith.constant dense<0.000000e+00> : vector<128x1024xf32>
      %dot_general3A_3355 = tpu.matmul %get3A_3348, %get3A_3353, %dot_general3A_3354 {dimension_numbers = #tpu.dot_dimension_numbers<[1], [0], [0], [1], [0, 0, 1, 1], [], []>, transpose_lhs_hint = false} : vector<128x128xf32>, vector<128x1024xf32>, vector<128x1024xf32> -> vector<128x1024xf32>
      %get3A_3356 = arith.constant 0 : index
      %get3A_3357 = arith.constant 0 : index
      %get3A_3358 = vector.load %arg15[%get3A_3356, %get3A_3357] : memref<128x1xf32, #tpu.memory_space<vmem>>, vector<128x1xf32>
      %add3A_3359 = vector.broadcast %get3A_3358 : vector<128x1xf32> to vector<128x1024xf32>
      %add3A_3360 = arith.addf %dot_general3A_3355, %add3A_3359 : vector<128x1024xf32>
      %convert_element_type3A_3361 = arith.truncf %add3A_3360 : vector<128x1024xf32> to vector<128x1024xbf16>
      %swap3A_3362 = arith.constant 44 : index
      %swap3A_3363 = arith.constant 0 : index
      %swap3A_3364 = arith.constant 0 : index
      %swap3A_3365 = vector.load %arg23[%swap3A_3362, %swap3A_3363, %swap3A_3364] : memref<64x128x1024xbf16, #tpu.memory_space<vmem>>, vector<1x128x1024xbf16>
      %swap3A_3366 = vector.shape_cast %swap3A_3365 : vector<1x128x1024xbf16> to vector<128x1024xbf16>
      %swap3A_3367 = vector.shape_cast %convert_element_type3A_3361 : vector<128x1024xbf16> to vector<1x128x1024xbf16>
      tpu.vector_store %arg23[%swap3A_3362, %swap3A_3363, %swap3A_3364], %swap3A_3367 {strides = array<i32>} : memref<64x128x1024xbf16, #tpu.memory_space<vmem>>, vector<1x128x1024xbf16>,
      %dma_start3A_3368 = arith.constant 46 : i32
      %dma_start3A_3369 = arith.constant 0 : i32
      %dma_start3A_3370 = arith.constant 0 : i32
      %dma_start3A_3371 = tpu.memref_slice %arg33[%dma_start3A_3370] : memref<2x!tpu.dma_semaphore, #tpu.memory_space<semaphore_mem>> -> memref<1x!tpu.dma_semaphore, #tpu.memory_space<semaphore_mem>>
      %dma_start3A_3372 = tpu.memref_squeeze %dma_start3A_3371 : memref<1x!tpu.dma_semaphore, #tpu.memory_space<semaphore_mem>> -> memref<!tpu.dma_semaphore, #tpu.memory_space<semaphore_mem>>
      %dma_start3A_3373 = arith.constant 0 : i32
      %dma_start3A_3374 = arith.constant 0 : i32
      %dma_start3A_3375 = tpu.memref_slice %arg24[%dma_start3A_3369, %dma_start3A_3373, %dma_start3A_3374] : memref<2x128x1024xf32, #tpu.memory_space<vmem>> -> memref<1x128x1024xf32, #tpu.memory_space<vmem>>
      %dma_start3A_3376 = tpu.memref_squeeze %dma_start3A_3375 : memref<1x128x1024xf32, #tpu.memory_space<vmem>> -> memref<128x1024xf32, #tpu.memory_space<vmem>>
      %dma_start3A_3377 = arith.constant 0 : i32
      %dma_start3A_3378 = arith.constant 0 : i32
      %dma_start3A_3379 = tpu.memref_slice %arg2[%dma_start3A_3368, %dma_start3A_3377, %dma_start3A_3378] : memref<64x128x1024xf32, #tpu.memory_space<any>> -> memref<1x128x1024xf32, #tpu.memory_space<any>>
      %dma_start3A_3380 = tpu.memref_squeeze %dma_start3A_3379 : memref<1x128x1024xf32, #tpu.memory_space<any>> -> memref<128x1024xf32, #tpu.memory_space<any>>
      tpu.enqueue_dma source(%dma_start3A_3380 : memref<128x1024xf32, #tpu.memory_space<any>>) target(%dma_start3A_3376 : memref<128x1024xf32, #tpu.memory_space<vmem>>) target_semaphore(%dma_start3A_3372 : memref<!tpu.dma_semaphore, #tpu.memory_space<semaphore_mem>>)
      %dma_wait3A_3381 = arith.constant 45 : i32
      %dma_wait3A_3382 = arith.constant 1 : i32
      %dma_wait3A_3383 = arith.constant 1 : i32
      %dma_wait3A_3384 = tpu.memref_slice %arg33[%dma_wait3A_3383] : memref<2x!tpu.dma_semaphore, #tpu.memory_space<semaphore_mem>> -> memref<1x!tpu.dma_semaphore, #tpu.memory_space<semaphore_mem>>
      %dma_wait3A_3385 = tpu.memref_squeeze %dma_wait3A_3384 : memref<1x!tpu.dma_semaphore, #tpu.memory_space<semaphore_mem>> -> memref<!tpu.dma_semaphore, #tpu.memory_space<semaphore_mem>>
      %dma_wait3A_3386 = arith.constant 0 : i32
      %dma_wait3A_3387 = arith.constant 0 : i32
      %dma_wait3A_3388 = tpu.memref_slice %arg24[%dma_wait3A_3382, %dma_wait3A_3386, %dma_wait3A_3387] : memref<2x128x1024xf32, #tpu.memory_space<vmem>> -> memref<1x128x1024xf32, #tpu.memory_space<vmem>>
      %dma_wait3A_3389 = tpu.memref_squeeze %dma_wait3A_3388 : memref<1x128x1024xf32, #tpu.memory_space<vmem>> -> memref<128x1024xf32, #tpu.memory_space<vmem>>
      %dma_wait3A_3390 = arith.constant 0 : i32
      %dma_wait3A_3391 = arith.constant 0 : i32
      %dma_wait3A_3392 = tpu.memref_slice %arg2[%dma_wait3A_3381, %dma_wait3A_3390, %dma_wait3A_3391] : memref<64x128x1024xf32, #tpu.memory_space<any>> -> memref<1x128x1024xf32, #tpu.memory_space<any>>
      %dma_wait3A_3393 = tpu.memref_squeeze %dma_wait3A_3392 : memref<1x128x1024xf32, #tpu.memory_space<any>> -> memref<128x1024xf32, #tpu.memory_space<any>>
      tpu.wait_dma2 semaphore(%dma_wait3A_3385 : memref<!tpu.dma_semaphore, #tpu.memory_space<semaphore_mem>>) src(%dma_wait3A_3393 : memref<128x1024xf32, #tpu.memory_space<any>>) dst(%dma_wait3A_3389 : memref<128x1024xf32, #tpu.memory_space<vmem>>)
      %get3A_3394 = arith.constant 0 : index
      %get3A_3395 = arith.constant 0 : index
      %get3A_3396 = vector.load %arg14[%get3A_3394, %get3A_3395] : memref<128x128xf32, #tpu.memory_space<vmem>>, vector<128x128xf32>
      %get3A_3397 = arith.constant 1 : index
      %get3A_3398 = arith.constant 0 : index
      %get3A_3399 = arith.constant 0 : index
      %get3A_3400 = vector.load %arg24[%get3A_3397, %get3A_3398, %get3A_3399] : memref<2x128x1024xf32, #tpu.memory_space<vmem>>, vector<1x128x1024xf32>
      %get3A_3401 = vector.shape_cast %get3A_3400 : vector<1x128x1024xf32> to vector<128x1024xf32>
      %dot_general3A_3402 = arith.constant dense<0.000000e+00> : vector<128x1024xf32>
      %dot_general3A_3403 = tpu.matmul %get3A_3396, %get3A_3401, %dot_general3A_3402 {dimension_numbers = #tpu.dot_dimension_numbers<[1], [0], [0], [1], [0, 0, 1, 1], [], []>, transpose_lhs_hint = false} : vector<128x128xf32>, vector<128x1024xf32>, vector<128x1024xf32> -> vector<128x1024xf32>
      %get3A_3404 = arith.constant 0 : index
      %get3A_3405 = arith.constant 0 : index
      %get3A_3406 = vector.load %arg15[%get3A_3404, %get3A_3405] : memref<128x1xf32, #tpu.memory_space<vmem>>, vector<128x1xf32>
      %add3A_3407 = vector.broadcast %get3A_3406 : vector<128x1xf32> to vector<128x1024xf32>
      %add3A_3408 = arith.addf %dot_general3A_3403, %add3A_3407 : vector<128x1024xf32>
      %convert_element_type3A_3409 = arith.truncf %add3A_3408 : vector<128x1024xf32> to vector<128x1024xbf16>
      %swap3A_3410 = arith.constant 45 : index
      %swap3A_3411 = arith.constant 0 : index
      %swap3A_3412 = arith.constant 0 : index
      %swap3A_3413 = vector.load %arg23[%swap3A_3410, %swap3A_3411, %swap3A_3412] : memref<64x128x1024xbf16, #tpu.memory_space<vmem>>, vector<1x128x1024xbf16>
      %swap3A_3414 = vector.shape_cast %swap3A_3413 : vector<1x128x1024xbf16> to vector<128x1024xbf16>
      %swap3A_3415 = vector.shape_cast %convert_element_type3A_3409 : vector<128x1024xbf16> to vector<1x128x1024xbf16>
      tpu.vector_store %arg23[%swap3A_3410, %swap3A_3411, %swap3A_3412], %swap3A_3415 {strides = array<i32>} : memref<64x128x1024xbf16, #tpu.memory_space<vmem>>, vector<1x128x1024xbf16>,
      %dma_start3A_3416 = arith.constant 47 : i32
      %dma_start3A_3417 = arith.constant 1 : i32
      %dma_start3A_3418 = arith.constant 1 : i32
      %dma_start3A_3419 = tpu.memref_slice %arg33[%dma_start3A_3418] : memref<2x!tpu.dma_semaphore, #tpu.memory_space<semaphore_mem>> -> memref<1x!tpu.dma_semaphore, #tpu.memory_space<semaphore_mem>>
      %dma_start3A_3420 = tpu.memref_squeeze %dma_start3A_3419 : memref<1x!tpu.dma_semaphore, #tpu.memory_space<semaphore_mem>> -> memref<!tpu.dma_semaphore, #tpu.memory_space<semaphore_mem>>
      %dma_start3A_3421 = arith.constant 0 : i32
      %dma_start3A_3422 = arith.constant 0 : i32
      %dma_start3A_3423 = tpu.memref_slice %arg24[%dma_start3A_3417, %dma_start3A_3421, %dma_start3A_3422] : memref<2x128x1024xf32, #tpu.memory_space<vmem>> -> memref<1x128x1024xf32, #tpu.memory_space<vmem>>
      %dma_start3A_3424 = tpu.memref_squeeze %dma_start3A_3423 : memref<1x128x1024xf32, #tpu.memory_space<vmem>> -> memref<128x1024xf32, #tpu.memory_space<vmem>>
      %dma_start3A_3425 = arith.constant 0 : i32
      %dma_start3A_3426 = arith.constant 0 : i32
      %dma_start3A_3427 = tpu.memref_slice %arg2[%dma_start3A_3416, %dma_start3A_3425, %dma_start3A_3426] : memref<64x128x1024xf32, #tpu.memory_space<any>> -> memref<1x128x1024xf32, #tpu.memory_space<any>>
      %dma_start3A_3428 = tpu.memref_squeeze %dma_start3A_3427 : memref<1x128x1024xf32, #tpu.memory_space<any>> -> memref<128x1024xf32, #tpu.memory_space<any>>
      tpu.enqueue_dma source(%dma_start3A_3428 : memref<128x1024xf32, #tpu.memory_space<any>>) target(%dma_start3A_3424 : memref<128x1024xf32, #tpu.memory_space<vmem>>) target_semaphore(%dma_start3A_3420 : memref<!tpu.dma_semaphore, #tpu.memory_space<semaphore_mem>>)
      %dma_wait3A_3429 = arith.constant 46 : i32
      %dma_wait3A_3430 = arith.constant 0 : i32
      %dma_wait3A_3431 = arith.constant 0 : i32
      %dma_wait3A_3432 = tpu.memref_slice %arg33[%dma_wait3A_3431] : memref<2x!tpu.dma_semaphore, #tpu.memory_space<semaphore_mem>> -> memref<1x!tpu.dma_semaphore, #tpu.memory_space<semaphore_mem>>
      %dma_wait3A_3433 = tpu.memref_squeeze %dma_wait3A_3432 : memref<1x!tpu.dma_semaphore, #tpu.memory_space<semaphore_mem>> -> memref<!tpu.dma_semaphore, #tpu.memory_space<semaphore_mem>>
      %dma_wait3A_3434 = arith.constant 0 : i32
      %dma_wait3A_3435 = arith.constant 0 : i32
      %dma_wait3A_3436 = tpu.memref_slice %arg24[%dma_wait3A_3430, %dma_wait3A_3434, %dma_wait3A_3435] : memref<2x128x1024xf32, #tpu.memory_space<vmem>> -> memref<1x128x1024xf32, #tpu.memory_space<vmem>>
      %dma_wait3A_3437 = tpu.memref_squeeze %dma_wait3A_3436 : memref<1x128x1024xf32, #tpu.memory_space<vmem>> -> memref<128x1024xf32, #tpu.memory_space<vmem>>
      %dma_wait3A_3438 = arith.constant 0 : i32
      %dma_wait3A_3439 = arith.constant 0 : i32
      %dma_wait3A_3440 = tpu.memref_slice %arg2[%dma_wait3A_3429, %dma_wait3A_3438, %dma_wait3A_3439] : memref<64x128x1024xf32, #tpu.memory_space<any>> -> memref<1x128x1024xf32, #tpu.memory_space<any>>
      %dma_wait3A_3441 = tpu.memref_squeeze %dma_wait3A_3440 : memref<1x128x1024xf32, #tpu.memory_space<any>> -> memref<128x1024xf32, #tpu.memory_space<any>>
      tpu.wait_dma2 semaphore(%dma_wait3A_3433 : memref<!tpu.dma_semaphore, #tpu.memory_space<semaphore_mem>>) src(%dma_wait3A_3441 : memref<128x1024xf32, #tpu.memory_space<any>>) dst(%dma_wait3A_3437 : memref<128x1024xf32, #tpu.memory_space<vmem>>)
      %get3A_3442 = arith.constant 0 : index
      %get3A_3443 = arith.constant 0 : index
      %get3A_3444 = vector.load %arg14[%get3A_3442, %get3A_3443] : memref<128x128xf32, #tpu.memory_space<vmem>>, vector<128x128xf32>
      %get3A_3445 = arith.constant 0 : index
      %get3A_3446 = arith.constant 0 : index
      %get3A_3447 = arith.constant 0 : index
      %get3A_3448 = vector.load %arg24[%get3A_3445, %get3A_3446, %get3A_3447] : memref<2x128x1024xf32, #tpu.memory_space<vmem>>, vector<1x128x1024xf32>
      %get3A_3449 = vector.shape_cast %get3A_3448 : vector<1x128x1024xf32> to vector<128x1024xf32>
      %dot_general3A_3450 = arith.constant dense<0.000000e+00> : vector<128x1024xf32>
      %dot_general3A_3451 = tpu.matmul %get3A_3444, %get3A_3449, %dot_general3A_3450 {dimension_numbers = #tpu.dot_dimension_numbers<[1], [0], [0], [1], [0, 0, 1, 1], [], []>, transpose_lhs_hint = false} : vector<128x128xf32>, vector<128x1024xf32>, vector<128x1024xf32> -> vector<128x1024xf32>
      %get3A_3452 = arith.constant 0 : index
      %get3A_3453 = arith.constant 0 : index
      %get3A_3454 = vector.load %arg15[%get3A_3452, %get3A_3453] : memref<128x1xf32, #tpu.memory_space<vmem>>, vector<128x1xf32>
      %add3A_3455 = vector.broadcast %get3A_3454 : vector<128x1xf32> to vector<128x1024xf32>
      %add3A_3456 = arith.addf %dot_general3A_3451, %add3A_3455 : vector<128x1024xf32>
      %convert_element_type3A_3457 = arith.truncf %add3A_3456 : vector<128x1024xf32> to vector<128x1024xbf16>
      %swap3A_3458 = arith.constant 46 : index
      %swap3A_3459 = arith.constant 0 : index
      %swap3A_3460 = arith.constant 0 : index
      %swap3A_3461 = vector.load %arg23[%swap3A_3458, %swap3A_3459, %swap3A_3460] : memref<64x128x1024xbf16, #tpu.memory_space<vmem>>, vector<1x128x1024xbf16>
      %swap3A_3462 = vector.shape_cast %swap3A_3461 : vector<1x128x1024xbf16> to vector<128x1024xbf16>
      %swap3A_3463 = vector.shape_cast %convert_element_type3A_3457 : vector<128x1024xbf16> to vector<1x128x1024xbf16>
      tpu.vector_store %arg23[%swap3A_3458, %swap3A_3459, %swap3A_3460], %swap3A_3463 {strides = array<i32>} : memref<64x128x1024xbf16, #tpu.memory_space<vmem>>, vector<1x128x1024xbf16>,
      %dma_start3A_3464 = arith.constant 48 : i32
      %dma_start3A_3465 = arith.constant 0 : i32
      %dma_start3A_3466 = arith.constant 0 : i32
      %dma_start3A_3467 = tpu.memref_slice %arg33[%dma_start3A_3466] : memref<2x!tpu.dma_semaphore, #tpu.memory_space<semaphore_mem>> -> memref<1x!tpu.dma_semaphore, #tpu.memory_space<semaphore_mem>>
      %dma_start3A_3468 = tpu.memref_squeeze %dma_start3A_3467 : memref<1x!tpu.dma_semaphore, #tpu.memory_space<semaphore_mem>> -> memref<!tpu.dma_semaphore, #tpu.memory_space<semaphore_mem>>
      %dma_start3A_3469 = arith.constant 0 : i32
      %dma_start3A_3470 = arith.constant 0 : i32
      %dma_start3A_3471 = tpu.memref_slice %arg24[%dma_start3A_3465, %dma_start3A_3469, %dma_start3A_3470] : memref<2x128x1024xf32, #tpu.memory_space<vmem>> -> memref<1x128x1024xf32, #tpu.memory_space<vmem>>
      %dma_start3A_3472 = tpu.memref_squeeze %dma_start3A_3471 : memref<1x128x1024xf32, #tpu.memory_space<vmem>> -> memref<128x1024xf32, #tpu.memory_space<vmem>>
      %dma_start3A_3473 = arith.constant 0 : i32
      %dma_start3A_3474 = arith.constant 0 : i32
      %dma_start3A_3475 = tpu.memref_slice %arg2[%dma_start3A_3464, %dma_start3A_3473, %dma_start3A_3474] : memref<64x128x1024xf32, #tpu.memory_space<any>> -> memref<1x128x1024xf32, #tpu.memory_space<any>>
      %dma_start3A_3476 = tpu.memref_squeeze %dma_start3A_3475 : memref<1x128x1024xf32, #tpu.memory_space<any>> -> memref<128x1024xf32, #tpu.memory_space<any>>
      tpu.enqueue_dma source(%dma_start3A_3476 : memref<128x1024xf32, #tpu.memory_space<any>>) target(%dma_start3A_3472 : memref<128x1024xf32, #tpu.memory_space<vmem>>) target_semaphore(%dma_start3A_3468 : memref<!tpu.dma_semaphore, #tpu.memory_space<semaphore_mem>>)
      %dma_wait3A_3477 = arith.constant 47 : i32
      %dma_wait3A_3478 = arith.constant 1 : i32
      %dma_wait3A_3479 = arith.constant 1 : i32
      %dma_wait3A_3480 = tpu.memref_slice %arg33[%dma_wait3A_3479] : memref<2x!tpu.dma_semaphore, #tpu.memory_space<semaphore_mem>> -> memref<1x!tpu.dma_semaphore, #tpu.memory_space<semaphore_mem>>
      %dma_wait3A_3481 = tpu.memref_squeeze %dma_wait3A_3480 : memref<1x!tpu.dma_semaphore, #tpu.memory_space<semaphore_mem>> -> memref<!tpu.dma_semaphore, #tpu.memory_space<semaphore_mem>>
      %dma_wait3A_3482 = arith.constant 0 : i32
      %dma_wait3A_3483 = arith.constant 0 : i32
      %dma_wait3A_3484 = tpu.memref_slice %arg24[%dma_wait3A_3478, %dma_wait3A_3482, %dma_wait3A_3483] : memref<2x128x1024xf32, #tpu.memory_space<vmem>> -> memref<1x128x1024xf32, #tpu.memory_space<vmem>>
      %dma_wait3A_3485 = tpu.memref_squeeze %dma_wait3A_3484 : memref<1x128x1024xf32, #tpu.memory_space<vmem>> -> memref<128x1024xf32, #tpu.memory_space<vmem>>
      %dma_wait3A_3486 = arith.constant 0 : i32
      %dma_wait3A_3487 = arith.constant 0 : i32
      %dma_wait3A_3488 = tpu.memref_slice %arg2[%dma_wait3A_3477, %dma_wait3A_3486, %dma_wait3A_3487] : memref<64x128x1024xf32, #tpu.memory_space<any>> -> memref<1x128x1024xf32, #tpu.memory_space<any>>
      %dma_wait3A_3489 = tpu.memref_squeeze %dma_wait3A_3488 : memref<1x128x1024xf32, #tpu.memory_space<any>> -> memref<128x1024xf32, #tpu.memory_space<any>>
      tpu.wait_dma2 semaphore(%dma_wait3A_3481 : memref<!tpu.dma_semaphore, #tpu.memory_space<semaphore_mem>>) src(%dma_wait3A_3489 : memref<128x1024xf32, #tpu.memory_space<any>>) dst(%dma_wait3A_3485 : memref<128x1024xf32, #tpu.memory_space<vmem>>)
      %get3A_3490 = arith.constant 0 : index
      %get3A_3491 = arith.constant 0 : index
      %get3A_3492 = vector.load %arg14[%get3A_3490, %get3A_3491] : memref<128x128xf32, #tpu.memory_space<vmem>>, vector<128x128xf32>
      %get3A_3493 = arith.constant 1 : index
      %get3A_3494 = arith.constant 0 : index
      %get3A_3495 = arith.constant 0 : index
      %get3A_3496 = vector.load %arg24[%get3A_3493, %get3A_3494, %get3A_3495] : memref<2x128x1024xf32, #tpu.memory_space<vmem>>, vector<1x128x1024xf32>
      %get3A_3497 = vector.shape_cast %get3A_3496 : vector<1x128x1024xf32> to vector<128x1024xf32>
      %dot_general3A_3498 = arith.constant dense<0.000000e+00> : vector<128x1024xf32>
      %dot_general3A_3499 = tpu.matmul %get3A_3492, %get3A_3497, %dot_general3A_3498 {dimension_numbers = #tpu.dot_dimension_numbers<[1], [0], [0], [1], [0, 0, 1, 1], [], []>, transpose_lhs_hint = false} : vector<128x128xf32>, vector<128x1024xf32>, vector<128x1024xf32> -> vector<128x1024xf32>
      %get3A_3500 = arith.constant 0 : index
      %get3A_3501 = arith.constant 0 : index
      %get3A_3502 = vector.load %arg15[%get3A_3500, %get3A_3501] : memref<128x1xf32, #tpu.memory_space<vmem>>, vector<128x1xf32>
      %add3A_3503 = vector.broadcast %get3A_3502 : vector<128x1xf32> to vector<128x1024xf32>
      %add3A_3504 = arith.addf %dot_general3A_3499, %add3A_3503 : vector<128x1024xf32>
      %convert_element_type3A_3505 = arith.truncf %add3A_3504 : vector<128x1024xf32> to vector<128x1024xbf16>
      %swap3A_3506 = arith.constant 47 : index
      %swap3A_3507 = arith.constant 0 : index
      %swap3A_3508 = arith.constant 0 : index
      %swap3A_3509 = vector.load %arg23[%swap3A_3506, %swap3A_3507, %swap3A_3508] : memref<64x128x1024xbf16, #tpu.memory_space<vmem>>, vector<1x128x1024xbf16>
      %swap3A_3510 = vector.shape_cast %swap3A_3509 : vector<1x128x1024xbf16> to vector<128x1024xbf16>
      %swap3A_3511 = vector.shape_cast %convert_element_type3A_3505 : vector<128x1024xbf16> to vector<1x128x1024xbf16>
      tpu.vector_store %arg23[%swap3A_3506, %swap3A_3507, %swap3A_3508], %swap3A_3511 {strides = array<i32>} : memref<64x128x1024xbf16, #tpu.memory_space<vmem>>, vector<1x128x1024xbf16>,
      %dma_start3A_3512 = arith.constant 49 : i32
      %dma_start3A_3513 = arith.constant 1 : i32
      %dma_start3A_3514 = arith.constant 1 : i32
      %dma_start3A_3515 = tpu.memref_slice %arg33[%dma_start3A_3514] : memref<2x!tpu.dma_semaphore, #tpu.memory_space<semaphore_mem>> -> memref<1x!tpu.dma_semaphore, #tpu.memory_space<semaphore_mem>>
      %dma_start3A_3516 = tpu.memref_squeeze %dma_start3A_3515 : memref<1x!tpu.dma_semaphore, #tpu.memory_space<semaphore_mem>> -> memref<!tpu.dma_semaphore, #tpu.memory_space<semaphore_mem>>
      %dma_start3A_3517 = arith.constant 0 : i32
      %dma_start3A_3518 = arith.constant 0 : i32
      %dma_start3A_3519 = tpu.memref_slice %arg24[%dma_start3A_3513, %dma_start3A_3517, %dma_start3A_3518] : memref<2x128x1024xf32, #tpu.memory_space<vmem>> -> memref<1x128x1024xf32, #tpu.memory_space<vmem>>
      %dma_start3A_3520 = tpu.memref_squeeze %dma_start3A_3519 : memref<1x128x1024xf32, #tpu.memory_space<vmem>> -> memref<128x1024xf32, #tpu.memory_space<vmem>>
      %dma_start3A_3521 = arith.constant 0 : i32
      %dma_start3A_3522 = arith.constant 0 : i32
      %dma_start3A_3523 = tpu.memref_slice %arg2[%dma_start3A_3512, %dma_start3A_3521, %dma_start3A_3522] : memref<64x128x1024xf32, #tpu.memory_space<any>> -> memref<1x128x1024xf32, #tpu.memory_space<any>>
      %dma_start3A_3524 = tpu.memref_squeeze %dma_start3A_3523 : memref<1x128x1024xf32, #tpu.memory_space<any>> -> memref<128x1024xf32, #tpu.memory_space<any>>
      tpu.enqueue_dma source(%dma_start3A_3524 : memref<128x1024xf32, #tpu.memory_space<any>>) target(%dma_start3A_3520 : memref<128x1024xf32, #tpu.memory_space<vmem>>) target_semaphore(%dma_start3A_3516 : memref<!tpu.dma_semaphore, #tpu.memory_space<semaphore_mem>>)
      %dma_wait3A_3525 = arith.constant 48 : i32
      %dma_wait3A_3526 = arith.constant 0 : i32
      %dma_wait3A_3527 = arith.constant 0 : i32
      %dma_wait3A_3528 = tpu.memref_slice %arg33[%dma_wait3A_3527] : memref<2x!tpu.dma_semaphore, #tpu.memory_space<semaphore_mem>> -> memref<1x!tpu.dma_semaphore, #tpu.memory_space<semaphore_mem>>
      %dma_wait3A_3529 = tpu.memref_squeeze %dma_wait3A_3528 : memref<1x!tpu.dma_semaphore, #tpu.memory_space<semaphore_mem>> -> memref<!tpu.dma_semaphore, #tpu.memory_space<semaphore_mem>>
      %dma_wait3A_3530 = arith.constant 0 : i32
      %dma_wait3A_3531 = arith.constant 0 : i32
      %dma_wait3A_3532 = tpu.memref_slice %arg24[%dma_wait3A_3526, %dma_wait3A_3530, %dma_wait3A_3531] : memref<2x128x1024xf32, #tpu.memory_space<vmem>> -> memref<1x128x1024xf32, #tpu.memory_space<vmem>>
      %dma_wait3A_3533 = tpu.memref_squeeze %dma_wait3A_3532 : memref<1x128x1024xf32, #tpu.memory_space<vmem>> -> memref<128x1024xf32, #tpu.memory_space<vmem>>
      %dma_wait3A_3534 = arith.constant 0 : i32
      %dma_wait3A_3535 = arith.constant 0 : i32
      %dma_wait3A_3536 = tpu.memref_slice %arg2[%dma_wait3A_3525, %dma_wait3A_3534, %dma_wait3A_3535] : memref<64x128x1024xf32, #tpu.memory_space<any>> -> memref<1x128x1024xf32, #tpu.memory_space<any>>
      %dma_wait3A_3537 = tpu.memref_squeeze %dma_wait3A_3536 : memref<1x128x1024xf32, #tpu.memory_space<any>> -> memref<128x1024xf32, #tpu.memory_space<any>>
      tpu.wait_dma2 semaphore(%dma_wait3A_3529 : memref<!tpu.dma_semaphore, #tpu.memory_space<semaphore_mem>>) src(%dma_wait3A_3537 : memref<128x1024xf32, #tpu.memory_space<any>>) dst(%dma_wait3A_3533 : memref<128x1024xf32, #tpu.memory_space<vmem>>)
      %get3A_3538 = arith.constant 0 : index
      %get3A_3539 = arith.constant 0 : index
      %get3A_3540 = vector.load %arg14[%get3A_3538, %get3A_3539] : memref<128x128xf32, #tpu.memory_space<vmem>>, vector<128x128xf32>
      %get3A_3541 = arith.constant 0 : index
      %get3A_3542 = arith.constant 0 : index
      %get3A_3543 = arith.constant 0 : index
      %get3A_3544 = vector.load %arg24[%get3A_3541, %get3A_3542, %get3A_3543] : memref<2x128x1024xf32, #tpu.memory_space<vmem>>, vector<1x128x1024xf32>
      %get3A_3545 = vector.shape_cast %get3A_3544 : vector<1x128x1024xf32> to vector<128x1024xf32>
      %dot_general3A_3546 = arith.constant dense<0.000000e+00> : vector<128x1024xf32>
      %dot_general3A_3547 = tpu.matmul %get3A_3540, %get3A_3545, %dot_general3A_3546 {dimension_numbers = #tpu.dot_dimension_numbers<[1], [0], [0], [1], [0, 0, 1, 1], [], []>, transpose_lhs_hint = false} : vector<128x128xf32>, vector<128x1024xf32>, vector<128x1024xf32> -> vector<128x1024xf32>
      %get3A_3548 = arith.constant 0 : index
      %get3A_3549 = arith.constant 0 : index
      %get3A_3550 = vector.load %arg15[%get3A_3548, %get3A_3549] : memref<128x1xf32, #tpu.memory_space<vmem>>, vector<128x1xf32>
      %add3A_3551 = vector.broadcast %get3A_3550 : vector<128x1xf32> to vector<128x1024xf32>
      %add3A_3552 = arith.addf %dot_general3A_3547, %add3A_3551 : vector<128x1024xf32>
      %convert_element_type3A_3553 = arith.truncf %add3A_3552 : vector<128x1024xf32> to vector<128x1024xbf16>
      %swap3A_3554 = arith.constant 48 : index
      %swap3A_3555 = arith.constant 0 : index
      %swap3A_3556 = arith.constant 0 : index
      %swap3A_3557 = vector.load %arg23[%swap3A_3554, %swap3A_3555, %swap3A_3556] : memref<64x128x1024xbf16, #tpu.memory_space<vmem>>, vector<1x128x1024xbf16>
      %swap3A_3558 = vector.shape_cast %swap3A_3557 : vector<1x128x1024xbf16> to vector<128x1024xbf16>
      %swap3A_3559 = vector.shape_cast %convert_element_type3A_3553 : vector<128x1024xbf16> to vector<1x128x1024xbf16>
      tpu.vector_store %arg23[%swap3A_3554, %swap3A_3555, %swap3A_3556], %swap3A_3559 {strides = array<i32>} : memref<64x128x1024xbf16, #tpu.memory_space<vmem>>, vector<1x128x1024xbf16>,
      %dma_start3A_3560 = arith.constant 50 : i32
      %dma_start3A_3561 = arith.constant 0 : i32
      %dma_start3A_3562 = arith.constant 0 : i32
      %dma_start3A_3563 = tpu.memref_slice %arg33[%dma_start3A_3562] : memref<2x!tpu.dma_semaphore, #tpu.memory_space<semaphore_mem>> -> memref<1x!tpu.dma_semaphore, #tpu.memory_space<semaphore_mem>>
      %dma_start3A_3564 = tpu.memref_squeeze %dma_start3A_3563 : memref<1x!tpu.dma_semaphore, #tpu.memory_space<semaphore_mem>> -> memref<!tpu.dma_semaphore, #tpu.memory_space<semaphore_mem>>
      %dma_start3A_3565 = arith.constant 0 : i32
      %dma_start3A_3566 = arith.constant 0 : i32
      %dma_start3A_3567 = tpu.memref_slice %arg24[%dma_start3A_3561, %dma_start3A_3565, %dma_start3A_3566] : memref<2x128x1024xf32, #tpu.memory_space<vmem>> -> memref<1x128x1024xf32, #tpu.memory_space<vmem>>
      %dma_start3A_3568 = tpu.memref_squeeze %dma_start3A_3567 : memref<1x128x1024xf32, #tpu.memory_space<vmem>> -> memref<128x1024xf32, #tpu.memory_space<vmem>>
      %dma_start3A_3569 = arith.constant 0 : i32
      %dma_start3A_3570 = arith.constant 0 : i32
      %dma_start3A_3571 = tpu.memref_slice %arg2[%dma_start3A_3560, %dma_start3A_3569, %dma_start3A_3570] : memref<64x128x1024xf32, #tpu.memory_space<any>> -> memref<1x128x1024xf32, #tpu.memory_space<any>>
      %dma_start3A_3572 = tpu.memref_squeeze %dma_start3A_3571 : memref<1x128x1024xf32, #tpu.memory_space<any>> -> memref<128x1024xf32, #tpu.memory_space<any>>
      tpu.enqueue_dma source(%dma_start3A_3572 : memref<128x1024xf32, #tpu.memory_space<any>>) target(%dma_start3A_3568 : memref<128x1024xf32, #tpu.memory_space<vmem>>) target_semaphore(%dma_start3A_3564 : memref<!tpu.dma_semaphore, #tpu.memory_space<semaphore_mem>>)
      %dma_wait3A_3573 = arith.constant 49 : i32
      %dma_wait3A_3574 = arith.constant 1 : i32
      %dma_wait3A_3575 = arith.constant 1 : i32
      %dma_wait3A_3576 = tpu.memref_slice %arg33[%dma_wait3A_3575] : memref<2x!tpu.dma_semaphore, #tpu.memory_space<semaphore_mem>> -> memref<1x!tpu.dma_semaphore, #tpu.memory_space<semaphore_mem>>
      %dma_wait3A_3577 = tpu.memref_squeeze %dma_wait3A_3576 : memref<1x!tpu.dma_semaphore, #tpu.memory_space<semaphore_mem>> -> memref<!tpu.dma_semaphore, #tpu.memory_space<semaphore_mem>>
      %dma_wait3A_3578 = arith.constant 0 : i32
      %dma_wait3A_3579 = arith.constant 0 : i32
      %dma_wait3A_3580 = tpu.memref_slice %arg24[%dma_wait3A_3574, %dma_wait3A_3578, %dma_wait3A_3579] : memref<2x128x1024xf32, #tpu.memory_space<vmem>> -> memref<1x128x1024xf32, #tpu.memory_space<vmem>>
      %dma_wait3A_3581 = tpu.memref_squeeze %dma_wait3A_3580 : memref<1x128x1024xf32, #tpu.memory_space<vmem>> -> memref<128x1024xf32, #tpu.memory_space<vmem>>
      %dma_wait3A_3582 = arith.constant 0 : i32
      %dma_wait3A_3583 = arith.constant 0 : i32
      %dma_wait3A_3584 = tpu.memref_slice %arg2[%dma_wait3A_3573, %dma_wait3A_3582, %dma_wait3A_3583] : memref<64x128x1024xf32, #tpu.memory_space<any>> -> memref<1x128x1024xf32, #tpu.memory_space<any>>
      %dma_wait3A_3585 = tpu.memref_squeeze %dma_wait3A_3584 : memref<1x128x1024xf32, #tpu.memory_space<any>> -> memref<128x1024xf32, #tpu.memory_space<any>>
      tpu.wait_dma2 semaphore(%dma_wait3A_3577 : memref<!tpu.dma_semaphore, #tpu.memory_space<semaphore_mem>>) src(%dma_wait3A_3585 : memref<128x1024xf32, #tpu.memory_space<any>>) dst(%dma_wait3A_3581 : memref<128x1024xf32, #tpu.memory_space<vmem>>)
      %get3A_3586 = arith.constant 0 : index
      %get3A_3587 = arith.constant 0 : index
      %get3A_3588 = vector.load %arg14[%get3A_3586, %get3A_3587] : memref<128x128xf32, #tpu.memory_space<vmem>>, vector<128x128xf32>
      %get3A_3589 = arith.constant 1 : index
      %get3A_3590 = arith.constant 0 : index
      %get3A_3591 = arith.constant 0 : index
      %get3A_3592 = vector.load %arg24[%get3A_3589, %get3A_3590, %get3A_3591] : memref<2x128x1024xf32, #tpu.memory_space<vmem>>, vector<1x128x1024xf32>
      %get3A_3593 = vector.shape_cast %get3A_3592 : vector<1x128x1024xf32> to vector<128x1024xf32>
      %dot_general3A_3594 = arith.constant dense<0.000000e+00> : vector<128x1024xf32>
      %dot_general3A_3595 = tpu.matmul %get3A_3588, %get3A_3593, %dot_general3A_3594 {dimension_numbers = #tpu.dot_dimension_numbers<[1], [0], [0], [1], [0, 0, 1, 1], [], []>, transpose_lhs_hint = false} : vector<128x128xf32>, vector<128x1024xf32>, vector<128x1024xf32> -> vector<128x1024xf32>
      %get3A_3596 = arith.constant 0 : index
      %get3A_3597 = arith.constant 0 : index
      %get3A_3598 = vector.load %arg15[%get3A_3596, %get3A_3597] : memref<128x1xf32, #tpu.memory_space<vmem>>, vector<128x1xf32>
      %add3A_3599 = vector.broadcast %get3A_3598 : vector<128x1xf32> to vector<128x1024xf32>
      %add3A_3600 = arith.addf %dot_general3A_3595, %add3A_3599 : vector<128x1024xf32>
      %convert_element_type3A_3601 = arith.truncf %add3A_3600 : vector<128x1024xf32> to vector<128x1024xbf16>
      %swap3A_3602 = arith.constant 49 : index
      %swap3A_3603 = arith.constant 0 : index
      %swap3A_3604 = arith.constant 0 : index
      %swap3A_3605 = vector.load %arg23[%swap3A_3602, %swap3A_3603, %swap3A_3604] : memref<64x128x1024xbf16, #tpu.memory_space<vmem>>, vector<1x128x1024xbf16>
      %swap3A_3606 = vector.shape_cast %swap3A_3605 : vector<1x128x1024xbf16> to vector<128x1024xbf16>
      %swap3A_3607 = vector.shape_cast %convert_element_type3A_3601 : vector<128x1024xbf16> to vector<1x128x1024xbf16>
      tpu.vector_store %arg23[%swap3A_3602, %swap3A_3603, %swap3A_3604], %swap3A_3607 {strides = array<i32>} : memref<64x128x1024xbf16, #tpu.memory_space<vmem>>, vector<1x128x1024xbf16>,
      %dma_start3A_3608 = arith.constant 51 : i32
      %dma_start3A_3609 = arith.constant 1 : i32
      %dma_start3A_3610 = arith.constant 1 : i32
      %dma_start3A_3611 = tpu.memref_slice %arg33[%dma_start3A_3610] : memref<2x!tpu.dma_semaphore, #tpu.memory_space<semaphore_mem>> -> memref<1x!tpu.dma_semaphore, #tpu.memory_space<semaphore_mem>>
      %dma_start3A_3612 = tpu.memref_squeeze %dma_start3A_3611 : memref<1x!tpu.dma_semaphore, #tpu.memory_space<semaphore_mem>> -> memref<!tpu.dma_semaphore, #tpu.memory_space<semaphore_mem>>
      %dma_start3A_3613 = arith.constant 0 : i32
      %dma_start3A_3614 = arith.constant 0 : i32
      %dma_start3A_3615 = tpu.memref_slice %arg24[%dma_start3A_3609, %dma_start3A_3613, %dma_start3A_3614] : memref<2x128x1024xf32, #tpu.memory_space<vmem>> -> memref<1x128x1024xf32, #tpu.memory_space<vmem>>
      %dma_start3A_3616 = tpu.memref_squeeze %dma_start3A_3615 : memref<1x128x1024xf32, #tpu.memory_space<vmem>> -> memref<128x1024xf32, #tpu.memory_space<vmem>>
      %dma_start3A_3617 = arith.constant 0 : i32
      %dma_start3A_3618 = arith.constant 0 : i32
      %dma_start3A_3619 = tpu.memref_slice %arg2[%dma_start3A_3608, %dma_start3A_3617, %dma_start3A_3618] : memref<64x128x1024xf32, #tpu.memory_space<any>> -> memref<1x128x1024xf32, #tpu.memory_space<any>>
      %dma_start3A_3620 = tpu.memref_squeeze %dma_start3A_3619 : memref<1x128x1024xf32, #tpu.memory_space<any>> -> memref<128x1024xf32, #tpu.memory_space<any>>
      tpu.enqueue_dma source(%dma_start3A_3620 : memref<128x1024xf32, #tpu.memory_space<any>>) target(%dma_start3A_3616 : memref<128x1024xf32, #tpu.memory_space<vmem>>) target_semaphore(%dma_start3A_3612 : memref<!tpu.dma_semaphore, #tpu.memory_space<semaphore_mem>>)
      %dma_wait3A_3621 = arith.constant 50 : i32
      %dma_wait3A_3622 = arith.constant 0 : i32
      %dma_wait3A_3623 = arith.constant 0 : i32
      %dma_wait3A_3624 = tpu.memref_slice %arg33[%dma_wait3A_3623] : memref<2x!tpu.dma_semaphore, #tpu.memory_space<semaphore_mem>> -> memref<1x!tpu.dma_semaphore, #tpu.memory_space<semaphore_mem>>
      %dma_wait3A_3625 = tpu.memref_squeeze %dma_wait3A_3624 : memref<1x!tpu.dma_semaphore, #tpu.memory_space<semaphore_mem>> -> memref<!tpu.dma_semaphore, #tpu.memory_space<semaphore_mem>>
      %dma_wait3A_3626 = arith.constant 0 : i32
      %dma_wait3A_3627 = arith.constant 0 : i32
      %dma_wait3A_3628 = tpu.memref_slice %arg24[%dma_wait3A_3622, %dma_wait3A_3626, %dma_wait3A_3627] : memref<2x128x1024xf32, #tpu.memory_space<vmem>> -> memref<1x128x1024xf32, #tpu.memory_space<vmem>>
      %dma_wait3A_3629 = tpu.memref_squeeze %dma_wait3A_3628 : memref<1x128x1024xf32, #tpu.memory_space<vmem>> -> memref<128x1024xf32, #tpu.memory_space<vmem>>
      %dma_wait3A_3630 = arith.constant 0 : i32
      %dma_wait3A_3631 = arith.constant 0 : i32
      %dma_wait3A_3632 = tpu.memref_slice %arg2[%dma_wait3A_3621, %dma_wait3A_3630, %dma_wait3A_3631] : memref<64x128x1024xf32, #tpu.memory_space<any>> -> memref<1x128x1024xf32, #tpu.memory_space<any>>
      %dma_wait3A_3633 = tpu.memref_squeeze %dma_wait3A_3632 : memref<1x128x1024xf32, #tpu.memory_space<any>> -> memref<128x1024xf32, #tpu.memory_space<any>>
      tpu.wait_dma2 semaphore(%dma_wait3A_3625 : memref<!tpu.dma_semaphore, #tpu.memory_space<semaphore_mem>>) src(%dma_wait3A_3633 : memref<128x1024xf32, #tpu.memory_space<any>>) dst(%dma_wait3A_3629 : memref<128x1024xf32, #tpu.memory_space<vmem>>)
      %get3A_3634 = arith.constant 0 : index
      %get3A_3635 = arith.constant 0 : index
      %get3A_3636 = vector.load %arg14[%get3A_3634, %get3A_3635] : memref<128x128xf32, #tpu.memory_space<vmem>>, vector<128x128xf32>
      %get3A_3637 = arith.constant 0 : index
      %get3A_3638 = arith.constant 0 : index
      %get3A_3639 = arith.constant 0 : index
      %get3A_3640 = vector.load %arg24[%get3A_3637, %get3A_3638, %get3A_3639] : memref<2x128x1024xf32, #tpu.memory_space<vmem>>, vector<1x128x1024xf32>
      %get3A_3641 = vector.shape_cast %get3A_3640 : vector<1x128x1024xf32> to vector<128x1024xf32>
      %dot_general3A_3642 = arith.constant dense<0.000000e+00> : vector<128x1024xf32>
      %dot_general3A_3643 = tpu.matmul %get3A_3636, %get3A_3641, %dot_general3A_3642 {dimension_numbers = #tpu.dot_dimension_numbers<[1], [0], [0], [1], [0, 0, 1, 1], [], []>, transpose_lhs_hint = false} : vector<128x128xf32>, vector<128x1024xf32>, vector<128x1024xf32> -> vector<128x1024xf32>
      %get3A_3644 = arith.constant 0 : index
      %get3A_3645 = arith.constant 0 : index
      %get3A_3646 = vector.load %arg15[%get3A_3644, %get3A_3645] : memref<128x1xf32, #tpu.memory_space<vmem>>, vector<128x1xf32>
      %add3A_3647 = vector.broadcast %get3A_3646 : vector<128x1xf32> to vector<128x1024xf32>
      %add3A_3648 = arith.addf %dot_general3A_3643, %add3A_3647 : vector<128x1024xf32>
      %convert_element_type3A_3649 = arith.truncf %add3A_3648 : vector<128x1024xf32> to vector<128x1024xbf16>
      %swap3A_3650 = arith.constant 50 : index
      %swap3A_3651 = arith.constant 0 : index
      %swap3A_3652 = arith.constant 0 : index
      %swap3A_3653 = vector.load %arg23[%swap3A_3650, %swap3A_3651, %swap3A_3652] : memref<64x128x1024xbf16, #tpu.memory_space<vmem>>, vector<1x128x1024xbf16>
      %swap3A_3654 = vector.shape_cast %swap3A_3653 : vector<1x128x1024xbf16> to vector<128x1024xbf16>
      %swap3A_3655 = vector.shape_cast %convert_element_type3A_3649 : vector<128x1024xbf16> to vector<1x128x1024xbf16>
      tpu.vector_store %arg23[%swap3A_3650, %swap3A_3651, %swap3A_3652], %swap3A_3655 {strides = array<i32>} : memref<64x128x1024xbf16, #tpu.memory_space<vmem>>, vector<1x128x1024xbf16>,
      %dma_start3A_3656 = arith.constant 52 : i32
      %dma_start3A_3657 = arith.constant 0 : i32
      %dma_start3A_3658 = arith.constant 0 : i32
      %dma_start3A_3659 = tpu.memref_slice %arg33[%dma_start3A_3658] : memref<2x!tpu.dma_semaphore, #tpu.memory_space<semaphore_mem>> -> memref<1x!tpu.dma_semaphore, #tpu.memory_space<semaphore_mem>>
      %dma_start3A_3660 = tpu.memref_squeeze %dma_start3A_3659 : memref<1x!tpu.dma_semaphore, #tpu.memory_space<semaphore_mem>> -> memref<!tpu.dma_semaphore, #tpu.memory_space<semaphore_mem>>
      %dma_start3A_3661 = arith.constant 0 : i32
      %dma_start3A_3662 = arith.constant 0 : i32
      %dma_start3A_3663 = tpu.memref_slice %arg24[%dma_start3A_3657, %dma_start3A_3661, %dma_start3A_3662] : memref<2x128x1024xf32, #tpu.memory_space<vmem>> -> memref<1x128x1024xf32, #tpu.memory_space<vmem>>
      %dma_start3A_3664 = tpu.memref_squeeze %dma_start3A_3663 : memref<1x128x1024xf32, #tpu.memory_space<vmem>> -> memref<128x1024xf32, #tpu.memory_space<vmem>>
      %dma_start3A_3665 = arith.constant 0 : i32
      %dma_start3A_3666 = arith.constant 0 : i32
      %dma_start3A_3667 = tpu.memref_slice %arg2[%dma_start3A_3656, %dma_start3A_3665, %dma_start3A_3666] : memref<64x128x1024xf32, #tpu.memory_space<any>> -> memref<1x128x1024xf32, #tpu.memory_space<any>>
      %dma_start3A_3668 = tpu.memref_squeeze %dma_start3A_3667 : memref<1x128x1024xf32, #tpu.memory_space<any>> -> memref<128x1024xf32, #tpu.memory_space<any>>
      tpu.enqueue_dma source(%dma_start3A_3668 : memref<128x1024xf32, #tpu.memory_space<any>>) target(%dma_start3A_3664 : memref<128x1024xf32, #tpu.memory_space<vmem>>) target_semaphore(%dma_start3A_3660 : memref<!tpu.dma_semaphore, #tpu.memory_space<semaphore_mem>>)
      %dma_wait3A_3669 = arith.constant 51 : i32
      %dma_wait3A_3670 = arith.constant 1 : i32
      %dma_wait3A_3671 = arith.constant 1 : i32
      %dma_wait3A_3672 = tpu.memref_slice %arg33[%dma_wait3A_3671] : memref<2x!tpu.dma_semaphore, #tpu.memory_space<semaphore_mem>> -> memref<1x!tpu.dma_semaphore, #tpu.memory_space<semaphore_mem>>
      %dma_wait3A_3673 = tpu.memref_squeeze %dma_wait3A_3672 : memref<1x!tpu.dma_semaphore, #tpu.memory_space<semaphore_mem>> -> memref<!tpu.dma_semaphore, #tpu.memory_space<semaphore_mem>>
      %dma_wait3A_3674 = arith.constant 0 : i32
      %dma_wait3A_3675 = arith.constant 0 : i32
      %dma_wait3A_3676 = tpu.memref_slice %arg24[%dma_wait3A_3670, %dma_wait3A_3674, %dma_wait3A_3675] : memref<2x128x1024xf32, #tpu.memory_space<vmem>> -> memref<1x128x1024xf32, #tpu.memory_space<vmem>>
      %dma_wait3A_3677 = tpu.memref_squeeze %dma_wait3A_3676 : memref<1x128x1024xf32, #tpu.memory_space<vmem>> -> memref<128x1024xf32, #tpu.memory_space<vmem>>
      %dma_wait3A_3678 = arith.constant 0 : i32
      %dma_wait3A_3679 = arith.constant 0 : i32
      %dma_wait3A_3680 = tpu.memref_slice %arg2[%dma_wait3A_3669, %dma_wait3A_3678, %dma_wait3A_3679] : memref<64x128x1024xf32, #tpu.memory_space<any>> -> memref<1x128x1024xf32, #tpu.memory_space<any>>
      %dma_wait3A_3681 = tpu.memref_squeeze %dma_wait3A_3680 : memref<1x128x1024xf32, #tpu.memory_space<any>> -> memref<128x1024xf32, #tpu.memory_space<any>>
      tpu.wait_dma2 semaphore(%dma_wait3A_3673 : memref<!tpu.dma_semaphore, #tpu.memory_space<semaphore_mem>>) src(%dma_wait3A_3681 : memref<128x1024xf32, #tpu.memory_space<any>>) dst(%dma_wait3A_3677 : memref<128x1024xf32, #tpu.memory_space<vmem>>)
      %get3A_3682 = arith.constant 0 : index
      %get3A_3683 = arith.constant 0 : index
      %get3A_3684 = vector.load %arg14[%get3A_3682, %get3A_3683] : memref<128x128xf32, #tpu.memory_space<vmem>>, vector<128x128xf32>
      %get3A_3685 = arith.constant 1 : index
      %get3A_3686 = arith.constant 0 : index
      %get3A_3687 = arith.constant 0 : index
      %get3A_3688 = vector.load %arg24[%get3A_3685, %get3A_3686, %get3A_3687] : memref<2x128x1024xf32, #tpu.memory_space<vmem>>, vector<1x128x1024xf32>
      %get3A_3689 = vector.shape_cast %get3A_3688 : vector<1x128x1024xf32> to vector<128x1024xf32>
      %dot_general3A_3690 = arith.constant dense<0.000000e+00> : vector<128x1024xf32>
      %dot_general3A_3691 = tpu.matmul %get3A_3684, %get3A_3689, %dot_general3A_3690 {dimension_numbers = #tpu.dot_dimension_numbers<[1], [0], [0], [1], [0, 0, 1, 1], [], []>, transpose_lhs_hint = false} : vector<128x128xf32>, vector<128x1024xf32>, vector<128x1024xf32> -> vector<128x1024xf32>
      %get3A_3692 = arith.constant 0 : index
      %get3A_3693 = arith.constant 0 : index
      %get3A_3694 = vector.load %arg15[%get3A_3692, %get3A_3693] : memref<128x1xf32, #tpu.memory_space<vmem>>, vector<128x1xf32>
      %add3A_3695 = vector.broadcast %get3A_3694 : vector<128x1xf32> to vector<128x1024xf32>
      %add3A_3696 = arith.addf %dot_general3A_3691, %add3A_3695 : vector<128x1024xf32>
      %convert_element_type3A_3697 = arith.truncf %add3A_3696 : vector<128x1024xf32> to vector<128x1024xbf16>
      %swap3A_3698 = arith.constant 51 : index
      %swap3A_3699 = arith.constant 0 : index
      %swap3A_3700 = arith.constant 0 : index
      %swap3A_3701 = vector.load %arg23[%swap3A_3698, %swap3A_3699, %swap3A_3700] : memref<64x128x1024xbf16, #tpu.memory_space<vmem>>, vector<1x128x1024xbf16>
      %swap3A_3702 = vector.shape_cast %swap3A_3701 : vector<1x128x1024xbf16> to vector<128x1024xbf16>
      %swap3A_3703 = vector.shape_cast %convert_element_type3A_3697 : vector<128x1024xbf16> to vector<1x128x1024xbf16>
      tpu.vector_store %arg23[%swap3A_3698, %swap3A_3699, %swap3A_3700], %swap3A_3703 {strides = array<i32>} : memref<64x128x1024xbf16, #tpu.memory_space<vmem>>, vector<1x128x1024xbf16>,
      %dma_start3A_3704 = arith.constant 53 : i32
      %dma_start3A_3705 = arith.constant 1 : i32
      %dma_start3A_3706 = arith.constant 1 : i32
      %dma_start3A_3707 = tpu.memref_slice %arg33[%dma_start3A_3706] : memref<2x!tpu.dma_semaphore, #tpu.memory_space<semaphore_mem>> -> memref<1x!tpu.dma_semaphore, #tpu.memory_space<semaphore_mem>>
      %dma_start3A_3708 = tpu.memref_squeeze %dma_start3A_3707 : memref<1x!tpu.dma_semaphore, #tpu.memory_space<semaphore_mem>> -> memref<!tpu.dma_semaphore, #tpu.memory_space<semaphore_mem>>
      %dma_start3A_3709 = arith.constant 0 : i32
      %dma_start3A_3710 = arith.constant 0 : i32
      %dma_start3A_3711 = tpu.memref_slice %arg24[%dma_start3A_3705, %dma_start3A_3709, %dma_start3A_3710] : memref<2x128x1024xf32, #tpu.memory_space<vmem>> -> memref<1x128x1024xf32, #tpu.memory_space<vmem>>
      %dma_start3A_3712 = tpu.memref_squeeze %dma_start3A_3711 : memref<1x128x1024xf32, #tpu.memory_space<vmem>> -> memref<128x1024xf32, #tpu.memory_space<vmem>>
      %dma_start3A_3713 = arith.constant 0 : i32
      %dma_start3A_3714 = arith.constant 0 : i32
      %dma_start3A_3715 = tpu.memref_slice %arg2[%dma_start3A_3704, %dma_start3A_3713, %dma_start3A_3714] : memref<64x128x1024xf32, #tpu.memory_space<any>> -> memref<1x128x1024xf32, #tpu.memory_space<any>>
      %dma_start3A_3716 = tpu.memref_squeeze %dma_start3A_3715 : memref<1x128x1024xf32, #tpu.memory_space<any>> -> memref<128x1024xf32, #tpu.memory_space<any>>
      tpu.enqueue_dma source(%dma_start3A_3716 : memref<128x1024xf32, #tpu.memory_space<any>>) target(%dma_start3A_3712 : memref<128x1024xf32, #tpu.memory_space<vmem>>) target_semaphore(%dma_start3A_3708 : memref<!tpu.dma_semaphore, #tpu.memory_space<semaphore_mem>>)
      %dma_wait3A_3717 = arith.constant 52 : i32
      %dma_wait3A_3718 = arith.constant 0 : i32
      %dma_wait3A_3719 = arith.constant 0 : i32
      %dma_wait3A_3720 = tpu.memref_slice %arg33[%dma_wait3A_3719] : memref<2x!tpu.dma_semaphore, #tpu.memory_space<semaphore_mem>> -> memref<1x!tpu.dma_semaphore, #tpu.memory_space<semaphore_mem>>
      %dma_wait3A_3721 = tpu.memref_squeeze %dma_wait3A_3720 : memref<1x!tpu.dma_semaphore, #tpu.memory_space<semaphore_mem>> -> memref<!tpu.dma_semaphore, #tpu.memory_space<semaphore_mem>>
      %dma_wait3A_3722 = arith.constant 0 : i32
      %dma_wait3A_3723 = arith.constant 0 : i32
      %dma_wait3A_3724 = tpu.memref_slice %arg24[%dma_wait3A_3718, %dma_wait3A_3722, %dma_wait3A_3723] : memref<2x128x1024xf32, #tpu.memory_space<vmem>> -> memref<1x128x1024xf32, #tpu.memory_space<vmem>>
      %dma_wait3A_3725 = tpu.memref_squeeze %dma_wait3A_3724 : memref<1x128x1024xf32, #tpu.memory_space<vmem>> -> memref<128x1024xf32, #tpu.memory_space<vmem>>
      %dma_wait3A_3726 = arith.constant 0 : i32
      %dma_wait3A_3727 = arith.constant 0 : i32
      %dma_wait3A_3728 = tpu.memref_slice %arg2[%dma_wait3A_3717, %dma_wait3A_3726, %dma_wait3A_3727] : memref<64x128x1024xf32, #tpu.memory_space<any>> -> memref<1x128x1024xf32, #tpu.memory_space<any>>
      %dma_wait3A_3729 = tpu.memref_squeeze %dma_wait3A_3728 : memref<1x128x1024xf32, #tpu.memory_space<any>> -> memref<128x1024xf32, #tpu.memory_space<any>>
      tpu.wait_dma2 semaphore(%dma_wait3A_3721 : memref<!tpu.dma_semaphore, #tpu.memory_space<semaphore_mem>>) src(%dma_wait3A_3729 : memref<128x1024xf32, #tpu.memory_space<any>>) dst(%dma_wait3A_3725 : memref<128x1024xf32, #tpu.memory_space<vmem>>)
      %get3A_3730 = arith.constant 0 : index
      %get3A_3731 = arith.constant 0 : index
      %get3A_3732 = vector.load %arg14[%get3A_3730, %get3A_3731] : memref<128x128xf32, #tpu.memory_space<vmem>>, vector<128x128xf32>
      %get3A_3733 = arith.constant 0 : index
      %get3A_3734 = arith.constant 0 : index
      %get3A_3735 = arith.constant 0 : index
      %get3A_3736 = vector.load %arg24[%get3A_3733, %get3A_3734, %get3A_3735] : memref<2x128x1024xf32, #tpu.memory_space<vmem>>, vector<1x128x1024xf32>
      %get3A_3737 = vector.shape_cast %get3A_3736 : vector<1x128x1024xf32> to vector<128x1024xf32>
      %dot_general3A_3738 = arith.constant dense<0.000000e+00> : vector<128x1024xf32>
      %dot_general3A_3739 = tpu.matmul %get3A_3732, %get3A_3737, %dot_general3A_3738 {dimension_numbers = #tpu.dot_dimension_numbers<[1], [0], [0], [1], [0, 0, 1, 1], [], []>, transpose_lhs_hint = false} : vector<128x128xf32>, vector<128x1024xf32>, vector<128x1024xf32> -> vector<128x1024xf32>
      %get3A_3740 = arith.constant 0 : index
      %get3A_3741 = arith.constant 0 : index
      %get3A_3742 = vector.load %arg15[%get3A_3740, %get3A_3741] : memref<128x1xf32, #tpu.memory_space<vmem>>, vector<128x1xf32>
      %add3A_3743 = vector.broadcast %get3A_3742 : vector<128x1xf32> to vector<128x1024xf32>
      %add3A_3744 = arith.addf %dot_general3A_3739, %add3A_3743 : vector<128x1024xf32>
      %convert_element_type3A_3745 = arith.truncf %add3A_3744 : vector<128x1024xf32> to vector<128x1024xbf16>
      %swap3A_3746 = arith.constant 52 : index
      %swap3A_3747 = arith.constant 0 : index
      %swap3A_3748 = arith.constant 0 : index
      %swap3A_3749 = vector.load %arg23[%swap3A_3746, %swap3A_3747, %swap3A_3748] : memref<64x128x1024xbf16, #tpu.memory_space<vmem>>, vector<1x128x1024xbf16>
      %swap3A_3750 = vector.shape_cast %swap3A_3749 : vector<1x128x1024xbf16> to vector<128x1024xbf16>
      %swap3A_3751 = vector.shape_cast %convert_element_type3A_3745 : vector<128x1024xbf16> to vector<1x128x1024xbf16>
      tpu.vector_store %arg23[%swap3A_3746, %swap3A_3747, %swap3A_3748], %swap3A_3751 {strides = array<i32>} : memref<64x128x1024xbf16, #tpu.memory_space<vmem>>, vector<1x128x1024xbf16>,
      %dma_start3A_3752 = arith.constant 54 : i32
      %dma_start3A_3753 = arith.constant 0 : i32
      %dma_start3A_3754 = arith.constant 0 : i32
      %dma_start3A_3755 = tpu.memref_slice %arg33[%dma_start3A_3754] : memref<2x!tpu.dma_semaphore, #tpu.memory_space<semaphore_mem>> -> memref<1x!tpu.dma_semaphore, #tpu.memory_space<semaphore_mem>>
      %dma_start3A_3756 = tpu.memref_squeeze %dma_start3A_3755 : memref<1x!tpu.dma_semaphore, #tpu.memory_space<semaphore_mem>> -> memref<!tpu.dma_semaphore, #tpu.memory_space<semaphore_mem>>
      %dma_start3A_3757 = arith.constant 0 : i32
      %dma_start3A_3758 = arith.constant 0 : i32
      %dma_start3A_3759 = tpu.memref_slice %arg24[%dma_start3A_3753, %dma_start3A_3757, %dma_start3A_3758] : memref<2x128x1024xf32, #tpu.memory_space<vmem>> -> memref<1x128x1024xf32, #tpu.memory_space<vmem>>
      %dma_start3A_3760 = tpu.memref_squeeze %dma_start3A_3759 : memref<1x128x1024xf32, #tpu.memory_space<vmem>> -> memref<128x1024xf32, #tpu.memory_space<vmem>>
      %dma_start3A_3761 = arith.constant 0 : i32
      %dma_start3A_3762 = arith.constant 0 : i32
      %dma_start3A_3763 = tpu.memref_slice %arg2[%dma_start3A_3752, %dma_start3A_3761, %dma_start3A_3762] : memref<64x128x1024xf32, #tpu.memory_space<any>> -> memref<1x128x1024xf32, #tpu.memory_space<any>>
      %dma_start3A_3764 = tpu.memref_squeeze %dma_start3A_3763 : memref<1x128x1024xf32, #tpu.memory_space<any>> -> memref<128x1024xf32, #tpu.memory_space<any>>
      tpu.enqueue_dma source(%dma_start3A_3764 : memref<128x1024xf32, #tpu.memory_space<any>>) target(%dma_start3A_3760 : memref<128x1024xf32, #tpu.memory_space<vmem>>) target_semaphore(%dma_start3A_3756 : memref<!tpu.dma_semaphore, #tpu.memory_space<semaphore_mem>>)
      %dma_wait3A_3765 = arith.constant 53 : i32
      %dma_wait3A_3766 = arith.constant 1 : i32
      %dma_wait3A_3767 = arith.constant 1 : i32
      %dma_wait3A_3768 = tpu.memref_slice %arg33[%dma_wait3A_3767] : memref<2x!tpu.dma_semaphore, #tpu.memory_space<semaphore_mem>> -> memref<1x!tpu.dma_semaphore, #tpu.memory_space<semaphore_mem>>
      %dma_wait3A_3769 = tpu.memref_squeeze %dma_wait3A_3768 : memref<1x!tpu.dma_semaphore, #tpu.memory_space<semaphore_mem>> -> memref<!tpu.dma_semaphore, #tpu.memory_space<semaphore_mem>>
      %dma_wait3A_3770 = arith.constant 0 : i32
      %dma_wait3A_3771 = arith.constant 0 : i32
      %dma_wait3A_3772 = tpu.memref_slice %arg24[%dma_wait3A_3766, %dma_wait3A_3770, %dma_wait3A_3771] : memref<2x128x1024xf32, #tpu.memory_space<vmem>> -> memref<1x128x1024xf32, #tpu.memory_space<vmem>>
      %dma_wait3A_3773 = tpu.memref_squeeze %dma_wait3A_3772 : memref<1x128x1024xf32, #tpu.memory_space<vmem>> -> memref<128x1024xf32, #tpu.memory_space<vmem>>
      %dma_wait3A_3774 = arith.constant 0 : i32
      %dma_wait3A_3775 = arith.constant 0 : i32
      %dma_wait3A_3776 = tpu.memref_slice %arg2[%dma_wait3A_3765, %dma_wait3A_3774, %dma_wait3A_3775] : memref<64x128x1024xf32, #tpu.memory_space<any>> -> memref<1x128x1024xf32, #tpu.memory_space<any>>
      %dma_wait3A_3777 = tpu.memref_squeeze %dma_wait3A_3776 : memref<1x128x1024xf32, #tpu.memory_space<any>> -> memref<128x1024xf32, #tpu.memory_space<any>>
      tpu.wait_dma2 semaphore(%dma_wait3A_3769 : memref<!tpu.dma_semaphore, #tpu.memory_space<semaphore_mem>>) src(%dma_wait3A_3777 : memref<128x1024xf32, #tpu.memory_space<any>>) dst(%dma_wait3A_3773 : memref<128x1024xf32, #tpu.memory_space<vmem>>)
      %get3A_3778 = arith.constant 0 : index
      %get3A_3779 = arith.constant 0 : index
      %get3A_3780 = vector.load %arg14[%get3A_3778, %get3A_3779] : memref<128x128xf32, #tpu.memory_space<vmem>>, vector<128x128xf32>
      %get3A_3781 = arith.constant 1 : index
      %get3A_3782 = arith.constant 0 : index
      %get3A_3783 = arith.constant 0 : index
      %get3A_3784 = vector.load %arg24[%get3A_3781, %get3A_3782, %get3A_3783] : memref<2x128x1024xf32, #tpu.memory_space<vmem>>, vector<1x128x1024xf32>
      %get3A_3785 = vector.shape_cast %get3A_3784 : vector<1x128x1024xf32> to vector<128x1024xf32>
      %dot_general3A_3786 = arith.constant dense<0.000000e+00> : vector<128x1024xf32>
      %dot_general3A_3787 = tpu.matmul %get3A_3780, %get3A_3785, %dot_general3A_3786 {dimension_numbers = #tpu.dot_dimension_numbers<[1], [0], [0], [1], [0, 0, 1, 1], [], []>, transpose_lhs_hint = false} : vector<128x128xf32>, vector<128x1024xf32>, vector<128x1024xf32> -> vector<128x1024xf32>
      %get3A_3788 = arith.constant 0 : index
      %get3A_3789 = arith.constant 0 : index
      %get3A_3790 = vector.load %arg15[%get3A_3788, %get3A_3789] : memref<128x1xf32, #tpu.memory_space<vmem>>, vector<128x1xf32>
      %add3A_3791 = vector.broadcast %get3A_3790 : vector<128x1xf32> to vector<128x1024xf32>
      %add3A_3792 = arith.addf %dot_general3A_3787, %add3A_3791 : vector<128x1024xf32>
      %convert_element_type3A_3793 = arith.truncf %add3A_3792 : vector<128x1024xf32> to vector<128x1024xbf16>
      %swap3A_3794 = arith.constant 53 : index
      %swap3A_3795 = arith.constant 0 : index
      %swap3A_3796 = arith.constant 0 : index
      %swap3A_3797 = vector.load %arg23[%swap3A_3794, %swap3A_3795, %swap3A_3796] : memref<64x128x1024xbf16, #tpu.memory_space<vmem>>, vector<1x128x1024xbf16>
      %swap3A_3798 = vector.shape_cast %swap3A_3797 : vector<1x128x1024xbf16> to vector<128x1024xbf16>
      %swap3A_3799 = vector.shape_cast %convert_element_type3A_3793 : vector<128x1024xbf16> to vector<1x128x1024xbf16>
      tpu.vector_store %arg23[%swap3A_3794, %swap3A_3795, %swap3A_3796], %swap3A_3799 {strides = array<i32>} : memref<64x128x1024xbf16, #tpu.memory_space<vmem>>, vector<1x128x1024xbf16>,
      %dma_start3A_3800 = arith.constant 55 : i32
      %dma_start3A_3801 = arith.constant 1 : i32
      %dma_start3A_3802 = arith.constant 1 : i32
      %dma_start3A_3803 = tpu.memref_slice %arg33[%dma_start3A_3802] : memref<2x!tpu.dma_semaphore, #tpu.memory_space<semaphore_mem>> -> memref<1x!tpu.dma_semaphore, #tpu.memory_space<semaphore_mem>>
      %dma_start3A_3804 = tpu.memref_squeeze %dma_start3A_3803 : memref<1x!tpu.dma_semaphore, #tpu.memory_space<semaphore_mem>> -> memref<!tpu.dma_semaphore, #tpu.memory_space<semaphore_mem>>
      %dma_start3A_3805 = arith.constant 0 : i32
      %dma_start3A_3806 = arith.constant 0 : i32
      %dma_start3A_3807 = tpu.memref_slice %arg24[%dma_start3A_3801, %dma_start3A_3805, %dma_start3A_3806] : memref<2x128x1024xf32, #tpu.memory_space<vmem>> -> memref<1x128x1024xf32, #tpu.memory_space<vmem>>
      %dma_start3A_3808 = tpu.memref_squeeze %dma_start3A_3807 : memref<1x128x1024xf32, #tpu.memory_space<vmem>> -> memref<128x1024xf32, #tpu.memory_space<vmem>>
      %dma_start3A_3809 = arith.constant 0 : i32
      %dma_start3A_3810 = arith.constant 0 : i32
      %dma_start3A_3811 = tpu.memref_slice %arg2[%dma_start3A_3800, %dma_start3A_3809, %dma_start3A_3810] : memref<64x128x1024xf32, #tpu.memory_space<any>> -> memref<1x128x1024xf32, #tpu.memory_space<any>>
      %dma_start3A_3812 = tpu.memref_squeeze %dma_start3A_3811 : memref<1x128x1024xf32, #tpu.memory_space<any>> -> memref<128x1024xf32, #tpu.memory_space<any>>
      tpu.enqueue_dma source(%dma_start3A_3812 : memref<128x1024xf32, #tpu.memory_space<any>>) target(%dma_start3A_3808 : memref<128x1024xf32, #tpu.memory_space<vmem>>) target_semaphore(%dma_start3A_3804 : memref<!tpu.dma_semaphore, #tpu.memory_space<semaphore_mem>>)
      %dma_wait3A_3813 = arith.constant 54 : i32
      %dma_wait3A_3814 = arith.constant 0 : i32
      %dma_wait3A_3815 = arith.constant 0 : i32
      %dma_wait3A_3816 = tpu.memref_slice %arg33[%dma_wait3A_3815] : memref<2x!tpu.dma_semaphore, #tpu.memory_space<semaphore_mem>> -> memref<1x!tpu.dma_semaphore, #tpu.memory_space<semaphore_mem>>
      %dma_wait3A_3817 = tpu.memref_squeeze %dma_wait3A_3816 : memref<1x!tpu.dma_semaphore, #tpu.memory_space<semaphore_mem>> -> memref<!tpu.dma_semaphore, #tpu.memory_space<semaphore_mem>>
      %dma_wait3A_3818 = arith.constant 0 : i32
      %dma_wait3A_3819 = arith.constant 0 : i32
      %dma_wait3A_3820 = tpu.memref_slice %arg24[%dma_wait3A_3814, %dma_wait3A_3818, %dma_wait3A_3819] : memref<2x128x1024xf32, #tpu.memory_space<vmem>> -> memref<1x128x1024xf32, #tpu.memory_space<vmem>>
      %dma_wait3A_3821 = tpu.memref_squeeze %dma_wait3A_3820 : memref<1x128x1024xf32, #tpu.memory_space<vmem>> -> memref<128x1024xf32, #tpu.memory_space<vmem>>
      %dma_wait3A_3822 = arith.constant 0 : i32
      %dma_wait3A_3823 = arith.constant 0 : i32
      %dma_wait3A_3824 = tpu.memref_slice %arg2[%dma_wait3A_3813, %dma_wait3A_3822, %dma_wait3A_3823] : memref<64x128x1024xf32, #tpu.memory_space<any>> -> memref<1x128x1024xf32, #tpu.memory_space<any>>
      %dma_wait3A_3825 = tpu.memref_squeeze %dma_wait3A_3824 : memref<1x128x1024xf32, #tpu.memory_space<any>> -> memref<128x1024xf32, #tpu.memory_space<any>>
      tpu.wait_dma2 semaphore(%dma_wait3A_3817 : memref<!tpu.dma_semaphore, #tpu.memory_space<semaphore_mem>>) src(%dma_wait3A_3825 : memref<128x1024xf32, #tpu.memory_space<any>>) dst(%dma_wait3A_3821 : memref<128x1024xf32, #tpu.memory_space<vmem>>)
      %get3A_3826 = arith.constant 0 : index
      %get3A_3827 = arith.constant 0 : index
      %get3A_3828 = vector.load %arg14[%get3A_3826, %get3A_3827] : memref<128x128xf32, #tpu.memory_space<vmem>>, vector<128x128xf32>
      %get3A_3829 = arith.constant 0 : index
      %get3A_3830 = arith.constant 0 : index
      %get3A_3831 = arith.constant 0 : index
      %get3A_3832 = vector.load %arg24[%get3A_3829, %get3A_3830, %get3A_3831] : memref<2x128x1024xf32, #tpu.memory_space<vmem>>, vector<1x128x1024xf32>
      %get3A_3833 = vector.shape_cast %get3A_3832 : vector<1x128x1024xf32> to vector<128x1024xf32>
      %dot_general3A_3834 = arith.constant dense<0.000000e+00> : vector<128x1024xf32>
      %dot_general3A_3835 = tpu.matmul %get3A_3828, %get3A_3833, %dot_general3A_3834 {dimension_numbers = #tpu.dot_dimension_numbers<[1], [0], [0], [1], [0, 0, 1, 1], [], []>, transpose_lhs_hint = false} : vector<128x128xf32>, vector<128x1024xf32>, vector<128x1024xf32> -> vector<128x1024xf32>
      %get3A_3836 = arith.constant 0 : index
      %get3A_3837 = arith.constant 0 : index
      %get3A_3838 = vector.load %arg15[%get3A_3836, %get3A_3837] : memref<128x1xf32, #tpu.memory_space<vmem>>, vector<128x1xf32>
      %add3A_3839 = vector.broadcast %get3A_3838 : vector<128x1xf32> to vector<128x1024xf32>
      %add3A_3840 = arith.addf %dot_general3A_3835, %add3A_3839 : vector<128x1024xf32>
      %convert_element_type3A_3841 = arith.truncf %add3A_3840 : vector<128x1024xf32> to vector<128x1024xbf16>
      %swap3A_3842 = arith.constant 54 : index
      %swap3A_3843 = arith.constant 0 : index
      %swap3A_3844 = arith.constant 0 : index
      %swap3A_3845 = vector.load %arg23[%swap3A_3842, %swap3A_3843, %swap3A_3844] : memref<64x128x1024xbf16, #tpu.memory_space<vmem>>, vector<1x128x1024xbf16>
      %swap3A_3846 = vector.shape_cast %swap3A_3845 : vector<1x128x1024xbf16> to vector<128x1024xbf16>
      %swap3A_3847 = vector.shape_cast %convert_element_type3A_3841 : vector<128x1024xbf16> to vector<1x128x1024xbf16>
      tpu.vector_store %arg23[%swap3A_3842, %swap3A_3843, %swap3A_3844], %swap3A_3847 {strides = array<i32>} : memref<64x128x1024xbf16, #tpu.memory_space<vmem>>, vector<1x128x1024xbf16>,
      %dma_start3A_3848 = arith.constant 56 : i32
      %dma_start3A_3849 = arith.constant 0 : i32
      %dma_start3A_3850 = arith.constant 0 : i32
      %dma_start3A_3851 = tpu.memref_slice %arg33[%dma_start3A_3850] : memref<2x!tpu.dma_semaphore, #tpu.memory_space<semaphore_mem>> -> memref<1x!tpu.dma_semaphore, #tpu.memory_space<semaphore_mem>>
      %dma_start3A_3852 = tpu.memref_squeeze %dma_start3A_3851 : memref<1x!tpu.dma_semaphore, #tpu.memory_space<semaphore_mem>> -> memref<!tpu.dma_semaphore, #tpu.memory_space<semaphore_mem>>
      %dma_start3A_3853 = arith.constant 0 : i32
      %dma_start3A_3854 = arith.constant 0 : i32
      %dma_start3A_3855 = tpu.memref_slice %arg24[%dma_start3A_3849, %dma_start3A_3853, %dma_start3A_3854] : memref<2x128x1024xf32, #tpu.memory_space<vmem>> -> memref<1x128x1024xf32, #tpu.memory_space<vmem>>
      %dma_start3A_3856 = tpu.memref_squeeze %dma_start3A_3855 : memref<1x128x1024xf32, #tpu.memory_space<vmem>> -> memref<128x1024xf32, #tpu.memory_space<vmem>>
      %dma_start3A_3857 = arith.constant 0 : i32
      %dma_start3A_3858 = arith.constant 0 : i32
      %dma_start3A_3859 = tpu.memref_slice %arg2[%dma_start3A_3848, %dma_start3A_3857, %dma_start3A_3858] : memref<64x128x1024xf32, #tpu.memory_space<any>> -> memref<1x128x1024xf32, #tpu.memory_space<any>>
      %dma_start3A_3860 = tpu.memref_squeeze %dma_start3A_3859 : memref<1x128x1024xf32, #tpu.memory_space<any>> -> memref<128x1024xf32, #tpu.memory_space<any>>
      tpu.enqueue_dma source(%dma_start3A_3860 : memref<128x1024xf32, #tpu.memory_space<any>>) target(%dma_start3A_3856 : memref<128x1024xf32, #tpu.memory_space<vmem>>) target_semaphore(%dma_start3A_3852 : memref<!tpu.dma_semaphore, #tpu.memory_space<semaphore_mem>>)
      %dma_wait3A_3861 = arith.constant 55 : i32
      %dma_wait3A_3862 = arith.constant 1 : i32
      %dma_wait3A_3863 = arith.constant 1 : i32
      %dma_wait3A_3864 = tpu.memref_slice %arg33[%dma_wait3A_3863] : memref<2x!tpu.dma_semaphore, #tpu.memory_space<semaphore_mem>> -> memref<1x!tpu.dma_semaphore, #tpu.memory_space<semaphore_mem>>
      %dma_wait3A_3865 = tpu.memref_squeeze %dma_wait3A_3864 : memref<1x!tpu.dma_semaphore, #tpu.memory_space<semaphore_mem>> -> memref<!tpu.dma_semaphore, #tpu.memory_space<semaphore_mem>>
      %dma_wait3A_3866 = arith.constant 0 : i32
      %dma_wait3A_3867 = arith.constant 0 : i32
      %dma_wait3A_3868 = tpu.memref_slice %arg24[%dma_wait3A_3862, %dma_wait3A_3866, %dma_wait3A_3867] : memref<2x128x1024xf32, #tpu.memory_space<vmem>> -> memref<1x128x1024xf32, #tpu.memory_space<vmem>>
      %dma_wait3A_3869 = tpu.memref_squeeze %dma_wait3A_3868 : memref<1x128x1024xf32, #tpu.memory_space<vmem>> -> memref<128x1024xf32, #tpu.memory_space<vmem>>
      %dma_wait3A_3870 = arith.constant 0 : i32
      %dma_wait3A_3871 = arith.constant 0 : i32
      %dma_wait3A_3872 = tpu.memref_slice %arg2[%dma_wait3A_3861, %dma_wait3A_3870, %dma_wait3A_3871] : memref<64x128x1024xf32, #tpu.memory_space<any>> -> memref<1x128x1024xf32, #tpu.memory_space<any>>
      %dma_wait3A_3873 = tpu.memref_squeeze %dma_wait3A_3872 : memref<1x128x1024xf32, #tpu.memory_space<any>> -> memref<128x1024xf32, #tpu.memory_space<any>>
      tpu.wait_dma2 semaphore(%dma_wait3A_3865 : memref<!tpu.dma_semaphore, #tpu.memory_space<semaphore_mem>>) src(%dma_wait3A_3873 : memref<128x1024xf32, #tpu.memory_space<any>>) dst(%dma_wait3A_3869 : memref<128x1024xf32, #tpu.memory_space<vmem>>)
      %get3A_3874 = arith.constant 0 : index
      %get3A_3875 = arith.constant 0 : index
      %get3A_3876 = vector.load %arg14[%get3A_3874, %get3A_3875] : memref<128x128xf32, #tpu.memory_space<vmem>>, vector<128x128xf32>
      %get3A_3877 = arith.constant 1 : index
      %get3A_3878 = arith.constant 0 : index
      %get3A_3879 = arith.constant 0 : index
      %get3A_3880 = vector.load %arg24[%get3A_3877, %get3A_3878, %get3A_3879] : memref<2x128x1024xf32, #tpu.memory_space<vmem>>, vector<1x128x1024xf32>
      %get3A_3881 = vector.shape_cast %get3A_3880 : vector<1x128x1024xf32> to vector<128x1024xf32>
      %dot_general3A_3882 = arith.constant dense<0.000000e+00> : vector<128x1024xf32>
      %dot_general3A_3883 = tpu.matmul %get3A_3876, %get3A_3881, %dot_general3A_3882 {dimension_numbers = #tpu.dot_dimension_numbers<[1], [0], [0], [1], [0, 0, 1, 1], [], []>, transpose_lhs_hint = false} : vector<128x128xf32>, vector<128x1024xf32>, vector<128x1024xf32> -> vector<128x1024xf32>
      %get3A_3884 = arith.constant 0 : index
      %get3A_3885 = arith.constant 0 : index
      %get3A_3886 = vector.load %arg15[%get3A_3884, %get3A_3885] : memref<128x1xf32, #tpu.memory_space<vmem>>, vector<128x1xf32>
      %add3A_3887 = vector.broadcast %get3A_3886 : vector<128x1xf32> to vector<128x1024xf32>
      %add3A_3888 = arith.addf %dot_general3A_3883, %add3A_3887 : vector<128x1024xf32>
      %convert_element_type3A_3889 = arith.truncf %add3A_3888 : vector<128x1024xf32> to vector<128x1024xbf16>
      %swap3A_3890 = arith.constant 55 : index
      %swap3A_3891 = arith.constant 0 : index
      %swap3A_3892 = arith.constant 0 : index
      %swap3A_3893 = vector.load %arg23[%swap3A_3890, %swap3A_3891, %swap3A_3892] : memref<64x128x1024xbf16, #tpu.memory_space<vmem>>, vector<1x128x1024xbf16>
      %swap3A_3894 = vector.shape_cast %swap3A_3893 : vector<1x128x1024xbf16> to vector<128x1024xbf16>
      %swap3A_3895 = vector.shape_cast %convert_element_type3A_3889 : vector<128x1024xbf16> to vector<1x128x1024xbf16>
      tpu.vector_store %arg23[%swap3A_3890, %swap3A_3891, %swap3A_3892], %swap3A_3895 {strides = array<i32>} : memref<64x128x1024xbf16, #tpu.memory_space<vmem>>, vector<1x128x1024xbf16>,
      %dma_start3A_3896 = arith.constant 57 : i32
      %dma_start3A_3897 = arith.constant 1 : i32
      %dma_start3A_3898 = arith.constant 1 : i32
      %dma_start3A_3899 = tpu.memref_slice %arg33[%dma_start3A_3898] : memref<2x!tpu.dma_semaphore, #tpu.memory_space<semaphore_mem>> -> memref<1x!tpu.dma_semaphore, #tpu.memory_space<semaphore_mem>>
      %dma_start3A_3900 = tpu.memref_squeeze %dma_start3A_3899 : memref<1x!tpu.dma_semaphore, #tpu.memory_space<semaphore_mem>> -> memref<!tpu.dma_semaphore, #tpu.memory_space<semaphore_mem>>
      %dma_start3A_3901 = arith.constant 0 : i32
      %dma_start3A_3902 = arith.constant 0 : i32
      %dma_start3A_3903 = tpu.memref_slice %arg24[%dma_start3A_3897, %dma_start3A_3901, %dma_start3A_3902] : memref<2x128x1024xf32, #tpu.memory_space<vmem>> -> memref<1x128x1024xf32, #tpu.memory_space<vmem>>
      %dma_start3A_3904 = tpu.memref_squeeze %dma_start3A_3903 : memref<1x128x1024xf32, #tpu.memory_space<vmem>> -> memref<128x1024xf32, #tpu.memory_space<vmem>>
      %dma_start3A_3905 = arith.constant 0 : i32
      %dma_start3A_3906 = arith.constant 0 : i32
      %dma_start3A_3907 = tpu.memref_slice %arg2[%dma_start3A_3896, %dma_start3A_3905, %dma_start3A_3906] : memref<64x128x1024xf32, #tpu.memory_space<any>> -> memref<1x128x1024xf32, #tpu.memory_space<any>>
      %dma_start3A_3908 = tpu.memref_squeeze %dma_start3A_3907 : memref<1x128x1024xf32, #tpu.memory_space<any>> -> memref<128x1024xf32, #tpu.memory_space<any>>
      tpu.enqueue_dma source(%dma_start3A_3908 : memref<128x1024xf32, #tpu.memory_space<any>>) target(%dma_start3A_3904 : memref<128x1024xf32, #tpu.memory_space<vmem>>) target_semaphore(%dma_start3A_3900 : memref<!tpu.dma_semaphore, #tpu.memory_space<semaphore_mem>>)
      %dma_wait3A_3909 = arith.constant 56 : i32
      %dma_wait3A_3910 = arith.constant 0 : i32
      %dma_wait3A_3911 = arith.constant 0 : i32
      %dma_wait3A_3912 = tpu.memref_slice %arg33[%dma_wait3A_3911] : memref<2x!tpu.dma_semaphore, #tpu.memory_space<semaphore_mem>> -> memref<1x!tpu.dma_semaphore, #tpu.memory_space<semaphore_mem>>
      %dma_wait3A_3913 = tpu.memref_squeeze %dma_wait3A_3912 : memref<1x!tpu.dma_semaphore, #tpu.memory_space<semaphore_mem>> -> memref<!tpu.dma_semaphore, #tpu.memory_space<semaphore_mem>>
      %dma_wait3A_3914 = arith.constant 0 : i32
      %dma_wait3A_3915 = arith.constant 0 : i32
      %dma_wait3A_3916 = tpu.memref_slice %arg24[%dma_wait3A_3910, %dma_wait3A_3914, %dma_wait3A_3915] : memref<2x128x1024xf32, #tpu.memory_space<vmem>> -> memref<1x128x1024xf32, #tpu.memory_space<vmem>>
      %dma_wait3A_3917 = tpu.memref_squeeze %dma_wait3A_3916 : memref<1x128x1024xf32, #tpu.memory_space<vmem>> -> memref<128x1024xf32, #tpu.memory_space<vmem>>
      %dma_wait3A_3918 = arith.constant 0 : i32
      %dma_wait3A_3919 = arith.constant 0 : i32
      %dma_wait3A_3920 = tpu.memref_slice %arg2[%dma_wait3A_3909, %dma_wait3A_3918, %dma_wait3A_3919] : memref<64x128x1024xf32, #tpu.memory_space<any>> -> memref<1x128x1024xf32, #tpu.memory_space<any>>
      %dma_wait3A_3921 = tpu.memref_squeeze %dma_wait3A_3920 : memref<1x128x1024xf32, #tpu.memory_space<any>> -> memref<128x1024xf32, #tpu.memory_space<any>>
      tpu.wait_dma2 semaphore(%dma_wait3A_3913 : memref<!tpu.dma_semaphore, #tpu.memory_space<semaphore_mem>>) src(%dma_wait3A_3921 : memref<128x1024xf32, #tpu.memory_space<any>>) dst(%dma_wait3A_3917 : memref<128x1024xf32, #tpu.memory_space<vmem>>)
      %get3A_3922 = arith.constant 0 : index
      %get3A_3923 = arith.constant 0 : index
      %get3A_3924 = vector.load %arg14[%get3A_3922, %get3A_3923] : memref<128x128xf32, #tpu.memory_space<vmem>>, vector<128x128xf32>
      %get3A_3925 = arith.constant 0 : index
      %get3A_3926 = arith.constant 0 : index
      %get3A_3927 = arith.constant 0 : index
      %get3A_3928 = vector.load %arg24[%get3A_3925, %get3A_3926, %get3A_3927] : memref<2x128x1024xf32, #tpu.memory_space<vmem>>, vector<1x128x1024xf32>
      %get3A_3929 = vector.shape_cast %get3A_3928 : vector<1x128x1024xf32> to vector<128x1024xf32>
      %dot_general3A_3930 = arith.constant dense<0.000000e+00> : vector<128x1024xf32>
      %dot_general3A_3931 = tpu.matmul %get3A_3924, %get3A_3929, %dot_general3A_3930 {dimension_numbers = #tpu.dot_dimension_numbers<[1], [0], [0], [1], [0, 0, 1, 1], [], []>, transpose_lhs_hint = false} : vector<128x128xf32>, vector<128x1024xf32>, vector<128x1024xf32> -> vector<128x1024xf32>
      %get3A_3932 = arith.constant 0 : index
      %get3A_3933 = arith.constant 0 : index
      %get3A_3934 = vector.load %arg15[%get3A_3932, %get3A_3933] : memref<128x1xf32, #tpu.memory_space<vmem>>, vector<128x1xf32>
      %add3A_3935 = vector.broadcast %get3A_3934 : vector<128x1xf32> to vector<128x1024xf32>
      %add3A_3936 = arith.addf %dot_general3A_3931, %add3A_3935 : vector<128x1024xf32>
      %convert_element_type3A_3937 = arith.truncf %add3A_3936 : vector<128x1024xf32> to vector<128x1024xbf16>
      %swap3A_3938 = arith.constant 56 : index
      %swap3A_3939 = arith.constant 0 : index
      %swap3A_3940 = arith.constant 0 : index
      %swap3A_3941 = vector.load %arg23[%swap3A_3938, %swap3A_3939, %swap3A_3940] : memref<64x128x1024xbf16, #tpu.memory_space<vmem>>, vector<1x128x1024xbf16>
      %swap3A_3942 = vector.shape_cast %swap3A_3941 : vector<1x128x1024xbf16> to vector<128x1024xbf16>
      %swap3A_3943 = vector.shape_cast %convert_element_type3A_3937 : vector<128x1024xbf16> to vector<1x128x1024xbf16>
      tpu.vector_store %arg23[%swap3A_3938, %swap3A_3939, %swap3A_3940], %swap3A_3943 {strides = array<i32>} : memref<64x128x1024xbf16, #tpu.memory_space<vmem>>, vector<1x128x1024xbf16>,
      %dma_start3A_3944 = arith.constant 58 : i32
      %dma_start3A_3945 = arith.constant 0 : i32
      %dma_start3A_3946 = arith.constant 0 : i32
      %dma_start3A_3947 = tpu.memref_slice %arg33[%dma_start3A_3946] : memref<2x!tpu.dma_semaphore, #tpu.memory_space<semaphore_mem>> -> memref<1x!tpu.dma_semaphore, #tpu.memory_space<semaphore_mem>>
      %dma_start3A_3948 = tpu.memref_squeeze %dma_start3A_3947 : memref<1x!tpu.dma_semaphore, #tpu.memory_space<semaphore_mem>> -> memref<!tpu.dma_semaphore, #tpu.memory_space<semaphore_mem>>
      %dma_start3A_3949 = arith.constant 0 : i32
      %dma_start3A_3950 = arith.constant 0 : i32
      %dma_start3A_3951 = tpu.memref_slice %arg24[%dma_start3A_3945, %dma_start3A_3949, %dma_start3A_3950] : memref<2x128x1024xf32, #tpu.memory_space<vmem>> -> memref<1x128x1024xf32, #tpu.memory_space<vmem>>
      %dma_start3A_3952 = tpu.memref_squeeze %dma_start3A_3951 : memref<1x128x1024xf32, #tpu.memory_space<vmem>> -> memref<128x1024xf32, #tpu.memory_space<vmem>>
      %dma_start3A_3953 = arith.constant 0 : i32
      %dma_start3A_3954 = arith.constant 0 : i32
      %dma_start3A_3955 = tpu.memref_slice %arg2[%dma_start3A_3944, %dma_start3A_3953, %dma_start3A_3954] : memref<64x128x1024xf32, #tpu.memory_space<any>> -> memref<1x128x1024xf32, #tpu.memory_space<any>>
      %dma_start3A_3956 = tpu.memref_squeeze %dma_start3A_3955 : memref<1x128x1024xf32, #tpu.memory_space<any>> -> memref<128x1024xf32, #tpu.memory_space<any>>
      tpu.enqueue_dma source(%dma_start3A_3956 : memref<128x1024xf32, #tpu.memory_space<any>>) target(%dma_start3A_3952 : memref<128x1024xf32, #tpu.memory_space<vmem>>) target_semaphore(%dma_start3A_3948 : memref<!tpu.dma_semaphore, #tpu.memory_space<semaphore_mem>>)
      %dma_wait3A_3957 = arith.constant 57 : i32
      %dma_wait3A_3958 = arith.constant 1 : i32
      %dma_wait3A_3959 = arith.constant 1 : i32
      %dma_wait3A_3960 = tpu.memref_slice %arg33[%dma_wait3A_3959] : memref<2x!tpu.dma_semaphore, #tpu.memory_space<semaphore_mem>> -> memref<1x!tpu.dma_semaphore, #tpu.memory_space<semaphore_mem>>
      %dma_wait3A_3961 = tpu.memref_squeeze %dma_wait3A_3960 : memref<1x!tpu.dma_semaphore, #tpu.memory_space<semaphore_mem>> -> memref<!tpu.dma_semaphore, #tpu.memory_space<semaphore_mem>>
      %dma_wait3A_3962 = arith.constant 0 : i32
      %dma_wait3A_3963 = arith.constant 0 : i32
      %dma_wait3A_3964 = tpu.memref_slice %arg24[%dma_wait3A_3958, %dma_wait3A_3962, %dma_wait3A_3963] : memref<2x128x1024xf32, #tpu.memory_space<vmem>> -> memref<1x128x1024xf32, #tpu.memory_space<vmem>>
      %dma_wait3A_3965 = tpu.memref_squeeze %dma_wait3A_3964 : memref<1x128x1024xf32, #tpu.memory_space<vmem>> -> memref<128x1024xf32, #tpu.memory_space<vmem>>
      %dma_wait3A_3966 = arith.constant 0 : i32
      %dma_wait3A_3967 = arith.constant 0 : i32
      %dma_wait3A_3968 = tpu.memref_slice %arg2[%dma_wait3A_3957, %dma_wait3A_3966, %dma_wait3A_3967] : memref<64x128x1024xf32, #tpu.memory_space<any>> -> memref<1x128x1024xf32, #tpu.memory_space<any>>
      %dma_wait3A_3969 = tpu.memref_squeeze %dma_wait3A_3968 : memref<1x128x1024xf32, #tpu.memory_space<any>> -> memref<128x1024xf32, #tpu.memory_space<any>>
      tpu.wait_dma2 semaphore(%dma_wait3A_3961 : memref<!tpu.dma_semaphore, #tpu.memory_space<semaphore_mem>>) src(%dma_wait3A_3969 : memref<128x1024xf32, #tpu.memory_space<any>>) dst(%dma_wait3A_3965 : memref<128x1024xf32, #tpu.memory_space<vmem>>)
      %get3A_3970 = arith.constant 0 : index
      %get3A_3971 = arith.constant 0 : index
      %get3A_3972 = vector.load %arg14[%get3A_3970, %get3A_3971] : memref<128x128xf32, #tpu.memory_space<vmem>>, vector<128x128xf32>
      %get3A_3973 = arith.constant 1 : index
      %get3A_3974 = arith.constant 0 : index
      %get3A_3975 = arith.constant 0 : index
      %get3A_3976 = vector.load %arg24[%get3A_3973, %get3A_3974, %get3A_3975] : memref<2x128x1024xf32, #tpu.memory_space<vmem>>, vector<1x128x1024xf32>
      %get3A_3977 = vector.shape_cast %get3A_3976 : vector<1x128x1024xf32> to vector<128x1024xf32>
      %dot_general3A_3978 = arith.constant dense<0.000000e+00> : vector<128x1024xf32>
      %dot_general3A_3979 = tpu.matmul %get3A_3972, %get3A_3977, %dot_general3A_3978 {dimension_numbers = #tpu.dot_dimension_numbers<[1], [0], [0], [1], [0, 0, 1, 1], [], []>, transpose_lhs_hint = false} : vector<128x128xf32>, vector<128x1024xf32>, vector<128x1024xf32> -> vector<128x1024xf32>
      %get3A_3980 = arith.constant 0 : index
      %get3A_3981 = arith.constant 0 : index
      %get3A_3982 = vector.load %arg15[%get3A_3980, %get3A_3981] : memref<128x1xf32, #tpu.memory_space<vmem>>, vector<128x1xf32>
      %add3A_3983 = vector.broadcast %get3A_3982 : vector<128x1xf32> to vector<128x1024xf32>
      %add3A_3984 = arith.addf %dot_general3A_3979, %add3A_3983 : vector<128x1024xf32>
      %convert_element_type3A_3985 = arith.truncf %add3A_3984 : vector<128x1024xf32> to vector<128x1024xbf16>
      %swap3A_3986 = arith.constant 57 : index
      %swap3A_3987 = arith.constant 0 : index
      %swap3A_3988 = arith.constant 0 : index
      %swap3A_3989 = vector.load %arg23[%swap3A_3986, %swap3A_3987, %swap3A_3988] : memref<64x128x1024xbf16, #tpu.memory_space<vmem>>, vector<1x128x1024xbf16>
      %swap3A_3990 = vector.shape_cast %swap3A_3989 : vector<1x128x1024xbf16> to vector<128x1024xbf16>
      %swap3A_3991 = vector.shape_cast %convert_element_type3A_3985 : vector<128x1024xbf16> to vector<1x128x1024xbf16>
      tpu.vector_store %arg23[%swap3A_3986, %swap3A_3987, %swap3A_3988], %swap3A_3991 {strides = array<i32>} : memref<64x128x1024xbf16, #tpu.memory_space<vmem>>, vector<1x128x1024xbf16>,
      %dma_start3A_3992 = arith.constant 59 : i32
      %dma_start3A_3993 = arith.constant 1 : i32
      %dma_start3A_3994 = arith.constant 1 : i32
      %dma_start3A_3995 = tpu.memref_slice %arg33[%dma_start3A_3994] : memref<2x!tpu.dma_semaphore, #tpu.memory_space<semaphore_mem>> -> memref<1x!tpu.dma_semaphore, #tpu.memory_space<semaphore_mem>>
      %dma_start3A_3996 = tpu.memref_squeeze %dma_start3A_3995 : memref<1x!tpu.dma_semaphore, #tpu.memory_space<semaphore_mem>> -> memref<!tpu.dma_semaphore, #tpu.memory_space<semaphore_mem>>
      %dma_start3A_3997 = arith.constant 0 : i32
      %dma_start3A_3998 = arith.constant 0 : i32
      %dma_start3A_3999 = tpu.memref_slice %arg24[%dma_start3A_3993, %dma_start3A_3997, %dma_start3A_3998] : memref<2x128x1024xf32, #tpu.memory_space<vmem>> -> memref<1x128x1024xf32, #tpu.memory_space<vmem>>
      %dma_start3A_4000 = tpu.memref_squeeze %dma_start3A_3999 : memref<1x128x1024xf32, #tpu.memory_space<vmem>> -> memref<128x1024xf32, #tpu.memory_space<vmem>>
      %dma_start3A_4001 = arith.constant 0 : i32
      %dma_start3A_4002 = arith.constant 0 : i32
      %dma_start3A_4003 = tpu.memref_slice %arg2[%dma_start3A_3992, %dma_start3A_4001, %dma_start3A_4002] : memref<64x128x1024xf32, #tpu.memory_space<any>> -> memref<1x128x1024xf32, #tpu.memory_space<any>>
      %dma_start3A_4004 = tpu.memref_squeeze %dma_start3A_4003 : memref<1x128x1024xf32, #tpu.memory_space<any>> -> memref<128x1024xf32, #tpu.memory_space<any>>
      tpu.enqueue_dma source(%dma_start3A_4004 : memref<128x1024xf32, #tpu.memory_space<any>>) target(%dma_start3A_4000 : memref<128x1024xf32, #tpu.memory_space<vmem>>) target_semaphore(%dma_start3A_3996 : memref<!tpu.dma_semaphore, #tpu.memory_space<semaphore_mem>>)
      %dma_wait3A_4005 = arith.constant 58 : i32
      %dma_wait3A_4006 = arith.constant 0 : i32
      %dma_wait3A_4007 = arith.constant 0 : i32
      %dma_wait3A_4008 = tpu.memref_slice %arg33[%dma_wait3A_4007] : memref<2x!tpu.dma_semaphore, #tpu.memory_space<semaphore_mem>> -> memref<1x!tpu.dma_semaphore, #tpu.memory_space<semaphore_mem>>
      %dma_wait3A_4009 = tpu.memref_squeeze %dma_wait3A_4008 : memref<1x!tpu.dma_semaphore, #tpu.memory_space<semaphore_mem>> -> memref<!tpu.dma_semaphore, #tpu.memory_space<semaphore_mem>>
      %dma_wait3A_4010 = arith.constant 0 : i32
      %dma_wait3A_4011 = arith.constant 0 : i32
      %dma_wait3A_4012 = tpu.memref_slice %arg24[%dma_wait3A_4006, %dma_wait3A_4010, %dma_wait3A_4011] : memref<2x128x1024xf32, #tpu.memory_space<vmem>> -> memref<1x128x1024xf32, #tpu.memory_space<vmem>>
      %dma_wait3A_4013 = tpu.memref_squeeze %dma_wait3A_4012 : memref<1x128x1024xf32, #tpu.memory_space<vmem>> -> memref<128x1024xf32, #tpu.memory_space<vmem>>
      %dma_wait3A_4014 = arith.constant 0 : i32
      %dma_wait3A_4015 = arith.constant 0 : i32
      %dma_wait3A_4016 = tpu.memref_slice %arg2[%dma_wait3A_4005, %dma_wait3A_4014, %dma_wait3A_4015] : memref<64x128x1024xf32, #tpu.memory_space<any>> -> memref<1x128x1024xf32, #tpu.memory_space<any>>
      %dma_wait3A_4017 = tpu.memref_squeeze %dma_wait3A_4016 : memref<1x128x1024xf32, #tpu.memory_space<any>> -> memref<128x1024xf32, #tpu.memory_space<any>>
      tpu.wait_dma2 semaphore(%dma_wait3A_4009 : memref<!tpu.dma_semaphore, #tpu.memory_space<semaphore_mem>>) src(%dma_wait3A_4017 : memref<128x1024xf32, #tpu.memory_space<any>>) dst(%dma_wait3A_4013 : memref<128x1024xf32, #tpu.memory_space<vmem>>)
      %get3A_4018 = arith.constant 0 : index
      %get3A_4019 = arith.constant 0 : index
      %get3A_4020 = vector.load %arg14[%get3A_4018, %get3A_4019] : memref<128x128xf32, #tpu.memory_space<vmem>>, vector<128x128xf32>
      %get3A_4021 = arith.constant 0 : index
      %get3A_4022 = arith.constant 0 : index
      %get3A_4023 = arith.constant 0 : index
      %get3A_4024 = vector.load %arg24[%get3A_4021, %get3A_4022, %get3A_4023] : memref<2x128x1024xf32, #tpu.memory_space<vmem>>, vector<1x128x1024xf32>
      %get3A_4025 = vector.shape_cast %get3A_4024 : vector<1x128x1024xf32> to vector<128x1024xf32>
      %dot_general3A_4026 = arith.constant dense<0.000000e+00> : vector<128x1024xf32>
      %dot_general3A_4027 = tpu.matmul %get3A_4020, %get3A_4025, %dot_general3A_4026 {dimension_numbers = #tpu.dot_dimension_numbers<[1], [0], [0], [1], [0, 0, 1, 1], [], []>, transpose_lhs_hint = false} : vector<128x128xf32>, vector<128x1024xf32>, vector<128x1024xf32> -> vector<128x1024xf32>
      %get3A_4028 = arith.constant 0 : index
      %get3A_4029 = arith.constant 0 : index
      %get3A_4030 = vector.load %arg15[%get3A_4028, %get3A_4029] : memref<128x1xf32, #tpu.memory_space<vmem>>, vector<128x1xf32>
      %add3A_4031 = vector.broadcast %get3A_4030 : vector<128x1xf32> to vector<128x1024xf32>
      %add3A_4032 = arith.addf %dot_general3A_4027, %add3A_4031 : vector<128x1024xf32>
      %convert_element_type3A_4033 = arith.truncf %add3A_4032 : vector<128x1024xf32> to vector<128x1024xbf16>
      %swap3A_4034 = arith.constant 58 : index
      %swap3A_4035 = arith.constant 0 : index
      %swap3A_4036 = arith.constant 0 : index
      %swap3A_4037 = vector.load %arg23[%swap3A_4034, %swap3A_4035, %swap3A_4036] : memref<64x128x1024xbf16, #tpu.memory_space<vmem>>, vector<1x128x1024xbf16>
      %swap3A_4038 = vector.shape_cast %swap3A_4037 : vector<1x128x1024xbf16> to vector<128x1024xbf16>
      %swap3A_4039 = vector.shape_cast %convert_element_type3A_4033 : vector<128x1024xbf16> to vector<1x128x1024xbf16>
      tpu.vector_store %arg23[%swap3A_4034, %swap3A_4035, %swap3A_4036], %swap3A_4039 {strides = array<i32>} : memref<64x128x1024xbf16, #tpu.memory_space<vmem>>, vector<1x128x1024xbf16>,
      %dma_start3A_4040 = arith.constant 60 : i32
      %dma_start3A_4041 = arith.constant 0 : i32
      %dma_start3A_4042 = arith.constant 0 : i32
      %dma_start3A_4043 = tpu.memref_slice %arg33[%dma_start3A_4042] : memref<2x!tpu.dma_semaphore, #tpu.memory_space<semaphore_mem>> -> memref<1x!tpu.dma_semaphore, #tpu.memory_space<semaphore_mem>>
      %dma_start3A_4044 = tpu.memref_squeeze %dma_start3A_4043 : memref<1x!tpu.dma_semaphore, #tpu.memory_space<semaphore_mem>> -> memref<!tpu.dma_semaphore, #tpu.memory_space<semaphore_mem>>
      %dma_start3A_4045 = arith.constant 0 : i32
      %dma_start3A_4046 = arith.constant 0 : i32
      %dma_start3A_4047 = tpu.memref_slice %arg24[%dma_start3A_4041, %dma_start3A_4045, %dma_start3A_4046] : memref<2x128x1024xf32, #tpu.memory_space<vmem>> -> memref<1x128x1024xf32, #tpu.memory_space<vmem>>
      %dma_start3A_4048 = tpu.memref_squeeze %dma_start3A_4047 : memref<1x128x1024xf32, #tpu.memory_space<vmem>> -> memref<128x1024xf32, #tpu.memory_space<vmem>>
      %dma_start3A_4049 = arith.constant 0 : i32
      %dma_start3A_4050 = arith.constant 0 : i32
      %dma_start3A_4051 = tpu.memref_slice %arg2[%dma_start3A_4040, %dma_start3A_4049, %dma_start3A_4050] : memref<64x128x1024xf32, #tpu.memory_space<any>> -> memref<1x128x1024xf32, #tpu.memory_space<any>>
      %dma_start3A_4052 = tpu.memref_squeeze %dma_start3A_4051 : memref<1x128x1024xf32, #tpu.memory_space<any>> -> memref<128x1024xf32, #tpu.memory_space<any>>
      tpu.enqueue_dma source(%dma_start3A_4052 : memref<128x1024xf32, #tpu.memory_space<any>>) target(%dma_start3A_4048 : memref<128x1024xf32, #tpu.memory_space<vmem>>) target_semaphore(%dma_start3A_4044 : memref<!tpu.dma_semaphore, #tpu.memory_space<semaphore_mem>>)
      %dma_wait3A_4053 = arith.constant 59 : i32
      %dma_wait3A_4054 = arith.constant 1 : i32
      %dma_wait3A_4055 = arith.constant 1 : i32
      %dma_wait3A_4056 = tpu.memref_slice %arg33[%dma_wait3A_4055] : memref<2x!tpu.dma_semaphore, #tpu.memory_space<semaphore_mem>> -> memref<1x!tpu.dma_semaphore, #tpu.memory_space<semaphore_mem>>
      %dma_wait3A_4057 = tpu.memref_squeeze %dma_wait3A_4056 : memref<1x!tpu.dma_semaphore, #tpu.memory_space<semaphore_mem>> -> memref<!tpu.dma_semaphore, #tpu.memory_space<semaphore_mem>>
      %dma_wait3A_4058 = arith.constant 0 : i32
      %dma_wait3A_4059 = arith.constant 0 : i32
      %dma_wait3A_4060 = tpu.memref_slice %arg24[%dma_wait3A_4054, %dma_wait3A_4058, %dma_wait3A_4059] : memref<2x128x1024xf32, #tpu.memory_space<vmem>> -> memref<1x128x1024xf32, #tpu.memory_space<vmem>>
      %dma_wait3A_4061 = tpu.memref_squeeze %dma_wait3A_4060 : memref<1x128x1024xf32, #tpu.memory_space<vmem>> -> memref<128x1024xf32, #tpu.memory_space<vmem>>
      %dma_wait3A_4062 = arith.constant 0 : i32
      %dma_wait3A_4063 = arith.constant 0 : i32
      %dma_wait3A_4064 = tpu.memref_slice %arg2[%dma_wait3A_4053, %dma_wait3A_4062, %dma_wait3A_4063] : memref<64x128x1024xf32, #tpu.memory_space<any>> -> memref<1x128x1024xf32, #tpu.memory_space<any>>
      %dma_wait3A_4065 = tpu.memref_squeeze %dma_wait3A_4064 : memref<1x128x1024xf32, #tpu.memory_space<any>> -> memref<128x1024xf32, #tpu.memory_space<any>>
      tpu.wait_dma2 semaphore(%dma_wait3A_4057 : memref<!tpu.dma_semaphore, #tpu.memory_space<semaphore_mem>>) src(%dma_wait3A_4065 : memref<128x1024xf32, #tpu.memory_space<any>>) dst(%dma_wait3A_4061 : memref<128x1024xf32, #tpu.memory_space<vmem>>)
      %get3A_4066 = arith.constant 0 : index
      %get3A_4067 = arith.constant 0 : index
      %get3A_4068 = vector.load %arg14[%get3A_4066, %get3A_4067] : memref<128x128xf32, #tpu.memory_space<vmem>>, vector<128x128xf32>
      %get3A_4069 = arith.constant 1 : index
      %get3A_4070 = arith.constant 0 : index
      %get3A_4071 = arith.constant 0 : index
      %get3A_4072 = vector.load %arg24[%get3A_4069, %get3A_4070, %get3A_4071] : memref<2x128x1024xf32, #tpu.memory_space<vmem>>, vector<1x128x1024xf32>
      %get3A_4073 = vector.shape_cast %get3A_4072 : vector<1x128x1024xf32> to vector<128x1024xf32>
      %dot_general3A_4074 = arith.constant dense<0.000000e+00> : vector<128x1024xf32>
      %dot_general3A_4075 = tpu.matmul %get3A_4068, %get3A_4073, %dot_general3A_4074 {dimension_numbers = #tpu.dot_dimension_numbers<[1], [0], [0], [1], [0, 0, 1, 1], [], []>, transpose_lhs_hint = false} : vector<128x128xf32>, vector<128x1024xf32>, vector<128x1024xf32> -> vector<128x1024xf32>
      %get3A_4076 = arith.constant 0 : index
      %get3A_4077 = arith.constant 0 : index
      %get3A_4078 = vector.load %arg15[%get3A_4076, %get3A_4077] : memref<128x1xf32, #tpu.memory_space<vmem>>, vector<128x1xf32>
      %add3A_4079 = vector.broadcast %get3A_4078 : vector<128x1xf32> to vector<128x1024xf32>
      %add3A_4080 = arith.addf %dot_general3A_4075, %add3A_4079 : vector<128x1024xf32>
      %convert_element_type3A_4081 = arith.truncf %add3A_4080 : vector<128x1024xf32> to vector<128x1024xbf16>
      %swap3A_4082 = arith.constant 59 : index
      %swap3A_4083 = arith.constant 0 : index
      %swap3A_4084 = arith.constant 0 : index
      %swap3A_4085 = vector.load %arg23[%swap3A_4082, %swap3A_4083, %swap3A_4084] : memref<64x128x1024xbf16, #tpu.memory_space<vmem>>, vector<1x128x1024xbf16>
      %swap3A_4086 = vector.shape_cast %swap3A_4085 : vector<1x128x1024xbf16> to vector<128x1024xbf16>
      %swap3A_4087 = vector.shape_cast %convert_element_type3A_4081 : vector<128x1024xbf16> to vector<1x128x1024xbf16>
      tpu.vector_store %arg23[%swap3A_4082, %swap3A_4083, %swap3A_4084], %swap3A_4087 {strides = array<i32>} : memref<64x128x1024xbf16, #tpu.memory_space<vmem>>, vector<1x128x1024xbf16>,
      %dma_start3A_4088 = arith.constant 61 : i32
      %dma_start3A_4089 = arith.constant 1 : i32
      %dma_start3A_4090 = arith.constant 1 : i32
      %dma_start3A_4091 = tpu.memref_slice %arg33[%dma_start3A_4090] : memref<2x!tpu.dma_semaphore, #tpu.memory_space<semaphore_mem>> -> memref<1x!tpu.dma_semaphore, #tpu.memory_space<semaphore_mem>>
      %dma_start3A_4092 = tpu.memref_squeeze %dma_start3A_4091 : memref<1x!tpu.dma_semaphore, #tpu.memory_space<semaphore_mem>> -> memref<!tpu.dma_semaphore, #tpu.memory_space<semaphore_mem>>
      %dma_start3A_4093 = arith.constant 0 : i32
      %dma_start3A_4094 = arith.constant 0 : i32
      %dma_start3A_4095 = tpu.memref_slice %arg24[%dma_start3A_4089, %dma_start3A_4093, %dma_start3A_4094] : memref<2x128x1024xf32, #tpu.memory_space<vmem>> -> memref<1x128x1024xf32, #tpu.memory_space<vmem>>
      %dma_start3A_4096 = tpu.memref_squeeze %dma_start3A_4095 : memref<1x128x1024xf32, #tpu.memory_space<vmem>> -> memref<128x1024xf32, #tpu.memory_space<vmem>>
      %dma_start3A_4097 = arith.constant 0 : i32
      %dma_start3A_4098 = arith.constant 0 : i32
      %dma_start3A_4099 = tpu.memref_slice %arg2[%dma_start3A_4088, %dma_start3A_4097, %dma_start3A_4098] : memref<64x128x1024xf32, #tpu.memory_space<any>> -> memref<1x128x1024xf32, #tpu.memory_space<any>>
      %dma_start3A_4100 = tpu.memref_squeeze %dma_start3A_4099 : memref<1x128x1024xf32, #tpu.memory_space<any>> -> memref<128x1024xf32, #tpu.memory_space<any>>
      tpu.enqueue_dma source(%dma_start3A_4100 : memref<128x1024xf32, #tpu.memory_space<any>>) target(%dma_start3A_4096 : memref<128x1024xf32, #tpu.memory_space<vmem>>) target_semaphore(%dma_start3A_4092 : memref<!tpu.dma_semaphore, #tpu.memory_space<semaphore_mem>>)
      %dma_wait3A_4101 = arith.constant 60 : i32
      %dma_wait3A_4102 = arith.constant 0 : i32
      %dma_wait3A_4103 = arith.constant 0 : i32
      %dma_wait3A_4104 = tpu.memref_slice %arg33[%dma_wait3A_4103] : memref<2x!tpu.dma_semaphore, #tpu.memory_space<semaphore_mem>> -> memref<1x!tpu.dma_semaphore, #tpu.memory_space<semaphore_mem>>
      %dma_wait3A_4105 = tpu.memref_squeeze %dma_wait3A_4104 : memref<1x!tpu.dma_semaphore, #tpu.memory_space<semaphore_mem>> -> memref<!tpu.dma_semaphore, #tpu.memory_space<semaphore_mem>>
      %dma_wait3A_4106 = arith.constant 0 : i32
      %dma_wait3A_4107 = arith.constant 0 : i32
      %dma_wait3A_4108 = tpu.memref_slice %arg24[%dma_wait3A_4102, %dma_wait3A_4106, %dma_wait3A_4107] : memref<2x128x1024xf32, #tpu.memory_space<vmem>> -> memref<1x128x1024xf32, #tpu.memory_space<vmem>>
      %dma_wait3A_4109 = tpu.memref_squeeze %dma_wait3A_4108 : memref<1x128x1024xf32, #tpu.memory_space<vmem>> -> memref<128x1024xf32, #tpu.memory_space<vmem>>
      %dma_wait3A_4110 = arith.constant 0 : i32
      %dma_wait3A_4111 = arith.constant 0 : i32
      %dma_wait3A_4112 = tpu.memref_slice %arg2[%dma_wait3A_4101, %dma_wait3A_4110, %dma_wait3A_4111] : memref<64x128x1024xf32, #tpu.memory_space<any>> -> memref<1x128x1024xf32, #tpu.memory_space<any>>
      %dma_wait3A_4113 = tpu.memref_squeeze %dma_wait3A_4112 : memref<1x128x1024xf32, #tpu.memory_space<any>> -> memref<128x1024xf32, #tpu.memory_space<any>>
      tpu.wait_dma2 semaphore(%dma_wait3A_4105 : memref<!tpu.dma_semaphore, #tpu.memory_space<semaphore_mem>>) src(%dma_wait3A_4113 : memref<128x1024xf32, #tpu.memory_space<any>>) dst(%dma_wait3A_4109 : memref<128x1024xf32, #tpu.memory_space<vmem>>)
      %get3A_4114 = arith.constant 0 : index
      %get3A_4115 = arith.constant 0 : index
      %get3A_4116 = vector.load %arg14[%get3A_4114, %get3A_4115] : memref<128x128xf32, #tpu.memory_space<vmem>>, vector<128x128xf32>
      %get3A_4117 = arith.constant 0 : index
      %get3A_4118 = arith.constant 0 : index
      %get3A_4119 = arith.constant 0 : index
      %get3A_4120 = vector.load %arg24[%get3A_4117, %get3A_4118, %get3A_4119] : memref<2x128x1024xf32, #tpu.memory_space<vmem>>, vector<1x128x1024xf32>
      %get3A_4121 = vector.shape_cast %get3A_4120 : vector<1x128x1024xf32> to vector<128x1024xf32>
      %dot_general3A_4122 = arith.constant dense<0.000000e+00> : vector<128x1024xf32>
      %dot_general3A_4123 = tpu.matmul %get3A_4116, %get3A_4121, %dot_general3A_4122 {dimension_numbers = #tpu.dot_dimension_numbers<[1], [0], [0], [1], [0, 0, 1, 1], [], []>, transpose_lhs_hint = false} : vector<128x128xf32>, vector<128x1024xf32>, vector<128x1024xf32> -> vector<128x1024xf32>
      %get3A_4124 = arith.constant 0 : index
      %get3A_4125 = arith.constant 0 : index
      %get3A_4126 = vector.load %arg15[%get3A_4124, %get3A_4125] : memref<128x1xf32, #tpu.memory_space<vmem>>, vector<128x1xf32>
      %add3A_4127 = vector.broadcast %get3A_4126 : vector<128x1xf32> to vector<128x1024xf32>
      %add3A_4128 = arith.addf %dot_general3A_4123, %add3A_4127 : vector<128x1024xf32>
      %convert_element_type3A_4129 = arith.truncf %add3A_4128 : vector<128x1024xf32> to vector<128x1024xbf16>
      %swap3A_4130 = arith.constant 60 : index
      %swap3A_4131 = arith.constant 0 : index
      %swap3A_4132 = arith.constant 0 : index
      %swap3A_4133 = vector.load %arg23[%swap3A_4130, %swap3A_4131, %swap3A_4132] : memref<64x128x1024xbf16, #tpu.memory_space<vmem>>, vector<1x128x1024xbf16>
      %swap3A_4134 = vector.shape_cast %swap3A_4133 : vector<1x128x1024xbf16> to vector<128x1024xbf16>
      %swap3A_4135 = vector.shape_cast %convert_element_type3A_4129 : vector<128x1024xbf16> to vector<1x128x1024xbf16>
      tpu.vector_store %arg23[%swap3A_4130, %swap3A_4131, %swap3A_4132], %swap3A_4135 {strides = array<i32>} : memref<64x128x1024xbf16, #tpu.memory_space<vmem>>, vector<1x128x1024xbf16>,
      %dma_start3A_4136 = arith.constant 62 : i32
      %dma_start3A_4137 = arith.constant 0 : i32
      %dma_start3A_4138 = arith.constant 0 : i32
      %dma_start3A_4139 = tpu.memref_slice %arg33[%dma_start3A_4138] : memref<2x!tpu.dma_semaphore, #tpu.memory_space<semaphore_mem>> -> memref<1x!tpu.dma_semaphore, #tpu.memory_space<semaphore_mem>>
      %dma_start3A_4140 = tpu.memref_squeeze %dma_start3A_4139 : memref<1x!tpu.dma_semaphore, #tpu.memory_space<semaphore_mem>> -> memref<!tpu.dma_semaphore, #tpu.memory_space<semaphore_mem>>
      %dma_start3A_4141 = arith.constant 0 : i32
      %dma_start3A_4142 = arith.constant 0 : i32
      %dma_start3A_4143 = tpu.memref_slice %arg24[%dma_start3A_4137, %dma_start3A_4141, %dma_start3A_4142] : memref<2x128x1024xf32, #tpu.memory_space<vmem>> -> memref<1x128x1024xf32, #tpu.memory_space<vmem>>
      %dma_start3A_4144 = tpu.memref_squeeze %dma_start3A_4143 : memref<1x128x1024xf32, #tpu.memory_space<vmem>> -> memref<128x1024xf32, #tpu.memory_space<vmem>>
      %dma_start3A_4145 = arith.constant 0 : i32
      %dma_start3A_4146 = arith.constant 0 : i32
      %dma_start3A_4147 = tpu.memref_slice %arg2[%dma_start3A_4136, %dma_start3A_4145, %dma_start3A_4146] : memref<64x128x1024xf32, #tpu.memory_space<any>> -> memref<1x128x1024xf32, #tpu.memory_space<any>>
      %dma_start3A_4148 = tpu.memref_squeeze %dma_start3A_4147 : memref<1x128x1024xf32, #tpu.memory_space<any>> -> memref<128x1024xf32, #tpu.memory_space<any>>
      tpu.enqueue_dma source(%dma_start3A_4148 : memref<128x1024xf32, #tpu.memory_space<any>>) target(%dma_start3A_4144 : memref<128x1024xf32, #tpu.memory_space<vmem>>) target_semaphore(%dma_start3A_4140 : memref<!tpu.dma_semaphore, #tpu.memory_space<semaphore_mem>>)
      %dma_wait3A_4149 = arith.constant 61 : i32
      %dma_wait3A_4150 = arith.constant 1 : i32
      %dma_wait3A_4151 = arith.constant 1 : i32
      %dma_wait3A_4152 = tpu.memref_slice %arg33[%dma_wait3A_4151] : memref<2x!tpu.dma_semaphore, #tpu.memory_space<semaphore_mem>> -> memref<1x!tpu.dma_semaphore, #tpu.memory_space<semaphore_mem>>
      %dma_wait3A_4153 = tpu.memref_squeeze %dma_wait3A_4152 : memref<1x!tpu.dma_semaphore, #tpu.memory_space<semaphore_mem>> -> memref<!tpu.dma_semaphore, #tpu.memory_space<semaphore_mem>>
      %dma_wait3A_4154 = arith.constant 0 : i32
      %dma_wait3A_4155 = arith.constant 0 : i32
      %dma_wait3A_4156 = tpu.memref_slice %arg24[%dma_wait3A_4150, %dma_wait3A_4154, %dma_wait3A_4155] : memref<2x128x1024xf32, #tpu.memory_space<vmem>> -> memref<1x128x1024xf32, #tpu.memory_space<vmem>>
      %dma_wait3A_4157 = tpu.memref_squeeze %dma_wait3A_4156 : memref<1x128x1024xf32, #tpu.memory_space<vmem>> -> memref<128x1024xf32, #tpu.memory_space<vmem>>
      %dma_wait3A_4158 = arith.constant 0 : i32
      %dma_wait3A_4159 = arith.constant 0 : i32
      %dma_wait3A_4160 = tpu.memref_slice %arg2[%dma_wait3A_4149, %dma_wait3A_4158, %dma_wait3A_4159] : memref<64x128x1024xf32, #tpu.memory_space<any>> -> memref<1x128x1024xf32, #tpu.memory_space<any>>
      %dma_wait3A_4161 = tpu.memref_squeeze %dma_wait3A_4160 : memref<1x128x1024xf32, #tpu.memory_space<any>> -> memref<128x1024xf32, #tpu.memory_space<any>>
      tpu.wait_dma2 semaphore(%dma_wait3A_4153 : memref<!tpu.dma_semaphore, #tpu.memory_space<semaphore_mem>>) src(%dma_wait3A_4161 : memref<128x1024xf32, #tpu.memory_space<any>>) dst(%dma_wait3A_4157 : memref<128x1024xf32, #tpu.memory_space<vmem>>)
      %get3A_4162 = arith.constant 0 : index
      %get3A_4163 = arith.constant 0 : index
      %get3A_4164 = vector.load %arg14[%get3A_4162, %get3A_4163] : memref<128x128xf32, #tpu.memory_space<vmem>>, vector<128x128xf32>
      %get3A_4165 = arith.constant 1 : index
      %get3A_4166 = arith.constant 0 : index
      %get3A_4167 = arith.constant 0 : index
      %get3A_4168 = vector.load %arg24[%get3A_4165, %get3A_4166, %get3A_4167] : memref<2x128x1024xf32, #tpu.memory_space<vmem>>, vector<1x128x1024xf32>
      %get3A_4169 = vector.shape_cast %get3A_4168 : vector<1x128x1024xf32> to vector<128x1024xf32>
      %dot_general3A_4170 = arith.constant dense<0.000000e+00> : vector<128x1024xf32>
      %dot_general3A_4171 = tpu.matmul %get3A_4164, %get3A_4169, %dot_general3A_4170 {dimension_numbers = #tpu.dot_dimension_numbers<[1], [0], [0], [1], [0, 0, 1, 1], [], []>, transpose_lhs_hint = false} : vector<128x128xf32>, vector<128x1024xf32>, vector<128x1024xf32> -> vector<128x1024xf32>
      %get3A_4172 = arith.constant 0 : index
      %get3A_4173 = arith.constant 0 : index
      %get3A_4174 = vector.load %arg15[%get3A_4172, %get3A_4173] : memref<128x1xf32, #tpu.memory_space<vmem>>, vector<128x1xf32>
      %add3A_4175 = vector.broadcast %get3A_4174 : vector<128x1xf32> to vector<128x1024xf32>
      %add3A_4176 = arith.addf %dot_general3A_4171, %add3A_4175 : vector<128x1024xf32>
      %convert_element_type3A_4177 = arith.truncf %add3A_4176 : vector<128x1024xf32> to vector<128x1024xbf16>
      %swap3A_4178 = arith.constant 61 : index
      %swap3A_4179 = arith.constant 0 : index
      %swap3A_4180 = arith.constant 0 : index
      %swap3A_4181 = vector.load %arg23[%swap3A_4178, %swap3A_4179, %swap3A_4180] : memref<64x128x1024xbf16, #tpu.memory_space<vmem>>, vector<1x128x1024xbf16>
      %swap3A_4182 = vector.shape_cast %swap3A_4181 : vector<1x128x1024xbf16> to vector<128x1024xbf16>
      %swap3A_4183 = vector.shape_cast %convert_element_type3A_4177 : vector<128x1024xbf16> to vector<1x128x1024xbf16>
      tpu.vector_store %arg23[%swap3A_4178, %swap3A_4179, %swap3A_4180], %swap3A_4183 {strides = array<i32>} : memref<64x128x1024xbf16, #tpu.memory_space<vmem>>, vector<1x128x1024xbf16>,
      %dma_start3A_4184 = arith.constant 63 : i32
      %dma_start3A_4185 = arith.constant 1 : i32
      %dma_start3A_4186 = arith.constant 1 : i32
      %dma_start3A_4187 = tpu.memref_slice %arg33[%dma_start3A_4186] : memref<2x!tpu.dma_semaphore, #tpu.memory_space<semaphore_mem>> -> memref<1x!tpu.dma_semaphore, #tpu.memory_space<semaphore_mem>>
      %dma_start3A_4188 = tpu.memref_squeeze %dma_start3A_4187 : memref<1x!tpu.dma_semaphore, #tpu.memory_space<semaphore_mem>> -> memref<!tpu.dma_semaphore, #tpu.memory_space<semaphore_mem>>
      %dma_start3A_4189 = arith.constant 0 : i32
      %dma_start3A_4190 = arith.constant 0 : i32
      %dma_start3A_4191 = tpu.memref_slice %arg24[%dma_start3A_4185, %dma_start3A_4189, %dma_start3A_4190] : memref<2x128x1024xf32, #tpu.memory_space<vmem>> -> memref<1x128x1024xf32, #tpu.memory_space<vmem>>
      %dma_start3A_4192 = tpu.memref_squeeze %dma_start3A_4191 : memref<1x128x1024xf32, #tpu.memory_space<vmem>> -> memref<128x1024xf32, #tpu.memory_space<vmem>>
      %dma_start3A_4193 = arith.constant 0 : i32
      %dma_start3A_4194 = arith.constant 0 : i32
      %dma_start3A_4195 = tpu.memref_slice %arg2[%dma_start3A_4184, %dma_start3A_4193, %dma_start3A_4194] : memref<64x128x1024xf32, #tpu.memory_space<any>> -> memref<1x128x1024xf32, #tpu.memory_space<any>>
      %dma_start3A_4196 = tpu.memref_squeeze %dma_start3A_4195 : memref<1x128x1024xf32, #tpu.memory_space<any>> -> memref<128x1024xf32, #tpu.memory_space<any>>
      tpu.enqueue_dma source(%dma_start3A_4196 : memref<128x1024xf32, #tpu.memory_space<any>>) target(%dma_start3A_4192 : memref<128x1024xf32, #tpu.memory_space<vmem>>) target_semaphore(%dma_start3A_4188 : memref<!tpu.dma_semaphore, #tpu.memory_space<semaphore_mem>>)
      %dma_wait3A_4197 = arith.constant 62 : i32
      %dma_wait3A_4198 = arith.constant 0 : i32
      %dma_wait3A_4199 = arith.constant 0 : i32
      %dma_wait3A_4200 = tpu.memref_slice %arg33[%dma_wait3A_4199] : memref<2x!tpu.dma_semaphore, #tpu.memory_space<semaphore_mem>> -> memref<1x!tpu.dma_semaphore, #tpu.memory_space<semaphore_mem>>
      %dma_wait3A_4201 = tpu.memref_squeeze %dma_wait3A_4200 : memref<1x!tpu.dma_semaphore, #tpu.memory_space<semaphore_mem>> -> memref<!tpu.dma_semaphore, #tpu.memory_space<semaphore_mem>>
      %dma_wait3A_4202 = arith.constant 0 : i32
      %dma_wait3A_4203 = arith.constant 0 : i32
      %dma_wait3A_4204 = tpu.memref_slice %arg24[%dma_wait3A_4198, %dma_wait3A_4202, %dma_wait3A_4203] : memref<2x128x1024xf32, #tpu.memory_space<vmem>> -> memref<1x128x1024xf32, #tpu.memory_space<vmem>>
      %dma_wait3A_4205 = tpu.memref_squeeze %dma_wait3A_4204 : memref<1x128x1024xf32, #tpu.memory_space<vmem>> -> memref<128x1024xf32, #tpu.memory_space<vmem>>
      %dma_wait3A_4206 = arith.constant 0 : i32
      %dma_wait3A_4207 = arith.constant 0 : i32
      %dma_wait3A_4208 = tpu.memref_slice %arg2[%dma_wait3A_4197, %dma_wait3A_4206, %dma_wait3A_4207] : memref<64x128x1024xf32, #tpu.memory_space<any>> -> memref<1x128x1024xf32, #tpu.memory_space<any>>
      %dma_wait3A_4209 = tpu.memref_squeeze %dma_wait3A_4208 : memref<1x128x1024xf32, #tpu.memory_space<any>> -> memref<128x1024xf32, #tpu.memory_space<any>>
      tpu.wait_dma2 semaphore(%dma_wait3A_4201 : memref<!tpu.dma_semaphore, #tpu.memory_space<semaphore_mem>>) src(%dma_wait3A_4209 : memref<128x1024xf32, #tpu.memory_space<any>>) dst(%dma_wait3A_4205 : memref<128x1024xf32, #tpu.memory_space<vmem>>)
      %get3A_4210 = arith.constant 0 : index
      %get3A_4211 = arith.constant 0 : index
      %get3A_4212 = vector.load %arg14[%get3A_4210, %get3A_4211] : memref<128x128xf32, #tpu.memory_space<vmem>>, vector<128x128xf32>
      %get3A_4213 = arith.constant 0 : index
      %get3A_4214 = arith.constant 0 : index
      %get3A_4215 = arith.constant 0 : index
      %get3A_4216 = vector.load %arg24[%get3A_4213, %get3A_4214, %get3A_4215] : memref<2x128x1024xf32, #tpu.memory_space<vmem>>, vector<1x128x1024xf32>
      %get3A_4217 = vector.shape_cast %get3A_4216 : vector<1x128x1024xf32> to vector<128x1024xf32>
      %dot_general3A_4218 = arith.constant dense<0.000000e+00> : vector<128x1024xf32>
      %dot_general3A_4219 = tpu.matmul %get3A_4212, %get3A_4217, %dot_general3A_4218 {dimension_numbers = #tpu.dot_dimension_numbers<[1], [0], [0], [1], [0, 0, 1, 1], [], []>, transpose_lhs_hint = false} : vector<128x128xf32>, vector<128x1024xf32>, vector<128x1024xf32> -> vector<128x1024xf32>
      %get3A_4220 = arith.constant 0 : index
      %get3A_4221 = arith.constant 0 : index
      %get3A_4222 = vector.load %arg15[%get3A_4220, %get3A_4221] : memref<128x1xf32, #tpu.memory_space<vmem>>, vector<128x1xf32>
      %add3A_4223 = vector.broadcast %get3A_4222 : vector<128x1xf32> to vector<128x1024xf32>
      %add3A_4224 = arith.addf %dot_general3A_4219, %add3A_4223 : vector<128x1024xf32>
      %convert_element_type3A_4225 = arith.truncf %add3A_4224 : vector<128x1024xf32> to vector<128x1024xbf16>
      %swap3A_4226 = arith.constant 62 : index
      %swap3A_4227 = arith.constant 0 : index
      %swap3A_4228 = arith.constant 0 : index
      %swap3A_4229 = vector.load %arg23[%swap3A_4226, %swap3A_4227, %swap3A_4228] : memref<64x128x1024xbf16, #tpu.memory_space<vmem>>, vector<1x128x1024xbf16>
      %swap3A_4230 = vector.shape_cast %swap3A_4229 : vector<1x128x1024xbf16> to vector<128x1024xbf16>
      %swap3A_4231 = vector.shape_cast %convert_element_type3A_4225 : vector<128x1024xbf16> to vector<1x128x1024xbf16>
      tpu.vector_store %arg23[%swap3A_4226, %swap3A_4227, %swap3A_4228], %swap3A_4231 {strides = array<i32>} : memref<64x128x1024xbf16, #tpu.memory_space<vmem>>, vector<1x128x1024xbf16>,
      %dma_wait3A_4232 = arith.constant 63 : i32
      %dma_wait3A_4233 = arith.constant 1 : i32
      %dma_wait3A_4234 = arith.constant 1 : i32
      %dma_wait3A_4235 = tpu.memref_slice %arg33[%dma_wait3A_4234] : memref<2x!tpu.dma_semaphore, #tpu.memory_space<semaphore_mem>> -> memref<1x!tpu.dma_semaphore, #tpu.memory_space<semaphore_mem>>
      %dma_wait3A_4236 = tpu.memref_squeeze %dma_wait3A_4235 : memref<1x!tpu.dma_semaphore, #tpu.memory_space<semaphore_mem>> -> memref<!tpu.dma_semaphore, #tpu.memory_space<semaphore_mem>>
      %dma_wait3A_4237 = arith.constant 0 : i32
      %dma_wait3A_4238 = arith.constant 0 : i32
      %dma_wait3A_4239 = tpu.memref_slice %arg24[%dma_wait3A_4233, %dma_wait3A_4237, %dma_wait3A_4238] : memref<2x128x1024xf32, #tpu.memory_space<vmem>> -> memref<1x128x1024xf32, #tpu.memory_space<vmem>>
      %dma_wait3A_4240 = tpu.memref_squeeze %dma_wait3A_4239 : memref<1x128x1024xf32, #tpu.memory_space<vmem>> -> memref<128x1024xf32, #tpu.memory_space<vmem>>
      %dma_wait3A_4241 = arith.constant 0 : i32
      %dma_wait3A_4242 = arith.constant 0 : i32
      %dma_wait3A_4243 = tpu.memref_slice %arg2[%dma_wait3A_4232, %dma_wait3A_4241, %dma_wait3A_4242] : memref<64x128x1024xf32, #tpu.memory_space<any>> -> memref<1x128x1024xf32, #tpu.memory_space<any>>
      %dma_wait3A_4244 = tpu.memref_squeeze %dma_wait3A_4243 : memref<1x128x1024xf32, #tpu.memory_space<any>> -> memref<128x1024xf32, #tpu.memory_space<any>>
      tpu.wait_dma2 semaphore(%dma_wait3A_4236 : memref<!tpu.dma_semaphore, #tpu.memory_space<semaphore_mem>>) src(%dma_wait3A_4244 : memref<128x1024xf32, #tpu.memory_space<any>>) dst(%dma_wait3A_4240 : memref<128x1024xf32, #tpu.memory_space<vmem>>)
      %get3A_4245 = arith.constant 0 : index
      %get3A_4246 = arith.constant 0 : index
      %get3A_4247 = vector.load %arg14[%get3A_4245, %get3A_4246] : memref<128x128xf32, #tpu.memory_space<vmem>>, vector<128x128xf32>
      %get3A_4248 = arith.constant 1 : index
      %get3A_4249 = arith.constant 0 : index
      %get3A_4250 = arith.constant 0 : index
      %get3A_4251 = vector.load %arg24[%get3A_4248, %get3A_4249, %get3A_4250] : memref<2x128x1024xf32, #tpu.memory_space<vmem>>, vector<1x128x1024xf32>
      %get3A_4252 = vector.shape_cast %get3A_4251 : vector<1x128x1024xf32> to vector<128x1024xf32>
      %dot_general3A_4253 = arith.constant dense<0.000000e+00> : vector<128x1024xf32>
      %dot_general3A_4254 = tpu.matmul %get3A_4247, %get3A_4252, %dot_general3A_4253 {dimension_numbers = #tpu.dot_dimension_numbers<[1], [0], [0], [1], [0, 0, 1, 1], [], []>, transpose_lhs_hint = false} : vector<128x128xf32>, vector<128x1024xf32>, vector<128x1024xf32> -> vector<128x1024xf32>
      %get3A_4255 = arith.constant 0 : index
      %get3A_4256 = arith.constant 0 : index
      %get3A_4257 = vector.load %arg15[%get3A_4255, %get3A_4256] : memref<128x1xf32, #tpu.memory_space<vmem>>, vector<128x1xf32>
      %add3A_4258 = vector.broadcast %get3A_4257 : vector<128x1xf32> to vector<128x1024xf32>
      %add3A_4259 = arith.addf %dot_general3A_4254, %add3A_4258 : vector<128x1024xf32>
      %convert_element_type3A_4260 = arith.truncf %add3A_4259 : vector<128x1024xf32> to vector<128x1024xbf16>
      %swap3A_4261 = arith.constant 63 : index
      %swap3A_4262 = arith.constant 0 : index
      %swap3A_4263 = arith.constant 0 : index
      %swap3A_4264 = vector.load %arg23[%swap3A_4261, %swap3A_4262, %swap3A_4263] : memref<64x128x1024xbf16, #tpu.memory_space<vmem>>, vector<1x128x1024xbf16>
      %swap3A_4265 = vector.shape_cast %swap3A_4264 : vector<1x128x1024xbf16> to vector<128x1024xbf16>
      %swap3A_4266 = vector.shape_cast %convert_element_type3A_4260 : vector<128x1024xbf16> to vector<1x128x1024xbf16>
      tpu.vector_store %arg23[%swap3A_4261, %swap3A_4262, %swap3A_4263], %swap3A_4266 {strides = array<i32>} : memref<64x128x1024xbf16, #tpu.memory_space<vmem>>, vector<1x128x1024xbf16>,
      tpu.wait_dma2 semaphore(%arg32 : memref<!tpu.dma_semaphore, #tpu.memory_space<semaphore_mem>>) src(%arg1 : memref<512x100x128xf32, #tpu.memory_space<any>>) dst(%arg22 : memref<512x100x128xf32, #tpu.memory_space<vmem>>)
      %get3A_4267 = arith.constant 0 : index
      %get3A_4268 = arith.constant 0 : index
      %get3A_4269 = vector.load %arg11[%get3A_4267, %get3A_4268] : memref<512x128xf32, #tpu.memory_space<vmem>>, vector<512x128xf32>
      %get3A_4270 = arith.constant 0 : index
      %get3A_4271 = arith.constant 0 : index
      %get3A_4272 = vector.load %arg18[%get3A_4270, %get3A_4271] : memref<1x256xf32, #tpu.memory_space<vmem>>, vector<1x256xf32>
      %get3A_4273 = arith.constant 0 : index
      %get3A_4274 = arith.constant 0 : index
      %get3A_4275 = vector.load %arg16[%get3A_4273, %get3A_4274] : memref<256x128xf32, #tpu.memory_space<vmem>>, vector<256x128xf32>
      %dot_general3A_4276 = arith.constant dense<0.000000e+00> : vector<1x128xf32>
      %dot_general3A_4277 = tpu.matmul %get3A_4272, %get3A_4275, %dot_general3A_4276 {dimension_numbers = #tpu.dot_dimension_numbers<[1], [0], [0], [1], [0, 0, 1, 1], [], []>, transpose_lhs_hint = false} : vector<1x256xf32>, vector<256x128xf32>, vector<1x128xf32> -> vector<1x128xf32>
      %get3A_4278 = arith.constant 0 : index
      %get3A_4279 = arith.constant 0 : index
      %get3A_4280 = vector.load %arg17[%get3A_4278, %get3A_4279] : memref<1x128xf32, #tpu.memory_space<vmem>>, vector<1x128xf32>
      %add3A_4281 = arith.addf %dot_general3A_4277, %get3A_4280 : vector<1x128xf32>
      %add3A_4282 = vector.broadcast %add3A_4281 : vector<1x128xf32> to vector<512x128xf32>
      %add3A_4283 = arith.addf %get3A_4269, %add3A_4282 : vector<512x128xf32>
      %swap3A_4284 = arith.constant 0 : index
      %swap3A_4285 = arith.constant 0 : index
      %swap3A_4286 = vector.load %arg25[%swap3A_4284, %swap3A_4285] : memref<512x128xf32, #tpu.memory_space<vmem>>, vector<512x128xf32>
      tpu.vector_store %arg25[%swap3A_4284, %swap3A_4285], %add3A_4283 {strides = array<i32>} : memref<512x128xf32, #tpu.memory_space<vmem>>, vector<512x128xf32>,
      %get3A_4287 = arith.constant 0 : index
      %get3A_4288 = arith.constant 0 : index
      %get3A_4289 = vector.load %arg3[%get3A_4287, %get3A_4288] : memref<512x100xf32, #tpu.memory_space<vmem>>, vector<512x100xf32>
      %eq3A_4290 = arith.constant 0.000000e+00 : f32
      %eq3A_4291 = vector.broadcast %eq3A_4290 : f32 to vector<512x100xf32>
      %eq3A_4292 = arith.cmpf oeq, %get3A_4289, %eq3A_4291 : vector<512x100xf32>
      %jit3A_4293 = arith.constant 1.000000e+00 : f32
      %jit3A_4294 = arith.constant 0.000000e+00 : f32
      %broadcast_in_dim3A_4295 = vector.broadcast %jit3A_4293 : f32 to vector<512x100xf32>
      %broadcast_in_dim3A_4296 = vector.broadcast %jit3A_4294 : f32 to vector<512x100xf32>
      %select_n3A_4297 = arith.select %eq3A_4292, %broadcast_in_dim3A_4295, %broadcast_in_dim3A_4296 : vector<512x100xi1>, vector<512x100xf32>
      %lt3A_4298 = arith.constant 4 : i32
      %lt3A_4299 = vector.broadcast %lt3A_4298 : i32 to vector<512x100xi32>
      %lt3A_4300 = arith.cmpi slt, %iota3A, %lt3A_4299 : vector<512x100xi32>
      %jit3A_4301 = arith.constant 1.000000e+00 : f32
      %broadcast_in_dim3A_4302 = vector.broadcast %jit3A_4301 : f32 to vector<512x100xf32>
      %select_n3A_4303 = arith.select %lt3A_4300, %broadcast_in_dim3A_4302, %select_n3A_4297 : vector<512x100xi1>, vector<512x100xf32>
      %swap3A_4304 = arith.constant 0 : index
      %swap3A_4305 = arith.constant 0 : index
      %swap3A_4306 = vector.load %arg28[%swap3A_4304, %swap3A_4305] : memref<512x100xf32, #tpu.memory_space<vmem>>, vector<512x100xf32>
      tpu.vector_store %arg28[%swap3A_4304, %swap3A_4305], %select_n3A_4303 {strides = array<i32>} : memref<512x100xf32, #tpu.memory_space<vmem>>, vector<512x100xf32>,
      %broadcast_in_dim3A_4307 = arith.constant 0 : i32
      %broadcast_in_dim3A_4308 = vector.broadcast %broadcast_in_dim3A_4307 : i32 to vector<512x1xi32>
      %swap3A_4309 = arith.constant 0 : index
      %swap3A_4310 = arith.constant 0 : index
      %swap3A_4311 = vector.load %arg31[%swap3A_4309, %swap3A_4310] : memref<512x1xi32, #tpu.memory_space<vmem>>, vector<512x1xi32>
      tpu.vector_store %arg31[%swap3A_4309, %swap3A_4310], %broadcast_in_dim3A_4308 {strides = array<i32>} : memref<512x1xi32, #tpu.memory_space<vmem>>, vector<512x1xi32>,
      %broadcast_in_dim3A_4312 = arith.constant 0.000000e+00 : f32
      %broadcast_in_dim3A_4313 = vector.broadcast %broadcast_in_dim3A_4312 : f32 to vector<512x128xf32>
      %swap3A_4314 = arith.constant 0 : index
      %swap3A_4315 = arith.constant 0 : index
      %swap3A_4316 = vector.load %arg26[%swap3A_4314, %swap3A_4315] : memref<512x128xf32, #tpu.memory_space<vmem>>, vector<512x128xf32>
      tpu.vector_store %arg26[%swap3A_4314, %swap3A_4315], %broadcast_in_dim3A_4313 {strides = array<i32>} : memref<512x128xf32, #tpu.memory_space<vmem>>, vector<512x128xf32>,
      %broadcast_in_dim3A_4317 = arith.constant 0.000000e+00 : f32
      %broadcast_in_dim3A_4318 = vector.broadcast %broadcast_in_dim3A_4317 : f32 to vector<512x1xf32>
      %swap3A_4319 = arith.constant 0 : index
      %swap3A_4320 = arith.constant 0 : index
      %swap3A_4321 = vector.load %arg19[%swap3A_4319, %swap3A_4320] : memref<512x1xf32, #tpu.memory_space<vmem>>, vector<512x1xf32>
      tpu.vector_store %arg19[%swap3A_4319, %swap3A_4320], %broadcast_in_dim3A_4318 {strides = array<i32>} : memref<512x1xf32, #tpu.memory_space<vmem>>, vector<512x1xf32>,
      %broadcast_in_dim3A_4322 = arith.constant 0.000000e+00 : f32
      %broadcast_in_dim3A_4323 = vector.broadcast %broadcast_in_dim3A_4322 : f32 to vector<512x1xf32>
      %swap3A_4324 = arith.constant 0 : index
      %swap3A_4325 = arith.constant 0 : index
      %swap3A_4326 = vector.load %arg20[%swap3A_4324, %swap3A_4325] : memref<512x1xf32, #tpu.memory_space<vmem>>, vector<512x1xf32>
      tpu.vector_store %arg20[%swap3A_4324, %swap3A_4325], %broadcast_in_dim3A_4323 {strides = array<i32>} : memref<512x1xf32, #tpu.memory_space<vmem>>, vector<512x1xf32>,
    } else {
    }
    %get3A = arith.constant 0 : index
    %get3A_2 = arith.constant 0 : index
    %get3A_3 = vector.load %arg25[%get3A, %get3A_2] : memref<512x128xf32, #tpu.memory_space<vmem>>, vector<512x128xf32>
    %get3A_4 = arith.constant 0 : index
    %get3A_5 = arith.constant 0 : index
    %get3A_6 = vector.load %arg12[%get3A_4, %get3A_5] : memref<128x128xf32, #tpu.memory_space<vmem>>, vector<128x128xf32>
    %dot_general3A = arith.constant dense<0.000000e+00> : vector<512x128xf32>
    %dot_general3A_7 = tpu.matmul %get3A_3, %get3A_6, %dot_general3A {dimension_numbers = #tpu.dot_dimension_numbers<[1], [0], [0], [1], [0, 0, 1, 1], [], []>, transpose_lhs_hint = false} : vector<512x128xf32>, vector<128x128xf32>, vector<512x128xf32> -> vector<512x128xf32>
    %get3A_8 = arith.constant 0 : index
    %get3A_9 = arith.constant 0 : index
    %get3A_10 = vector.load %arg13[%get3A_8, %get3A_9] : memref<1x128xf32, #tpu.memory_space<vmem>>, vector<1x128xf32>
    %add3A = vector.broadcast %get3A_10 : vector<1x128xf32> to vector<512x128xf32>
    %add3A_11 = arith.addf %dot_general3A_7, %add3A : vector<512x128xf32>
    %convert_element_type3A_12 = arith.truncf %add3A_11 : vector<512x128xf32> to vector<512x128xbf16>
    %slice3A = vector.extract_strided_slice %convert_element_type3A_12 {offsets = [0, 0], sizes = [8, 128], strides = [1, 1]} : vector<512x128xbf16> to vector<8x128xbf16>
    %get3A_13 = arith.constant 0 : index
    %get3A_14 = arith.constant 0 : index
    %get3A_15 = arith.constant 0 : index
    %get3A_16 = vector.load %arg23[%get3A_13, %get3A_14, %get3A_15] : memref<64x128x1024xbf16, #tpu.memory_space<vmem>>, vector<1x128x1024xbf16>
    %get3A_17 = vector.shape_cast %get3A_16 : vector<1x128x1024xbf16> to vector<128x1024xbf16>
    %dot_general3A_18 = arith.constant dense<0.000000e+00> : vector<8x1024xf32>
    %dot_general3A_19 = tpu.matmul %slice3A, %get3A_17, %dot_general3A_18 {dimension_numbers = #tpu.dot_dimension_numbers<[1], [0], [0], [1], [0, 0, 1, 1], [], []>, transpose_lhs_hint = false} : vector<8x128xbf16>, vector<128x1024xbf16>, vector<8x1024xf32> -> vector<8x1024xf32>
    %swap3A = arith.constant 0 : index
    %swap3A_20 = arith.constant 0 : index
    %swap3A_21 = vector.load %arg30[%swap3A, %swap3A_20] : memref<512x1024xf32, #tpu.memory_space<vmem>>, vector<8x1024xf32>
    tpu.vector_store %arg30[%swap3A, %swap3A_20], %dot_general3A_19 {strides = array<i32>} : memref<512x1024xf32, #tpu.memory_space<vmem>>, vector<8x1024xf32>,
    %slice3A_22 = vector.extract_strided_slice %convert_element_type3A_12 {offsets = [8, 0], sizes = [8, 128], strides = [1, 1]} : vector<512x128xbf16> to vector<8x128xbf16>
    %get3A_23 = arith.constant 1 : index
    %get3A_24 = arith.constant 0 : index
    %get3A_25 = arith.constant 0 : index
    %get3A_26 = vector.load %arg23[%get3A_23, %get3A_24, %get3A_25] : memref<64x128x1024xbf16, #tpu.memory_space<vmem>>, vector<1x128x1024xbf16>
    %get3A_27 = vector.shape_cast %get3A_26 : vector<1x128x1024xbf16> to vector<128x1024xbf16>
    %dot_general3A_28 = arith.constant dense<0.000000e+00> : vector<8x1024xf32>
    %dot_general3A_29 = tpu.matmul %slice3A_22, %get3A_27, %dot_general3A_28 {dimension_numbers = #tpu.dot_dimension_numbers<[1], [0], [0], [1], [0, 0, 1, 1], [], []>, transpose_lhs_hint = false} : vector<8x128xbf16>, vector<128x1024xbf16>, vector<8x1024xf32> -> vector<8x1024xf32>
    %swap3A_30 = arith.constant 8 : index
    %swap3A_31 = arith.constant 0 : index
    %swap3A_32 = vector.load %arg30[%swap3A_30, %swap3A_31] : memref<512x1024xf32, #tpu.memory_space<vmem>>, vector<8x1024xf32>
    tpu.vector_store %arg30[%swap3A_30, %swap3A_31], %dot_general3A_29 {strides = array<i32>} : memref<512x1024xf32, #tpu.memory_space<vmem>>, vector<8x1024xf32>,
    %slice3A_33 = vector.extract_strided_slice %convert_element_type3A_12 {offsets = [16, 0], sizes = [8, 128], strides = [1, 1]} : vector<512x128xbf16> to vector<8x128xbf16>
    %get3A_34 = arith.constant 2 : index
    %get3A_35 = arith.constant 0 : index
    %get3A_36 = arith.constant 0 : index
    %get3A_37 = vector.load %arg23[%get3A_34, %get3A_35, %get3A_36] : memref<64x128x1024xbf16, #tpu.memory_space<vmem>>, vector<1x128x1024xbf16>
    %get3A_38 = vector.shape_cast %get3A_37 : vector<1x128x1024xbf16> to vector<128x1024xbf16>
    %dot_general3A_39 = arith.constant dense<0.000000e+00> : vector<8x1024xf32>
    %dot_general3A_40 = tpu.matmul %slice3A_33, %get3A_38, %dot_general3A_39 {dimension_numbers = #tpu.dot_dimension_numbers<[1], [0], [0], [1], [0, 0, 1, 1], [], []>, transpose_lhs_hint = false} : vector<8x128xbf16>, vector<128x1024xbf16>, vector<8x1024xf32> -> vector<8x1024xf32>
    %swap3A_41 = arith.constant 16 : index
    %swap3A_42 = arith.constant 0 : index
    %swap3A_43 = vector.load %arg30[%swap3A_41, %swap3A_42] : memref<512x1024xf32, #tpu.memory_space<vmem>>, vector<8x1024xf32>
    tpu.vector_store %arg30[%swap3A_41, %swap3A_42], %dot_general3A_40 {strides = array<i32>} : memref<512x1024xf32, #tpu.memory_space<vmem>>, vector<8x1024xf32>,
    %slice3A_44 = vector.extract_strided_slice %convert_element_type3A_12 {offsets = [24, 0], sizes = [8, 128], strides = [1, 1]} : vector<512x128xbf16> to vector<8x128xbf16>
    %get3A_45 = arith.constant 3 : index
    %get3A_46 = arith.constant 0 : index
    %get3A_47 = arith.constant 0 : index
    %get3A_48 = vector.load %arg23[%get3A_45, %get3A_46, %get3A_47] : memref<64x128x1024xbf16, #tpu.memory_space<vmem>>, vector<1x128x1024xbf16>
    %get3A_49 = vector.shape_cast %get3A_48 : vector<1x128x1024xbf16> to vector<128x1024xbf16>
    %dot_general3A_50 = arith.constant dense<0.000000e+00> : vector<8x1024xf32>
    %dot_general3A_51 = tpu.matmul %slice3A_44, %get3A_49, %dot_general3A_50 {dimension_numbers = #tpu.dot_dimension_numbers<[1], [0], [0], [1], [0, 0, 1, 1], [], []>, transpose_lhs_hint = false} : vector<8x128xbf16>, vector<128x1024xbf16>, vector<8x1024xf32> -> vector<8x1024xf32>
    %swap3A_52 = arith.constant 24 : index
    %swap3A_53 = arith.constant 0 : index
    %swap3A_54 = vector.load %arg30[%swap3A_52, %swap3A_53] : memref<512x1024xf32, #tpu.memory_space<vmem>>, vector<8x1024xf32>
    tpu.vector_store %arg30[%swap3A_52, %swap3A_53], %dot_general3A_51 {strides = array<i32>} : memref<512x1024xf32, #tpu.memory_space<vmem>>, vector<8x1024xf32>,
    %slice3A_55 = vector.extract_strided_slice %convert_element_type3A_12 {offsets = [32, 0], sizes = [8, 128], strides = [1, 1]} : vector<512x128xbf16> to vector<8x128xbf16>
    %get3A_56 = arith.constant 4 : index
    %get3A_57 = arith.constant 0 : index
    %get3A_58 = arith.constant 0 : index
    %get3A_59 = vector.load %arg23[%get3A_56, %get3A_57, %get3A_58] : memref<64x128x1024xbf16, #tpu.memory_space<vmem>>, vector<1x128x1024xbf16>
    %get3A_60 = vector.shape_cast %get3A_59 : vector<1x128x1024xbf16> to vector<128x1024xbf16>
    %dot_general3A_61 = arith.constant dense<0.000000e+00> : vector<8x1024xf32>
    %dot_general3A_62 = tpu.matmul %slice3A_55, %get3A_60, %dot_general3A_61 {dimension_numbers = #tpu.dot_dimension_numbers<[1], [0], [0], [1], [0, 0, 1, 1], [], []>, transpose_lhs_hint = false} : vector<8x128xbf16>, vector<128x1024xbf16>, vector<8x1024xf32> -> vector<8x1024xf32>
    %swap3A_63 = arith.constant 32 : index
    %swap3A_64 = arith.constant 0 : index
    %swap3A_65 = vector.load %arg30[%swap3A_63, %swap3A_64] : memref<512x1024xf32, #tpu.memory_space<vmem>>, vector<8x1024xf32>
    tpu.vector_store %arg30[%swap3A_63, %swap3A_64], %dot_general3A_62 {strides = array<i32>} : memref<512x1024xf32, #tpu.memory_space<vmem>>, vector<8x1024xf32>,
    %slice3A_66 = vector.extract_strided_slice %convert_element_type3A_12 {offsets = [40, 0], sizes = [8, 128], strides = [1, 1]} : vector<512x128xbf16> to vector<8x128xbf16>
    %get3A_67 = arith.constant 5 : index
    %get3A_68 = arith.constant 0 : index
    %get3A_69 = arith.constant 0 : index
    %get3A_70 = vector.load %arg23[%get3A_67, %get3A_68, %get3A_69] : memref<64x128x1024xbf16, #tpu.memory_space<vmem>>, vector<1x128x1024xbf16>
    %get3A_71 = vector.shape_cast %get3A_70 : vector<1x128x1024xbf16> to vector<128x1024xbf16>
    %dot_general3A_72 = arith.constant dense<0.000000e+00> : vector<8x1024xf32>
    %dot_general3A_73 = tpu.matmul %slice3A_66, %get3A_71, %dot_general3A_72 {dimension_numbers = #tpu.dot_dimension_numbers<[1], [0], [0], [1], [0, 0, 1, 1], [], []>, transpose_lhs_hint = false} : vector<8x128xbf16>, vector<128x1024xbf16>, vector<8x1024xf32> -> vector<8x1024xf32>
    %swap3A_74 = arith.constant 40 : index
    %swap3A_75 = arith.constant 0 : index
    %swap3A_76 = vector.load %arg30[%swap3A_74, %swap3A_75] : memref<512x1024xf32, #tpu.memory_space<vmem>>, vector<8x1024xf32>
    tpu.vector_store %arg30[%swap3A_74, %swap3A_75], %dot_general3A_73 {strides = array<i32>} : memref<512x1024xf32, #tpu.memory_space<vmem>>, vector<8x1024xf32>,
    %slice3A_77 = vector.extract_strided_slice %convert_element_type3A_12 {offsets = [48, 0], sizes = [8, 128], strides = [1, 1]} : vector<512x128xbf16> to vector<8x128xbf16>
    %get3A_78 = arith.constant 6 : index
    %get3A_79 = arith.constant 0 : index
    %get3A_80 = arith.constant 0 : index
    %get3A_81 = vector.load %arg23[%get3A_78, %get3A_79, %get3A_80] : memref<64x128x1024xbf16, #tpu.memory_space<vmem>>, vector<1x128x1024xbf16>
    %get3A_82 = vector.shape_cast %get3A_81 : vector<1x128x1024xbf16> to vector<128x1024xbf16>
    %dot_general3A_83 = arith.constant dense<0.000000e+00> : vector<8x1024xf32>
    %dot_general3A_84 = tpu.matmul %slice3A_77, %get3A_82, %dot_general3A_83 {dimension_numbers = #tpu.dot_dimension_numbers<[1], [0], [0], [1], [0, 0, 1, 1], [], []>, transpose_lhs_hint = false} : vector<8x128xbf16>, vector<128x1024xbf16>, vector<8x1024xf32> -> vector<8x1024xf32>
    %swap3A_85 = arith.constant 48 : index
    %swap3A_86 = arith.constant 0 : index
    %swap3A_87 = vector.load %arg30[%swap3A_85, %swap3A_86] : memref<512x1024xf32, #tpu.memory_space<vmem>>, vector<8x1024xf32>
    tpu.vector_store %arg30[%swap3A_85, %swap3A_86], %dot_general3A_84 {strides = array<i32>} : memref<512x1024xf32, #tpu.memory_space<vmem>>, vector<8x1024xf32>,
    %slice3A_88 = vector.extract_strided_slice %convert_element_type3A_12 {offsets = [56, 0], sizes = [8, 128], strides = [1, 1]} : vector<512x128xbf16> to vector<8x128xbf16>
    %get3A_89 = arith.constant 7 : index
    %get3A_90 = arith.constant 0 : index
    %get3A_91 = arith.constant 0 : index
    %get3A_92 = vector.load %arg23[%get3A_89, %get3A_90, %get3A_91] : memref<64x128x1024xbf16, #tpu.memory_space<vmem>>, vector<1x128x1024xbf16>
    %get3A_93 = vector.shape_cast %get3A_92 : vector<1x128x1024xbf16> to vector<128x1024xbf16>
    %dot_general3A_94 = arith.constant dense<0.000000e+00> : vector<8x1024xf32>
    %dot_general3A_95 = tpu.matmul %slice3A_88, %get3A_93, %dot_general3A_94 {dimension_numbers = #tpu.dot_dimension_numbers<[1], [0], [0], [1], [0, 0, 1, 1], [], []>, transpose_lhs_hint = false} : vector<8x128xbf16>, vector<128x1024xbf16>, vector<8x1024xf32> -> vector<8x1024xf32>
    %swap3A_96 = arith.constant 56 : index
    %swap3A_97 = arith.constant 0 : index
    %swap3A_98 = vector.load %arg30[%swap3A_96, %swap3A_97] : memref<512x1024xf32, #tpu.memory_space<vmem>>, vector<8x1024xf32>
    tpu.vector_store %arg30[%swap3A_96, %swap3A_97], %dot_general3A_95 {strides = array<i32>} : memref<512x1024xf32, #tpu.memory_space<vmem>>, vector<8x1024xf32>,
    %slice3A_99 = vector.extract_strided_slice %convert_element_type3A_12 {offsets = [64, 0], sizes = [8, 128], strides = [1, 1]} : vector<512x128xbf16> to vector<8x128xbf16>
    %get3A_100 = arith.constant 8 : index
    %get3A_101 = arith.constant 0 : index
    %get3A_102 = arith.constant 0 : index
    %get3A_103 = vector.load %arg23[%get3A_100, %get3A_101, %get3A_102] : memref<64x128x1024xbf16, #tpu.memory_space<vmem>>, vector<1x128x1024xbf16>
    %get3A_104 = vector.shape_cast %get3A_103 : vector<1x128x1024xbf16> to vector<128x1024xbf16>
    %dot_general3A_105 = arith.constant dense<0.000000e+00> : vector<8x1024xf32>
    %dot_general3A_106 = tpu.matmul %slice3A_99, %get3A_104, %dot_general3A_105 {dimension_numbers = #tpu.dot_dimension_numbers<[1], [0], [0], [1], [0, 0, 1, 1], [], []>, transpose_lhs_hint = false} : vector<8x128xbf16>, vector<128x1024xbf16>, vector<8x1024xf32> -> vector<8x1024xf32>
    %swap3A_107 = arith.constant 64 : index
    %swap3A_108 = arith.constant 0 : index
    %swap3A_109 = vector.load %arg30[%swap3A_107, %swap3A_108] : memref<512x1024xf32, #tpu.memory_space<vmem>>, vector<8x1024xf32>
    tpu.vector_store %arg30[%swap3A_107, %swap3A_108], %dot_general3A_106 {strides = array<i32>} : memref<512x1024xf32, #tpu.memory_space<vmem>>, vector<8x1024xf32>,
    %slice3A_110 = vector.extract_strided_slice %convert_element_type3A_12 {offsets = [72, 0], sizes = [8, 128], strides = [1, 1]} : vector<512x128xbf16> to vector<8x128xbf16>
    %get3A_111 = arith.constant 9 : index
    %get3A_112 = arith.constant 0 : index
    %get3A_113 = arith.constant 0 : index
    %get3A_114 = vector.load %arg23[%get3A_111, %get3A_112, %get3A_113] : memref<64x128x1024xbf16, #tpu.memory_space<vmem>>, vector<1x128x1024xbf16>
    %get3A_115 = vector.shape_cast %get3A_114 : vector<1x128x1024xbf16> to vector<128x1024xbf16>
    %dot_general3A_116 = arith.constant dense<0.000000e+00> : vector<8x1024xf32>
    %dot_general3A_117 = tpu.matmul %slice3A_110, %get3A_115, %dot_general3A_116 {dimension_numbers = #tpu.dot_dimension_numbers<[1], [0], [0], [1], [0, 0, 1, 1], [], []>, transpose_lhs_hint = false} : vector<8x128xbf16>, vector<128x1024xbf16>, vector<8x1024xf32> -> vector<8x1024xf32>
    %swap3A_118 = arith.constant 72 : index
    %swap3A_119 = arith.constant 0 : index
    %swap3A_120 = vector.load %arg30[%swap3A_118, %swap3A_119] : memref<512x1024xf32, #tpu.memory_space<vmem>>, vector<8x1024xf32>
    tpu.vector_store %arg30[%swap3A_118, %swap3A_119], %dot_general3A_117 {strides = array<i32>} : memref<512x1024xf32, #tpu.memory_space<vmem>>, vector<8x1024xf32>,
    %slice3A_121 = vector.extract_strided_slice %convert_element_type3A_12 {offsets = [80, 0], sizes = [8, 128], strides = [1, 1]} : vector<512x128xbf16> to vector<8x128xbf16>
    %get3A_122 = arith.constant 10 : index
    %get3A_123 = arith.constant 0 : index
    %get3A_124 = arith.constant 0 : index
    %get3A_125 = vector.load %arg23[%get3A_122, %get3A_123, %get3A_124] : memref<64x128x1024xbf16, #tpu.memory_space<vmem>>, vector<1x128x1024xbf16>
    %get3A_126 = vector.shape_cast %get3A_125 : vector<1x128x1024xbf16> to vector<128x1024xbf16>
    %dot_general3A_127 = arith.constant dense<0.000000e+00> : vector<8x1024xf32>
    %dot_general3A_128 = tpu.matmul %slice3A_121, %get3A_126, %dot_general3A_127 {dimension_numbers = #tpu.dot_dimension_numbers<[1], [0], [0], [1], [0, 0, 1, 1], [], []>, transpose_lhs_hint = false} : vector<8x128xbf16>, vector<128x1024xbf16>, vector<8x1024xf32> -> vector<8x1024xf32>
    %swap3A_129 = arith.constant 80 : index
    %swap3A_130 = arith.constant 0 : index
    %swap3A_131 = vector.load %arg30[%swap3A_129, %swap3A_130] : memref<512x1024xf32, #tpu.memory_space<vmem>>, vector<8x1024xf32>
    tpu.vector_store %arg30[%swap3A_129, %swap3A_130], %dot_general3A_128 {strides = array<i32>} : memref<512x1024xf32, #tpu.memory_space<vmem>>, vector<8x1024xf32>,
    %slice3A_132 = vector.extract_strided_slice %convert_element_type3A_12 {offsets = [88, 0], sizes = [8, 128], strides = [1, 1]} : vector<512x128xbf16> to vector<8x128xbf16>
    %get3A_133 = arith.constant 11 : index
    %get3A_134 = arith.constant 0 : index
    %get3A_135 = arith.constant 0 : index
    %get3A_136 = vector.load %arg23[%get3A_133, %get3A_134, %get3A_135] : memref<64x128x1024xbf16, #tpu.memory_space<vmem>>, vector<1x128x1024xbf16>
    %get3A_137 = vector.shape_cast %get3A_136 : vector<1x128x1024xbf16> to vector<128x1024xbf16>
    %dot_general3A_138 = arith.constant dense<0.000000e+00> : vector<8x1024xf32>
    %dot_general3A_139 = tpu.matmul %slice3A_132, %get3A_137, %dot_general3A_138 {dimension_numbers = #tpu.dot_dimension_numbers<[1], [0], [0], [1], [0, 0, 1, 1], [], []>, transpose_lhs_hint = false} : vector<8x128xbf16>, vector<128x1024xbf16>, vector<8x1024xf32> -> vector<8x1024xf32>
    %swap3A_140 = arith.constant 88 : index
    %swap3A_141 = arith.constant 0 : index
    %swap3A_142 = vector.load %arg30[%swap3A_140, %swap3A_141] : memref<512x1024xf32, #tpu.memory_space<vmem>>, vector<8x1024xf32>
    tpu.vector_store %arg30[%swap3A_140, %swap3A_141], %dot_general3A_139 {strides = array<i32>} : memref<512x1024xf32, #tpu.memory_space<vmem>>, vector<8x1024xf32>,
    %slice3A_143 = vector.extract_strided_slice %convert_element_type3A_12 {offsets = [96, 0], sizes = [8, 128], strides = [1, 1]} : vector<512x128xbf16> to vector<8x128xbf16>
    %get3A_144 = arith.constant 12 : index
    %get3A_145 = arith.constant 0 : index
    %get3A_146 = arith.constant 0 : index
    %get3A_147 = vector.load %arg23[%get3A_144, %get3A_145, %get3A_146] : memref<64x128x1024xbf16, #tpu.memory_space<vmem>>, vector<1x128x1024xbf16>
    %get3A_148 = vector.shape_cast %get3A_147 : vector<1x128x1024xbf16> to vector<128x1024xbf16>
    %dot_general3A_149 = arith.constant dense<0.000000e+00> : vector<8x1024xf32>
    %dot_general3A_150 = tpu.matmul %slice3A_143, %get3A_148, %dot_general3A_149 {dimension_numbers = #tpu.dot_dimension_numbers<[1], [0], [0], [1], [0, 0, 1, 1], [], []>, transpose_lhs_hint = false} : vector<8x128xbf16>, vector<128x1024xbf16>, vector<8x1024xf32> -> vector<8x1024xf32>
    %swap3A_151 = arith.constant 96 : index
    %swap3A_152 = arith.constant 0 : index
    %swap3A_153 = vector.load %arg30[%swap3A_151, %swap3A_152] : memref<512x1024xf32, #tpu.memory_space<vmem>>, vector<8x1024xf32>
    tpu.vector_store %arg30[%swap3A_151, %swap3A_152], %dot_general3A_150 {strides = array<i32>} : memref<512x1024xf32, #tpu.memory_space<vmem>>, vector<8x1024xf32>,
    %slice3A_154 = vector.extract_strided_slice %convert_element_type3A_12 {offsets = [104, 0], sizes = [8, 128], strides = [1, 1]} : vector<512x128xbf16> to vector<8x128xbf16>
    %get3A_155 = arith.constant 13 : index
    %get3A_156 = arith.constant 0 : index
    %get3A_157 = arith.constant 0 : index
    %get3A_158 = vector.load %arg23[%get3A_155, %get3A_156, %get3A_157] : memref<64x128x1024xbf16, #tpu.memory_space<vmem>>, vector<1x128x1024xbf16>
    %get3A_159 = vector.shape_cast %get3A_158 : vector<1x128x1024xbf16> to vector<128x1024xbf16>
    %dot_general3A_160 = arith.constant dense<0.000000e+00> : vector<8x1024xf32>
    %dot_general3A_161 = tpu.matmul %slice3A_154, %get3A_159, %dot_general3A_160 {dimension_numbers = #tpu.dot_dimension_numbers<[1], [0], [0], [1], [0, 0, 1, 1], [], []>, transpose_lhs_hint = false} : vector<8x128xbf16>, vector<128x1024xbf16>, vector<8x1024xf32> -> vector<8x1024xf32>
    %swap3A_162 = arith.constant 104 : index
    %swap3A_163 = arith.constant 0 : index
    %swap3A_164 = vector.load %arg30[%swap3A_162, %swap3A_163] : memref<512x1024xf32, #tpu.memory_space<vmem>>, vector<8x1024xf32>
    tpu.vector_store %arg30[%swap3A_162, %swap3A_163], %dot_general3A_161 {strides = array<i32>} : memref<512x1024xf32, #tpu.memory_space<vmem>>, vector<8x1024xf32>,
    %slice3A_165 = vector.extract_strided_slice %convert_element_type3A_12 {offsets = [112, 0], sizes = [8, 128], strides = [1, 1]} : vector<512x128xbf16> to vector<8x128xbf16>
    %get3A_166 = arith.constant 14 : index
    %get3A_167 = arith.constant 0 : index
    %get3A_168 = arith.constant 0 : index
    %get3A_169 = vector.load %arg23[%get3A_166, %get3A_167, %get3A_168] : memref<64x128x1024xbf16, #tpu.memory_space<vmem>>, vector<1x128x1024xbf16>
    %get3A_170 = vector.shape_cast %get3A_169 : vector<1x128x1024xbf16> to vector<128x1024xbf16>
    %dot_general3A_171 = arith.constant dense<0.000000e+00> : vector<8x1024xf32>
    %dot_general3A_172 = tpu.matmul %slice3A_165, %get3A_170, %dot_general3A_171 {dimension_numbers = #tpu.dot_dimension_numbers<[1], [0], [0], [1], [0, 0, 1, 1], [], []>, transpose_lhs_hint = false} : vector<8x128xbf16>, vector<128x1024xbf16>, vector<8x1024xf32> -> vector<8x1024xf32>
    %swap3A_173 = arith.constant 112 : index
    %swap3A_174 = arith.constant 0 : index
    %swap3A_175 = vector.load %arg30[%swap3A_173, %swap3A_174] : memref<512x1024xf32, #tpu.memory_space<vmem>>, vector<8x1024xf32>
    tpu.vector_store %arg30[%swap3A_173, %swap3A_174], %dot_general3A_172 {strides = array<i32>} : memref<512x1024xf32, #tpu.memory_space<vmem>>, vector<8x1024xf32>,
    %slice3A_176 = vector.extract_strided_slice %convert_element_type3A_12 {offsets = [120, 0], sizes = [8, 128], strides = [1, 1]} : vector<512x128xbf16> to vector<8x128xbf16>
    %get3A_177 = arith.constant 15 : index
    %get3A_178 = arith.constant 0 : index
    %get3A_179 = arith.constant 0 : index
    %get3A_180 = vector.load %arg23[%get3A_177, %get3A_178, %get3A_179] : memref<64x128x1024xbf16, #tpu.memory_space<vmem>>, vector<1x128x1024xbf16>
    %get3A_181 = vector.shape_cast %get3A_180 : vector<1x128x1024xbf16> to vector<128x1024xbf16>
    %dot_general3A_182 = arith.constant dense<0.000000e+00> : vector<8x1024xf32>
    %dot_general3A_183 = tpu.matmul %slice3A_176, %get3A_181, %dot_general3A_182 {dimension_numbers = #tpu.dot_dimension_numbers<[1], [0], [0], [1], [0, 0, 1, 1], [], []>, transpose_lhs_hint = false} : vector<8x128xbf16>, vector<128x1024xbf16>, vector<8x1024xf32> -> vector<8x1024xf32>
    %swap3A_184 = arith.constant 120 : index
    %swap3A_185 = arith.constant 0 : index
    %swap3A_186 = vector.load %arg30[%swap3A_184, %swap3A_185] : memref<512x1024xf32, #tpu.memory_space<vmem>>, vector<8x1024xf32>
    tpu.vector_store %arg30[%swap3A_184, %swap3A_185], %dot_general3A_183 {strides = array<i32>} : memref<512x1024xf32, #tpu.memory_space<vmem>>, vector<8x1024xf32>,
    %slice3A_187 = vector.extract_strided_slice %convert_element_type3A_12 {offsets = [128, 0], sizes = [8, 128], strides = [1, 1]} : vector<512x128xbf16> to vector<8x128xbf16>
    %get3A_188 = arith.constant 16 : index
    %get3A_189 = arith.constant 0 : index
    %get3A_190 = arith.constant 0 : index
    %get3A_191 = vector.load %arg23[%get3A_188, %get3A_189, %get3A_190] : memref<64x128x1024xbf16, #tpu.memory_space<vmem>>, vector<1x128x1024xbf16>
    %get3A_192 = vector.shape_cast %get3A_191 : vector<1x128x1024xbf16> to vector<128x1024xbf16>
    %dot_general3A_193 = arith.constant dense<0.000000e+00> : vector<8x1024xf32>
    %dot_general3A_194 = tpu.matmul %slice3A_187, %get3A_192, %dot_general3A_193 {dimension_numbers = #tpu.dot_dimension_numbers<[1], [0], [0], [1], [0, 0, 1, 1], [], []>, transpose_lhs_hint = false} : vector<8x128xbf16>, vector<128x1024xbf16>, vector<8x1024xf32> -> vector<8x1024xf32>
    %swap3A_195 = arith.constant 128 : index
    %swap3A_196 = arith.constant 0 : index
    %swap3A_197 = vector.load %arg30[%swap3A_195, %swap3A_196] : memref<512x1024xf32, #tpu.memory_space<vmem>>, vector<8x1024xf32>
    tpu.vector_store %arg30[%swap3A_195, %swap3A_196], %dot_general3A_194 {strides = array<i32>} : memref<512x1024xf32, #tpu.memory_space<vmem>>, vector<8x1024xf32>,
    %slice3A_198 = vector.extract_strided_slice %convert_element_type3A_12 {offsets = [136, 0], sizes = [8, 128], strides = [1, 1]} : vector<512x128xbf16> to vector<8x128xbf16>
    %get3A_199 = arith.constant 17 : index
    %get3A_200 = arith.constant 0 : index
    %get3A_201 = arith.constant 0 : index
    %get3A_202 = vector.load %arg23[%get3A_199, %get3A_200, %get3A_201] : memref<64x128x1024xbf16, #tpu.memory_space<vmem>>, vector<1x128x1024xbf16>
    %get3A_203 = vector.shape_cast %get3A_202 : vector<1x128x1024xbf16> to vector<128x1024xbf16>
    %dot_general3A_204 = arith.constant dense<0.000000e+00> : vector<8x1024xf32>
    %dot_general3A_205 = tpu.matmul %slice3A_198, %get3A_203, %dot_general3A_204 {dimension_numbers = #tpu.dot_dimension_numbers<[1], [0], [0], [1], [0, 0, 1, 1], [], []>, transpose_lhs_hint = false} : vector<8x128xbf16>, vector<128x1024xbf16>, vector<8x1024xf32> -> vector<8x1024xf32>
    %swap3A_206 = arith.constant 136 : index
    %swap3A_207 = arith.constant 0 : index
    %swap3A_208 = vector.load %arg30[%swap3A_206, %swap3A_207] : memref<512x1024xf32, #tpu.memory_space<vmem>>, vector<8x1024xf32>
    tpu.vector_store %arg30[%swap3A_206, %swap3A_207], %dot_general3A_205 {strides = array<i32>} : memref<512x1024xf32, #tpu.memory_space<vmem>>, vector<8x1024xf32>,
    %slice3A_209 = vector.extract_strided_slice %convert_element_type3A_12 {offsets = [144, 0], sizes = [8, 128], strides = [1, 1]} : vector<512x128xbf16> to vector<8x128xbf16>
    %get3A_210 = arith.constant 18 : index
    %get3A_211 = arith.constant 0 : index
    %get3A_212 = arith.constant 0 : index
    %get3A_213 = vector.load %arg23[%get3A_210, %get3A_211, %get3A_212] : memref<64x128x1024xbf16, #tpu.memory_space<vmem>>, vector<1x128x1024xbf16>
    %get3A_214 = vector.shape_cast %get3A_213 : vector<1x128x1024xbf16> to vector<128x1024xbf16>
    %dot_general3A_215 = arith.constant dense<0.000000e+00> : vector<8x1024xf32>
    %dot_general3A_216 = tpu.matmul %slice3A_209, %get3A_214, %dot_general3A_215 {dimension_numbers = #tpu.dot_dimension_numbers<[1], [0], [0], [1], [0, 0, 1, 1], [], []>, transpose_lhs_hint = false} : vector<8x128xbf16>, vector<128x1024xbf16>, vector<8x1024xf32> -> vector<8x1024xf32>
    %swap3A_217 = arith.constant 144 : index
    %swap3A_218 = arith.constant 0 : index
    %swap3A_219 = vector.load %arg30[%swap3A_217, %swap3A_218] : memref<512x1024xf32, #tpu.memory_space<vmem>>, vector<8x1024xf32>
    tpu.vector_store %arg30[%swap3A_217, %swap3A_218], %dot_general3A_216 {strides = array<i32>} : memref<512x1024xf32, #tpu.memory_space<vmem>>, vector<8x1024xf32>,
    %slice3A_220 = vector.extract_strided_slice %convert_element_type3A_12 {offsets = [152, 0], sizes = [8, 128], strides = [1, 1]} : vector<512x128xbf16> to vector<8x128xbf16>
    %get3A_221 = arith.constant 19 : index
    %get3A_222 = arith.constant 0 : index
    %get3A_223 = arith.constant 0 : index
    %get3A_224 = vector.load %arg23[%get3A_221, %get3A_222, %get3A_223] : memref<64x128x1024xbf16, #tpu.memory_space<vmem>>, vector<1x128x1024xbf16>
    %get3A_225 = vector.shape_cast %get3A_224 : vector<1x128x1024xbf16> to vector<128x1024xbf16>
    %dot_general3A_226 = arith.constant dense<0.000000e+00> : vector<8x1024xf32>
    %dot_general3A_227 = tpu.matmul %slice3A_220, %get3A_225, %dot_general3A_226 {dimension_numbers = #tpu.dot_dimension_numbers<[1], [0], [0], [1], [0, 0, 1, 1], [], []>, transpose_lhs_hint = false} : vector<8x128xbf16>, vector<128x1024xbf16>, vector<8x1024xf32> -> vector<8x1024xf32>
    %swap3A_228 = arith.constant 152 : index
    %swap3A_229 = arith.constant 0 : index
    %swap3A_230 = vector.load %arg30[%swap3A_228, %swap3A_229] : memref<512x1024xf32, #tpu.memory_space<vmem>>, vector<8x1024xf32>
    tpu.vector_store %arg30[%swap3A_228, %swap3A_229], %dot_general3A_227 {strides = array<i32>} : memref<512x1024xf32, #tpu.memory_space<vmem>>, vector<8x1024xf32>,
    %slice3A_231 = vector.extract_strided_slice %convert_element_type3A_12 {offsets = [160, 0], sizes = [8, 128], strides = [1, 1]} : vector<512x128xbf16> to vector<8x128xbf16>
    %get3A_232 = arith.constant 20 : index
    %get3A_233 = arith.constant 0 : index
    %get3A_234 = arith.constant 0 : index
    %get3A_235 = vector.load %arg23[%get3A_232, %get3A_233, %get3A_234] : memref<64x128x1024xbf16, #tpu.memory_space<vmem>>, vector<1x128x1024xbf16>
    %get3A_236 = vector.shape_cast %get3A_235 : vector<1x128x1024xbf16> to vector<128x1024xbf16>
    %dot_general3A_237 = arith.constant dense<0.000000e+00> : vector<8x1024xf32>
    %dot_general3A_238 = tpu.matmul %slice3A_231, %get3A_236, %dot_general3A_237 {dimension_numbers = #tpu.dot_dimension_numbers<[1], [0], [0], [1], [0, 0, 1, 1], [], []>, transpose_lhs_hint = false} : vector<8x128xbf16>, vector<128x1024xbf16>, vector<8x1024xf32> -> vector<8x1024xf32>
    %swap3A_239 = arith.constant 160 : index
    %swap3A_240 = arith.constant 0 : index
    %swap3A_241 = vector.load %arg30[%swap3A_239, %swap3A_240] : memref<512x1024xf32, #tpu.memory_space<vmem>>, vector<8x1024xf32>
    tpu.vector_store %arg30[%swap3A_239, %swap3A_240], %dot_general3A_238 {strides = array<i32>} : memref<512x1024xf32, #tpu.memory_space<vmem>>, vector<8x1024xf32>,
    %slice3A_242 = vector.extract_strided_slice %convert_element_type3A_12 {offsets = [168, 0], sizes = [8, 128], strides = [1, 1]} : vector<512x128xbf16> to vector<8x128xbf16>
    %get3A_243 = arith.constant 21 : index
    %get3A_244 = arith.constant 0 : index
    %get3A_245 = arith.constant 0 : index
    %get3A_246 = vector.load %arg23[%get3A_243, %get3A_244, %get3A_245] : memref<64x128x1024xbf16, #tpu.memory_space<vmem>>, vector<1x128x1024xbf16>
    %get3A_247 = vector.shape_cast %get3A_246 : vector<1x128x1024xbf16> to vector<128x1024xbf16>
    %dot_general3A_248 = arith.constant dense<0.000000e+00> : vector<8x1024xf32>
    %dot_general3A_249 = tpu.matmul %slice3A_242, %get3A_247, %dot_general3A_248 {dimension_numbers = #tpu.dot_dimension_numbers<[1], [0], [0], [1], [0, 0, 1, 1], [], []>, transpose_lhs_hint = false} : vector<8x128xbf16>, vector<128x1024xbf16>, vector<8x1024xf32> -> vector<8x1024xf32>
    %swap3A_250 = arith.constant 168 : index
    %swap3A_251 = arith.constant 0 : index
    %swap3A_252 = vector.load %arg30[%swap3A_250, %swap3A_251] : memref<512x1024xf32, #tpu.memory_space<vmem>>, vector<8x1024xf32>
    tpu.vector_store %arg30[%swap3A_250, %swap3A_251], %dot_general3A_249 {strides = array<i32>} : memref<512x1024xf32, #tpu.memory_space<vmem>>, vector<8x1024xf32>,
    %slice3A_253 = vector.extract_strided_slice %convert_element_type3A_12 {offsets = [176, 0], sizes = [8, 128], strides = [1, 1]} : vector<512x128xbf16> to vector<8x128xbf16>
    %get3A_254 = arith.constant 22 : index
    %get3A_255 = arith.constant 0 : index
    %get3A_256 = arith.constant 0 : index
    %get3A_257 = vector.load %arg23[%get3A_254, %get3A_255, %get3A_256] : memref<64x128x1024xbf16, #tpu.memory_space<vmem>>, vector<1x128x1024xbf16>
    %get3A_258 = vector.shape_cast %get3A_257 : vector<1x128x1024xbf16> to vector<128x1024xbf16>
    %dot_general3A_259 = arith.constant dense<0.000000e+00> : vector<8x1024xf32>
    %dot_general3A_260 = tpu.matmul %slice3A_253, %get3A_258, %dot_general3A_259 {dimension_numbers = #tpu.dot_dimension_numbers<[1], [0], [0], [1], [0, 0, 1, 1], [], []>, transpose_lhs_hint = false} : vector<8x128xbf16>, vector<128x1024xbf16>, vector<8x1024xf32> -> vector<8x1024xf32>
    %swap3A_261 = arith.constant 176 : index
    %swap3A_262 = arith.constant 0 : index
    %swap3A_263 = vector.load %arg30[%swap3A_261, %swap3A_262] : memref<512x1024xf32, #tpu.memory_space<vmem>>, vector<8x1024xf32>
    tpu.vector_store %arg30[%swap3A_261, %swap3A_262], %dot_general3A_260 {strides = array<i32>} : memref<512x1024xf32, #tpu.memory_space<vmem>>, vector<8x1024xf32>,
    %slice3A_264 = vector.extract_strided_slice %convert_element_type3A_12 {offsets = [184, 0], sizes = [8, 128], strides = [1, 1]} : vector<512x128xbf16> to vector<8x128xbf16>
    %get3A_265 = arith.constant 23 : index
    %get3A_266 = arith.constant 0 : index
    %get3A_267 = arith.constant 0 : index
    %get3A_268 = vector.load %arg23[%get3A_265, %get3A_266, %get3A_267] : memref<64x128x1024xbf16, #tpu.memory_space<vmem>>, vector<1x128x1024xbf16>
    %get3A_269 = vector.shape_cast %get3A_268 : vector<1x128x1024xbf16> to vector<128x1024xbf16>
    %dot_general3A_270 = arith.constant dense<0.000000e+00> : vector<8x1024xf32>
    %dot_general3A_271 = tpu.matmul %slice3A_264, %get3A_269, %dot_general3A_270 {dimension_numbers = #tpu.dot_dimension_numbers<[1], [0], [0], [1], [0, 0, 1, 1], [], []>, transpose_lhs_hint = false} : vector<8x128xbf16>, vector<128x1024xbf16>, vector<8x1024xf32> -> vector<8x1024xf32>
    %swap3A_272 = arith.constant 184 : index
    %swap3A_273 = arith.constant 0 : index
    %swap3A_274 = vector.load %arg30[%swap3A_272, %swap3A_273] : memref<512x1024xf32, #tpu.memory_space<vmem>>, vector<8x1024xf32>
    tpu.vector_store %arg30[%swap3A_272, %swap3A_273], %dot_general3A_271 {strides = array<i32>} : memref<512x1024xf32, #tpu.memory_space<vmem>>, vector<8x1024xf32>,
    %slice3A_275 = vector.extract_strided_slice %convert_element_type3A_12 {offsets = [192, 0], sizes = [8, 128], strides = [1, 1]} : vector<512x128xbf16> to vector<8x128xbf16>
    %get3A_276 = arith.constant 24 : index
    %get3A_277 = arith.constant 0 : index
    %get3A_278 = arith.constant 0 : index
    %get3A_279 = vector.load %arg23[%get3A_276, %get3A_277, %get3A_278] : memref<64x128x1024xbf16, #tpu.memory_space<vmem>>, vector<1x128x1024xbf16>
    %get3A_280 = vector.shape_cast %get3A_279 : vector<1x128x1024xbf16> to vector<128x1024xbf16>
    %dot_general3A_281 = arith.constant dense<0.000000e+00> : vector<8x1024xf32>
    %dot_general3A_282 = tpu.matmul %slice3A_275, %get3A_280, %dot_general3A_281 {dimension_numbers = #tpu.dot_dimension_numbers<[1], [0], [0], [1], [0, 0, 1, 1], [], []>, transpose_lhs_hint = false} : vector<8x128xbf16>, vector<128x1024xbf16>, vector<8x1024xf32> -> vector<8x1024xf32>
    %swap3A_283 = arith.constant 192 : index
    %swap3A_284 = arith.constant 0 : index
    %swap3A_285 = vector.load %arg30[%swap3A_283, %swap3A_284] : memref<512x1024xf32, #tpu.memory_space<vmem>>, vector<8x1024xf32>
    tpu.vector_store %arg30[%swap3A_283, %swap3A_284], %dot_general3A_282 {strides = array<i32>} : memref<512x1024xf32, #tpu.memory_space<vmem>>, vector<8x1024xf32>,
    %slice3A_286 = vector.extract_strided_slice %convert_element_type3A_12 {offsets = [200, 0], sizes = [8, 128], strides = [1, 1]} : vector<512x128xbf16> to vector<8x128xbf16>
    %get3A_287 = arith.constant 25 : index
    %get3A_288 = arith.constant 0 : index
    %get3A_289 = arith.constant 0 : index
    %get3A_290 = vector.load %arg23[%get3A_287, %get3A_288, %get3A_289] : memref<64x128x1024xbf16, #tpu.memory_space<vmem>>, vector<1x128x1024xbf16>
    %get3A_291 = vector.shape_cast %get3A_290 : vector<1x128x1024xbf16> to vector<128x1024xbf16>
    %dot_general3A_292 = arith.constant dense<0.000000e+00> : vector<8x1024xf32>
    %dot_general3A_293 = tpu.matmul %slice3A_286, %get3A_291, %dot_general3A_292 {dimension_numbers = #tpu.dot_dimension_numbers<[1], [0], [0], [1], [0, 0, 1, 1], [], []>, transpose_lhs_hint = false} : vector<8x128xbf16>, vector<128x1024xbf16>, vector<8x1024xf32> -> vector<8x1024xf32>
    %swap3A_294 = arith.constant 200 : index
    %swap3A_295 = arith.constant 0 : index
    %swap3A_296 = vector.load %arg30[%swap3A_294, %swap3A_295] : memref<512x1024xf32, #tpu.memory_space<vmem>>, vector<8x1024xf32>
    tpu.vector_store %arg30[%swap3A_294, %swap3A_295], %dot_general3A_293 {strides = array<i32>} : memref<512x1024xf32, #tpu.memory_space<vmem>>, vector<8x1024xf32>,
    %slice3A_297 = vector.extract_strided_slice %convert_element_type3A_12 {offsets = [208, 0], sizes = [8, 128], strides = [1, 1]} : vector<512x128xbf16> to vector<8x128xbf16>
    %get3A_298 = arith.constant 26 : index
    %get3A_299 = arith.constant 0 : index
    %get3A_300 = arith.constant 0 : index
    %get3A_301 = vector.load %arg23[%get3A_298, %get3A_299, %get3A_300] : memref<64x128x1024xbf16, #tpu.memory_space<vmem>>, vector<1x128x1024xbf16>
    %get3A_302 = vector.shape_cast %get3A_301 : vector<1x128x1024xbf16> to vector<128x1024xbf16>
    %dot_general3A_303 = arith.constant dense<0.000000e+00> : vector<8x1024xf32>
    %dot_general3A_304 = tpu.matmul %slice3A_297, %get3A_302, %dot_general3A_303 {dimension_numbers = #tpu.dot_dimension_numbers<[1], [0], [0], [1], [0, 0, 1, 1], [], []>, transpose_lhs_hint = false} : vector<8x128xbf16>, vector<128x1024xbf16>, vector<8x1024xf32> -> vector<8x1024xf32>
    %swap3A_305 = arith.constant 208 : index
    %swap3A_306 = arith.constant 0 : index
    %swap3A_307 = vector.load %arg30[%swap3A_305, %swap3A_306] : memref<512x1024xf32, #tpu.memory_space<vmem>>, vector<8x1024xf32>
    tpu.vector_store %arg30[%swap3A_305, %swap3A_306], %dot_general3A_304 {strides = array<i32>} : memref<512x1024xf32, #tpu.memory_space<vmem>>, vector<8x1024xf32>,
    %slice3A_308 = vector.extract_strided_slice %convert_element_type3A_12 {offsets = [216, 0], sizes = [8, 128], strides = [1, 1]} : vector<512x128xbf16> to vector<8x128xbf16>
    %get3A_309 = arith.constant 27 : index
    %get3A_310 = arith.constant 0 : index
    %get3A_311 = arith.constant 0 : index
    %get3A_312 = vector.load %arg23[%get3A_309, %get3A_310, %get3A_311] : memref<64x128x1024xbf16, #tpu.memory_space<vmem>>, vector<1x128x1024xbf16>
    %get3A_313 = vector.shape_cast %get3A_312 : vector<1x128x1024xbf16> to vector<128x1024xbf16>
    %dot_general3A_314 = arith.constant dense<0.000000e+00> : vector<8x1024xf32>
    %dot_general3A_315 = tpu.matmul %slice3A_308, %get3A_313, %dot_general3A_314 {dimension_numbers = #tpu.dot_dimension_numbers<[1], [0], [0], [1], [0, 0, 1, 1], [], []>, transpose_lhs_hint = false} : vector<8x128xbf16>, vector<128x1024xbf16>, vector<8x1024xf32> -> vector<8x1024xf32>
    %swap3A_316 = arith.constant 216 : index
    %swap3A_317 = arith.constant 0 : index
    %swap3A_318 = vector.load %arg30[%swap3A_316, %swap3A_317] : memref<512x1024xf32, #tpu.memory_space<vmem>>, vector<8x1024xf32>
    tpu.vector_store %arg30[%swap3A_316, %swap3A_317], %dot_general3A_315 {strides = array<i32>} : memref<512x1024xf32, #tpu.memory_space<vmem>>, vector<8x1024xf32>,
    %slice3A_319 = vector.extract_strided_slice %convert_element_type3A_12 {offsets = [224, 0], sizes = [8, 128], strides = [1, 1]} : vector<512x128xbf16> to vector<8x128xbf16>
    %get3A_320 = arith.constant 28 : index
    %get3A_321 = arith.constant 0 : index
    %get3A_322 = arith.constant 0 : index
    %get3A_323 = vector.load %arg23[%get3A_320, %get3A_321, %get3A_322] : memref<64x128x1024xbf16, #tpu.memory_space<vmem>>, vector<1x128x1024xbf16>
    %get3A_324 = vector.shape_cast %get3A_323 : vector<1x128x1024xbf16> to vector<128x1024xbf16>
    %dot_general3A_325 = arith.constant dense<0.000000e+00> : vector<8x1024xf32>
    %dot_general3A_326 = tpu.matmul %slice3A_319, %get3A_324, %dot_general3A_325 {dimension_numbers = #tpu.dot_dimension_numbers<[1], [0], [0], [1], [0, 0, 1, 1], [], []>, transpose_lhs_hint = false} : vector<8x128xbf16>, vector<128x1024xbf16>, vector<8x1024xf32> -> vector<8x1024xf32>
    %swap3A_327 = arith.constant 224 : index
    %swap3A_328 = arith.constant 0 : index
    %swap3A_329 = vector.load %arg30[%swap3A_327, %swap3A_328] : memref<512x1024xf32, #tpu.memory_space<vmem>>, vector<8x1024xf32>
    tpu.vector_store %arg30[%swap3A_327, %swap3A_328], %dot_general3A_326 {strides = array<i32>} : memref<512x1024xf32, #tpu.memory_space<vmem>>, vector<8x1024xf32>,
    %slice3A_330 = vector.extract_strided_slice %convert_element_type3A_12 {offsets = [232, 0], sizes = [8, 128], strides = [1, 1]} : vector<512x128xbf16> to vector<8x128xbf16>
    %get3A_331 = arith.constant 29 : index
    %get3A_332 = arith.constant 0 : index
    %get3A_333 = arith.constant 0 : index
    %get3A_334 = vector.load %arg23[%get3A_331, %get3A_332, %get3A_333] : memref<64x128x1024xbf16, #tpu.memory_space<vmem>>, vector<1x128x1024xbf16>
    %get3A_335 = vector.shape_cast %get3A_334 : vector<1x128x1024xbf16> to vector<128x1024xbf16>
    %dot_general3A_336 = arith.constant dense<0.000000e+00> : vector<8x1024xf32>
    %dot_general3A_337 = tpu.matmul %slice3A_330, %get3A_335, %dot_general3A_336 {dimension_numbers = #tpu.dot_dimension_numbers<[1], [0], [0], [1], [0, 0, 1, 1], [], []>, transpose_lhs_hint = false} : vector<8x128xbf16>, vector<128x1024xbf16>, vector<8x1024xf32> -> vector<8x1024xf32>
    %swap3A_338 = arith.constant 232 : index
    %swap3A_339 = arith.constant 0 : index
    %swap3A_340 = vector.load %arg30[%swap3A_338, %swap3A_339] : memref<512x1024xf32, #tpu.memory_space<vmem>>, vector<8x1024xf32>
    tpu.vector_store %arg30[%swap3A_338, %swap3A_339], %dot_general3A_337 {strides = array<i32>} : memref<512x1024xf32, #tpu.memory_space<vmem>>, vector<8x1024xf32>,
    %slice3A_341 = vector.extract_strided_slice %convert_element_type3A_12 {offsets = [240, 0], sizes = [8, 128], strides = [1, 1]} : vector<512x128xbf16> to vector<8x128xbf16>
    %get3A_342 = arith.constant 30 : index
    %get3A_343 = arith.constant 0 : index
    %get3A_344 = arith.constant 0 : index
    %get3A_345 = vector.load %arg23[%get3A_342, %get3A_343, %get3A_344] : memref<64x128x1024xbf16, #tpu.memory_space<vmem>>, vector<1x128x1024xbf16>
    %get3A_346 = vector.shape_cast %get3A_345 : vector<1x128x1024xbf16> to vector<128x1024xbf16>
    %dot_general3A_347 = arith.constant dense<0.000000e+00> : vector<8x1024xf32>
    %dot_general3A_348 = tpu.matmul %slice3A_341, %get3A_346, %dot_general3A_347 {dimension_numbers = #tpu.dot_dimension_numbers<[1], [0], [0], [1], [0, 0, 1, 1], [], []>, transpose_lhs_hint = false} : vector<8x128xbf16>, vector<128x1024xbf16>, vector<8x1024xf32> -> vector<8x1024xf32>
    %swap3A_349 = arith.constant 240 : index
    %swap3A_350 = arith.constant 0 : index
    %swap3A_351 = vector.load %arg30[%swap3A_349, %swap3A_350] : memref<512x1024xf32, #tpu.memory_space<vmem>>, vector<8x1024xf32>
    tpu.vector_store %arg30[%swap3A_349, %swap3A_350], %dot_general3A_348 {strides = array<i32>} : memref<512x1024xf32, #tpu.memory_space<vmem>>, vector<8x1024xf32>,
    %slice3A_352 = vector.extract_strided_slice %convert_element_type3A_12 {offsets = [248, 0], sizes = [8, 128], strides = [1, 1]} : vector<512x128xbf16> to vector<8x128xbf16>
    %get3A_353 = arith.constant 31 : index
    %get3A_354 = arith.constant 0 : index
    %get3A_355 = arith.constant 0 : index
    %get3A_356 = vector.load %arg23[%get3A_353, %get3A_354, %get3A_355] : memref<64x128x1024xbf16, #tpu.memory_space<vmem>>, vector<1x128x1024xbf16>
    %get3A_357 = vector.shape_cast %get3A_356 : vector<1x128x1024xbf16> to vector<128x1024xbf16>
    %dot_general3A_358 = arith.constant dense<0.000000e+00> : vector<8x1024xf32>
    %dot_general3A_359 = tpu.matmul %slice3A_352, %get3A_357, %dot_general3A_358 {dimension_numbers = #tpu.dot_dimension_numbers<[1], [0], [0], [1], [0, 0, 1, 1], [], []>, transpose_lhs_hint = false} : vector<8x128xbf16>, vector<128x1024xbf16>, vector<8x1024xf32> -> vector<8x1024xf32>
    %swap3A_360 = arith.constant 248 : index
    %swap3A_361 = arith.constant 0 : index
    %swap3A_362 = vector.load %arg30[%swap3A_360, %swap3A_361] : memref<512x1024xf32, #tpu.memory_space<vmem>>, vector<8x1024xf32>
    tpu.vector_store %arg30[%swap3A_360, %swap3A_361], %dot_general3A_359 {strides = array<i32>} : memref<512x1024xf32, #tpu.memory_space<vmem>>, vector<8x1024xf32>,
    %slice3A_363 = vector.extract_strided_slice %convert_element_type3A_12 {offsets = [256, 0], sizes = [8, 128], strides = [1, 1]} : vector<512x128xbf16> to vector<8x128xbf16>
    %get3A_364 = arith.constant 32 : index
    %get3A_365 = arith.constant 0 : index
    %get3A_366 = arith.constant 0 : index
    %get3A_367 = vector.load %arg23[%get3A_364, %get3A_365, %get3A_366] : memref<64x128x1024xbf16, #tpu.memory_space<vmem>>, vector<1x128x1024xbf16>
    %get3A_368 = vector.shape_cast %get3A_367 : vector<1x128x1024xbf16> to vector<128x1024xbf16>
    %dot_general3A_369 = arith.constant dense<0.000000e+00> : vector<8x1024xf32>
    %dot_general3A_370 = tpu.matmul %slice3A_363, %get3A_368, %dot_general3A_369 {dimension_numbers = #tpu.dot_dimension_numbers<[1], [0], [0], [1], [0, 0, 1, 1], [], []>, transpose_lhs_hint = false} : vector<8x128xbf16>, vector<128x1024xbf16>, vector<8x1024xf32> -> vector<8x1024xf32>
    %swap3A_371 = arith.constant 256 : index
    %swap3A_372 = arith.constant 0 : index
    %swap3A_373 = vector.load %arg30[%swap3A_371, %swap3A_372] : memref<512x1024xf32, #tpu.memory_space<vmem>>, vector<8x1024xf32>
    tpu.vector_store %arg30[%swap3A_371, %swap3A_372], %dot_general3A_370 {strides = array<i32>} : memref<512x1024xf32, #tpu.memory_space<vmem>>, vector<8x1024xf32>,
    %slice3A_374 = vector.extract_strided_slice %convert_element_type3A_12 {offsets = [264, 0], sizes = [8, 128], strides = [1, 1]} : vector<512x128xbf16> to vector<8x128xbf16>
    %get3A_375 = arith.constant 33 : index
    %get3A_376 = arith.constant 0 : index
    %get3A_377 = arith.constant 0 : index
    %get3A_378 = vector.load %arg23[%get3A_375, %get3A_376, %get3A_377] : memref<64x128x1024xbf16, #tpu.memory_space<vmem>>, vector<1x128x1024xbf16>
    %get3A_379 = vector.shape_cast %get3A_378 : vector<1x128x1024xbf16> to vector<128x1024xbf16>
    %dot_general3A_380 = arith.constant dense<0.000000e+00> : vector<8x1024xf32>
    %dot_general3A_381 = tpu.matmul %slice3A_374, %get3A_379, %dot_general3A_380 {dimension_numbers = #tpu.dot_dimension_numbers<[1], [0], [0], [1], [0, 0, 1, 1], [], []>, transpose_lhs_hint = false} : vector<8x128xbf16>, vector<128x1024xbf16>, vector<8x1024xf32> -> vector<8x1024xf32>
    %swap3A_382 = arith.constant 264 : index
    %swap3A_383 = arith.constant 0 : index
    %swap3A_384 = vector.load %arg30[%swap3A_382, %swap3A_383] : memref<512x1024xf32, #tpu.memory_space<vmem>>, vector<8x1024xf32>
    tpu.vector_store %arg30[%swap3A_382, %swap3A_383], %dot_general3A_381 {strides = array<i32>} : memref<512x1024xf32, #tpu.memory_space<vmem>>, vector<8x1024xf32>,
    %slice3A_385 = vector.extract_strided_slice %convert_element_type3A_12 {offsets = [272, 0], sizes = [8, 128], strides = [1, 1]} : vector<512x128xbf16> to vector<8x128xbf16>
    %get3A_386 = arith.constant 34 : index
    %get3A_387 = arith.constant 0 : index
    %get3A_388 = arith.constant 0 : index
    %get3A_389 = vector.load %arg23[%get3A_386, %get3A_387, %get3A_388] : memref<64x128x1024xbf16, #tpu.memory_space<vmem>>, vector<1x128x1024xbf16>
    %get3A_390 = vector.shape_cast %get3A_389 : vector<1x128x1024xbf16> to vector<128x1024xbf16>
    %dot_general3A_391 = arith.constant dense<0.000000e+00> : vector<8x1024xf32>
    %dot_general3A_392 = tpu.matmul %slice3A_385, %get3A_390, %dot_general3A_391 {dimension_numbers = #tpu.dot_dimension_numbers<[1], [0], [0], [1], [0, 0, 1, 1], [], []>, transpose_lhs_hint = false} : vector<8x128xbf16>, vector<128x1024xbf16>, vector<8x1024xf32> -> vector<8x1024xf32>
    %swap3A_393 = arith.constant 272 : index
    %swap3A_394 = arith.constant 0 : index
    %swap3A_395 = vector.load %arg30[%swap3A_393, %swap3A_394] : memref<512x1024xf32, #tpu.memory_space<vmem>>, vector<8x1024xf32>
    tpu.vector_store %arg30[%swap3A_393, %swap3A_394], %dot_general3A_392 {strides = array<i32>} : memref<512x1024xf32, #tpu.memory_space<vmem>>, vector<8x1024xf32>,
    %slice3A_396 = vector.extract_strided_slice %convert_element_type3A_12 {offsets = [280, 0], sizes = [8, 128], strides = [1, 1]} : vector<512x128xbf16> to vector<8x128xbf16>
    %get3A_397 = arith.constant 35 : index
    %get3A_398 = arith.constant 0 : index
    %get3A_399 = arith.constant 0 : index
    %get3A_400 = vector.load %arg23[%get3A_397, %get3A_398, %get3A_399] : memref<64x128x1024xbf16, #tpu.memory_space<vmem>>, vector<1x128x1024xbf16>
    %get3A_401 = vector.shape_cast %get3A_400 : vector<1x128x1024xbf16> to vector<128x1024xbf16>
    %dot_general3A_402 = arith.constant dense<0.000000e+00> : vector<8x1024xf32>
    %dot_general3A_403 = tpu.matmul %slice3A_396, %get3A_401, %dot_general3A_402 {dimension_numbers = #tpu.dot_dimension_numbers<[1], [0], [0], [1], [0, 0, 1, 1], [], []>, transpose_lhs_hint = false} : vector<8x128xbf16>, vector<128x1024xbf16>, vector<8x1024xf32> -> vector<8x1024xf32>
    %swap3A_404 = arith.constant 280 : index
    %swap3A_405 = arith.constant 0 : index
    %swap3A_406 = vector.load %arg30[%swap3A_404, %swap3A_405] : memref<512x1024xf32, #tpu.memory_space<vmem>>, vector<8x1024xf32>
    tpu.vector_store %arg30[%swap3A_404, %swap3A_405], %dot_general3A_403 {strides = array<i32>} : memref<512x1024xf32, #tpu.memory_space<vmem>>, vector<8x1024xf32>,
    %slice3A_407 = vector.extract_strided_slice %convert_element_type3A_12 {offsets = [288, 0], sizes = [8, 128], strides = [1, 1]} : vector<512x128xbf16> to vector<8x128xbf16>
    %get3A_408 = arith.constant 36 : index
    %get3A_409 = arith.constant 0 : index
    %get3A_410 = arith.constant 0 : index
    %get3A_411 = vector.load %arg23[%get3A_408, %get3A_409, %get3A_410] : memref<64x128x1024xbf16, #tpu.memory_space<vmem>>, vector<1x128x1024xbf16>
    %get3A_412 = vector.shape_cast %get3A_411 : vector<1x128x1024xbf16> to vector<128x1024xbf16>
    %dot_general3A_413 = arith.constant dense<0.000000e+00> : vector<8x1024xf32>
    %dot_general3A_414 = tpu.matmul %slice3A_407, %get3A_412, %dot_general3A_413 {dimension_numbers = #tpu.dot_dimension_numbers<[1], [0], [0], [1], [0, 0, 1, 1], [], []>, transpose_lhs_hint = false} : vector<8x128xbf16>, vector<128x1024xbf16>, vector<8x1024xf32> -> vector<8x1024xf32>
    %swap3A_415 = arith.constant 288 : index
    %swap3A_416 = arith.constant 0 : index
    %swap3A_417 = vector.load %arg30[%swap3A_415, %swap3A_416] : memref<512x1024xf32, #tpu.memory_space<vmem>>, vector<8x1024xf32>
    tpu.vector_store %arg30[%swap3A_415, %swap3A_416], %dot_general3A_414 {strides = array<i32>} : memref<512x1024xf32, #tpu.memory_space<vmem>>, vector<8x1024xf32>,
    %slice3A_418 = vector.extract_strided_slice %convert_element_type3A_12 {offsets = [296, 0], sizes = [8, 128], strides = [1, 1]} : vector<512x128xbf16> to vector<8x128xbf16>
    %get3A_419 = arith.constant 37 : index
    %get3A_420 = arith.constant 0 : index
    %get3A_421 = arith.constant 0 : index
    %get3A_422 = vector.load %arg23[%get3A_419, %get3A_420, %get3A_421] : memref<64x128x1024xbf16, #tpu.memory_space<vmem>>, vector<1x128x1024xbf16>
    %get3A_423 = vector.shape_cast %get3A_422 : vector<1x128x1024xbf16> to vector<128x1024xbf16>
    %dot_general3A_424 = arith.constant dense<0.000000e+00> : vector<8x1024xf32>
    %dot_general3A_425 = tpu.matmul %slice3A_418, %get3A_423, %dot_general3A_424 {dimension_numbers = #tpu.dot_dimension_numbers<[1], [0], [0], [1], [0, 0, 1, 1], [], []>, transpose_lhs_hint = false} : vector<8x128xbf16>, vector<128x1024xbf16>, vector<8x1024xf32> -> vector<8x1024xf32>
    %swap3A_426 = arith.constant 296 : index
    %swap3A_427 = arith.constant 0 : index
    %swap3A_428 = vector.load %arg30[%swap3A_426, %swap3A_427] : memref<512x1024xf32, #tpu.memory_space<vmem>>, vector<8x1024xf32>
    tpu.vector_store %arg30[%swap3A_426, %swap3A_427], %dot_general3A_425 {strides = array<i32>} : memref<512x1024xf32, #tpu.memory_space<vmem>>, vector<8x1024xf32>,
    %slice3A_429 = vector.extract_strided_slice %convert_element_type3A_12 {offsets = [304, 0], sizes = [8, 128], strides = [1, 1]} : vector<512x128xbf16> to vector<8x128xbf16>
    %get3A_430 = arith.constant 38 : index
    %get3A_431 = arith.constant 0 : index
    %get3A_432 = arith.constant 0 : index
    %get3A_433 = vector.load %arg23[%get3A_430, %get3A_431, %get3A_432] : memref<64x128x1024xbf16, #tpu.memory_space<vmem>>, vector<1x128x1024xbf16>
    %get3A_434 = vector.shape_cast %get3A_433 : vector<1x128x1024xbf16> to vector<128x1024xbf16>
    %dot_general3A_435 = arith.constant dense<0.000000e+00> : vector<8x1024xf32>
    %dot_general3A_436 = tpu.matmul %slice3A_429, %get3A_434, %dot_general3A_435 {dimension_numbers = #tpu.dot_dimension_numbers<[1], [0], [0], [1], [0, 0, 1, 1], [], []>, transpose_lhs_hint = false} : vector<8x128xbf16>, vector<128x1024xbf16>, vector<8x1024xf32> -> vector<8x1024xf32>
    %swap3A_437 = arith.constant 304 : index
    %swap3A_438 = arith.constant 0 : index
    %swap3A_439 = vector.load %arg30[%swap3A_437, %swap3A_438] : memref<512x1024xf32, #tpu.memory_space<vmem>>, vector<8x1024xf32>
    tpu.vector_store %arg30[%swap3A_437, %swap3A_438], %dot_general3A_436 {strides = array<i32>} : memref<512x1024xf32, #tpu.memory_space<vmem>>, vector<8x1024xf32>,
    %slice3A_440 = vector.extract_strided_slice %convert_element_type3A_12 {offsets = [312, 0], sizes = [8, 128], strides = [1, 1]} : vector<512x128xbf16> to vector<8x128xbf16>
    %get3A_441 = arith.constant 39 : index
    %get3A_442 = arith.constant 0 : index
    %get3A_443 = arith.constant 0 : index
    %get3A_444 = vector.load %arg23[%get3A_441, %get3A_442, %get3A_443] : memref<64x128x1024xbf16, #tpu.memory_space<vmem>>, vector<1x128x1024xbf16>
    %get3A_445 = vector.shape_cast %get3A_444 : vector<1x128x1024xbf16> to vector<128x1024xbf16>
    %dot_general3A_446 = arith.constant dense<0.000000e+00> : vector<8x1024xf32>
    %dot_general3A_447 = tpu.matmul %slice3A_440, %get3A_445, %dot_general3A_446 {dimension_numbers = #tpu.dot_dimension_numbers<[1], [0], [0], [1], [0, 0, 1, 1], [], []>, transpose_lhs_hint = false} : vector<8x128xbf16>, vector<128x1024xbf16>, vector<8x1024xf32> -> vector<8x1024xf32>
    %swap3A_448 = arith.constant 312 : index
    %swap3A_449 = arith.constant 0 : index
    %swap3A_450 = vector.load %arg30[%swap3A_448, %swap3A_449] : memref<512x1024xf32, #tpu.memory_space<vmem>>, vector<8x1024xf32>
    tpu.vector_store %arg30[%swap3A_448, %swap3A_449], %dot_general3A_447 {strides = array<i32>} : memref<512x1024xf32, #tpu.memory_space<vmem>>, vector<8x1024xf32>,
    %slice3A_451 = vector.extract_strided_slice %convert_element_type3A_12 {offsets = [320, 0], sizes = [8, 128], strides = [1, 1]} : vector<512x128xbf16> to vector<8x128xbf16>
    %get3A_452 = arith.constant 40 : index
    %get3A_453 = arith.constant 0 : index
    %get3A_454 = arith.constant 0 : index
    %get3A_455 = vector.load %arg23[%get3A_452, %get3A_453, %get3A_454] : memref<64x128x1024xbf16, #tpu.memory_space<vmem>>, vector<1x128x1024xbf16>
    %get3A_456 = vector.shape_cast %get3A_455 : vector<1x128x1024xbf16> to vector<128x1024xbf16>
    %dot_general3A_457 = arith.constant dense<0.000000e+00> : vector<8x1024xf32>
    %dot_general3A_458 = tpu.matmul %slice3A_451, %get3A_456, %dot_general3A_457 {dimension_numbers = #tpu.dot_dimension_numbers<[1], [0], [0], [1], [0, 0, 1, 1], [], []>, transpose_lhs_hint = false} : vector<8x128xbf16>, vector<128x1024xbf16>, vector<8x1024xf32> -> vector<8x1024xf32>
    %swap3A_459 = arith.constant 320 : index
    %swap3A_460 = arith.constant 0 : index
    %swap3A_461 = vector.load %arg30[%swap3A_459, %swap3A_460] : memref<512x1024xf32, #tpu.memory_space<vmem>>, vector<8x1024xf32>
    tpu.vector_store %arg30[%swap3A_459, %swap3A_460], %dot_general3A_458 {strides = array<i32>} : memref<512x1024xf32, #tpu.memory_space<vmem>>, vector<8x1024xf32>,
    %slice3A_462 = vector.extract_strided_slice %convert_element_type3A_12 {offsets = [328, 0], sizes = [8, 128], strides = [1, 1]} : vector<512x128xbf16> to vector<8x128xbf16>
    %get3A_463 = arith.constant 41 : index
    %get3A_464 = arith.constant 0 : index
    %get3A_465 = arith.constant 0 : index
    %get3A_466 = vector.load %arg23[%get3A_463, %get3A_464, %get3A_465] : memref<64x128x1024xbf16, #tpu.memory_space<vmem>>, vector<1x128x1024xbf16>
    %get3A_467 = vector.shape_cast %get3A_466 : vector<1x128x1024xbf16> to vector<128x1024xbf16>
    %dot_general3A_468 = arith.constant dense<0.000000e+00> : vector<8x1024xf32>
    %dot_general3A_469 = tpu.matmul %slice3A_462, %get3A_467, %dot_general3A_468 {dimension_numbers = #tpu.dot_dimension_numbers<[1], [0], [0], [1], [0, 0, 1, 1], [], []>, transpose_lhs_hint = false} : vector<8x128xbf16>, vector<128x1024xbf16>, vector<8x1024xf32> -> vector<8x1024xf32>
    %swap3A_470 = arith.constant 328 : index
    %swap3A_471 = arith.constant 0 : index
    %swap3A_472 = vector.load %arg30[%swap3A_470, %swap3A_471] : memref<512x1024xf32, #tpu.memory_space<vmem>>, vector<8x1024xf32>
    tpu.vector_store %arg30[%swap3A_470, %swap3A_471], %dot_general3A_469 {strides = array<i32>} : memref<512x1024xf32, #tpu.memory_space<vmem>>, vector<8x1024xf32>,
    %slice3A_473 = vector.extract_strided_slice %convert_element_type3A_12 {offsets = [336, 0], sizes = [8, 128], strides = [1, 1]} : vector<512x128xbf16> to vector<8x128xbf16>
    %get3A_474 = arith.constant 42 : index
    %get3A_475 = arith.constant 0 : index
    %get3A_476 = arith.constant 0 : index
    %get3A_477 = vector.load %arg23[%get3A_474, %get3A_475, %get3A_476] : memref<64x128x1024xbf16, #tpu.memory_space<vmem>>, vector<1x128x1024xbf16>
    %get3A_478 = vector.shape_cast %get3A_477 : vector<1x128x1024xbf16> to vector<128x1024xbf16>
    %dot_general3A_479 = arith.constant dense<0.000000e+00> : vector<8x1024xf32>
    %dot_general3A_480 = tpu.matmul %slice3A_473, %get3A_478, %dot_general3A_479 {dimension_numbers = #tpu.dot_dimension_numbers<[1], [0], [0], [1], [0, 0, 1, 1], [], []>, transpose_lhs_hint = false} : vector<8x128xbf16>, vector<128x1024xbf16>, vector<8x1024xf32> -> vector<8x1024xf32>
    %swap3A_481 = arith.constant 336 : index
    %swap3A_482 = arith.constant 0 : index
    %swap3A_483 = vector.load %arg30[%swap3A_481, %swap3A_482] : memref<512x1024xf32, #tpu.memory_space<vmem>>, vector<8x1024xf32>
    tpu.vector_store %arg30[%swap3A_481, %swap3A_482], %dot_general3A_480 {strides = array<i32>} : memref<512x1024xf32, #tpu.memory_space<vmem>>, vector<8x1024xf32>,
    %slice3A_484 = vector.extract_strided_slice %convert_element_type3A_12 {offsets = [344, 0], sizes = [8, 128], strides = [1, 1]} : vector<512x128xbf16> to vector<8x128xbf16>
    %get3A_485 = arith.constant 43 : index
    %get3A_486 = arith.constant 0 : index
    %get3A_487 = arith.constant 0 : index
    %get3A_488 = vector.load %arg23[%get3A_485, %get3A_486, %get3A_487] : memref<64x128x1024xbf16, #tpu.memory_space<vmem>>, vector<1x128x1024xbf16>
    %get3A_489 = vector.shape_cast %get3A_488 : vector<1x128x1024xbf16> to vector<128x1024xbf16>
    %dot_general3A_490 = arith.constant dense<0.000000e+00> : vector<8x1024xf32>
    %dot_general3A_491 = tpu.matmul %slice3A_484, %get3A_489, %dot_general3A_490 {dimension_numbers = #tpu.dot_dimension_numbers<[1], [0], [0], [1], [0, 0, 1, 1], [], []>, transpose_lhs_hint = false} : vector<8x128xbf16>, vector<128x1024xbf16>, vector<8x1024xf32> -> vector<8x1024xf32>
    %swap3A_492 = arith.constant 344 : index
    %swap3A_493 = arith.constant 0 : index
    %swap3A_494 = vector.load %arg30[%swap3A_492, %swap3A_493] : memref<512x1024xf32, #tpu.memory_space<vmem>>, vector<8x1024xf32>
    tpu.vector_store %arg30[%swap3A_492, %swap3A_493], %dot_general3A_491 {strides = array<i32>} : memref<512x1024xf32, #tpu.memory_space<vmem>>, vector<8x1024xf32>,
    %slice3A_495 = vector.extract_strided_slice %convert_element_type3A_12 {offsets = [352, 0], sizes = [8, 128], strides = [1, 1]} : vector<512x128xbf16> to vector<8x128xbf16>
    %get3A_496 = arith.constant 44 : index
    %get3A_497 = arith.constant 0 : index
    %get3A_498 = arith.constant 0 : index
    %get3A_499 = vector.load %arg23[%get3A_496, %get3A_497, %get3A_498] : memref<64x128x1024xbf16, #tpu.memory_space<vmem>>, vector<1x128x1024xbf16>
    %get3A_500 = vector.shape_cast %get3A_499 : vector<1x128x1024xbf16> to vector<128x1024xbf16>
    %dot_general3A_501 = arith.constant dense<0.000000e+00> : vector<8x1024xf32>
    %dot_general3A_502 = tpu.matmul %slice3A_495, %get3A_500, %dot_general3A_501 {dimension_numbers = #tpu.dot_dimension_numbers<[1], [0], [0], [1], [0, 0, 1, 1], [], []>, transpose_lhs_hint = false} : vector<8x128xbf16>, vector<128x1024xbf16>, vector<8x1024xf32> -> vector<8x1024xf32>
    %swap3A_503 = arith.constant 352 : index
    %swap3A_504 = arith.constant 0 : index
    %swap3A_505 = vector.load %arg30[%swap3A_503, %swap3A_504] : memref<512x1024xf32, #tpu.memory_space<vmem>>, vector<8x1024xf32>
    tpu.vector_store %arg30[%swap3A_503, %swap3A_504], %dot_general3A_502 {strides = array<i32>} : memref<512x1024xf32, #tpu.memory_space<vmem>>, vector<8x1024xf32>,
    %slice3A_506 = vector.extract_strided_slice %convert_element_type3A_12 {offsets = [360, 0], sizes = [8, 128], strides = [1, 1]} : vector<512x128xbf16> to vector<8x128xbf16>
    %get3A_507 = arith.constant 45 : index
    %get3A_508 = arith.constant 0 : index
    %get3A_509 = arith.constant 0 : index
    %get3A_510 = vector.load %arg23[%get3A_507, %get3A_508, %get3A_509] : memref<64x128x1024xbf16, #tpu.memory_space<vmem>>, vector<1x128x1024xbf16>
    %get3A_511 = vector.shape_cast %get3A_510 : vector<1x128x1024xbf16> to vector<128x1024xbf16>
    %dot_general3A_512 = arith.constant dense<0.000000e+00> : vector<8x1024xf32>
    %dot_general3A_513 = tpu.matmul %slice3A_506, %get3A_511, %dot_general3A_512 {dimension_numbers = #tpu.dot_dimension_numbers<[1], [0], [0], [1], [0, 0, 1, 1], [], []>, transpose_lhs_hint = false} : vector<8x128xbf16>, vector<128x1024xbf16>, vector<8x1024xf32> -> vector<8x1024xf32>
    %swap3A_514 = arith.constant 360 : index
    %swap3A_515 = arith.constant 0 : index
    %swap3A_516 = vector.load %arg30[%swap3A_514, %swap3A_515] : memref<512x1024xf32, #tpu.memory_space<vmem>>, vector<8x1024xf32>
    tpu.vector_store %arg30[%swap3A_514, %swap3A_515], %dot_general3A_513 {strides = array<i32>} : memref<512x1024xf32, #tpu.memory_space<vmem>>, vector<8x1024xf32>,
    %slice3A_517 = vector.extract_strided_slice %convert_element_type3A_12 {offsets = [368, 0], sizes = [8, 128], strides = [1, 1]} : vector<512x128xbf16> to vector<8x128xbf16>
    %get3A_518 = arith.constant 46 : index
    %get3A_519 = arith.constant 0 : index
    %get3A_520 = arith.constant 0 : index
    %get3A_521 = vector.load %arg23[%get3A_518, %get3A_519, %get3A_520] : memref<64x128x1024xbf16, #tpu.memory_space<vmem>>, vector<1x128x1024xbf16>
    %get3A_522 = vector.shape_cast %get3A_521 : vector<1x128x1024xbf16> to vector<128x1024xbf16>
    %dot_general3A_523 = arith.constant dense<0.000000e+00> : vector<8x1024xf32>
    %dot_general3A_524 = tpu.matmul %slice3A_517, %get3A_522, %dot_general3A_523 {dimension_numbers = #tpu.dot_dimension_numbers<[1], [0], [0], [1], [0, 0, 1, 1], [], []>, transpose_lhs_hint = false} : vector<8x128xbf16>, vector<128x1024xbf16>, vector<8x1024xf32> -> vector<8x1024xf32>
    %swap3A_525 = arith.constant 368 : index
    %swap3A_526 = arith.constant 0 : index
    %swap3A_527 = vector.load %arg30[%swap3A_525, %swap3A_526] : memref<512x1024xf32, #tpu.memory_space<vmem>>, vector<8x1024xf32>
    tpu.vector_store %arg30[%swap3A_525, %swap3A_526], %dot_general3A_524 {strides = array<i32>} : memref<512x1024xf32, #tpu.memory_space<vmem>>, vector<8x1024xf32>,
    %slice3A_528 = vector.extract_strided_slice %convert_element_type3A_12 {offsets = [376, 0], sizes = [8, 128], strides = [1, 1]} : vector<512x128xbf16> to vector<8x128xbf16>
    %get3A_529 = arith.constant 47 : index
    %get3A_530 = arith.constant 0 : index
    %get3A_531 = arith.constant 0 : index
    %get3A_532 = vector.load %arg23[%get3A_529, %get3A_530, %get3A_531] : memref<64x128x1024xbf16, #tpu.memory_space<vmem>>, vector<1x128x1024xbf16>
    %get3A_533 = vector.shape_cast %get3A_532 : vector<1x128x1024xbf16> to vector<128x1024xbf16>
    %dot_general3A_534 = arith.constant dense<0.000000e+00> : vector<8x1024xf32>
    %dot_general3A_535 = tpu.matmul %slice3A_528, %get3A_533, %dot_general3A_534 {dimension_numbers = #tpu.dot_dimension_numbers<[1], [0], [0], [1], [0, 0, 1, 1], [], []>, transpose_lhs_hint = false} : vector<8x128xbf16>, vector<128x1024xbf16>, vector<8x1024xf32> -> vector<8x1024xf32>
    %swap3A_536 = arith.constant 376 : index
    %swap3A_537 = arith.constant 0 : index
    %swap3A_538 = vector.load %arg30[%swap3A_536, %swap3A_537] : memref<512x1024xf32, #tpu.memory_space<vmem>>, vector<8x1024xf32>
    tpu.vector_store %arg30[%swap3A_536, %swap3A_537], %dot_general3A_535 {strides = array<i32>} : memref<512x1024xf32, #tpu.memory_space<vmem>>, vector<8x1024xf32>,
    %slice3A_539 = vector.extract_strided_slice %convert_element_type3A_12 {offsets = [384, 0], sizes = [8, 128], strides = [1, 1]} : vector<512x128xbf16> to vector<8x128xbf16>
    %get3A_540 = arith.constant 48 : index
    %get3A_541 = arith.constant 0 : index
    %get3A_542 = arith.constant 0 : index
    %get3A_543 = vector.load %arg23[%get3A_540, %get3A_541, %get3A_542] : memref<64x128x1024xbf16, #tpu.memory_space<vmem>>, vector<1x128x1024xbf16>
    %get3A_544 = vector.shape_cast %get3A_543 : vector<1x128x1024xbf16> to vector<128x1024xbf16>
    %dot_general3A_545 = arith.constant dense<0.000000e+00> : vector<8x1024xf32>
    %dot_general3A_546 = tpu.matmul %slice3A_539, %get3A_544, %dot_general3A_545 {dimension_numbers = #tpu.dot_dimension_numbers<[1], [0], [0], [1], [0, 0, 1, 1], [], []>, transpose_lhs_hint = false} : vector<8x128xbf16>, vector<128x1024xbf16>, vector<8x1024xf32> -> vector<8x1024xf32>
    %swap3A_547 = arith.constant 384 : index
    %swap3A_548 = arith.constant 0 : index
    %swap3A_549 = vector.load %arg30[%swap3A_547, %swap3A_548] : memref<512x1024xf32, #tpu.memory_space<vmem>>, vector<8x1024xf32>
    tpu.vector_store %arg30[%swap3A_547, %swap3A_548], %dot_general3A_546 {strides = array<i32>} : memref<512x1024xf32, #tpu.memory_space<vmem>>, vector<8x1024xf32>,
    %slice3A_550 = vector.extract_strided_slice %convert_element_type3A_12 {offsets = [392, 0], sizes = [8, 128], strides = [1, 1]} : vector<512x128xbf16> to vector<8x128xbf16>
    %get3A_551 = arith.constant 49 : index
    %get3A_552 = arith.constant 0 : index
    %get3A_553 = arith.constant 0 : index
    %get3A_554 = vector.load %arg23[%get3A_551, %get3A_552, %get3A_553] : memref<64x128x1024xbf16, #tpu.memory_space<vmem>>, vector<1x128x1024xbf16>
    %get3A_555 = vector.shape_cast %get3A_554 : vector<1x128x1024xbf16> to vector<128x1024xbf16>
    %dot_general3A_556 = arith.constant dense<0.000000e+00> : vector<8x1024xf32>
    %dot_general3A_557 = tpu.matmul %slice3A_550, %get3A_555, %dot_general3A_556 {dimension_numbers = #tpu.dot_dimension_numbers<[1], [0], [0], [1], [0, 0, 1, 1], [], []>, transpose_lhs_hint = false} : vector<8x128xbf16>, vector<128x1024xbf16>, vector<8x1024xf32> -> vector<8x1024xf32>
    %swap3A_558 = arith.constant 392 : index
    %swap3A_559 = arith.constant 0 : index
    %swap3A_560 = vector.load %arg30[%swap3A_558, %swap3A_559] : memref<512x1024xf32, #tpu.memory_space<vmem>>, vector<8x1024xf32>
    tpu.vector_store %arg30[%swap3A_558, %swap3A_559], %dot_general3A_557 {strides = array<i32>} : memref<512x1024xf32, #tpu.memory_space<vmem>>, vector<8x1024xf32>,
    %slice3A_561 = vector.extract_strided_slice %convert_element_type3A_12 {offsets = [400, 0], sizes = [8, 128], strides = [1, 1]} : vector<512x128xbf16> to vector<8x128xbf16>
    %get3A_562 = arith.constant 50 : index
    %get3A_563 = arith.constant 0 : index
    %get3A_564 = arith.constant 0 : index
    %get3A_565 = vector.load %arg23[%get3A_562, %get3A_563, %get3A_564] : memref<64x128x1024xbf16, #tpu.memory_space<vmem>>, vector<1x128x1024xbf16>
    %get3A_566 = vector.shape_cast %get3A_565 : vector<1x128x1024xbf16> to vector<128x1024xbf16>
    %dot_general3A_567 = arith.constant dense<0.000000e+00> : vector<8x1024xf32>
    %dot_general3A_568 = tpu.matmul %slice3A_561, %get3A_566, %dot_general3A_567 {dimension_numbers = #tpu.dot_dimension_numbers<[1], [0], [0], [1], [0, 0, 1, 1], [], []>, transpose_lhs_hint = false} : vector<8x128xbf16>, vector<128x1024xbf16>, vector<8x1024xf32> -> vector<8x1024xf32>
    %swap3A_569 = arith.constant 400 : index
    %swap3A_570 = arith.constant 0 : index
    %swap3A_571 = vector.load %arg30[%swap3A_569, %swap3A_570] : memref<512x1024xf32, #tpu.memory_space<vmem>>, vector<8x1024xf32>
    tpu.vector_store %arg30[%swap3A_569, %swap3A_570], %dot_general3A_568 {strides = array<i32>} : memref<512x1024xf32, #tpu.memory_space<vmem>>, vector<8x1024xf32>,
    %slice3A_572 = vector.extract_strided_slice %convert_element_type3A_12 {offsets = [408, 0], sizes = [8, 128], strides = [1, 1]} : vector<512x128xbf16> to vector<8x128xbf16>
    %get3A_573 = arith.constant 51 : index
    %get3A_574 = arith.constant 0 : index
    %get3A_575 = arith.constant 0 : index
    %get3A_576 = vector.load %arg23[%get3A_573, %get3A_574, %get3A_575] : memref<64x128x1024xbf16, #tpu.memory_space<vmem>>, vector<1x128x1024xbf16>
    %get3A_577 = vector.shape_cast %get3A_576 : vector<1x128x1024xbf16> to vector<128x1024xbf16>
    %dot_general3A_578 = arith.constant dense<0.000000e+00> : vector<8x1024xf32>
    %dot_general3A_579 = tpu.matmul %slice3A_572, %get3A_577, %dot_general3A_578 {dimension_numbers = #tpu.dot_dimension_numbers<[1], [0], [0], [1], [0, 0, 1, 1], [], []>, transpose_lhs_hint = false} : vector<8x128xbf16>, vector<128x1024xbf16>, vector<8x1024xf32> -> vector<8x1024xf32>
    %swap3A_580 = arith.constant 408 : index
    %swap3A_581 = arith.constant 0 : index
    %swap3A_582 = vector.load %arg30[%swap3A_580, %swap3A_581] : memref<512x1024xf32, #tpu.memory_space<vmem>>, vector<8x1024xf32>
    tpu.vector_store %arg30[%swap3A_580, %swap3A_581], %dot_general3A_579 {strides = array<i32>} : memref<512x1024xf32, #tpu.memory_space<vmem>>, vector<8x1024xf32>,
    %slice3A_583 = vector.extract_strided_slice %convert_element_type3A_12 {offsets = [416, 0], sizes = [8, 128], strides = [1, 1]} : vector<512x128xbf16> to vector<8x128xbf16>
    %get3A_584 = arith.constant 52 : index
    %get3A_585 = arith.constant 0 : index
    %get3A_586 = arith.constant 0 : index
    %get3A_587 = vector.load %arg23[%get3A_584, %get3A_585, %get3A_586] : memref<64x128x1024xbf16, #tpu.memory_space<vmem>>, vector<1x128x1024xbf16>
    %get3A_588 = vector.shape_cast %get3A_587 : vector<1x128x1024xbf16> to vector<128x1024xbf16>
    %dot_general3A_589 = arith.constant dense<0.000000e+00> : vector<8x1024xf32>
    %dot_general3A_590 = tpu.matmul %slice3A_583, %get3A_588, %dot_general3A_589 {dimension_numbers = #tpu.dot_dimension_numbers<[1], [0], [0], [1], [0, 0, 1, 1], [], []>, transpose_lhs_hint = false} : vector<8x128xbf16>, vector<128x1024xbf16>, vector<8x1024xf32> -> vector<8x1024xf32>
    %swap3A_591 = arith.constant 416 : index
    %swap3A_592 = arith.constant 0 : index
    %swap3A_593 = vector.load %arg30[%swap3A_591, %swap3A_592] : memref<512x1024xf32, #tpu.memory_space<vmem>>, vector<8x1024xf32>
    tpu.vector_store %arg30[%swap3A_591, %swap3A_592], %dot_general3A_590 {strides = array<i32>} : memref<512x1024xf32, #tpu.memory_space<vmem>>, vector<8x1024xf32>,
    %slice3A_594 = vector.extract_strided_slice %convert_element_type3A_12 {offsets = [424, 0], sizes = [8, 128], strides = [1, 1]} : vector<512x128xbf16> to vector<8x128xbf16>
    %get3A_595 = arith.constant 53 : index
    %get3A_596 = arith.constant 0 : index
    %get3A_597 = arith.constant 0 : index
    %get3A_598 = vector.load %arg23[%get3A_595, %get3A_596, %get3A_597] : memref<64x128x1024xbf16, #tpu.memory_space<vmem>>, vector<1x128x1024xbf16>
    %get3A_599 = vector.shape_cast %get3A_598 : vector<1x128x1024xbf16> to vector<128x1024xbf16>
    %dot_general3A_600 = arith.constant dense<0.000000e+00> : vector<8x1024xf32>
    %dot_general3A_601 = tpu.matmul %slice3A_594, %get3A_599, %dot_general3A_600 {dimension_numbers = #tpu.dot_dimension_numbers<[1], [0], [0], [1], [0, 0, 1, 1], [], []>, transpose_lhs_hint = false} : vector<8x128xbf16>, vector<128x1024xbf16>, vector<8x1024xf32> -> vector<8x1024xf32>
    %swap3A_602 = arith.constant 424 : index
    %swap3A_603 = arith.constant 0 : index
    %swap3A_604 = vector.load %arg30[%swap3A_602, %swap3A_603] : memref<512x1024xf32, #tpu.memory_space<vmem>>, vector<8x1024xf32>
    tpu.vector_store %arg30[%swap3A_602, %swap3A_603], %dot_general3A_601 {strides = array<i32>} : memref<512x1024xf32, #tpu.memory_space<vmem>>, vector<8x1024xf32>,
    %slice3A_605 = vector.extract_strided_slice %convert_element_type3A_12 {offsets = [432, 0], sizes = [8, 128], strides = [1, 1]} : vector<512x128xbf16> to vector<8x128xbf16>
    %get3A_606 = arith.constant 54 : index
    %get3A_607 = arith.constant 0 : index
    %get3A_608 = arith.constant 0 : index
    %get3A_609 = vector.load %arg23[%get3A_606, %get3A_607, %get3A_608] : memref<64x128x1024xbf16, #tpu.memory_space<vmem>>, vector<1x128x1024xbf16>
    %get3A_610 = vector.shape_cast %get3A_609 : vector<1x128x1024xbf16> to vector<128x1024xbf16>
    %dot_general3A_611 = arith.constant dense<0.000000e+00> : vector<8x1024xf32>
    %dot_general3A_612 = tpu.matmul %slice3A_605, %get3A_610, %dot_general3A_611 {dimension_numbers = #tpu.dot_dimension_numbers<[1], [0], [0], [1], [0, 0, 1, 1], [], []>, transpose_lhs_hint = false} : vector<8x128xbf16>, vector<128x1024xbf16>, vector<8x1024xf32> -> vector<8x1024xf32>
    %swap3A_613 = arith.constant 432 : index
    %swap3A_614 = arith.constant 0 : index
    %swap3A_615 = vector.load %arg30[%swap3A_613, %swap3A_614] : memref<512x1024xf32, #tpu.memory_space<vmem>>, vector<8x1024xf32>
    tpu.vector_store %arg30[%swap3A_613, %swap3A_614], %dot_general3A_612 {strides = array<i32>} : memref<512x1024xf32, #tpu.memory_space<vmem>>, vector<8x1024xf32>,
    %slice3A_616 = vector.extract_strided_slice %convert_element_type3A_12 {offsets = [440, 0], sizes = [8, 128], strides = [1, 1]} : vector<512x128xbf16> to vector<8x128xbf16>
    %get3A_617 = arith.constant 55 : index
    %get3A_618 = arith.constant 0 : index
    %get3A_619 = arith.constant 0 : index
    %get3A_620 = vector.load %arg23[%get3A_617, %get3A_618, %get3A_619] : memref<64x128x1024xbf16, #tpu.memory_space<vmem>>, vector<1x128x1024xbf16>
    %get3A_621 = vector.shape_cast %get3A_620 : vector<1x128x1024xbf16> to vector<128x1024xbf16>
    %dot_general3A_622 = arith.constant dense<0.000000e+00> : vector<8x1024xf32>
    %dot_general3A_623 = tpu.matmul %slice3A_616, %get3A_621, %dot_general3A_622 {dimension_numbers = #tpu.dot_dimension_numbers<[1], [0], [0], [1], [0, 0, 1, 1], [], []>, transpose_lhs_hint = false} : vector<8x128xbf16>, vector<128x1024xbf16>, vector<8x1024xf32> -> vector<8x1024xf32>
    %swap3A_624 = arith.constant 440 : index
    %swap3A_625 = arith.constant 0 : index
    %swap3A_626 = vector.load %arg30[%swap3A_624, %swap3A_625] : memref<512x1024xf32, #tpu.memory_space<vmem>>, vector<8x1024xf32>
    tpu.vector_store %arg30[%swap3A_624, %swap3A_625], %dot_general3A_623 {strides = array<i32>} : memref<512x1024xf32, #tpu.memory_space<vmem>>, vector<8x1024xf32>,
    %slice3A_627 = vector.extract_strided_slice %convert_element_type3A_12 {offsets = [448, 0], sizes = [8, 128], strides = [1, 1]} : vector<512x128xbf16> to vector<8x128xbf16>
    %get3A_628 = arith.constant 56 : index
    %get3A_629 = arith.constant 0 : index
    %get3A_630 = arith.constant 0 : index
    %get3A_631 = vector.load %arg23[%get3A_628, %get3A_629, %get3A_630] : memref<64x128x1024xbf16, #tpu.memory_space<vmem>>, vector<1x128x1024xbf16>
    %get3A_632 = vector.shape_cast %get3A_631 : vector<1x128x1024xbf16> to vector<128x1024xbf16>
    %dot_general3A_633 = arith.constant dense<0.000000e+00> : vector<8x1024xf32>
    %dot_general3A_634 = tpu.matmul %slice3A_627, %get3A_632, %dot_general3A_633 {dimension_numbers = #tpu.dot_dimension_numbers<[1], [0], [0], [1], [0, 0, 1, 1], [], []>, transpose_lhs_hint = false} : vector<8x128xbf16>, vector<128x1024xbf16>, vector<8x1024xf32> -> vector<8x1024xf32>
    %swap3A_635 = arith.constant 448 : index
    %swap3A_636 = arith.constant 0 : index
    %swap3A_637 = vector.load %arg30[%swap3A_635, %swap3A_636] : memref<512x1024xf32, #tpu.memory_space<vmem>>, vector<8x1024xf32>
    tpu.vector_store %arg30[%swap3A_635, %swap3A_636], %dot_general3A_634 {strides = array<i32>} : memref<512x1024xf32, #tpu.memory_space<vmem>>, vector<8x1024xf32>,
    %slice3A_638 = vector.extract_strided_slice %convert_element_type3A_12 {offsets = [456, 0], sizes = [8, 128], strides = [1, 1]} : vector<512x128xbf16> to vector<8x128xbf16>
    %get3A_639 = arith.constant 57 : index
    %get3A_640 = arith.constant 0 : index
    %get3A_641 = arith.constant 0 : index
    %get3A_642 = vector.load %arg23[%get3A_639, %get3A_640, %get3A_641] : memref<64x128x1024xbf16, #tpu.memory_space<vmem>>, vector<1x128x1024xbf16>
    %get3A_643 = vector.shape_cast %get3A_642 : vector<1x128x1024xbf16> to vector<128x1024xbf16>
    %dot_general3A_644 = arith.constant dense<0.000000e+00> : vector<8x1024xf32>
    %dot_general3A_645 = tpu.matmul %slice3A_638, %get3A_643, %dot_general3A_644 {dimension_numbers = #tpu.dot_dimension_numbers<[1], [0], [0], [1], [0, 0, 1, 1], [], []>, transpose_lhs_hint = false} : vector<8x128xbf16>, vector<128x1024xbf16>, vector<8x1024xf32> -> vector<8x1024xf32>
    %swap3A_646 = arith.constant 456 : index
    %swap3A_647 = arith.constant 0 : index
    %swap3A_648 = vector.load %arg30[%swap3A_646, %swap3A_647] : memref<512x1024xf32, #tpu.memory_space<vmem>>, vector<8x1024xf32>
    tpu.vector_store %arg30[%swap3A_646, %swap3A_647], %dot_general3A_645 {strides = array<i32>} : memref<512x1024xf32, #tpu.memory_space<vmem>>, vector<8x1024xf32>,
    %slice3A_649 = vector.extract_strided_slice %convert_element_type3A_12 {offsets = [464, 0], sizes = [8, 128], strides = [1, 1]} : vector<512x128xbf16> to vector<8x128xbf16>
    %get3A_650 = arith.constant 58 : index
    %get3A_651 = arith.constant 0 : index
    %get3A_652 = arith.constant 0 : index
    %get3A_653 = vector.load %arg23[%get3A_650, %get3A_651, %get3A_652] : memref<64x128x1024xbf16, #tpu.memory_space<vmem>>, vector<1x128x1024xbf16>
    %get3A_654 = vector.shape_cast %get3A_653 : vector<1x128x1024xbf16> to vector<128x1024xbf16>
    %dot_general3A_655 = arith.constant dense<0.000000e+00> : vector<8x1024xf32>
    %dot_general3A_656 = tpu.matmul %slice3A_649, %get3A_654, %dot_general3A_655 {dimension_numbers = #tpu.dot_dimension_numbers<[1], [0], [0], [1], [0, 0, 1, 1], [], []>, transpose_lhs_hint = false} : vector<8x128xbf16>, vector<128x1024xbf16>, vector<8x1024xf32> -> vector<8x1024xf32>
    %swap3A_657 = arith.constant 464 : index
    %swap3A_658 = arith.constant 0 : index
    %swap3A_659 = vector.load %arg30[%swap3A_657, %swap3A_658] : memref<512x1024xf32, #tpu.memory_space<vmem>>, vector<8x1024xf32>
    tpu.vector_store %arg30[%swap3A_657, %swap3A_658], %dot_general3A_656 {strides = array<i32>} : memref<512x1024xf32, #tpu.memory_space<vmem>>, vector<8x1024xf32>,
    %slice3A_660 = vector.extract_strided_slice %convert_element_type3A_12 {offsets = [472, 0], sizes = [8, 128], strides = [1, 1]} : vector<512x128xbf16> to vector<8x128xbf16>
    %get3A_661 = arith.constant 59 : index
    %get3A_662 = arith.constant 0 : index
    %get3A_663 = arith.constant 0 : index
    %get3A_664 = vector.load %arg23[%get3A_661, %get3A_662, %get3A_663] : memref<64x128x1024xbf16, #tpu.memory_space<vmem>>, vector<1x128x1024xbf16>
    %get3A_665 = vector.shape_cast %get3A_664 : vector<1x128x1024xbf16> to vector<128x1024xbf16>
    %dot_general3A_666 = arith.constant dense<0.000000e+00> : vector<8x1024xf32>
    %dot_general3A_667 = tpu.matmul %slice3A_660, %get3A_665, %dot_general3A_666 {dimension_numbers = #tpu.dot_dimension_numbers<[1], [0], [0], [1], [0, 0, 1, 1], [], []>, transpose_lhs_hint = false} : vector<8x128xbf16>, vector<128x1024xbf16>, vector<8x1024xf32> -> vector<8x1024xf32>
    %swap3A_668 = arith.constant 472 : index
    %swap3A_669 = arith.constant 0 : index
    %swap3A_670 = vector.load %arg30[%swap3A_668, %swap3A_669] : memref<512x1024xf32, #tpu.memory_space<vmem>>, vector<8x1024xf32>
    tpu.vector_store %arg30[%swap3A_668, %swap3A_669], %dot_general3A_667 {strides = array<i32>} : memref<512x1024xf32, #tpu.memory_space<vmem>>, vector<8x1024xf32>,
    %slice3A_671 = vector.extract_strided_slice %convert_element_type3A_12 {offsets = [480, 0], sizes = [8, 128], strides = [1, 1]} : vector<512x128xbf16> to vector<8x128xbf16>
    %get3A_672 = arith.constant 60 : index
    %get3A_673 = arith.constant 0 : index
    %get3A_674 = arith.constant 0 : index
    %get3A_675 = vector.load %arg23[%get3A_672, %get3A_673, %get3A_674] : memref<64x128x1024xbf16, #tpu.memory_space<vmem>>, vector<1x128x1024xbf16>
    %get3A_676 = vector.shape_cast %get3A_675 : vector<1x128x1024xbf16> to vector<128x1024xbf16>
    %dot_general3A_677 = arith.constant dense<0.000000e+00> : vector<8x1024xf32>
    %dot_general3A_678 = tpu.matmul %slice3A_671, %get3A_676, %dot_general3A_677 {dimension_numbers = #tpu.dot_dimension_numbers<[1], [0], [0], [1], [0, 0, 1, 1], [], []>, transpose_lhs_hint = false} : vector<8x128xbf16>, vector<128x1024xbf16>, vector<8x1024xf32> -> vector<8x1024xf32>
    %swap3A_679 = arith.constant 480 : index
    %swap3A_680 = arith.constant 0 : index
    %swap3A_681 = vector.load %arg30[%swap3A_679, %swap3A_680] : memref<512x1024xf32, #tpu.memory_space<vmem>>, vector<8x1024xf32>
    tpu.vector_store %arg30[%swap3A_679, %swap3A_680], %dot_general3A_678 {strides = array<i32>} : memref<512x1024xf32, #tpu.memory_space<vmem>>, vector<8x1024xf32>,
    %slice3A_682 = vector.extract_strided_slice %convert_element_type3A_12 {offsets = [488, 0], sizes = [8, 128], strides = [1, 1]} : vector<512x128xbf16> to vector<8x128xbf16>
    %get3A_683 = arith.constant 61 : index
    %get3A_684 = arith.constant 0 : index
    %get3A_685 = arith.constant 0 : index
    %get3A_686 = vector.load %arg23[%get3A_683, %get3A_684, %get3A_685] : memref<64x128x1024xbf16, #tpu.memory_space<vmem>>, vector<1x128x1024xbf16>
    %get3A_687 = vector.shape_cast %get3A_686 : vector<1x128x1024xbf16> to vector<128x1024xbf16>
    %dot_general3A_688 = arith.constant dense<0.000000e+00> : vector<8x1024xf32>
    %dot_general3A_689 = tpu.matmul %slice3A_682, %get3A_687, %dot_general3A_688 {dimension_numbers = #tpu.dot_dimension_numbers<[1], [0], [0], [1], [0, 0, 1, 1], [], []>, transpose_lhs_hint = false} : vector<8x128xbf16>, vector<128x1024xbf16>, vector<8x1024xf32> -> vector<8x1024xf32>
    %swap3A_690 = arith.constant 488 : index
    %swap3A_691 = arith.constant 0 : index
    %swap3A_692 = vector.load %arg30[%swap3A_690, %swap3A_691] : memref<512x1024xf32, #tpu.memory_space<vmem>>, vector<8x1024xf32>
    tpu.vector_store %arg30[%swap3A_690, %swap3A_691], %dot_general3A_689 {strides = array<i32>} : memref<512x1024xf32, #tpu.memory_space<vmem>>, vector<8x1024xf32>,
    %slice3A_693 = vector.extract_strided_slice %convert_element_type3A_12 {offsets = [496, 0], sizes = [8, 128], strides = [1, 1]} : vector<512x128xbf16> to vector<8x128xbf16>
    %get3A_694 = arith.constant 62 : index
    %get3A_695 = arith.constant 0 : index
    %get3A_696 = arith.constant 0 : index
    %get3A_697 = vector.load %arg23[%get3A_694, %get3A_695, %get3A_696] : memref<64x128x1024xbf16, #tpu.memory_space<vmem>>, vector<1x128x1024xbf16>
    %get3A_698 = vector.shape_cast %get3A_697 : vector<1x128x1024xbf16> to vector<128x1024xbf16>
    %dot_general3A_699 = arith.constant dense<0.000000e+00> : vector<8x1024xf32>
    %dot_general3A_700 = tpu.matmul %slice3A_693, %get3A_698, %dot_general3A_699 {dimension_numbers = #tpu.dot_dimension_numbers<[1], [0], [0], [1], [0, 0, 1, 1], [], []>, transpose_lhs_hint = false} : vector<8x128xbf16>, vector<128x1024xbf16>, vector<8x1024xf32> -> vector<8x1024xf32>
    %swap3A_701 = arith.constant 496 : index
    %swap3A_702 = arith.constant 0 : index
    %swap3A_703 = vector.load %arg30[%swap3A_701, %swap3A_702] : memref<512x1024xf32, #tpu.memory_space<vmem>>, vector<8x1024xf32>
    tpu.vector_store %arg30[%swap3A_701, %swap3A_702], %dot_general3A_700 {strides = array<i32>} : memref<512x1024xf32, #tpu.memory_space<vmem>>, vector<8x1024xf32>,
    %slice3A_704 = vector.extract_strided_slice %convert_element_type3A_12 {offsets = [504, 0], sizes = [8, 128], strides = [1, 1]} : vector<512x128xbf16> to vector<8x128xbf16>
    %get3A_705 = arith.constant 63 : index
    %get3A_706 = arith.constant 0 : index
    %get3A_707 = arith.constant 0 : index
    %get3A_708 = vector.load %arg23[%get3A_705, %get3A_706, %get3A_707] : memref<64x128x1024xbf16, #tpu.memory_space<vmem>>, vector<1x128x1024xbf16>
    %get3A_709 = vector.shape_cast %get3A_708 : vector<1x128x1024xbf16> to vector<128x1024xbf16>
    %dot_general3A_710 = arith.constant dense<0.000000e+00> : vector<8x1024xf32>
    %dot_general3A_711 = tpu.matmul %slice3A_704, %get3A_709, %dot_general3A_710 {dimension_numbers = #tpu.dot_dimension_numbers<[1], [0], [0], [1], [0, 0, 1, 1], [], []>, transpose_lhs_hint = false} : vector<8x128xbf16>, vector<128x1024xbf16>, vector<8x1024xf32> -> vector<8x1024xf32>
    %swap3A_712 = arith.constant 504 : index
    %swap3A_713 = arith.constant 0 : index
    %swap3A_714 = vector.load %arg30[%swap3A_712, %swap3A_713] : memref<512x1024xf32, #tpu.memory_space<vmem>>, vector<8x1024xf32>
    tpu.vector_store %arg30[%swap3A_712, %swap3A_713], %dot_general3A_711 {strides = array<i32>} : memref<512x1024xf32, #tpu.memory_space<vmem>>, vector<8x1024xf32>,
    %iota3A_715 = tpu.iota {dimensions = array<i32: 0>} : vector<512x1024xi32>
    %iota3A_716 = tpu.iota {dimensions = array<i32: 1>} : vector<512x1024xi32>
    %jit3A = arith.constant 128 : i32
    %div3A = vector.broadcast %jit3A : i32 to vector<512x1024xi32>
    %div3A_717 = arith.divsi %iota3A_716, %div3A : vector<512x1024xi32>
    %sign3A = arith.constant 0 : i32
    %sign3A_718 = vector.broadcast %sign3A : i32 to vector<512x1024xi32>
    %sign3A_719 = arith.cmpi sgt, %iota3A_716, %sign3A_718 : vector<512x1024xi32>
    %sign3A_720 = arith.extui %sign3A_719 : vector<512x1024xi1> to vector<512x1024xi32>
    %sign3A_721 = arith.constant 0 : i32
    %sign3A_722 = vector.broadcast %sign3A_721 : i32 to vector<512x1024xi32>
    %sign3A_723 = arith.cmpi slt, %iota3A_716, %sign3A_722 : vector<512x1024xi32>
    %sign3A_724 = arith.extui %sign3A_723 : vector<512x1024xi1> to vector<512x1024xi32>
    %sign3A_725 = arith.subi %sign3A_720, %sign3A_724 : vector<512x1024xi32>
    %sign3A_726 = arith.constant 0 : i32
    %sign3A_727 = arith.cmpi sgt, %jit3A, %sign3A_726 : i32
    %sign3A_728 = arith.extui %sign3A_727 : i1 to i32
    %sign3A_729 = arith.constant 0 : i32
    %sign3A_730 = arith.cmpi slt, %jit3A, %sign3A_729 : i32
    %sign3A_731 = arith.extui %sign3A_730 : i1 to i32
    %sign3A_732 = arith.subi %sign3A_728, %sign3A_731 : i32
    %ne3A = vector.broadcast %sign3A_732 : i32 to vector<512x1024xi32>
    %ne3A_733 = arith.cmpi ne, %sign3A_725, %ne3A : vector<512x1024xi32>
    %rem3A = vector.broadcast %jit3A : i32 to vector<512x1024xi32>
    %rem3A_734 = arith.remsi %iota3A_716, %rem3A : vector<512x1024xi32>
    %ne3A_735 = arith.constant 0 : i32
    %ne3A_736 = vector.broadcast %ne3A_735 : i32 to vector<512x1024xi32>
    %ne3A_737 = arith.cmpi ne, %rem3A_734, %ne3A_736 : vector<512x1024xi32>
    %and3A = arith.andi %ne3A_733, %ne3A_737 : vector<512x1024xi1>
    %sub3A = arith.constant 1 : i32
    %sub3A_738 = vector.broadcast %sub3A : i32 to vector<512x1024xi32>
    %sub3A_739 = arith.subi %div3A_717, %sub3A_738 : vector<512x1024xi32>
    %select_n3A = arith.select %and3A, %sub3A_739, %div3A_717 : vector<512x1024xi1>, vector<512x1024xi32>
    %jit3A_740 = arith.constant 8 : i32
    %div3A_741 = vector.broadcast %jit3A_740 : i32 to vector<512x1024xi32>
    %div3A_742 = arith.divsi %iota3A_715, %div3A_741 : vector<512x1024xi32>
    %sign3A_743 = arith.constant 0 : i32
    %sign3A_744 = vector.broadcast %sign3A_743 : i32 to vector<512x1024xi32>
    %sign3A_745 = arith.cmpi sgt, %iota3A_715, %sign3A_744 : vector<512x1024xi32>
    %sign3A_746 = arith.extui %sign3A_745 : vector<512x1024xi1> to vector<512x1024xi32>
    %sign3A_747 = arith.constant 0 : i32
    %sign3A_748 = vector.broadcast %sign3A_747 : i32 to vector<512x1024xi32>
    %sign3A_749 = arith.cmpi slt, %iota3A_715, %sign3A_748 : vector<512x1024xi32>
    %sign3A_750 = arith.extui %sign3A_749 : vector<512x1024xi1> to vector<512x1024xi32>
    %sign3A_751 = arith.subi %sign3A_746, %sign3A_750 : vector<512x1024xi32>
    %sign3A_752 = arith.constant 0 : i32
    %sign3A_753 = arith.cmpi sgt, %jit3A_740, %sign3A_752 : i32
    %sign3A_754 = arith.extui %sign3A_753 : i1 to i32
    %sign3A_755 = arith.constant 0 : i32
    %sign3A_756 = arith.cmpi slt, %jit3A_740, %sign3A_755 : i32
    %sign3A_757 = arith.extui %sign3A_756 : i1 to i32
    %sign3A_758 = arith.subi %sign3A_754, %sign3A_757 : i32
    %ne3A_759 = vector.broadcast %sign3A_758 : i32 to vector<512x1024xi32>
    %ne3A_760 = arith.cmpi ne, %sign3A_751, %ne3A_759 : vector<512x1024xi32>
    %rem3A_761 = vector.broadcast %jit3A_740 : i32 to vector<512x1024xi32>
    %rem3A_762 = arith.remsi %iota3A_715, %rem3A_761 : vector<512x1024xi32>
    %ne3A_763 = arith.constant 0 : i32
    %ne3A_764 = vector.broadcast %ne3A_763 : i32 to vector<512x1024xi32>
    %ne3A_765 = arith.cmpi ne, %rem3A_762, %ne3A_764 : vector<512x1024xi32>
    %and3A_766 = arith.andi %ne3A_760, %ne3A_765 : vector<512x1024xi1>
    %sub3A_767 = arith.constant 1 : i32
    %sub3A_768 = vector.broadcast %sub3A_767 : i32 to vector<512x1024xi32>
    %sub3A_769 = arith.subi %div3A_742, %sub3A_768 : vector<512x1024xi32>
    %select_n3A_770 = arith.select %and3A_766, %sub3A_769, %div3A_742 : vector<512x1024xi1>, vector<512x1024xi32>
    %mul3A = arith.constant 8 : i32
    %mul3A_771 = vector.broadcast %mul3A : i32 to vector<512x1024xi32>
    %mul3A_772 = arith.muli %select_n3A_770, %mul3A_771 : vector<512x1024xi32>
    %sub3A_773 = arith.subi %iota3A_715, %mul3A_772 : vector<512x1024xi32>
    %eq3A_774 = arith.cmpi eq, %select_n3A, %sub3A_773 : vector<512x1024xi32>
    %get3A_775 = arith.constant 0 : index
    %get3A_776 = arith.constant 0 : index
    %get3A_777 = vector.load %arg30[%get3A_775, %get3A_776] : memref<512x1024xf32, #tpu.memory_space<vmem>>, vector<512x1024xf32>
    %jit3A_778 = arith.constant 0.000000e+00 : f32
    %broadcast_in_dim3A = vector.broadcast %jit3A_778 : f32 to vector<512x1024xf32>
    %select_n3A_779 = arith.select %eq3A_774, %get3A_777, %broadcast_in_dim3A : vector<512x1024xi1>, vector<512x1024xf32>
    %slice3A_780 = vector.extract_strided_slice %select_n3A_779 {offsets = [0, 0], sizes = [512, 128], strides = [1, 1]} : vector<512x1024xf32> to vector<512x128xf32>
    %slice3A_781 = vector.extract_strided_slice %select_n3A_779 {offsets = [0, 128], sizes = [512, 128], strides = [1, 1]} : vector<512x1024xf32> to vector<512x128xf32>
    %add3A_782 = arith.addf %slice3A_780, %slice3A_781 : vector<512x128xf32>
    %slice3A_783 = vector.extract_strided_slice %select_n3A_779 {offsets = [0, 256], sizes = [512, 128], strides = [1, 1]} : vector<512x1024xf32> to vector<512x128xf32>
    %add3A_784 = arith.addf %add3A_782, %slice3A_783 : vector<512x128xf32>
    %slice3A_785 = vector.extract_strided_slice %select_n3A_779 {offsets = [0, 384], sizes = [512, 128], strides = [1, 1]} : vector<512x1024xf32> to vector<512x128xf32>
    %add3A_786 = arith.addf %add3A_784, %slice3A_785 : vector<512x128xf32>
    %slice3A_787 = vector.extract_strided_slice %select_n3A_779 {offsets = [0, 512], sizes = [512, 128], strides = [1, 1]} : vector<512x1024xf32> to vector<512x128xf32>
    %add3A_788 = arith.addf %add3A_786, %slice3A_787 : vector<512x128xf32>
    %slice3A_789 = vector.extract_strided_slice %select_n3A_779 {offsets = [0, 640], sizes = [512, 128], strides = [1, 1]} : vector<512x1024xf32> to vector<512x128xf32>
    %add3A_790 = arith.addf %add3A_788, %slice3A_789 : vector<512x128xf32>
    %slice3A_791 = vector.extract_strided_slice %select_n3A_779 {offsets = [0, 768], sizes = [512, 128], strides = [1, 1]} : vector<512x1024xf32> to vector<512x128xf32>
    %add3A_792 = arith.addf %add3A_790, %slice3A_791 : vector<512x128xf32>
    %slice3A_793 = vector.extract_strided_slice %select_n3A_779 {offsets = [0, 896], sizes = [512, 128], strides = [1, 1]} : vector<512x1024xf32> to vector<512x128xf32>
    %add3A_794 = arith.addf %add3A_792, %slice3A_793 : vector<512x128xf32>
    %slice3A_795 = vector.extract_strided_slice %add3A_794 {offsets = [0, 0], sizes = [512, 100], strides = [1, 1]} : vector<512x128xf32> to vector<512x100xf32>
    %swap3A_796 = arith.constant 0 : index
    %swap3A_797 = arith.constant 0 : index
    %swap3A_798 = vector.load %arg29[%swap3A_796, %swap3A_797] : memref<512x100xf32, #tpu.memory_space<vmem>>, vector<512x100xf32>
    tpu.vector_store %arg29[%swap3A_796, %swap3A_797], %slice3A_795 {strides = array<i32>} : memref<512x100xf32, #tpu.memory_space<vmem>>, vector<512x100xf32>,
    %get3A_799 = arith.constant 0 : index
    %get3A_800 = arith.constant 0 : index
    %get3A_801 = vector.load %arg29[%get3A_799, %get3A_800] : memref<512x100xf32, #tpu.memory_space<vmem>>, vector<512x100xf32>
    %sqrt3A = arith.constant 1.280000e+02 : f32
    %sqrt3A_802 = math.sqrt %sqrt3A : f32
    %div3A_803 = vector.broadcast %sqrt3A_802 : f32 to vector<512x100xf32>
    %div3A_804 = arith.divf %get3A_801, %div3A_803 : vector<512x100xf32>
    %tanh3A = math.tanh %div3A_804 : vector<512x100xf32>
    %mul3A_805 = arith.constant 1.000000e+01 : f32
    %mul3A_806 = vector.broadcast %mul3A_805 : f32 to vector<512x100xf32>
    %mul3A_807 = arith.mulf %mul3A_806, %tanh3A : vector<512x100xf32>
    %get3A_808 = arith.constant 0 : index
    %get3A_809 = arith.constant 0 : index
    %get3A_810 = vector.load %arg28[%get3A_808, %get3A_809] : memref<512x100xf32, #tpu.memory_space<vmem>>, vector<512x100xf32>
    %eq3A_811 = arith.constant 1.000000e+00 : f32
    %eq3A_812 = vector.broadcast %eq3A_811 : f32 to vector<512x100xf32>
    %eq3A_813 = arith.cmpf oeq, %get3A_810, %eq3A_812 : vector<512x100xf32>
    %jit3A_814 = arith.constant -1.000000e+08 : f32
    %broadcast_in_dim3A_815 = vector.broadcast %jit3A_814 : f32 to vector<512x100xf32>
    %select_n3A_816 = arith.select %eq3A_813, %broadcast_in_dim3A_815, %mul3A_807 : vector<512x100xi1>, vector<512x100xf32>
    %reduce_max3A = arith.constant dense<0xFF800000> : vector<512xf32>
    %reduce_max3A_817 = vector.multi_reduction <maximumf>, %select_n3A_816, %reduce_max3A [1] : vector<512x100xf32> to vector<512xf32>
    %broadcast_in_dim3A_818 = vector.shape_cast %reduce_max3A_817 : vector<512xf32> to vector<512x1xf32>
    %sub3A_819 = vector.broadcast %broadcast_in_dim3A_818 : vector<512x1xf32> to vector<512x100xf32>
    %sub3A_820 = arith.subf %select_n3A_816, %sub3A_819 : vector<512x100xf32>
    %exp3A = math.exp %sub3A_820 : vector<512x100xf32>
    %broadcast_in_dim3A_821 = arith.constant 0.000000e+00 : f32
    %broadcast_in_dim3A_822 = vector.broadcast %broadcast_in_dim3A_821 : f32 to vector<512x28xf32>
    %concatenate3A = tpu.concatenate %exp3A, %broadcast_in_dim3A_822 in 1 : vector<512x100xf32>, vector<512x28xf32> -> vector<512x128xf32>
    %slice3A_823 = vector.extract_strided_slice %concatenate3A {offsets = [0, 0], sizes = [512, 8], strides = [1, 1]} : vector<512x128xf32> to vector<512x8xf32>
    %slice3A_824 = vector.extract_strided_slice %concatenate3A {offsets = [0, 8], sizes = [512, 8], strides = [1, 1]} : vector<512x128xf32> to vector<512x8xf32>
    %add3A_825 = arith.addf %slice3A_823, %slice3A_824 : vector<512x8xf32>
    %slice3A_826 = vector.extract_strided_slice %concatenate3A {offsets = [0, 16], sizes = [512, 8], strides = [1, 1]} : vector<512x128xf32> to vector<512x8xf32>
    %add3A_827 = arith.addf %add3A_825, %slice3A_826 : vector<512x8xf32>
    %slice3A_828 = vector.extract_strided_slice %concatenate3A {offsets = [0, 24], sizes = [512, 8], strides = [1, 1]} : vector<512x128xf32> to vector<512x8xf32>
    %add3A_829 = arith.addf %add3A_827, %slice3A_828 : vector<512x8xf32>
    %slice3A_830 = vector.extract_strided_slice %concatenate3A {offsets = [0, 32], sizes = [512, 8], strides = [1, 1]} : vector<512x128xf32> to vector<512x8xf32>
    %add3A_831 = arith.addf %add3A_829, %slice3A_830 : vector<512x8xf32>
    %slice3A_832 = vector.extract_strided_slice %concatenate3A {offsets = [0, 40], sizes = [512, 8], strides = [1, 1]} : vector<512x128xf32> to vector<512x8xf32>
    %add3A_833 = arith.addf %add3A_831, %slice3A_832 : vector<512x8xf32>
    %slice3A_834 = vector.extract_strided_slice %concatenate3A {offsets = [0, 48], sizes = [512, 8], strides = [1, 1]} : vector<512x128xf32> to vector<512x8xf32>
    %add3A_835 = arith.addf %add3A_833, %slice3A_834 : vector<512x8xf32>
    %slice3A_836 = vector.extract_strided_slice %concatenate3A {offsets = [0, 56], sizes = [512, 8], strides = [1, 1]} : vector<512x128xf32> to vector<512x8xf32>
    %add3A_837 = arith.addf %add3A_835, %slice3A_836 : vector<512x8xf32>
    %slice3A_838 = vector.extract_strided_slice %concatenate3A {offsets = [0, 64], sizes = [512, 8], strides = [1, 1]} : vector<512x128xf32> to vector<512x8xf32>
    %add3A_839 = arith.addf %add3A_837, %slice3A_838 : vector<512x8xf32>
    %slice3A_840 = vector.extract_strided_slice %concatenate3A {offsets = [0, 72], sizes = [512, 8], strides = [1, 1]} : vector<512x128xf32> to vector<512x8xf32>
    %add3A_841 = arith.addf %add3A_839, %slice3A_840 : vector<512x8xf32>
    %slice3A_842 = vector.extract_strided_slice %concatenate3A {offsets = [0, 80], sizes = [512, 8], strides = [1, 1]} : vector<512x128xf32> to vector<512x8xf32>
    %add3A_843 = arith.addf %add3A_841, %slice3A_842 : vector<512x8xf32>
    %slice3A_844 = vector.extract_strided_slice %concatenate3A {offsets = [0, 88], sizes = [512, 8], strides = [1, 1]} : vector<512x128xf32> to vector<512x8xf32>
    %add3A_845 = arith.addf %add3A_843, %slice3A_844 : vector<512x8xf32>
    %slice3A_846 = vector.extract_strided_slice %concatenate3A {offsets = [0, 96], sizes = [512, 8], strides = [1, 1]} : vector<512x128xf32> to vector<512x8xf32>
    %add3A_847 = arith.addf %add3A_845, %slice3A_846 : vector<512x8xf32>
    %slice3A_848 = vector.extract_strided_slice %concatenate3A {offsets = [0, 104], sizes = [512, 8], strides = [1, 1]} : vector<512x128xf32> to vector<512x8xf32>
    %add3A_849 = arith.addf %add3A_847, %slice3A_848 : vector<512x8xf32>
    %slice3A_850 = vector.extract_strided_slice %concatenate3A {offsets = [0, 112], sizes = [512, 8], strides = [1, 1]} : vector<512x128xf32> to vector<512x8xf32>
    %add3A_851 = arith.addf %add3A_849, %slice3A_850 : vector<512x8xf32>
    %slice3A_852 = vector.extract_strided_slice %concatenate3A {offsets = [0, 120], sizes = [512, 8], strides = [1, 1]} : vector<512x128xf32> to vector<512x8xf32>
    %add3A_853 = arith.addf %add3A_851, %slice3A_852 : vector<512x8xf32>
    %slice3A_854 = vector.extract_strided_slice %add3A_853 {offsets = [0, 0], sizes = [512, 4], strides = [1, 1]} : vector<512x8xf32> to vector<512x4xf32>
    %slice3A_855 = vector.extract_strided_slice %add3A_853 {offsets = [0, 4], sizes = [512, 4], strides = [1, 1]} : vector<512x8xf32> to vector<512x4xf32>
    %add3A_856 = arith.addf %slice3A_854, %slice3A_855 : vector<512x4xf32>
    %slice3A_857 = vector.extract_strided_slice %add3A_856 {offsets = [0, 0], sizes = [512, 2], strides = [1, 1]} : vector<512x4xf32> to vector<512x2xf32>
    %slice3A_858 = vector.extract_strided_slice %add3A_856 {offsets = [0, 2], sizes = [512, 2], strides = [1, 1]} : vector<512x4xf32> to vector<512x2xf32>
    %add3A_859 = arith.addf %slice3A_857, %slice3A_858 : vector<512x2xf32>
    %slice3A_860 = vector.extract_strided_slice %add3A_859 {offsets = [0, 0], sizes = [512, 1], strides = [1, 1]} : vector<512x2xf32> to vector<512x1xf32>
    %slice3A_861 = vector.extract_strided_slice %add3A_859 {offsets = [0, 1], sizes = [512, 1], strides = [1, 1]} : vector<512x2xf32> to vector<512x1xf32>
    %add3A_862 = arith.addf %slice3A_860, %slice3A_861 : vector<512x1xf32>
    %div3A_863 = vector.broadcast %add3A_862 : vector<512x1xf32> to vector<512x100xf32>
    %div3A_864 = arith.divf %exp3A, %div3A_863 : vector<512x100xf32>
    %add3A_865 = arith.constant 9.99999996E-13 : f32
    %add3A_866 = vector.broadcast %add3A_865 : f32 to vector<512x100xf32>
    %add3A_867 = arith.addf %div3A_864, %add3A_866 : vector<512x100xf32>
    %log3A = math.log %add3A_867 : vector<512x100xf32>
    %get3A_868 = arith.constant 0 : index
    %get3A_869 = arith.constant 0 : index
    %get3A_870 = arith.constant 0 : index
    %get3A_871 = vector.load %arg4[%get3A_868, %get3A_869, %get3A_870] : memref<1x512x100xf32, #tpu.memory_space<vmem>>, vector<1x512x100xf32>
    %get3A_872 = vector.shape_cast %get3A_871 : vector<1x512x100xf32> to vector<512x100xf32>
    %add3A_873 = arith.addf %log3A, %get3A_872 : vector<512x100xf32>
    %reduce_max3A_874 = arith.constant dense<0xFF800000> : vector<512xf32>
    %reduce_max3A_875 = vector.multi_reduction <maximumf>, %add3A_873, %reduce_max3A_874 [1] : vector<512x100xf32> to vector<512xf32>
    %broadcast_in_dim3A_876 = vector.shape_cast %reduce_max3A_875 : vector<512xf32> to vector<512x1xf32>
    %eq3A_877 = vector.broadcast %broadcast_in_dim3A_876 : vector<512x1xf32> to vector<512x100xf32>
    %eq3A_878 = arith.cmpf oeq, %add3A_873, %eq3A_877 : vector<512x100xf32>
    %jit3A_879 = arith.constant 10000 : i32
    %broadcast_in_dim3A_880 = vector.broadcast %jit3A_879 : i32 to vector<512x100xi32>
    %select_n3A_881 = arith.select %eq3A_878, %iota3A, %broadcast_in_dim3A_880 : vector<512x100xi1>, vector<512x100xi32>
    %reduce_min3A = arith.constant dense<2147483647> : vector<512xi32>
    %reduce_min3A_882 = vector.multi_reduction <minsi>, %select_n3A_881, %reduce_min3A [1] : vector<512x100xi32> to vector<512xi32>
    %broadcast_in_dim3A_883 = vector.shape_cast %reduce_min3A_882 : vector<512xi32> to vector<512x1xi32>
    %lt3A = arith.constant 4 : i32
    %lt3A_884 = vector.broadcast %lt3A : i32 to vector<512x100xi32>
    %lt3A_885 = arith.cmpi slt, %iota3A, %lt3A_884 : vector<512x100xi32>
    %get3A_886 = arith.constant 0 : index
    %get3A_887 = arith.constant 0 : index
    %get3A_888 = vector.load %arg5[%get3A_886, %get3A_887] : memref<512x100xf32, #tpu.memory_space<vmem>>, vector<512x100xf32>
    %jit3A_889 = arith.constant 3.000000e+38 : f32
    %broadcast_in_dim3A_890 = vector.broadcast %jit3A_889 : f32 to vector<512x100xf32>
    %select_n3A_891 = arith.select %lt3A_885, %get3A_888, %broadcast_in_dim3A_890 : vector<512x100xi1>, vector<512x100xf32>
    %reduce_min3A_892 = arith.constant dense<0x7F800000> : vector<512xf32>
    %reduce_min3A_893 = vector.multi_reduction <minimumf>, %select_n3A_891, %reduce_min3A_892 [1] : vector<512x100xf32> to vector<512xf32>
    %broadcast_in_dim3A_894 = vector.shape_cast %reduce_min3A_893 : vector<512xf32> to vector<512x1xf32>
    %eq3A_895 = vector.broadcast %broadcast_in_dim3A_894 : vector<512x1xf32> to vector<512x100xf32>
    %eq3A_896 = arith.cmpf oeq, %select_n3A_891, %eq3A_895 : vector<512x100xf32>
    %jit3A_897 = arith.constant 10000 : i32
    %broadcast_in_dim3A_898 = vector.broadcast %jit3A_897 : i32 to vector<512x100xi32>
    %select_n3A_899 = arith.select %eq3A_896, %iota3A, %broadcast_in_dim3A_898 : vector<512x100xi1>, vector<512x100xi32>
    %reduce_min3A_900 = arith.constant dense<2147483647> : vector<512xi32>
    %reduce_min3A_901 = vector.multi_reduction <minsi>, %select_n3A_899, %reduce_min3A_900 [1] : vector<512x100xi32> to vector<512xi32>
    %broadcast_in_dim3A_902 = vector.shape_cast %reduce_min3A_901 : vector<512xi32> to vector<512x1xi32>
    %eq3A_903 = arith.constant 0 : i32
    %eq3A_904 = arith.cmpi eq, %arg0, %eq3A_903 : i32
    %select_n3A_905 = arith.select %eq3A_904, %broadcast_in_dim3A_902, %broadcast_in_dim3A_883 : vector<512x1xi32>
    %eq3A_906 = vector.broadcast %select_n3A_905 : vector<512x1xi32> to vector<512x100xi32>
    %eq3A_907 = arith.cmpi eq, %iota3A, %eq3A_906 : vector<512x100xi32>
    %get3A_908 = arith.constant 0 : index
    %get3A_909 = arith.constant 0 : index
    %get3A_910 = vector.load %arg10[%get3A_908, %get3A_909] : memref<512x1xi32, #tpu.memory_space<vmem>>, vector<512x1xi32>
    %le3A = vector.broadcast %arg0 : i32 to vector<512x1xi32>
    %le3A_911 = arith.cmpi sle, %get3A_910, %le3A : vector<512x1xi32>
    %jit3A_912 = arith.constant 0.000000e+00 : f32
    %broadcast_in_dim3A_913 = vector.broadcast %jit3A_912 : f32 to vector<512x100xf32>
    %select_n3A_914 = arith.select %eq3A_907, %log3A, %broadcast_in_dim3A_913 : vector<512x100xi1>, vector<512x100xf32>
    %reduce_sum3A = arith.constant dense<0.000000e+00> : vector<512xf32>
    %reduce_sum3A_915 = vector.multi_reduction <add>, %select_n3A_914, %reduce_sum3A [1] : vector<512x100xf32> to vector<512xf32>
    %broadcast_in_dim3A_916 = vector.shape_cast %reduce_sum3A_915 : vector<512xf32> to vector<512x1xf32>
    %jit3A_917 = arith.constant 0.000000e+00 : f32
    %broadcast_in_dim3A_918 = vector.broadcast %jit3A_917 : f32 to vector<512x1xf32>
    %select_n3A_919 = arith.select %le3A_911, %broadcast_in_dim3A_918, %broadcast_in_dim3A_916 : vector<512x1xi1>, vector<512x1xf32>
    %get3A_920 = arith.constant 0 : index
    %get3A_921 = arith.constant 0 : index
    %get3A_922 = vector.load %arg19[%get3A_920, %get3A_921] : memref<512x1xf32, #tpu.memory_space<vmem>>, vector<512x1xf32>
    %add3A_923 = arith.addf %get3A_922, %select_n3A_919 : vector<512x1xf32>
    %swap3A_924 = arith.constant 0 : index
    %swap3A_925 = arith.constant 0 : index
    %swap3A_926 = vector.load %arg19[%swap3A_924, %swap3A_925] : memref<512x1xf32, #tpu.memory_space<vmem>>, vector<512x1xf32>
    tpu.vector_store %arg19[%swap3A_924, %swap3A_925], %add3A_923 {strides = array<i32>} : memref<512x1xf32, #tpu.memory_space<vmem>>, vector<512x1xf32>,
    %jit3A_927 = arith.constant 4 : i32
    %div3A_928 = vector.broadcast %jit3A_927 : i32 to vector<512x100xi32>
    %div3A_929 = arith.divsi %iota3A, %div3A_928 : vector<512x100xi32>
    %sign3A_930 = arith.constant 0 : i32
    %sign3A_931 = vector.broadcast %sign3A_930 : i32 to vector<512x100xi32>
    %sign3A_932 = arith.cmpi sgt, %iota3A, %sign3A_931 : vector<512x100xi32>
    %sign3A_933 = arith.extui %sign3A_932 : vector<512x100xi1> to vector<512x100xi32>
    %sign3A_934 = arith.constant 0 : i32
    %sign3A_935 = vector.broadcast %sign3A_934 : i32 to vector<512x100xi32>
    %sign3A_936 = arith.cmpi slt, %iota3A, %sign3A_935 : vector<512x100xi32>
    %sign3A_937 = arith.extui %sign3A_936 : vector<512x100xi1> to vector<512x100xi32>
    %sign3A_938 = arith.subi %sign3A_933, %sign3A_937 : vector<512x100xi32>
    %sign3A_939 = arith.constant 0 : i32
    %sign3A_940 = arith.cmpi sgt, %jit3A_927, %sign3A_939 : i32
    %sign3A_941 = arith.extui %sign3A_940 : i1 to i32
    %sign3A_942 = arith.constant 0 : i32
    %sign3A_943 = arith.cmpi slt, %jit3A_927, %sign3A_942 : i32
    %sign3A_944 = arith.extui %sign3A_943 : i1 to i32
    %sign3A_945 = arith.subi %sign3A_941, %sign3A_944 : i32
    %ne3A_946 = vector.broadcast %sign3A_945 : i32 to vector<512x100xi32>
    %ne3A_947 = arith.cmpi ne, %sign3A_938, %ne3A_946 : vector<512x100xi32>
    %rem3A_948 = vector.broadcast %jit3A_927 : i32 to vector<512x100xi32>
    %rem3A_949 = arith.remsi %iota3A, %rem3A_948 : vector<512x100xi32>
    %ne3A_950 = arith.constant 0 : i32
    %ne3A_951 = vector.broadcast %ne3A_950 : i32 to vector<512x100xi32>
    %ne3A_952 = arith.cmpi ne, %rem3A_949, %ne3A_951 : vector<512x100xi32>
    %and3A_953 = arith.andi %ne3A_947, %ne3A_952 : vector<512x100xi1>
    %sub3A_954 = arith.constant 1 : i32
    %sub3A_955 = vector.broadcast %sub3A_954 : i32 to vector<512x100xi32>
    %sub3A_956 = arith.subi %div3A_929, %sub3A_955 : vector<512x100xi32>
    %select_n3A_957 = arith.select %and3A_953, %sub3A_956, %div3A_929 : vector<512x100xi1>, vector<512x100xi32>
    %jit3A_958 = arith.constant 4 : i32
    %div3A_959 = vector.broadcast %jit3A_958 : i32 to vector<512x1xi32>
    %div3A_960 = arith.divsi %select_n3A_905, %div3A_959 : vector<512x1xi32>
    %sign3A_961 = arith.constant 0 : i32
    %sign3A_962 = vector.broadcast %sign3A_961 : i32 to vector<512x1xi32>
    %sign3A_963 = arith.cmpi sgt, %select_n3A_905, %sign3A_962 : vector<512x1xi32>
    %sign3A_964 = arith.extui %sign3A_963 : vector<512x1xi1> to vector<512x1xi32>
    %sign3A_965 = arith.constant 0 : i32
    %sign3A_966 = vector.broadcast %sign3A_965 : i32 to vector<512x1xi32>
    %sign3A_967 = arith.cmpi slt, %select_n3A_905, %sign3A_966 : vector<512x1xi32>
    %sign3A_968 = arith.extui %sign3A_967 : vector<512x1xi1> to vector<512x1xi32>
    %sign3A_969 = arith.subi %sign3A_964, %sign3A_968 : vector<512x1xi32>
    %sign3A_970 = arith.constant 0 : i32
    %sign3A_971 = arith.cmpi sgt, %jit3A_958, %sign3A_970 : i32
    %sign3A_972 = arith.extui %sign3A_971 : i1 to i32
    %sign3A_973 = arith.constant 0 : i32
    %sign3A_974 = arith.cmpi slt, %jit3A_958, %sign3A_973 : i32
    %sign3A_975 = arith.extui %sign3A_974 : i1 to i32
    %sign3A_976 = arith.subi %sign3A_972, %sign3A_975 : i32
    %ne3A_977 = vector.broadcast %sign3A_976 : i32 to vector<512x1xi32>
    %ne3A_978 = arith.cmpi ne, %sign3A_969, %ne3A_977 : vector<512x1xi32>
    %rem3A_979 = vector.broadcast %jit3A_958 : i32 to vector<512x1xi32>
    %rem3A_980 = arith.remsi %select_n3A_905, %rem3A_979 : vector<512x1xi32>
    %ne3A_981 = arith.constant 0 : i32
    %ne3A_982 = vector.broadcast %ne3A_981 : i32 to vector<512x1xi32>
    %ne3A_983 = arith.cmpi ne, %rem3A_980, %ne3A_982 : vector<512x1xi32>
    %and3A_984 = arith.andi %ne3A_978, %ne3A_983 : vector<512x1xi1>
    %sub3A_985 = arith.constant 1 : i32
    %sub3A_986 = vector.broadcast %sub3A_985 : i32 to vector<512x1xi32>
    %sub3A_987 = arith.subi %div3A_960, %sub3A_986 : vector<512x1xi32>
    %select_n3A_988 = arith.select %and3A_984, %sub3A_987, %div3A_960 : vector<512x1xi1>, vector<512x1xi32>
    %eq3A_989 = vector.broadcast %select_n3A_988 : vector<512x1xi32> to vector<512x100xi32>
    %eq3A_990 = arith.cmpi eq, %select_n3A_957, %eq3A_989 : vector<512x100xi32>
    %get3A_991 = arith.constant 0 : index
    %get3A_992 = arith.constant 0 : index
    %get3A_993 = vector.load %arg28[%get3A_991, %get3A_992] : memref<512x100xf32, #tpu.memory_space<vmem>>, vector<512x100xf32>
    %jit3A_994 = arith.constant 1.000000e+00 : f32
    %broadcast_in_dim3A_995 = vector.broadcast %jit3A_994 : f32 to vector<512x100xf32>
    %select_n3A_996 = arith.select %eq3A_990, %broadcast_in_dim3A_995, %get3A_993 : vector<512x100xi1>, vector<512x100xf32>
    %swap3A_997 = arith.constant 0 : index
    %swap3A_998 = arith.constant 0 : index
    %swap3A_999 = vector.load %arg28[%swap3A_997, %swap3A_998] : memref<512x100xf32, #tpu.memory_space<vmem>>, vector<512x100xf32>
    tpu.vector_store %arg28[%swap3A_997, %swap3A_998], %select_n3A_996 {strides = array<i32>} : memref<512x100xf32, #tpu.memory_space<vmem>>, vector<512x100xf32>,
    %get3A_1000 = arith.constant 0 : index
    %get3A_1001 = arith.constant 0 : index
    %get3A_1002 = vector.load %arg31[%get3A_1000, %get3A_1001] : memref<512x1xi32, #tpu.memory_space<vmem>>, vector<512x1xi32>
    %eq3A_1003 = vector.broadcast %get3A_1002 : vector<512x1xi32> to vector<512x100xi32>
    %eq3A_1004 = arith.cmpi eq, %iota3A, %eq3A_1003 : vector<512x100xi32>
    %get3A_1005 = arith.constant 0 : index
    %get3A_1006 = arith.constant 0 : index
    %get3A_1007 = vector.load %arg6[%get3A_1005, %get3A_1006] : memref<512x100xf32, #tpu.memory_space<vmem>>, vector<512x100xf32>
    %jit3A_1008 = arith.constant 0.000000e+00 : f32
    %broadcast_in_dim3A_1009 = vector.broadcast %jit3A_1008 : f32 to vector<512x100xf32>
    %select_n3A_1010 = arith.select %eq3A_907, %get3A_1007, %broadcast_in_dim3A_1009 : vector<512x100xi1>, vector<512x100xf32>
    %reduce_sum3A_1011 = arith.constant dense<0.000000e+00> : vector<512xf32>
    %reduce_sum3A_1012 = vector.multi_reduction <add>, %select_n3A_1010, %reduce_sum3A_1011 [1] : vector<512x100xf32> to vector<512xf32>
    %broadcast_in_dim3A_1013 = vector.shape_cast %reduce_sum3A_1012 : vector<512xf32> to vector<512x1xf32>
    %get3A_1014 = arith.constant 0 : index
    %get3A_1015 = arith.constant 0 : index
    %get3A_1016 = vector.load %arg7[%get3A_1014, %get3A_1015] : memref<512x100xf32, #tpu.memory_space<vmem>>, vector<512x100xf32>
    %jit3A_1017 = arith.constant 0.000000e+00 : f32
    %broadcast_in_dim3A_1018 = vector.broadcast %jit3A_1017 : f32 to vector<512x100xf32>
    %select_n3A_1019 = arith.select %eq3A_907, %get3A_1016, %broadcast_in_dim3A_1018 : vector<512x100xi1>, vector<512x100xf32>
    %reduce_sum3A_1020 = arith.constant dense<0.000000e+00> : vector<512xf32>
    %reduce_sum3A_1021 = vector.multi_reduction <add>, %select_n3A_1019, %reduce_sum3A_1020 [1] : vector<512x100xf32> to vector<512xf32>
    %broadcast_in_dim3A_1022 = vector.shape_cast %reduce_sum3A_1021 : vector<512xf32> to vector<512x1xf32>
    %get3A_1023 = arith.constant 0 : index
    %get3A_1024 = arith.constant 0 : index
    %get3A_1025 = vector.load %arg8[%get3A_1023, %get3A_1024] : memref<512x100xf32, #tpu.memory_space<vmem>>, vector<512x100xf32>
    %jit3A_1026 = arith.constant 0.000000e+00 : f32
    %broadcast_in_dim3A_1027 = vector.broadcast %jit3A_1026 : f32 to vector<512x100xf32>
    %select_n3A_1028 = arith.select %eq3A_1004, %get3A_1025, %broadcast_in_dim3A_1027 : vector<512x100xi1>, vector<512x100xf32>
    %reduce_sum3A_1029 = arith.constant dense<0.000000e+00> : vector<512xf32>
    %reduce_sum3A_1030 = vector.multi_reduction <add>, %select_n3A_1028, %reduce_sum3A_1029 [1] : vector<512x100xf32> to vector<512xf32>
    %broadcast_in_dim3A_1031 = vector.shape_cast %reduce_sum3A_1030 : vector<512xf32> to vector<512x1xf32>
    %get3A_1032 = arith.constant 0 : index
    %get3A_1033 = arith.constant 0 : index
    %get3A_1034 = vector.load %arg9[%get3A_1032, %get3A_1033] : memref<512x100xf32, #tpu.memory_space<vmem>>, vector<512x100xf32>
    %jit3A_1035 = arith.constant 0.000000e+00 : f32
    %broadcast_in_dim3A_1036 = vector.broadcast %jit3A_1035 : f32 to vector<512x100xf32>
    %select_n3A_1037 = arith.select %eq3A_1004, %get3A_1034, %broadcast_in_dim3A_1036 : vector<512x100xi1>, vector<512x100xf32>
    %reduce_sum3A_1038 = arith.constant dense<0.000000e+00> : vector<512xf32>
    %reduce_sum3A_1039 = vector.multi_reduction <add>, %select_n3A_1037, %reduce_sum3A_1038 [1] : vector<512x100xf32> to vector<512xf32>
    %broadcast_in_dim3A_1040 = vector.shape_cast %reduce_sum3A_1039 : vector<512xf32> to vector<512x1xf32>
    %sub3A_1041 = arith.subf %broadcast_in_dim3A_1013, %broadcast_in_dim3A_1031 : vector<512x1xf32>
    %sub3A_1042 = arith.subf %broadcast_in_dim3A_1022, %broadcast_in_dim3A_1040 : vector<512x1xf32>
    %mul3A_1043 = arith.mulf %sub3A_1041, %sub3A_1041 : vector<512x1xf32>
    %mul3A_1044 = arith.mulf %sub3A_1042, %sub3A_1042 : vector<512x1xf32>
    %add3A_1045 = arith.addf %mul3A_1043, %mul3A_1044 : vector<512x1xf32>
    %sqrt3A_1046 = math.sqrt %add3A_1045 : vector<512x1xf32>
    %get3A_1047 = arith.constant 0 : index
    %get3A_1048 = arith.constant 0 : index
    %get3A_1049 = vector.load %arg5[%get3A_1047, %get3A_1048] : memref<512x100xf32, #tpu.memory_space<vmem>>, vector<512x100xf32>
    %jit3A_1050 = arith.constant 0.000000e+00 : f32
    %broadcast_in_dim3A_1051 = vector.broadcast %jit3A_1050 : f32 to vector<512x100xf32>
    %select_n3A_1052 = arith.select %eq3A_907, %get3A_1049, %broadcast_in_dim3A_1051 : vector<512x100xi1>, vector<512x100xf32>
    %reduce_sum3A_1053 = arith.constant dense<0.000000e+00> : vector<512xf32>
    %reduce_sum3A_1054 = vector.multi_reduction <add>, %select_n3A_1052, %reduce_sum3A_1053 [1] : vector<512x100xf32> to vector<512xf32>
    %broadcast_in_dim3A_1055 = vector.shape_cast %reduce_sum3A_1054 : vector<512xf32> to vector<512x1xf32>
    %get3A_1056 = arith.constant 0 : index
    %get3A_1057 = arith.constant 0 : index
    %get3A_1058 = vector.load %arg5[%get3A_1056, %get3A_1057] : memref<512x100xf32, #tpu.memory_space<vmem>>, vector<512x100xf32>
    %jit3A_1059 = arith.constant 0.000000e+00 : f32
    %broadcast_in_dim3A_1060 = vector.broadcast %jit3A_1059 : f32 to vector<512x100xf32>
    %select_n3A_1061 = arith.select %eq3A_1004, %get3A_1058, %broadcast_in_dim3A_1060 : vector<512x100xi1>, vector<512x100xf32>
    %reduce_sum3A_1062 = arith.constant dense<0.000000e+00> : vector<512xf32>
    %reduce_sum3A_1063 = vector.multi_reduction <add>, %select_n3A_1061, %reduce_sum3A_1062 [1] : vector<512x100xf32> to vector<512xf32>
    %broadcast_in_dim3A_1064 = vector.shape_cast %reduce_sum3A_1063 : vector<512xf32> to vector<512x1xf32>
    %add3A_1065 = arith.addf %broadcast_in_dim3A_1064, %broadcast_in_dim3A_1055 : vector<512x1xf32>
    %add3A_1066 = arith.addf %sqrt3A_1046, %add3A_1065 : vector<512x1xf32>
    %div3A_1067 = arith.constant 7.000000e+01 : f32
    %div3A_1068 = vector.broadcast %div3A_1067 : f32 to vector<512x1xf32>
    %div3A_1069 = arith.divf %add3A_1066, %div3A_1068 : vector<512x1xf32>
    %jit3A_1070 = arith.constant 0.000000e+00 : f32
    %broadcast_in_dim3A_1071 = vector.broadcast %jit3A_1070 : f32 to vector<512x1xf32>
    %select_n3A_1072 = arith.select %le3A_911, %broadcast_in_dim3A_1071, %div3A_1069 : vector<512x1xi1>, vector<512x1xf32>
    %eq3A_1073 = arith.constant 0 : i32
    %eq3A_1074 = arith.cmpi eq, %arg0, %eq3A_1073 : i32
    %jit3A_1075 = arith.constant 0.000000e+00 : f32
    %broadcast_in_dim3A_1076 = vector.broadcast %jit3A_1075 : f32 to vector<512x1xf32>
    %select_n3A_1077 = arith.select %eq3A_1074, %broadcast_in_dim3A_1076, %select_n3A_1072 : vector<512x1xf32>
    %get3A_1078 = arith.constant 0 : index
    %get3A_1079 = arith.constant 0 : index
    %get3A_1080 = vector.load %arg20[%get3A_1078, %get3A_1079] : memref<512x1xf32, #tpu.memory_space<vmem>>, vector<512x1xf32>
    %add3A_1081 = arith.addf %get3A_1080, %select_n3A_1077 : vector<512x1xf32>
    %swap3A_1082 = arith.constant 0 : index
    %swap3A_1083 = arith.constant 0 : index
    %swap3A_1084 = vector.load %arg20[%swap3A_1082, %swap3A_1083] : memref<512x1xf32, #tpu.memory_space<vmem>>, vector<512x1xf32>
    tpu.vector_store %arg20[%swap3A_1082, %swap3A_1083], %add3A_1081 {strides = array<i32>} : memref<512x1xf32, #tpu.memory_space<vmem>>, vector<512x1xf32>,
    %get3A_1085 = arith.constant 0 : index
    %get3A_1086 = arith.constant 0 : index
    %get3A_1087 = arith.constant 0 : index
    %get3A_1088 = vector.load %arg22[%get3A_1085, %get3A_1086, %get3A_1087] : memref<512x100x128xf32, #tpu.memory_space<vmem>>, vector<128x100x128xf32>
    %iota3A_1089 = tpu.iota {dimensions = array<i32: 1>} : vector<128x100x1xi32>
    %slice3A_1090 = vector.extract_strided_slice %select_n3A_905 {offsets = [0, 0], sizes = [128, 1], strides = [1, 1]} : vector<512x1xi32> to vector<128x1xi32>
    %reshape3A = vector.shape_cast %slice3A_1090 : vector<128x1xi32> to vector<128x1x1xi32>
    %eq3A_1091 = vector.broadcast %reshape3A : vector<128x1x1xi32> to vector<128x100x1xi32>
    %eq3A_1092 = arith.cmpi eq, %iota3A_1089, %eq3A_1091 : vector<128x100x1xi32>
    %jit3A_1093 = arith.constant 0.000000e+00 : f32
    %broadcast_in_dim3A_1094 = vector.shape_cast %eq3A_1092 : vector<128x100x1xi1> to vector<128x100x1xi1>
    %broadcast_in_dim3A_1095 = vector.broadcast %broadcast_in_dim3A_1094 : vector<128x100x1xi1> to vector<128x100x128xi1>
    %broadcast_in_dim3A_1096 = vector.broadcast %jit3A_1093 : f32 to vector<128x100x128xf32>
    %select_n3A_1097 = arith.select %broadcast_in_dim3A_1095, %get3A_1088, %broadcast_in_dim3A_1096 : vector<128x100x128xi1>, vector<128x100x128xf32>
    %reduce_sum3A_1098 = arith.constant dense<0.000000e+00> : vector<128x128xf32>
    %reduce_sum3A_1099 = vector.multi_reduction <add>, %select_n3A_1097, %reduce_sum3A_1098 [1] : vector<128x100x128xf32> to vector<128x128xf32>
    %swap3A_1100 = arith.constant 0 : index
    %swap3A_1101 = arith.constant 0 : index
    %swap3A_1102 = vector.load %arg27[%swap3A_1100, %swap3A_1101] : memref<512x128xf32, #tpu.memory_space<vmem>>, vector<128x128xf32>
    tpu.vector_store %arg27[%swap3A_1100, %swap3A_1101], %reduce_sum3A_1099 {strides = array<i32>} : memref<512x128xf32, #tpu.memory_space<vmem>>, vector<128x128xf32>,
    %get3A_1103 = arith.constant 128 : index
    %get3A_1104 = arith.constant 0 : index
    %get3A_1105 = arith.constant 0 : index
    %get3A_1106 = vector.load %arg22[%get3A_1103, %get3A_1104, %get3A_1105] : memref<512x100x128xf32, #tpu.memory_space<vmem>>, vector<128x100x128xf32>
    %iota3A_1107 = tpu.iota {dimensions = array<i32: 1>} : vector<128x100x1xi32>
    %slice3A_1108 = vector.extract_strided_slice %select_n3A_905 {offsets = [128, 0], sizes = [128, 1], strides = [1, 1]} : vector<512x1xi32> to vector<128x1xi32>
    %reshape3A_1109 = vector.shape_cast %slice3A_1108 : vector<128x1xi32> to vector<128x1x1xi32>
    %eq3A_1110 = vector.broadcast %reshape3A_1109 : vector<128x1x1xi32> to vector<128x100x1xi32>
    %eq3A_1111 = arith.cmpi eq, %iota3A_1107, %eq3A_1110 : vector<128x100x1xi32>
    %jit3A_1112 = arith.constant 0.000000e+00 : f32
    %broadcast_in_dim3A_1113 = vector.shape_cast %eq3A_1111 : vector<128x100x1xi1> to vector<128x100x1xi1>
    %broadcast_in_dim3A_1114 = vector.broadcast %broadcast_in_dim3A_1113 : vector<128x100x1xi1> to vector<128x100x128xi1>
    %broadcast_in_dim3A_1115 = vector.broadcast %jit3A_1112 : f32 to vector<128x100x128xf32>
    %select_n3A_1116 = arith.select %broadcast_in_dim3A_1114, %get3A_1106, %broadcast_in_dim3A_1115 : vector<128x100x128xi1>, vector<128x100x128xf32>
    %reduce_sum3A_1117 = arith.constant dense<0.000000e+00> : vector<128x128xf32>
    %reduce_sum3A_1118 = vector.multi_reduction <add>, %select_n3A_1116, %reduce_sum3A_1117 [1] : vector<128x100x128xf32> to vector<128x128xf32>
    %swap3A_1119 = arith.constant 128 : index
    %swap3A_1120 = arith.constant 0 : index
    %swap3A_1121 = vector.load %arg27[%swap3A_1119, %swap3A_1120] : memref<512x128xf32, #tpu.memory_space<vmem>>, vector<128x128xf32>
    tpu.vector_store %arg27[%swap3A_1119, %swap3A_1120], %reduce_sum3A_1118 {strides = array<i32>} : memref<512x128xf32, #tpu.memory_space<vmem>>, vector<128x128xf32>,
    %get3A_1122 = arith.constant 256 : index
    %get3A_1123 = arith.constant 0 : index
    %get3A_1124 = arith.constant 0 : index
    %get3A_1125 = vector.load %arg22[%get3A_1122, %get3A_1123, %get3A_1124] : memref<512x100x128xf32, #tpu.memory_space<vmem>>, vector<128x100x128xf32>
    %iota3A_1126 = tpu.iota {dimensions = array<i32: 1>} : vector<128x100x1xi32>
    %slice3A_1127 = vector.extract_strided_slice %select_n3A_905 {offsets = [256, 0], sizes = [128, 1], strides = [1, 1]} : vector<512x1xi32> to vector<128x1xi32>
    %reshape3A_1128 = vector.shape_cast %slice3A_1127 : vector<128x1xi32> to vector<128x1x1xi32>
    %eq3A_1129 = vector.broadcast %reshape3A_1128 : vector<128x1x1xi32> to vector<128x100x1xi32>
    %eq3A_1130 = arith.cmpi eq, %iota3A_1126, %eq3A_1129 : vector<128x100x1xi32>
    %jit3A_1131 = arith.constant 0.000000e+00 : f32
    %broadcast_in_dim3A_1132 = vector.shape_cast %eq3A_1130 : vector<128x100x1xi1> to vector<128x100x1xi1>
    %broadcast_in_dim3A_1133 = vector.broadcast %broadcast_in_dim3A_1132 : vector<128x100x1xi1> to vector<128x100x128xi1>
    %broadcast_in_dim3A_1134 = vector.broadcast %jit3A_1131 : f32 to vector<128x100x128xf32>
    %select_n3A_1135 = arith.select %broadcast_in_dim3A_1133, %get3A_1125, %broadcast_in_dim3A_1134 : vector<128x100x128xi1>, vector<128x100x128xf32>
    %reduce_sum3A_1136 = arith.constant dense<0.000000e+00> : vector<128x128xf32>
    %reduce_sum3A_1137 = vector.multi_reduction <add>, %select_n3A_1135, %reduce_sum3A_1136 [1] : vector<128x100x128xf32> to vector<128x128xf32>
    %swap3A_1138 = arith.constant 256 : index
    %swap3A_1139 = arith.constant 0 : index
    %swap3A_1140 = vector.load %arg27[%swap3A_1138, %swap3A_1139] : memref<512x128xf32, #tpu.memory_space<vmem>>, vector<128x128xf32>
    tpu.vector_store %arg27[%swap3A_1138, %swap3A_1139], %reduce_sum3A_1137 {strides = array<i32>} : memref<512x128xf32, #tpu.memory_space<vmem>>, vector<128x128xf32>,
    %get3A_1141 = arith.constant 384 : index
    %get3A_1142 = arith.constant 0 : index
    %get3A_1143 = arith.constant 0 : index
    %get3A_1144 = vector.load %arg22[%get3A_1141, %get3A_1142, %get3A_1143] : memref<512x100x128xf32, #tpu.memory_space<vmem>>, vector<128x100x128xf32>
    %iota3A_1145 = tpu.iota {dimensions = array<i32: 1>} : vector<128x100x1xi32>
    %slice3A_1146 = vector.extract_strided_slice %select_n3A_905 {offsets = [384, 0], sizes = [128, 1], strides = [1, 1]} : vector<512x1xi32> to vector<128x1xi32>
    %reshape3A_1147 = vector.shape_cast %slice3A_1146 : vector<128x1xi32> to vector<128x1x1xi32>
    %eq3A_1148 = vector.broadcast %reshape3A_1147 : vector<128x1x1xi32> to vector<128x100x1xi32>
    %eq3A_1149 = arith.cmpi eq, %iota3A_1145, %eq3A_1148 : vector<128x100x1xi32>
    %jit3A_1150 = arith.constant 0.000000e+00 : f32
    %broadcast_in_dim3A_1151 = vector.shape_cast %eq3A_1149 : vector<128x100x1xi1> to vector<128x100x1xi1>
    %broadcast_in_dim3A_1152 = vector.broadcast %broadcast_in_dim3A_1151 : vector<128x100x1xi1> to vector<128x100x128xi1>
    %broadcast_in_dim3A_1153 = vector.broadcast %jit3A_1150 : f32 to vector<128x100x128xf32>
    %select_n3A_1154 = arith.select %broadcast_in_dim3A_1152, %get3A_1144, %broadcast_in_dim3A_1153 : vector<128x100x128xi1>, vector<128x100x128xf32>
    %reduce_sum3A_1155 = arith.constant dense<0.000000e+00> : vector<128x128xf32>
    %reduce_sum3A_1156 = vector.multi_reduction <add>, %select_n3A_1154, %reduce_sum3A_1155 [1] : vector<128x100x128xf32> to vector<128x128xf32>
    %swap3A_1157 = arith.constant 384 : index
    %swap3A_1158 = arith.constant 0 : index
    %swap3A_1159 = vector.load %arg27[%swap3A_1157, %swap3A_1158] : memref<512x128xf32, #tpu.memory_space<vmem>>, vector<128x128xf32>
    tpu.vector_store %arg27[%swap3A_1157, %swap3A_1158], %reduce_sum3A_1156 {strides = array<i32>} : memref<512x128xf32, #tpu.memory_space<vmem>>, vector<128x128xf32>,
    %eq3A_1160 = arith.constant 0 : i32
    %eq3A_1161 = arith.cmpi eq, %arg0, %eq3A_1160 : i32
    %convert_element_type3A_1162 = arith.extui %eq3A_1161 : i1 to i32
    %cond3A_1163 = arith.constant 0 : i32
    %cond3A_1164 = arith.cmpi ne, %convert_element_type3A_1162, %cond3A_1163 : i32
    scf.if %cond3A_1164 {
      %get3A_1197 = arith.constant 0 : index
      %get3A_1198 = arith.constant 0 : index
      %get3A_1199 = vector.load %arg27[%get3A_1197, %get3A_1198] : memref<512x128xf32, #tpu.memory_space<vmem>>, vector<512x128xf32>
      %swap3A_1200 = arith.constant 0 : index
      %swap3A_1201 = arith.constant 0 : index
      %swap3A_1202 = vector.load %arg26[%swap3A_1200, %swap3A_1201] : memref<512x128xf32, #tpu.memory_space<vmem>>, vector<512x128xf32>
      tpu.vector_store %arg26[%swap3A_1200, %swap3A_1201], %get3A_1199 {strides = array<i32>} : memref<512x128xf32, #tpu.memory_space<vmem>>, vector<512x128xf32>,
    } else {
    }
    %get3A_1165 = arith.constant 0 : index
    %get3A_1166 = arith.constant 0 : index
    %get3A_1167 = vector.load %arg26[%get3A_1165, %get3A_1166] : memref<512x128xf32, #tpu.memory_space<vmem>>, vector<512x128xf32>
    %get3A_1168 = arith.constant 0 : index
    %get3A_1169 = arith.constant 0 : index
    %get3A_1170 = vector.load %arg27[%get3A_1168, %get3A_1169] : memref<512x128xf32, #tpu.memory_space<vmem>>, vector<512x128xf32>
    %concatenate3A_1171 = tpu.concatenate %get3A_1167, %get3A_1170 in 1 : vector<512x128xf32>, vector<512x128xf32> -> vector<512x256xf32>
    %get3A_1172 = arith.constant 0 : index
    %get3A_1173 = arith.constant 0 : index
    %get3A_1174 = vector.load %arg16[%get3A_1172, %get3A_1173] : memref<256x128xf32, #tpu.memory_space<vmem>>, vector<256x128xf32>
    %dot_general3A_1175 = arith.constant dense<0.000000e+00> : vector<512x128xf32>
    %dot_general3A_1176 = tpu.matmul %concatenate3A_1171, %get3A_1174, %dot_general3A_1175 {dimension_numbers = #tpu.dot_dimension_numbers<[1], [0], [0], [1], [0, 0, 1, 1], [], []>, transpose_lhs_hint = false} : vector<512x256xf32>, vector<256x128xf32>, vector<512x128xf32> -> vector<512x128xf32>
    %get3A_1177 = arith.constant 0 : index
    %get3A_1178 = arith.constant 0 : index
    %get3A_1179 = vector.load %arg17[%get3A_1177, %get3A_1178] : memref<1x128xf32, #tpu.memory_space<vmem>>, vector<1x128xf32>
    %add3A_1180 = vector.broadcast %get3A_1179 : vector<1x128xf32> to vector<512x128xf32>
    %add3A_1181 = arith.addf %dot_general3A_1176, %add3A_1180 : vector<512x128xf32>
    %get3A_1182 = arith.constant 0 : index
    %get3A_1183 = arith.constant 0 : index
    %get3A_1184 = vector.load %arg11[%get3A_1182, %get3A_1183] : memref<512x128xf32, #tpu.memory_space<vmem>>, vector<512x128xf32>
    %add3A_1185 = arith.addf %get3A_1184, %add3A_1181 : vector<512x128xf32>
    %swap3A_1186 = arith.constant 0 : index
    %swap3A_1187 = arith.constant 0 : index
    %swap3A_1188 = vector.load %arg25[%swap3A_1186, %swap3A_1187] : memref<512x128xf32, #tpu.memory_space<vmem>>, vector<512x128xf32>
    tpu.vector_store %arg25[%swap3A_1186, %swap3A_1187], %add3A_1185 {strides = array<i32>} : memref<512x128xf32, #tpu.memory_space<vmem>>, vector<512x128xf32>,
    %swap3A_1189 = arith.constant 0 : index
    %swap3A_1190 = arith.constant 0 : index
    %swap3A_1191 = vector.load %arg31[%swap3A_1189, %swap3A_1190] : memref<512x1xi32, #tpu.memory_space<vmem>>, vector<512x1xi32>
    tpu.vector_store %arg31[%swap3A_1189, %swap3A_1190], %select_n3A_905 {strides = array<i32>} : memref<512x1xi32, #tpu.memory_space<vmem>>, vector<512x1xi32>,
    %reshape3A_1192 = vector.shape_cast %select_n3A_905 : vector<512x1xi32> to vector<1x512x1xi32>
    %swap3A_1193 = arith.constant 0 : index
    %swap3A_1194 = arith.constant 0 : index
    %swap3A_1195 = arith.constant 0 : index
    %swap3A_1196 = vector.load %arg21[%swap3A_1193, %swap3A_1194, %swap3A_1195] : memref<1x512x1xi32, #tpu.memory_space<vmem>>, vector<1x512x1xi32>
    tpu.vector_store %arg21[%swap3A_1193, %swap3A_1194, %swap3A_1195], %reshape3A_1192 {strides = array<i32>} : memref<1x512x1xi32, #tpu.memory_space<vmem>>, vector<1x512x1xi32>,
    return
  }
  func.func @transform_2(%arg0: i32) -> (i32, i32) {
    %c0_i32 = arith.constant 0 : i32
    %c0_i32_0 = arith.constant 0 : i32
    %c0_i32_1 = arith.constant 0 : i32
    return %c0_i32, %c0_i32_0 : i32, i32
  }
  func.func @transform_3(%arg0: i32) -> (i32, i32, i32) {
    %c0_i32 = arith.constant 0 : i32
    %c0_i32_0 = arith.constant 0 : i32
    %c0_i32_1 = arith.constant 0 : i32
    return %arg0, %c0_i32, %c0_i32_0 : i32, i32, i32
  }
  func.func @transform_4(%arg0: i32) -> (i32, i32) {
    %c0_i32 = arith.constant 0 : i32
    %c0_i32_0 = arith.constant 0 : i32
    %c0_i32_1 = arith.constant 0 : i32
    return %c0_i32, %c0_i32_0 : i32, i32
  }
  func.func @transform_5(%arg0: i32) -> (i32, i32) {
    %c0_i32 = arith.constant 0 : i32
    %c0_i32_0 = arith.constant 0 : i32
    %c0_i32_1 = arith.constant 0 : i32
    return %c0_i32, %c0_i32_0 : i32, i32
  }
  func.func @transform_6(%arg0: i32) -> (i32, i32) {
    %c0_i32 = arith.constant 0 : i32
    %c0_i32_0 = arith.constant 0 : i32
    %c0_i32_1 = arith.constant 0 : i32
    return %c0_i32, %c0_i32_0 : i32, i32
  }
  func.func @transform_7(%arg0: i32) -> (i32, i32) {
    %c0_i32 = arith.constant 0 : i32
    %c0_i32_0 = arith.constant 0 : i32
    %c0_i32_1 = arith.constant 0 : i32
    return %c0_i32, %c0_i32_0 : i32, i32
  }
  func.func @transform_8(%arg0: i32) -> (i32, i32) {
    %c0_i32 = arith.constant 0 : i32
    %c0_i32_0 = arith.constant 0 : i32
    %c0_i32_1 = arith.constant 0 : i32
    return %c0_i32, %c0_i32_0 : i32, i32
  }
  func.func @transform_9(%arg0: i32) -> (i32, i32) {
    %c0_i32 = arith.constant 0 : i32
    %c0_i32_0 = arith.constant 0 : i32
    %c0_i32_1 = arith.constant 0 : i32
    return %c0_i32, %c0_i32_0 : i32, i32
  }
  func.func @transform_10(%arg0: i32) -> (i32, i32) {
    %c0_i32 = arith.constant 0 : i32
    %c0_i32_0 = arith.constant 0 : i32
    %c0_i32_1 = arith.constant 0 : i32
    return %c0_i32, %c0_i32_0 : i32, i32
  }
  func.func @transform_11(%arg0: i32) -> (i32, i32) {
    %c0_i32 = arith.constant 0 : i32
    %c0_i32_0 = arith.constant 0 : i32
    %c0_i32_1 = arith.constant 0 : i32
    return %c0_i32, %c0_i32_0 : i32, i32
  }
  func.func @transform_12(%arg0: i32) -> (i32, i32) {
    %c0_i32 = arith.constant 0 : i32
    %c0_i32_0 = arith.constant 0 : i32
    %c0_i32_1 = arith.constant 0 : i32
    return %c0_i32, %c0_i32_0 : i32, i32
  }
  func.func @transform_13(%arg0: i32) -> (i32, i32) {
    %c0_i32 = arith.constant 0 : i32
    %c0_i32_0 = arith.constant 0 : i32
    %c0_i32_1 = arith.constant 0 : i32
    return %c0_i32, %c0_i32_0 : i32, i32
  }
  func.func @transform_14(%arg0: i32) -> (i32, i32) {
    %c0_i32 = arith.constant 0 : i32
    %c0_i32_0 = arith.constant 0 : i32
    %c0_i32_1 = arith.constant 0 : i32
    return %c0_i32, %c0_i32_0 : i32, i32
  }
  func.func @transform_15(%arg0: i32) -> (i32, i32) {
    %c0_i32 = arith.constant 0 : i32
    %c0_i32_0 = arith.constant 0 : i32
    %c0_i32_1 = arith.constant 0 : i32
    return %c0_i32, %c0_i32_0 : i32, i32
  }
  func.func @transform_16(%arg0: i32) -> (i32, i32) {
    %c0_i32 = arith.constant 0 : i32
    %c0_i32_0 = arith.constant 0 : i32
    %c0_i32_1 = arith.constant 0 : i32
    return %c0_i32, %c0_i32_0 : i32, i32
  }
  func.func @transform_17(%arg0: i32) -> (i32, i32) {
    %c0_i32 = arith.constant 0 : i32
    %c0_i32_0 = arith.constant 0 : i32
    %c0_i32_1 = arith.constant 0 : i32
    return %c0_i32, %c0_i32_0 : i32, i32
  }
  func.func @transform_18(%arg0: i32) -> (i32, i32) {
    %c0_i32 = arith.constant 0 : i32
    %c0_i32_0 = arith.constant 0 : i32
    %c0_i32_1 = arith.constant 0 : i32
    return %c0_i32, %c0_i32_0 : i32, i32
  }
  func.func @transform_19(%arg0: i32) -> (i32, i32) {
    %c0_i32 = arith.constant 0 : i32
    %c0_i32_0 = arith.constant 0 : i32
    %c0_i32_1 = arith.constant 0 : i32
    return %c0_i32, %c0_i32_0 : i32, i32
  }
  func.func @transform_20(%arg0: i32) -> (i32, i32, i32) {
    %c0_i32 = arith.constant 0 : i32
    %c0_i32_0 = arith.constant 0 : i32
    %c0_i32_1 = arith.constant 0 : i32
    return %arg0, %c0_i32, %c0_i32_0 : i32, i32, i32
  }
}

</mosaic_0001>

<sc_bundles>
// kernel: sparse-core-data-format-call.cloned.1.call-start
scs
called_computation_lowered:
.L_overlay_start_0:
0x0: {  	s1 =	sld [smem:$0x3FD9]  }
0x1: {  	s2 =	sld [smem:$0x3FFE];
	_ =	sdelay $0x1  }
0x2: {  	s3 =	srdreg.scid  }
0x3: {  	s0 =	sand.u32 $0x1, s3  }
0x4: {  	s17 =	sshll.u32 s0, $0xA;
	s1 =	sadd.s32 s2, s1  }
0x5: {  	s1 =	sadd.s32 s1, s17  }
0x6: {  	[smem:$0x3FBB] =	sst s1  }
0x7: {  	_ = 	snop  }
0x8: {  	(tm) =	ssettm $0x1  }
0x9: {  	s18 =	sld [smem:$0x3FFB];
	_ =	sdelay $0x3  }
0xa: {  	_ =	strace s18  }
0xb: {  	s1 =	sld [smem:$0x3FFC];
	_ =	sdelay $0x3  }
0xc: {  	_ =	strace s1  }
0xd: {  	s1 =	sld [smem:$0x3FFD];
	_ =	sdelay $0x3  }
0xe: {  	_ =	strace s1  }
0xf: {  	_ =	strace $0x8FFFFFFF  }
0x10: {  	s19 =	sld [smem:$0x3FDB];
	_ =	sdelay $0x1  }
0x11: {  	s20 =	simm.s32 $_scs_section_size  }
0x12: {  	s4 =	simm.s32 $_size__tile_overlayer_lowered;
	s5 =	simm.s32 $_tile_overlayer_lowered  }
0x13: {  	s23 =	simm.s32 $0x1BFF;
	s22 =	sshll.u32 s5, $0x1;
	s1 =	sadd.s32 s20, s19  }
0x14: {  	s6 =	simm.s32 $0x0;
	s21 =	sshll.u32 s4, $0x1;
	s4 =	sadd.s32 s22, s1  }
0x15: {  	[timem:s6], [sflag:s23] =	dma.local [hbm:s4], s21  }
0x16: {  	_ =	swait.ge [sflag:s23], s21  }
0x17: {  	s2 =	ssub.s32 $0x0, s21;
	[sflag:s23] =	ssyncset.done $0x0  }
0x18: {  	[sflag:s23] =	ssyncadd.s32 s2;
	_ =	sdelay $0x1  }
0x19: {  	s24 =	simm.s32 $0x1B8B  }
0x1a: {  	_ =	swait.ge [sflag:s24], $0x1  }
0x1b: {  	[sflag:s24] =	ssyncset.done $0x0  }
0x1c: {  	s26 =	simm.s32 $0x1B8E;
	s25 =	sld [smem:$0x3FFE];
	[sflag:s24] =	ssyncadd.s32 $0xFFFFFFFF  }
0x1d: {  	s27 =	simm.s32 $execute0_lowered;
	[smem:$0x3FD2] =	sst s26  }
0x1e: {  	s4 =	sshll.u32 s27, $0x1;
	_ =	strace $0x80000046;
	[dreg:$0x1] =	wrdreg $0xFFFFFFFF  }
0x1f: {  	s28 =	simm.s32 $_size_execute0_lowered;
	s1 =	sadd.s32 s1, s4;
	[dreg:$0x0] =	wrdreg $0x0  }
0x20: {  	s4 =	sshll.u32 s28, $0x1;
	[dreg:$0x2] =	wrdreg s1  }
0x21: {  	[dreg:$0x3] =	wrdreg s4  }
0x22: {  	[dreg:$0x4] =	wrdreg $0xC0  }
0x23: {  	_ =	task [dreg:s6], $0x5FFFF  }
0x24: {  	[dreg:$0x1] =	wrdreg $0xFFFFFFFF  }
0x25: {  	[dreg:$0x0] =	wrdreg $0x60  }
0x26: {  	[dreg:$0x2] =	wrdreg s25  }
0x27: {  	[dreg:$0x3] =	wrdreg $0x9  }
0x28: {  	_ =	task.clear_ibuf [dreg:s6], $0x4FFFF;
	_ =	strace $0x90000046  }
0x29: {  	s29 =	simm.s32 $0x9;
	_ =	strace $0x80000048  }
0x2a: {  	_ =	swait.ge [sflag:s29], $0x1  }
0x2b: {  	[sflag:s29] =	ssyncadd.s32 $0xFFFFFFFF  }
0x2c: {  	_ =	strace $0x90000048  }
0x2d: {  	_ =	sfence  }
0x2e: {  	s30 =	sld [smem:$0x0];
	_ =	sdelay $0x2  }
0x2f: {  	s31 =	sshll.u32 s3, $0xD;
	s3 =	sshrl.u32 s3, $0x2  }
0x30: {  	s2 =	sand.u32 $0x4000, s31;
	s1 =	sadd.s32 s3, s30  }
0x31: {  	s0 =	sor.u32 s2, s0;
	s1 =	sshll.u32 s1, $0x11  }
0x32: {  	s0 =	sor.u32 s1, s0  }
0x33: {  	s0 =	sadd.s32 $0x8F2B, s0  }
0x34: {  	[sflag:s0] =	ssyncadd.remote.s32 $0x1  }
0x35: {  	_ =	sfence.sel $0xFFFF  }
0x36: {  	[dreg:$0x0] =	wrdreg $0xFFFFFFFF;
	(pc) =	sbr.abs _section_cstart, $3  }
0x37: {  	[dreg:$0x1] =	wrdreg $0xFFFFFFFF  }
0x38: {  	_ =	task.clear_ibuf [dreg:s6], $0x2FFFF;
	_ =	strace $0x9FFFFFFF  }
0x39: {  	(tm) =	ssettm $0x7FFFFFFF  }
tec
execute0_lowered:
.L_overlay_start_1:
0x0: {  	(tag) =	ssettag $0x1  }
0x1: {  	s1 =	rddreg [dreg:$0x0]  }
0x2: {  	s0 =	rddreg [dreg:$0x1];
	_ =	strace $0x80000047  }
0x3: {  	s4 =	srdreg.scid;
	s6 =	simm.s32 $0x2;
	s11 =	simm.s32 $0x0  }
0x4: {  	p0 =	por $0x0, $0x0;
	s13 =	simm.s32 $0x0;
	s12 =	simm.s32 $0x0  }
.Ltmp0:
0x5: {  	s8 =	simm.s32 $0x0;
	s10 =	simm.s32 $0x0;
	(pc) =	sbr.rel .LBB1_1-.Ltmp0, $4  }
0x6: {  	s2 =	sadd.s32 $0x2200, s1;
	s3 =	sadd.s32 $0x102200, s1;
	s4 =	sshll.u32 s4, $0x4  }
0x7: {  	s1 =	stileid.u32;
	s5 =	sand.u32 $0x10, s4;
	s4 =	simm.s32 $0x1  }
0x8: {  	s7 =	simm.s32 $0x0;
	s5 =	sor.u32 s1, s5;
	[sflag:s4] =	ssyncpa.u1 $0x0  }
0x9: {  	[sflag:s6] =	ssyncpa.u1 $0x0;
	s6 =	simm.s32 $0x400;
	s9 =	smov.u32 s5  }
.LBB1_5:
0xa: {  	s14 =	sadd.s32 $0x1, s8  }
0xb: {  	s11 =	sadd.s32 $0x20, s9;
	s15 =	smov.u32 s9;
	p2 =	sgt.s32 s14, $0x7  }
0xc: {  	s15 =	smov.u32 @p2 s11  }
0xd: {  	s17 =	smov.u32 s10;
	s11 =	sadd.s32 $0x80, s10;
	p3 =	sgt.s32 s15, $0x3F  }
0xe: {  	p1 =	slt.u32 s7, $0x2;
	s17 =	smov.u32 @p3 s11  }
0xf: {  	s7 =	sadd.s32 $0x1, s7;
	s14 =	simm.s32 @p2 $0x0;
	p2 =	sgt.s32 s17, $0x7F  }
0x10: {  	s17 =	simm.s32 @p2 $0x0;
	p2 =	sne.s32 s7, $0x12  }
.Ltmp1:
0x11: {  	s16 =	simm.s32 @!p1 $0x2;
	(pc) =	sbr.rel @!p2 .LBB1_6-.Ltmp1, $4  }
0x12: {  	s13 =	smov.u32 s9;
	_ =	swait.ge @!p1 [sflag:s16], $0x4000  }
0x13: {  	s12 =	smov.u32 s10;
	p0 =	por !p0, !p0;
	[sflag:s16] =	ssyncset.done @!p1 $0x0  }
0x14: {  	s15 =	smov.u32 @p3 s5;
	s11 =	smov.u32 s8;
	[sflag:s16] =	ssyncadd.s32 @!p1 $0xFFFFC000  }
0x15: {  	s8 =	smov.u32 s14;
	s9 =	smov.u32 s15;
	s10 =	smov.u32 s17  }
.LBB1_1:
0x16: {  	p1 =	sgt.u32 s7, $0xF  }
0x17: {  	s14 =	sxor.u32 @!p1 $0xFFFFFFFF, s7;
	s15 =	sshll.u32 @!p1 s10, $0xD;
	s16 =	sshll.u32 @!p1 s9, $0x7  }
0x18: {  	s17 =	sshll.u32 @!p1 s8, $0x4;
	s14 =	sshll.u32 @!p1 s14, $0xE;
	s15 =	sadd.s32 @!p1 s2, s15  }
0x19: {  	s17 =	sand.u32 @!p1 $0x70, s17;
	s14 =	sand.u32 @!p1 $0x4000, s14;
	s15 =	sadd.s32 @!p1 s16, s15  }
0x1a: {  	s16 =	simm.s32 @!p1 $0x80;
	s15 =	sadd.s32 @!p1 s17, s15;
	s17 =	simm.s32 @!p1 $0x10000  }
0x1b: {  	[tilespmem:s14], [sflag:$0x1] =	stream.strided.gather @!p1 [hbm4b:s15+s16], $0x4000, s17, s16, $0x38;
	[tilespmem:$0x10100] =	vst v63  }
0x1c: {  	p1 =	seq.s32 s7, $0x0  }
0x1d: {  	p2 =	seq.s32 @!p1 s7, $0x11  }
0x1e: {  	p1 =	por p1, p2  }
.Ltmp2:
0x1f: {  	_ = 	snop;
	(pc) =	sbr.rel @p1 .LBB1_5-.Ltmp2, $1  }
0x20: {  	_ =	sdelay $0x3  }
0x21: {  	s14 =	simm.s32 $0x1  }
0x22: {  	_ =	swait.ge [sflag:s4], $0x4000;
	s14 =	simm.s32 @!p0 $0x0  }
0x23: {  	[sflag:s4] =	ssyncset.done $0x0;
	s15 =	sshll.u32 s14, $0xE  }
0x24: {  	[sflag:s4] =	ssyncadd.s32 $0xFFFFC000;
	s17 =	sor.u32 $0x40, s15  }
0x25: {  	s14 =	smul.u32 $0x10200, s14;
	v0 =	vld [tilespmem:s17+$0x30]  }
0x26: {  	v3 =	vld [tilespmem:s17+$0xFFFFFFD0]  }
0x27: {  	s14 =	sshrl.u32 s14, $0x2;
	v4 =	vld [tilespmem:s17+$0xFFFFFFE0]  }
0x28: {  	v5 =	vld [tilespmem:s17+$0xFFFFFFF0];
	s15 =	sor.u32 $0x8000, s14  }
0x29: {  	s31 =	sand.u32 $0x1, s7;
	v1 =	vld [tilespmem:s17+$0x0];
	s16 =	sadd.s32 $0x0, s15  }
0x2a: {  	v2 =	vld [tilespmem:s17+$0x10];
	s14 =	smul.u32 $0x10200, s31;
	[tilespmem:s16+$0x3870 ss:$0x81] =	vst.msk $0xffff, v0  }
0x2b: {  	[tilespmem:s16+$0x810 ss:$0x81] =	vst.msk $0xffff, v3;
	v3 =	vld [tilespmem:s17+$0x20]  }
0x2c: {  	s14 =	sshrl.u32 s14, $0x2;
	v0 =	vld [tilespmem:s17+$0xFFFFFFC0];
	[tilespmem:s16+$0x1020 ss:$0x81] =	vst.msk $0xffff, v4;
	s17 =	sadd.s32 $0x80, s17  }
0x2d: {  	s18 =	simm.s32 $0x4;
	s19 =	simm.s32 $0x8;
	s14 =	sor.u32 $0x8000, s14;
	[tilespmem:s16+$0x1830 ss:$0x81] =	vst.msk $0xffff, v5;
	v4 =	vld [tilespmem:s17+$0x30]  }
.LBB1_3:
0x2e: {  	p1 =	sne.s32 s19, $0x1FC;
	v5 =	vld [tilespmem:s17+$0xFFFFFFD0];
	[tilespmem:s16+$0x2040 ss:$0x81] =	vst.msk $0xffff, v1  }
0x2f: {  	v6 =	vld [tilespmem:s17+$0xFFFFFFE0];
	[tilespmem:s16+$0x2850 ss:$0x81] =	vst.msk $0xffff, v2  }
0x30: {  	s20 =	sshra.s32 s18, $0x2;
	s18 =	smov.u32 s19;
	v7 =	vld [tilespmem:s17+$0xFFFFFFF0];
	[tilespmem:s16+$0x3060 ss:$0x81] =	vst.msk $0xffff, v3  }
.Ltmp3:
0x31: {  	v1 =	vld [tilespmem:s17+$0x0];
	[tilespmem:s16+$0x0 ss:$0x81] =	vst.msk $0xffff, v0;
	s16 =	sadd.s32 s20, s15;
	(pc) =	sbr.rel @p1 .LBB1_3-.Ltmp3, $4  }
0x32: {  	v2 =	vld [tilespmem:s17+$0x10];
	[tilespmem:s16+$0x3870 ss:$0x81] =	vst.msk $0xffff, v4  }
0x33: {  	[tilespmem:s16+$0x810 ss:$0x81] =	vst.msk $0xffff, v5;
	v3 =	vld [tilespmem:s17+$0x20]  }
0x34: {  	v0 =	vld [tilespmem:s17+$0xFFFFFFC0];
	[tilespmem:s16+$0x1020 ss:$0x81] =	vst.msk $0xffff, v6;
	s17 =	sadd.s32 $0x80, s17  }
0x35: {  	s19 =	sadd.s32 $0x4, s19;
	v4 =	vld [tilespmem:s17+$0x30];
	[tilespmem:s16+$0x1830 ss:$0x81] =	vst.msk $0xffff, v7  }
0x36: {  	v5 =	vld [tilespmem:s17+$0xFFFFFFD0];
	[tilespmem:s16+$0x2040 ss:$0x81] =	vst.msk $0xffff, v1  }
0x37: {  	v58 =	vld [tilespmem:s17+$0xFFFFFFE0];
	[tilespmem:s16+$0x2850 ss:$0x81] =	vst.msk $0xffff, v2  }
0x38: {  	s18 =	sshra.s32 s18, $0x2;
	v59 =	vld [tilespmem:s17+$0xFFFFFFF0];
	[tilespmem:s16+$0x3060 ss:$0x81] =	vst.msk $0xffff, v3  }
0x39: {  	v60 =	vld [tilespmem:s17+$0x0];
	s15 =	sadd.s32 s18, s15;
	[tilespmem:s16+$0x0 ss:$0x81] =	vst.msk $0xffff, v0  }
0x3a: {  	v61 =	vld [tilespmem:s17+$0x10];
	[tilespmem:s15+$0x3870 ss:$0x81] =	vst.msk $0xffff, v4  }
0x3b: {  	v62 =	vld [tilespmem:s17+$0x20];
	[tilespmem:s15+$0x810 ss:$0x81] =	vst.msk $0xffff, v5  }
0x3c: {  	v63 =	vld [tilespmem:s17+$0xFFFFFFC0];
	[tilespmem:s15+$0x1020 ss:$0x81] =	vst.msk $0xffff, v58  }
0x3d: {  	s13 =	sshll.u32 s13, $0xE;
	[tilespmem:s15+$0x1830 ss:$0x81] =	vst.msk $0xffff, v59  }
.Ltmp4:
0x3e: {  	s11 =	sshll.u32 s11, $0x4;
	s30 =	sshrl.u32 s12, $0x3;
	[tilespmem:s15+$0x2040 ss:$0x81] =	vst.msk $0xffff, v60;
	(pc) =	sbr.rel .LBB1_5-.Ltmp4, $4  }
0x3f: {  	s31 =	sand.u32 $0x7, s12;
	s13 =	sadd.s32 s3, s13;
	s16 =	sand.u32 $0xF, s30;
	[tilespmem:s15+$0x2850 ss:$0x81] =	vst.msk $0xffff, v61  }
0x40: {  	s11 =	sand.u32 $0x70, s11;
	s12 =	sshll.u32 s31, $0x12;
	s13 =	sadd.s32 s16, s13;
	[tilespmem:s15+$0x3060 ss:$0x81] =	vst.msk $0xffff, v62  }
0x41: {  	s12 =	sor.u32 $0x80, s12;
	[tilespmem:s15+$0x0 ss:$0x81] =	vst.msk $0xffff, v63;
	s11 =	sadd.s32 s11, s13  }
0x42: {  	[hbm4b:s11+s12] =	stream.strided.scatter [tilespmem:s14], [sflag:$0x2], $0x4000, s6, s12, $0x20;
	[tilespmem:$0x10100] =	vst v63  }
.LBB1_6:
0x43: {  	_ =	sfence.sel $0x180000  }
0x44: {  	s2 =	simm.s32 $0x1;
	[bflag:$0x0] =	sbarrier.arrive $0xFFFF  }
0x45: {  	s31 =	simm.s32 $0x2;
	[sflag:s2] =	ssyncpa.u1 $0x1  }
0x46: {  	[sflag:s31] =	ssyncpa.u1 $0x1  }
0x47: {  	p0 =	sne.s32 s1, $0x0;
	_ =	strace $0x90000047  }
0x48: {  	s0 =	sadd.s32 @!p0 $0x100000, s0;
	[bflag:$0x2] =	sbarrier.arrive $0xFFFF  }
0x49: {  	[sflag:s0] =	ssyncadd.tile.s32 @!p0 $0x1;
	_ =	shalt  }
.Lfunc_end1:
_tile_overlayer_lowered:
.L_overlay_start_2:
0x4a: {  	(tag) =	ssettag $0x2  }
0x4b: {  	s0 =	rddreg [dreg:$0x0];
	s2 =	stileid.u32  }
0x4c: {  	s1 =	rddreg [dreg:$0x1];
	p0 =	sne.s32 s2, $0x0  }
0x4d: {  	s3 =	rddreg [dreg:$0x2];
	[bflag:$0x3] =	sbarrier.arrive $0xFFFF;
	s2 =	simm.s32 @!p0 $0x1C01  }
0x4e: {  	[timem:s3], [sflag:s2] =	dma.local @!p0 [hbm:s0], s1  }
0x4f: {  	s0 =	simm.s32 @!p0 $0x1  }
0x50: {  	_ =	swait.ge @!p0 [sflag:s0], s1  }
0x51: {  	s1 =	ssub.s32 @!p0 $0x0, s1;
	[sflag:s0] =	ssyncset.done @!p0 $0x0  }
0x52: {  	[sflag:s0] =	ssyncadd.s32 @!p0 s1  }
0x53: {  	[bflag:$0x3] =	sbarrier.arrive $0xFFFF  }
0x54: {  	_ =	shalt  }

</sc_bundles>
